<compile_context>
chip_gen: v7x
topology: tpu7x:2x2x1
jax: 0.10.2.dev20260603
libtpu: 0.0.44.dev20260713+nightly
codegen_flags: <defaults>
</compile_context>

<pallas_src>
import functools
import math

import jax
import jax.numpy as jnp
from jax import lax
from jax.experimental import pallas as pl
from jax.experimental.pallas import tpu as pltpu
from jax.experimental.pallas import tpu_sc as plsc

N = 10000
C = 256
S = 64
H = 8
D = C // H
E = 160000
EPS = 1e-6

NC = 2
NS = 16
LANES = 16
NW = NC * NS
BE = 128
NBT = E // BE
NB = 40
NBL = NBT - (NW - 1) * NB
ACC_N = 10240
RPT = ACC_N // NS
WPT = N // NS
OUT_STRIDE = 12000

R = 2000
G = N // R


def _tc1_body(x_ref, wst_ref, bs_ref, w_ref, xtw_ref, wsum_ref):
    i = pl.program_id(0)
    xb = x_ref[...]
    logits = lax.dot_general(xb, wst_ref[...], (((1,), (0,)), ((), ())),
                             preferred_element_type=jnp.float32)
    logits = logits + bs_ref[...]
    m = jnp.max(logits, axis=1, keepdims=True)
    ew = jnp.exp(logits - m)
    w = ew / jnp.sum(ew, axis=1, keepdims=True)
    w_ref[...] = w
    xtw = lax.dot_general(xb, w, (((0,), (0,)), ((), ())),
                          preferred_element_type=jnp.float32)
    ws = jnp.broadcast_to(jnp.sum(w, axis=0, keepdims=True), (8, S))

    @pl.when(i == 0)
    def _init():
        xtw_ref[...] = jnp.zeros_like(xtw_ref)
        wsum_ref[...] = jnp.zeros_like(wsum_ref)

    xtw_ref[...] += xtw
    wsum_ref[...] += ws


def _tc1(xs, wst, bs_row):
    return pl.pallas_call(
        _tc1_body,
        grid=(G,),
        in_specs=[
            pl.BlockSpec((R, C), lambda i: (i, 0)),
            pl.BlockSpec((C, S), lambda i: (0, 0)),
            pl.BlockSpec((1, S), lambda i: (0, 0)),
        ],
        out_specs=[
            pl.BlockSpec((R, S), lambda i: (i, 0)),
            pl.BlockSpec((C, S), lambda i: (0, 0)),
            pl.BlockSpec((8, S), lambda i: (0, 0)),
        ],
        out_shape=[
            jax.ShapeDtypeStruct((N, S), jnp.float32),
            jax.ShapeDtypeStruct((C, S), jnp.float32),
            jax.ShapeDtypeStruct((8, S), jnp.float32),
        ],
    )(xs, wst, bs_row)


def _sc_agg_body(w_hbm, adj_hbm, val_hbm, zro_hbm, out_hbm,
                 src_v, dst_v, val_v, rows0, rows1, w_sh, acc_sh,
                 sg0, sg1, st0, st1, st2):
    cid = lax.axis_index("c")
    sid = lax.axis_index("s")
    wid = cid * NS + sid
    bufs = ((rows0, sg0), (rows1, sg1))

    nb = jnp.where(wid == NW - 1, NBL, NB)
    cw = pltpu.async_copy(w_hbm.at[pl.ds(sid * WPT, WPT)],
                          w_sh.at[pl.ds(sid * WPT, WPT)], st0)
    cz = pltpu.async_copy(zro_hbm.at[pl.ds(sid * RPT, RPT)],
                          acc_sh.at[pl.ds(sid * RPT, RPT)], st1)

    @pl.when(wid < NW - 1)
    def _stage_full():
        a = pltpu.async_copy(adj_hbm.at[1, pl.ds(wid * NB, NB)], src_v, st2)
        b = pltpu.async_copy(adj_hbm.at[0, pl.ds(wid * NB, NB)], dst_v, sg0)
        c = pltpu.async_copy(val_hbm.at[pl.ds(wid * NB, NB)], val_v, sg1)
        a.wait()
        b.wait()
        c.wait()

    @pl.when(wid == NW - 1)
    def _stage_tail():
        a = pltpu.async_copy(adj_hbm.at[1, pl.ds((NW - 1) * NB, NBL)],
                             src_v.at[pl.ds(0, NBL)], st2)
        b = pltpu.async_copy(adj_hbm.at[0, pl.ds((NW - 1) * NB, NBL)],
                             dst_v.at[pl.ds(0, NBL)], sg0)
        c = pltpu.async_copy(val_hbm.at[pl.ds((NW - 1) * NB, NBL)],
                             val_v.at[pl.ds(0, NBL)], sg1)
        a.wait()
        b.wait()
        c.wait()

    cw.wait()
    cz.wait()
    plsc.subcore_barrier()
    pltpu.async_copy(w_sh.at[src_v.at[0]], rows0, sg0)
    pltpu.async_copy(w_sh.at[src_v.at[1]], rows1, sg1)

    def pair(q, carry):
        for b in range(2):
            j = 2 * q + b
            rows_v, sg = bufs[b]
            pltpu.make_async_copy(w_sh.at[src_v.at[j]], rows_v, sg).wait()

            @plsc.parallel_loop(0, BE // LANES, 1, unroll=2)
            def _scale(g):
                vals16 = val_v[j, pl.ds(g * LANES, LANES)]
                for el in range(LANES):
                    v = vals16[el]
                    e = g * LANES + el
                    for cc in range(S // LANES):
                        sl = pl.ds(cc * LANES, LANES)
                        rows_v[e, sl] = rows_v[e, sl] * v

            pltpu.sync_copy(rows_v, acc_sh.at[dst_v.at[j]], add=True)

            @pl.when(j + 2 < nb)
            def _refill():
                pltpu.async_copy(w_sh.at[src_v.at[j + 2]], rows_v, sg)
        return carry

    lax.fori_loop(0, nb // 2, pair, 0)
    plsc.subcore_barrier()
    pltpu.sync_copy(acc_sh.at[pl.ds(sid * RPT, RPT)],
                    out_hbm.at[pl.ds(cid * OUT_STRIDE + sid * RPT, RPT)])


def _sc_agg(weights, adj3, val3, zeros_t):
    mesh = plsc.VectorSubcoreMesh(core_axis_name="c", subcore_axis_name="s")
    f = functools.partial(
        pl.kernel,
        mesh=mesh,
        compiler_params=pltpu.CompilerParams(use_tc_tiling_on_sc=False),
        out_type=jax.ShapeDtypeStruct((NC * OUT_STRIDE, S), jnp.float32),
        scratch_types=[
            pltpu.VMEM((NB, BE), jnp.int32),
            pltpu.VMEM((NB, BE), jnp.int32),
            pltpu.VMEM((NB, BE), jnp.float32),
            pltpu.VMEM((BE, S), jnp.float32),
            pltpu.VMEM((BE, S), jnp.float32),
            pltpu.VMEM_SHARED((N, S), jnp.float32),
            pltpu.VMEM_SHARED((ACC_N, S), jnp.float32),
            pltpu.SemaphoreType.DMA,
            pltpu.SemaphoreType.DMA,
            pltpu.SemaphoreType.DMA,
            pltpu.SemaphoreType.DMA,
            pltpu.SemaphoreType.DMA,
        ],
    )(_sc_agg_body)
    return f(weights, adj3, val3, zeros_t)


def _tc2_body(w_ref, g0_ref, g1_ref, xtw_ref, wsum_ref,
              wq_ref, wk_ref, wv_ref, wo_ref,
              bq_ref, bk_ref, bv_ref, bo_ref, beta_ref,
              out_ref, bias_acc, attn_acc, so_acc):
    i = pl.program_id(0)

    @pl.when(i < G)
    def _accum():
        w = w_ref[...]
        g = g0_ref[...] + g1_ref[...]
        part = lax.dot_general(w, g, (((0,), (0,)), ((), ())),
                               preferred_element_type=jnp.float32)

        @pl.when(i == 0)
        def _init():
            bias_acc[...] = jnp.zeros_like(bias_acc)

        bias_acc[...] += part

    @pl.when(i == G - 1)
    def _finish():
        wsum = jnp.maximum(wsum_ref[0:1, :], EPS)
        slices_t = xtw_ref[...] / wsum
        qt = lax.dot_general(wq_ref[...], slices_t, (((1,), (0,)), ((), ())),
                             preferred_element_type=jnp.float32) + bq_ref[...]
        kt = lax.dot_general(wk_ref[...], slices_t, (((1,), (0,)), ((), ())),
                             preferred_element_type=jnp.float32) + bk_ref[...]
        vt = lax.dot_general(wv_ref[...], slices_t, (((1,), (0,)), ((), ())),
                             preferred_element_type=jnp.float32) + bv_ref[...]

        bias = bias_acc[...]
        ii = lax.broadcasted_iota(jnp.int32, (S, S), 0)
        jj = lax.broadcasted_iota(jnp.int32, (S, S), 1)
        eye = (ii == jj).astype(jnp.float32)
        bias_tr = lax.dot_general(bias, eye, (((0,), (0,)), ((), ())),
                                  preferred_element_type=jnp.float32)
        gb = 0.5 * (bias + bias_tr)
        gb = gb / jnp.maximum(jnp.sum(gb, axis=1, keepdims=True), EPS)
        gb = jnp.log(jnp.maximum(gb, EPS))
        br = beta_ref[0, 0]
        beta = jnp.maximum(br, 0.0) + jnp.log(1.0 + jnp.exp(-jnp.abs(br)))
        gbias = beta * gb
        scale = 1.0 / math.sqrt(D)

        for h in range(H):
            qh = qt[h * D:(h + 1) * D, :]
            kh = kt[h * D:(h + 1) * D, :]
            vh = vt[h * D:(h + 1) * D, :]
            lg = lax.dot_general(qh, kh, (((0,), (0,)), ((), ())),
                                 preferred_element_type=jnp.float32)
            lg = lg * scale + gbias
            m = jnp.max(lg, axis=1, keepdims=True)
            a = jnp.exp(lg - m)
            a = a / jnp.sum(a, axis=1, keepdims=True)
            oh = lax.dot_general(vh, a, (((1,), (1,)), ((), ())),
                                 preferred_element_type=jnp.float32)
            attn_acc[h * D:(h + 1) * D, :] = oh

        so_acc[...] = lax.dot_general(
            wo_ref[...], attn_acc[...], (((1,), (0,)), ((), ())),
            preferred_element_type=jnp.float32) + bo_ref[...]

    @pl.when(i >= G)
    def _project():
        out_ref[...] = lax.dot_general(
            w_ref[...], so_acc[...], (((1,), (1,)), ((), ())),
            preferred_element_type=jnp.float32)


def _tc2(weights, g0, g1, xtw, wsum, wq, wk, wv, wo,
         bq_m, bk_m, bv_m, bo_m, beta2):
    small = pl.BlockSpec((C, S), lambda i: (0, 0))
    big = pl.BlockSpec((C, C), lambda i: (0, 0))
    return pl.pallas_call(
        _tc2_body,
        grid=(2 * G,),
        in_specs=[
            pl.BlockSpec((R, S), lambda i: (jnp.where(i < G, i, i - G), 0)),
            pl.BlockSpec((R, S), lambda i: (jnp.where(i < G, i, 0), 0)),
            pl.BlockSpec((R, S),
                         lambda i: (jnp.where(i < G, i, 0) + OUT_STRIDE // R,
                                    0)),
            small,
            pl.BlockSpec((8, S), lambda i: (0, 0)),
            big, big, big, big,
            small, small, small, small,
            pl.BlockSpec((1, 1), lambda i: (0, 0)),
        ],
        out_specs=pl.BlockSpec((R, C),
                               lambda i: (jnp.where(i < G, 0, i - G), 0)),
        out_shape=jax.ShapeDtypeStruct((N, C), jnp.float32),
        scratch_shapes=[
            pltpu.VMEM((S, S), jnp.float32),
            pltpu.VMEM((C, S), jnp.float32),
            pltpu.VMEM((C, S), jnp.float32),
        ],
    )(weights, g0, g1, xtw, wsum, wq, wk, wv, wo,
      bq_m, bk_m, bv_m, bo_m, beta2)


def _tc3_body(w_ref, so_ref, out_ref):
    out_ref[...] = lax.dot_general(
        w_ref[...], so_ref[...], (((1,), (1,)), ((), ())),
        preferred_element_type=jnp.float32)


def _tc3(weights, so_t):
    return pl.pallas_call(
        _tc3_body,
        grid=(G,),
        in_specs=[
            pl.BlockSpec((R, S), lambda i: (i, 0)),
            pl.BlockSpec((C, S), lambda i: (0, 0)),
        ],
        out_specs=pl.BlockSpec((R, C), lambda i: (i, 0)),
        out_shape=jax.ShapeDtypeStruct((N, C), jnp.float32),
    )(weights, so_t)


def kernel(x, adj_indices, adj_values, Wslice, bslice, Wq, bq, Wk, bk,
           Wv, bv, Wo, bo, beta_raw):
    xs = x[0]
    wst = Wslice.T
    bs_row = bslice.reshape(1, S)

    weights, xtw, wsum = _tc1(xs, wst, bs_row)

    adj3 = adj_indices.reshape(2, NBT, BE)
    val3 = adj_values.reshape(NBT, BE)
    zeros_t = jnp.zeros((ACC_N, S), jnp.float32)

    gpart = _sc_agg(weights, adj3, val3, zeros_t)

    bq_m = jnp.broadcast_to(bq.reshape(C, 1), (C, S))
    bk_m = jnp.broadcast_to(bk.reshape(C, 1), (C, S))
    bv_m = jnp.broadcast_to(bv.reshape(C, 1), (C, S))
    bo_m = jnp.broadcast_to(bo.reshape(C, 1), (C, S))
    beta2 = beta_raw.reshape(1, 1)

    out = _tc2(weights, gpart, gpart, xtw, wsum, Wq, Wk, Wv, Wo,
               bq_m, bk_m, bv_m, bo_m, beta2)
    return out.reshape(1, N, C)

# --- scband reference (transcript-rebuilt; emitter-appended) ---
"""Pipeline reference for scband-graph-bias-attention-17875653886460 (READ-ONLY COPY).

The authoritative reference and input builder live on the scoring server;
editing this copy changes nothing except your own understanding.
"""

import jax, jax.numpy as jnp
import numpy as np
import math

B, N, C = 1, 10000, 256
S, H = 64, 8
D = C // H
E = 160000
EPS = 1e-06


def setup_inputs(seed: int = 0) -> dict:
    key = jax.random.key(seed)
    ks = jax.random.split(key, 16)
    x = jax.random.normal(ks[0], (B, N, C), dtype=jnp.float32)
    adj_indices = jax.random.randint(ks[1], (2, E), 0, N, dtype=jnp.int32)
    adj_values = jax.random.uniform(ks[2], (E,), dtype=jnp.float32)
    sc = 0.02
    Wslice = sc * jax.random.normal(ks[3], (S, C), dtype=jnp.float32)
    bslice = jnp.zeros((S,), dtype=jnp.float32)
    Wq = sc * jax.random.normal(ks[4], (C, C), dtype=jnp.float32)
    bq = jnp.zeros((C,), dtype=jnp.float32)
    Wk = sc * jax.random.normal(ks[5], (C, C), dtype=jnp.float32)
    bk = jnp.zeros((C,), dtype=jnp.float32)
    Wv = sc * jax.random.normal(ks[6], (C, C), dtype=jnp.float32)
    bv = jnp.zeros((C,), dtype=jnp.float32)
    Wo = sc * jax.random.normal(ks[7], (C, C), dtype=jnp.float32)
    bo = jnp.zeros((C,), dtype=jnp.float32)
    beta_raw = jnp.array(np.log(np.expm1(0.13)), dtype=jnp.float32)
    return {"x": x, "adj_indices": adj_indices, "adj_values": adj_values,
            "Wslice": Wslice, "bslice": bslice, "Wq": Wq, "bq": bq,
            "Wk": Wk, "bk": bk, "Wv": Wv, "bv": bv, "Wo": Wo, "bo": bo,
            "beta_raw": beta_raw}


def sparse_graph_aggregate(adj_indices, adj_values, x):
    # y[b, i, :] = sum_{edges (i<-j)} v * x[b, j, :]
    dst = adj_indices[0]
    src = adj_indices[1]
    n = x.shape[1]

    def one(xb):
        gathered = xb[src] * adj_values[:, None]
        return jax.ops.segment_sum(gathered, dst, num_segments=n)

    return jax.vmap(one)(x)


def reference(x, adj_indices, adj_values, Wslice, bslice, Wq, bq, Wk, bk, Wv, bv, Wo, bo, beta_raw):
    Bb, Nn, Cc = x.shape
    weights = jax.nn.softmax(x @ Wslice.T + bslice, axis=-1)  # (B, N, S)
    weight_sum = jnp.maximum(weights.sum(axis=1)[:, :, None], EPS)  # (B, S, 1)
    slices = jnp.einsum('bns,bnc->bsc', weights, x) / weight_sum  # (B, S, C)
    graph_weights = sparse_graph_aggregate(adj_indices, adj_values, weights)  # (B, N, S)
    graph_bias = jnp.einsum('bns,bnt->bst', weights, graph_weights)  # (B, S, S)
    graph_bias = 0.5 * (graph_bias + jnp.transpose(graph_bias, (0, 2, 1)))
    graph_bias = graph_bias / jnp.maximum(graph_bias.sum(axis=-1, keepdims=True), EPS)
    graph_bias = jnp.log(jnp.maximum(graph_bias, EPS))
    q = (slices @ Wq.T + bq).reshape(Bb, S, H, D).transpose(0, 2, 1, 3)
    k = (slices @ Wk.T + bk).reshape(Bb, S, H, D).transpose(0, 2, 1, 3)
    v = (slices @ Wv.T + bv).reshape(Bb, S, H, D).transpose(0, 2, 1, 3)
    logits = jnp.einsum('bhsd,bhtd->bhst', q, k) / math.sqrt(D)
    logits = logits + jax.nn.softplus(beta_raw) * graph_bias[:, None, :, :]
    attn = jax.nn.softmax(logits, axis=-1)
    slices_out = jnp.einsum('bhst,bhtd->bhsd', attn, v).transpose(0, 2, 1, 3).reshape(Bb, S, Cc)
    slices_out = slices_out @ Wo.T + bo
    return jnp.einsum('bns,bsc->bnc', weights, slices_out)

if __name__ == "__main__":
    import jax
    _d = setup_inputs()
    print(jax.jit(kernel)(*tuple(_d.values())))

</pallas_src>

<mosaic_0001>
#map = affine_map<(d0, d1) -> (0, 0)>
#map1 = affine_map<(d0, d1) -> (0, 0, 0)>
module attributes {stable_mosaic.version = 14 : i64} {
  func.func @_sc_agg_body(%arg0: i32, %arg1: i32, %arg2: memref<10000x64xf32, #tpu.memory_space<hbm>>, %arg3: memref<2x1250x128xi32, #tpu.memory_space<hbm>>, %arg4: memref<1250x128xf32, #tpu.memory_space<hbm>>, %arg5: memref<10240x64xf32, #tpu.memory_space<hbm>>, %arg6: memref<24000x64xf32, #tpu.memory_space<hbm>>, %arg7: memref<40x128xi32, #tpu.memory_space<vmem>>, %arg8: memref<40x128xi32, #tpu.memory_space<vmem>>, %arg9: memref<40x128xf32, #tpu.memory_space<vmem>>, %arg10: memref<128x64xf32, #tpu.memory_space<vmem>>, %arg11: memref<128x64xf32, #tpu.memory_space<vmem>>, %arg12: memref<10000x64xf32, #tpu.memory_space<vmem_shared>>, %arg13: memref<10240x64xf32, #tpu.memory_space<vmem_shared>>, %arg14: memref<!tpu.dma_semaphore, #tpu.memory_space<semaphore_mem>>, %arg15: memref<!tpu.dma_semaphore, #tpu.memory_space<semaphore_mem>>, %arg16: memref<!tpu.dma_semaphore, #tpu.memory_space<semaphore_mem>>, %arg17: memref<!tpu.dma_semaphore, #tpu.memory_space<semaphore_mem>>, %arg18: memref<!tpu.dma_semaphore, #tpu.memory_space<semaphore_mem>>) attributes {dimension_semantics = [#tpu.dimension_semantics<core_parallel>, #tpu.dimension_semantics<subcore_parallel>], iteration_bounds = array<i64: 2, 16>, scalar_prefetch = 0 : i64, scratch_operands = 12 : i64, tpu.core_type = #tpu.core_type<sc_vector_subcore>, window_params = [{transform_indices = #map}, {transform_indices = #map1}, {transform_indices = #map}, {transform_indices = #map}, {transform_indices = #map}]} {
    %mul3A = arith.constant 16 : i32
    %mul3A_0 = arith.muli %arg0, %mul3A : i32
    %add3A = arith.addi %mul3A_0, %arg1 : i32
    %eq3A = arith.constant 31 : i32
    %eq3A_1 = arith.cmpi eq, %add3A, %eq3A : i32
    %jit3A = arith.constant 10 : i32
    %jit3A_2 = arith.constant 40 : i32
    %select_n3A = arith.select %eq3A_1, %jit3A, %jit3A_2 : i32
    %mul3A_3 = arith.constant 625 : i32
    %mul3A_4 = arith.muli %arg1, %mul3A_3 : i32
    %mul3A_5 = arith.constant 625 : i32
    %mul3A_6 = arith.muli %arg1, %mul3A_5 : i32
    %dma_start3A = arith.constant 0 : i32
    %dma_start3A_7 = tpu.memref_slice %arg12[%mul3A_6, %dma_start3A] : memref<10000x64xf32, #tpu.memory_space<vmem_shared>> -> memref<625x64xf32, #tpu.memory_space<vmem_shared>>
    %dma_start3A_8 = arith.constant 0 : i32
    %dma_start3A_9 = tpu.memref_slice %arg2[%mul3A_4, %dma_start3A_8] : memref<10000x64xf32, #tpu.memory_space<hbm>> -> memref<625x64xf32, #tpu.memory_space<hbm>>
    tpu.enqueue_dma source(%dma_start3A_9 : memref<625x64xf32, #tpu.memory_space<hbm>>) target(%dma_start3A_7 : memref<625x64xf32, #tpu.memory_space<vmem_shared>>) target_semaphore(%arg16 : memref<!tpu.dma_semaphore, #tpu.memory_space<semaphore_mem>>)
    %mul3A_10 = arith.constant 640 : i32
    %mul3A_11 = arith.muli %arg1, %mul3A_10 : i32
    %mul3A_12 = arith.constant 640 : i32
    %mul3A_13 = arith.muli %arg1, %mul3A_12 : i32
    %dma_start3A_14 = arith.constant 0 : i32
    %dma_start3A_15 = tpu.memref_slice %arg13[%mul3A_13, %dma_start3A_14] : memref<10240x64xf32, #tpu.memory_space<vmem_shared>> -> memref<640x64xf32, #tpu.memory_space<vmem_shared>>
    %dma_start3A_16 = arith.constant 0 : i32
    %dma_start3A_17 = tpu.memref_slice %arg5[%mul3A_11, %dma_start3A_16] : memref<10240x64xf32, #tpu.memory_space<hbm>> -> memref<640x64xf32, #tpu.memory_space<hbm>>
    tpu.enqueue_dma source(%dma_start3A_17 : memref<640x64xf32, #tpu.memory_space<hbm>>) target(%dma_start3A_15 : memref<640x64xf32, #tpu.memory_space<vmem_shared>>) target_semaphore(%arg17 : memref<!tpu.dma_semaphore, #tpu.memory_space<semaphore_mem>>)
    %lt3A = arith.constant 31 : i32
    %lt3A_18 = arith.cmpi slt, %add3A, %lt3A : i32
    %convert_element_type3A = arith.extui %lt3A_18 : i1 to i32
    %cond3A = arith.constant 0 : i32
    %cond3A_19 = arith.cmpi ne, %convert_element_type3A, %cond3A : i32
    scf.if %cond3A_19 {
      %mul3A_81 = arith.constant 40 : i32
      %mul3A_82 = arith.muli %add3A, %mul3A_81 : i32
      %dma_start3A_83 = arith.constant 1 : i32
      %dma_start3A_84 = arith.constant 0 : i32
      %dma_start3A_85 = tpu.memref_slice %arg3[%dma_start3A_83, %mul3A_82, %dma_start3A_84] : memref<2x1250x128xi32, #tpu.memory_space<hbm>> -> memref<1x40x128xi32, #tpu.memory_space<hbm>>
      %dma_start3A_86 = tpu.memref_squeeze %dma_start3A_85 : memref<1x40x128xi32, #tpu.memory_space<hbm>> -> memref<40x128xi32, #tpu.memory_space<hbm>>
      %dma_start3A_87 = arith.constant 0 : i32
      %dma_start3A_88 = tpu.memref_slice %arg3[%dma_start3A_83, %mul3A_82, %dma_start3A_87] : memref<2x1250x128xi32, #tpu.memory_space<hbm>> -> memref<1x40x128xi32, #tpu.memory_space<hbm>>
      %dma_start3A_89 = tpu.memref_squeeze %dma_start3A_88 : memref<1x40x128xi32, #tpu.memory_space<hbm>> -> memref<40x128xi32, #tpu.memory_space<hbm>>
      tpu.enqueue_dma source(%dma_start3A_89 : memref<40x128xi32, #tpu.memory_space<hbm>>) target(%arg7 : memref<40x128xi32, #tpu.memory_space<vmem>>) target_semaphore(%arg18 : memref<!tpu.dma_semaphore, #tpu.memory_space<semaphore_mem>>)
      %mul3A_90 = arith.constant 40 : i32
      %mul3A_91 = arith.muli %add3A, %mul3A_90 : i32
      %dma_start3A_92 = arith.constant 0 : i32
      %dma_start3A_93 = arith.constant 0 : i32
      %dma_start3A_94 = tpu.memref_slice %arg3[%dma_start3A_92, %mul3A_91, %dma_start3A_93] : memref<2x1250x128xi32, #tpu.memory_space<hbm>> -> memref<1x40x128xi32, #tpu.memory_space<hbm>>
      %dma_start3A_95 = tpu.memref_squeeze %dma_start3A_94 : memref<1x40x128xi32, #tpu.memory_space<hbm>> -> memref<40x128xi32, #tpu.memory_space<hbm>>
      %dma_start3A_96 = arith.constant 0 : i32
      %dma_start3A_97 = tpu.memref_slice %arg3[%dma_start3A_92, %mul3A_91, %dma_start3A_96] : memref<2x1250x128xi32, #tpu.memory_space<hbm>> -> memref<1x40x128xi32, #tpu.memory_space<hbm>>
      %dma_start3A_98 = tpu.memref_squeeze %dma_start3A_97 : memref<1x40x128xi32, #tpu.memory_space<hbm>> -> memref<40x128xi32, #tpu.memory_space<hbm>>
      tpu.enqueue_dma source(%dma_start3A_98 : memref<40x128xi32, #tpu.memory_space<hbm>>) target(%arg8 : memref<40x128xi32, #tpu.memory_space<vmem>>) target_semaphore(%arg14 : memref<!tpu.dma_semaphore, #tpu.memory_space<semaphore_mem>>)
      %mul3A_99 = arith.constant 40 : i32
      %mul3A_100 = arith.muli %add3A, %mul3A_99 : i32
      %dma_start3A_101 = arith.constant 0 : i32
      %dma_start3A_102 = tpu.memref_slice %arg4[%mul3A_100, %dma_start3A_101] : memref<1250x128xf32, #tpu.memory_space<hbm>> -> memref<40x128xf32, #tpu.memory_space<hbm>>
      %dma_start3A_103 = arith.constant 0 : i32
      %dma_start3A_104 = tpu.memref_slice %arg4[%mul3A_100, %dma_start3A_103] : memref<1250x128xf32, #tpu.memory_space<hbm>> -> memref<40x128xf32, #tpu.memory_space<hbm>>
      tpu.enqueue_dma source(%dma_start3A_104 : memref<40x128xf32, #tpu.memory_space<hbm>>) target(%arg9 : memref<40x128xf32, #tpu.memory_space<vmem>>) target_semaphore(%arg15 : memref<!tpu.dma_semaphore, #tpu.memory_space<semaphore_mem>>)
      %dma_wait3A_105 = arith.constant 1 : i32
      %dma_wait3A_106 = arith.constant 0 : i32
      %dma_wait3A_107 = tpu.memref_slice %arg3[%dma_wait3A_105, %mul3A_82, %dma_wait3A_106] : memref<2x1250x128xi32, #tpu.memory_space<hbm>> -> memref<1x40x128xi32, #tpu.memory_space<hbm>>
      %dma_wait3A_108 = tpu.memref_squeeze %dma_wait3A_107 : memref<1x40x128xi32, #tpu.memory_space<hbm>> -> memref<40x128xi32, #tpu.memory_space<hbm>>
      %dma_wait3A_109 = arith.constant 0 : i32
      %dma_wait3A_110 = tpu.memref_slice %arg3[%dma_wait3A_105, %mul3A_82, %dma_wait3A_109] : memref<2x1250x128xi32, #tpu.memory_space<hbm>> -> memref<1x40x128xi32, #tpu.memory_space<hbm>>
      %dma_wait3A_111 = tpu.memref_squeeze %dma_wait3A_110 : memref<1x40x128xi32, #tpu.memory_space<hbm>> -> memref<40x128xi32, #tpu.memory_space<hbm>>
      tpu.wait_dma2 semaphore(%arg18 : memref<!tpu.dma_semaphore, #tpu.memory_space<semaphore_mem>>) src(%dma_wait3A_111 : memref<40x128xi32, #tpu.memory_space<hbm>>) dst(%arg7 : memref<40x128xi32, #tpu.memory_space<vmem>>)
      %dma_wait3A_112 = arith.constant 0 : i32
      %dma_wait3A_113 = arith.constant 0 : i32
      %dma_wait3A_114 = tpu.memref_slice %arg3[%dma_wait3A_112, %mul3A_91, %dma_wait3A_113] : memref<2x1250x128xi32, #tpu.memory_space<hbm>> -> memref<1x40x128xi32, #tpu.memory_space<hbm>>
      %dma_wait3A_115 = tpu.memref_squeeze %dma_wait3A_114 : memref<1x40x128xi32, #tpu.memory_space<hbm>> -> memref<40x128xi32, #tpu.memory_space<hbm>>
      %dma_wait3A_116 = arith.constant 0 : i32
      %dma_wait3A_117 = tpu.memref_slice %arg3[%dma_wait3A_112, %mul3A_91, %dma_wait3A_116] : memref<2x1250x128xi32, #tpu.memory_space<hbm>> -> memref<1x40x128xi32, #tpu.memory_space<hbm>>
      %dma_wait3A_118 = tpu.memref_squeeze %dma_wait3A_117 : memref<1x40x128xi32, #tpu.memory_space<hbm>> -> memref<40x128xi32, #tpu.memory_space<hbm>>
      tpu.wait_dma2 semaphore(%arg14 : memref<!tpu.dma_semaphore, #tpu.memory_space<semaphore_mem>>) src(%dma_wait3A_118 : memref<40x128xi32, #tpu.memory_space<hbm>>) dst(%arg8 : memref<40x128xi32, #tpu.memory_space<vmem>>)
      %dma_wait3A_119 = arith.constant 0 : i32
      %dma_wait3A_120 = tpu.memref_slice %arg4[%mul3A_100, %dma_wait3A_119] : memref<1250x128xf32, #tpu.memory_space<hbm>> -> memref<40x128xf32, #tpu.memory_space<hbm>>
      %dma_wait3A_121 = arith.constant 0 : i32
      %dma_wait3A_122 = tpu.memref_slice %arg4[%mul3A_100, %dma_wait3A_121] : memref<1250x128xf32, #tpu.memory_space<hbm>> -> memref<40x128xf32, #tpu.memory_space<hbm>>
      tpu.wait_dma2 semaphore(%arg15 : memref<!tpu.dma_semaphore, #tpu.memory_space<semaphore_mem>>) src(%dma_wait3A_122 : memref<40x128xf32, #tpu.memory_space<hbm>>) dst(%arg9 : memref<40x128xf32, #tpu.memory_space<vmem>>)
    } else {
    }
    %eq3A_20 = arith.constant 31 : i32
    %eq3A_21 = arith.cmpi eq, %add3A, %eq3A_20 : i32
    %convert_element_type3A_22 = arith.extui %eq3A_21 : i1 to i32
    %cond3A_23 = arith.constant 0 : i32
    %cond3A_24 = arith.cmpi ne, %convert_element_type3A_22, %cond3A_23 : i32
    scf.if %cond3A_24 {
      %dma_start3A_81 = arith.constant 1 : i32
      %dma_start3A_82 = arith.constant 0 : i32
      %dma_start3A_83 = arith.constant 0 : i32
      %dma_start3A_84 = tpu.memref_slice %arg7[%dma_start3A_82, %dma_start3A_83] : memref<40x128xi32, #tpu.memory_space<vmem>> -> memref<10x128xi32, #tpu.memory_space<vmem>>
      %dma_start3A_85 = arith.constant 1240 : i32
      %dma_start3A_86 = arith.constant 0 : i32
      %dma_start3A_87 = tpu.memref_slice %arg3[%dma_start3A_81, %dma_start3A_85, %dma_start3A_86] : memref<2x1250x128xi32, #tpu.memory_space<hbm>> -> memref<1x10x128xi32, #tpu.memory_space<hbm>>
      %dma_start3A_88 = tpu.memref_squeeze %dma_start3A_87 : memref<1x10x128xi32, #tpu.memory_space<hbm>> -> memref<10x128xi32, #tpu.memory_space<hbm>>
      %dma_start3A_89 = arith.constant 0 : i32
      %dma_start3A_90 = arith.constant 0 : i32
      %dma_start3A_91 = tpu.memref_slice %arg7[%dma_start3A_89, %dma_start3A_90] : memref<40x128xi32, #tpu.memory_space<vmem>> -> memref<10x128xi32, #tpu.memory_space<vmem>>
      %dma_start3A_92 = arith.constant 1240 : i32
      %dma_start3A_93 = arith.constant 0 : i32
      %dma_start3A_94 = tpu.memref_slice %arg3[%dma_start3A_81, %dma_start3A_92, %dma_start3A_93] : memref<2x1250x128xi32, #tpu.memory_space<hbm>> -> memref<1x10x128xi32, #tpu.memory_space<hbm>>
      %dma_start3A_95 = tpu.memref_squeeze %dma_start3A_94 : memref<1x10x128xi32, #tpu.memory_space<hbm>> -> memref<10x128xi32, #tpu.memory_space<hbm>>
      tpu.enqueue_dma source(%dma_start3A_95 : memref<10x128xi32, #tpu.memory_space<hbm>>) target(%dma_start3A_91 : memref<10x128xi32, #tpu.memory_space<vmem>>) target_semaphore(%arg18 : memref<!tpu.dma_semaphore, #tpu.memory_space<semaphore_mem>>)
      %dma_start3A_96 = arith.constant 0 : i32
      %dma_start3A_97 = arith.constant 0 : i32
      %dma_start3A_98 = arith.constant 0 : i32
      %dma_start3A_99 = tpu.memref_slice %arg8[%dma_start3A_97, %dma_start3A_98] : memref<40x128xi32, #tpu.memory_space<vmem>> -> memref<10x128xi32, #tpu.memory_space<vmem>>
      %dma_start3A_100 = arith.constant 1240 : i32
      %dma_start3A_101 = arith.constant 0 : i32
      %dma_start3A_102 = tpu.memref_slice %arg3[%dma_start3A_96, %dma_start3A_100, %dma_start3A_101] : memref<2x1250x128xi32, #tpu.memory_space<hbm>> -> memref<1x10x128xi32, #tpu.memory_space<hbm>>
      %dma_start3A_103 = tpu.memref_squeeze %dma_start3A_102 : memref<1x10x128xi32, #tpu.memory_space<hbm>> -> memref<10x128xi32, #tpu.memory_space<hbm>>
      %dma_start3A_104 = arith.constant 0 : i32
      %dma_start3A_105 = arith.constant 0 : i32
      %dma_start3A_106 = tpu.memref_slice %arg8[%dma_start3A_104, %dma_start3A_105] : memref<40x128xi32, #tpu.memory_space<vmem>> -> memref<10x128xi32, #tpu.memory_space<vmem>>
      %dma_start3A_107 = arith.constant 1240 : i32
      %dma_start3A_108 = arith.constant 0 : i32
      %dma_start3A_109 = tpu.memref_slice %arg3[%dma_start3A_96, %dma_start3A_107, %dma_start3A_108] : memref<2x1250x128xi32, #tpu.memory_space<hbm>> -> memref<1x10x128xi32, #tpu.memory_space<hbm>>
      %dma_start3A_110 = tpu.memref_squeeze %dma_start3A_109 : memref<1x10x128xi32, #tpu.memory_space<hbm>> -> memref<10x128xi32, #tpu.memory_space<hbm>>
      tpu.enqueue_dma source(%dma_start3A_110 : memref<10x128xi32, #tpu.memory_space<hbm>>) target(%dma_start3A_106 : memref<10x128xi32, #tpu.memory_space<vmem>>) target_semaphore(%arg14 : memref<!tpu.dma_semaphore, #tpu.memory_space<semaphore_mem>>)
      %dma_start3A_111 = arith.constant 0 : i32
      %dma_start3A_112 = arith.constant 0 : i32
      %dma_start3A_113 = tpu.memref_slice %arg9[%dma_start3A_111, %dma_start3A_112] : memref<40x128xf32, #tpu.memory_space<vmem>> -> memref<10x128xf32, #tpu.memory_space<vmem>>
      %dma_start3A_114 = arith.constant 1240 : i32
      %dma_start3A_115 = arith.constant 0 : i32
      %dma_start3A_116 = tpu.memref_slice %arg4[%dma_start3A_114, %dma_start3A_115] : memref<1250x128xf32, #tpu.memory_space<hbm>> -> memref<10x128xf32, #tpu.memory_space<hbm>>
      %dma_start3A_117 = arith.constant 0 : i32
      %dma_start3A_118 = arith.constant 0 : i32
      %dma_start3A_119 = tpu.memref_slice %arg9[%dma_start3A_117, %dma_start3A_118] : memref<40x128xf32, #tpu.memory_space<vmem>> -> memref<10x128xf32, #tpu.memory_space<vmem>>
      %dma_start3A_120 = arith.constant 1240 : i32
      %dma_start3A_121 = arith.constant 0 : i32
      %dma_start3A_122 = tpu.memref_slice %arg4[%dma_start3A_120, %dma_start3A_121] : memref<1250x128xf32, #tpu.memory_space<hbm>> -> memref<10x128xf32, #tpu.memory_space<hbm>>
      tpu.enqueue_dma source(%dma_start3A_122 : memref<10x128xf32, #tpu.memory_space<hbm>>) target(%dma_start3A_119 : memref<10x128xf32, #tpu.memory_space<vmem>>) target_semaphore(%arg15 : memref<!tpu.dma_semaphore, #tpu.memory_space<semaphore_mem>>)
      %dma_wait3A_123 = arith.constant 1 : i32
      %dma_wait3A_124 = arith.constant 0 : i32
      %dma_wait3A_125 = arith.constant 0 : i32
      %dma_wait3A_126 = tpu.memref_slice %arg7[%dma_wait3A_124, %dma_wait3A_125] : memref<40x128xi32, #tpu.memory_space<vmem>> -> memref<10x128xi32, #tpu.memory_space<vmem>>
      %dma_wait3A_127 = arith.constant 1240 : i32
      %dma_wait3A_128 = arith.constant 0 : i32
      %dma_wait3A_129 = tpu.memref_slice %arg3[%dma_wait3A_123, %dma_wait3A_127, %dma_wait3A_128] : memref<2x1250x128xi32, #tpu.memory_space<hbm>> -> memref<1x10x128xi32, #tpu.memory_space<hbm>>
      %dma_wait3A_130 = tpu.memref_squeeze %dma_wait3A_129 : memref<1x10x128xi32, #tpu.memory_space<hbm>> -> memref<10x128xi32, #tpu.memory_space<hbm>>
      %dma_wait3A_131 = arith.constant 0 : i32
      %dma_wait3A_132 = arith.constant 0 : i32
      %dma_wait3A_133 = tpu.memref_slice %arg7[%dma_wait3A_131, %dma_wait3A_132] : memref<40x128xi32, #tpu.memory_space<vmem>> -> memref<10x128xi32, #tpu.memory_space<vmem>>
      %dma_wait3A_134 = arith.constant 1240 : i32
      %dma_wait3A_135 = arith.constant 0 : i32
      %dma_wait3A_136 = tpu.memref_slice %arg3[%dma_wait3A_123, %dma_wait3A_134, %dma_wait3A_135] : memref<2x1250x128xi32, #tpu.memory_space<hbm>> -> memref<1x10x128xi32, #tpu.memory_space<hbm>>
      %dma_wait3A_137 = tpu.memref_squeeze %dma_wait3A_136 : memref<1x10x128xi32, #tpu.memory_space<hbm>> -> memref<10x128xi32, #tpu.memory_space<hbm>>
      tpu.wait_dma2 semaphore(%arg18 : memref<!tpu.dma_semaphore, #tpu.memory_space<semaphore_mem>>) src(%dma_wait3A_137 : memref<10x128xi32, #tpu.memory_space<hbm>>) dst(%dma_wait3A_133 : memref<10x128xi32, #tpu.memory_space<vmem>>)
      %dma_wait3A_138 = arith.constant 0 : i32
      %dma_wait3A_139 = arith.constant 0 : i32
      %dma_wait3A_140 = arith.constant 0 : i32
      %dma_wait3A_141 = tpu.memref_slice %arg8[%dma_wait3A_139, %dma_wait3A_140] : memref<40x128xi32, #tpu.memory_space<vmem>> -> memref<10x128xi32, #tpu.memory_space<vmem>>
      %dma_wait3A_142 = arith.constant 1240 : i32
      %dma_wait3A_143 = arith.constant 0 : i32
      %dma_wait3A_144 = tpu.memref_slice %arg3[%dma_wait3A_138, %dma_wait3A_142, %dma_wait3A_143] : memref<2x1250x128xi32, #tpu.memory_space<hbm>> -> memref<1x10x128xi32, #tpu.memory_space<hbm>>
      %dma_wait3A_145 = tpu.memref_squeeze %dma_wait3A_144 : memref<1x10x128xi32, #tpu.memory_space<hbm>> -> memref<10x128xi32, #tpu.memory_space<hbm>>
      %dma_wait3A_146 = arith.constant 0 : i32
      %dma_wait3A_147 = arith.constant 0 : i32
      %dma_wait3A_148 = tpu.memref_slice %arg8[%dma_wait3A_146, %dma_wait3A_147] : memref<40x128xi32, #tpu.memory_space<vmem>> -> memref<10x128xi32, #tpu.memory_space<vmem>>
      %dma_wait3A_149 = arith.constant 1240 : i32
      %dma_wait3A_150 = arith.constant 0 : i32
      %dma_wait3A_151 = tpu.memref_slice %arg3[%dma_wait3A_138, %dma_wait3A_149, %dma_wait3A_150] : memref<2x1250x128xi32, #tpu.memory_space<hbm>> -> memref<1x10x128xi32, #tpu.memory_space<hbm>>
      %dma_wait3A_152 = tpu.memref_squeeze %dma_wait3A_151 : memref<1x10x128xi32, #tpu.memory_space<hbm>> -> memref<10x128xi32, #tpu.memory_space<hbm>>
      tpu.wait_dma2 semaphore(%arg14 : memref<!tpu.dma_semaphore, #tpu.memory_space<semaphore_mem>>) src(%dma_wait3A_152 : memref<10x128xi32, #tpu.memory_space<hbm>>) dst(%dma_wait3A_148 : memref<10x128xi32, #tpu.memory_space<vmem>>)
      %dma_wait3A_153 = arith.constant 0 : i32
      %dma_wait3A_154 = arith.constant 0 : i32
      %dma_wait3A_155 = tpu.memref_slice %arg9[%dma_wait3A_153, %dma_wait3A_154] : memref<40x128xf32, #tpu.memory_space<vmem>> -> memref<10x128xf32, #tpu.memory_space<vmem>>
      %dma_wait3A_156 = arith.constant 1240 : i32
      %dma_wait3A_157 = arith.constant 0 : i32
      %dma_wait3A_158 = tpu.memref_slice %arg4[%dma_wait3A_156, %dma_wait3A_157] : memref<1250x128xf32, #tpu.memory_space<hbm>> -> memref<10x128xf32, #tpu.memory_space<hbm>>
      %dma_wait3A_159 = arith.constant 0 : i32
      %dma_wait3A_160 = arith.constant 0 : i32
      %dma_wait3A_161 = tpu.memref_slice %arg9[%dma_wait3A_159, %dma_wait3A_160] : memref<40x128xf32, #tpu.memory_space<vmem>> -> memref<10x128xf32, #tpu.memory_space<vmem>>
      %dma_wait3A_162 = arith.constant 1240 : i32
      %dma_wait3A_163 = arith.constant 0 : i32
      %dma_wait3A_164 = tpu.memref_slice %arg4[%dma_wait3A_162, %dma_wait3A_163] : memref<1250x128xf32, #tpu.memory_space<hbm>> -> memref<10x128xf32, #tpu.memory_space<hbm>>
      tpu.wait_dma2 semaphore(%arg15 : memref<!tpu.dma_semaphore, #tpu.memory_space<semaphore_mem>>) src(%dma_wait3A_164 : memref<10x128xf32, #tpu.memory_space<hbm>>) dst(%dma_wait3A_161 : memref<10x128xf32, #tpu.memory_space<vmem>>)
    } else {
    }
    %dma_wait3A = arith.constant 0 : i32
    %dma_wait3A_25 = tpu.memref_slice %arg12[%mul3A_6, %dma_wait3A] : memref<10000x64xf32, #tpu.memory_space<vmem_shared>> -> memref<625x64xf32, #tpu.memory_space<vmem_shared>>
    %dma_wait3A_26 = arith.constant 0 : i32
    %dma_wait3A_27 = tpu.memref_slice %arg2[%mul3A_4, %dma_wait3A_26] : memref<10000x64xf32, #tpu.memory_space<hbm>> -> memref<625x64xf32, #tpu.memory_space<hbm>>
    tpu.wait_dma2 semaphore(%arg16 : memref<!tpu.dma_semaphore, #tpu.memory_space<semaphore_mem>>) src(%dma_wait3A_27 : memref<625x64xf32, #tpu.memory_space<hbm>>) dst(%dma_wait3A_25 : memref<625x64xf32, #tpu.memory_space<vmem_shared>>)
    %dma_wait3A_28 = arith.constant 0 : i32
    %dma_wait3A_29 = tpu.memref_slice %arg13[%mul3A_13, %dma_wait3A_28] : memref<10240x64xf32, #tpu.memory_space<vmem_shared>> -> memref<640x64xf32, #tpu.memory_space<vmem_shared>>
    %dma_wait3A_30 = arith.constant 0 : i32
    %dma_wait3A_31 = tpu.memref_slice %arg5[%mul3A_11, %dma_wait3A_30] : memref<10240x64xf32, #tpu.memory_space<hbm>> -> memref<640x64xf32, #tpu.memory_space<hbm>>
    tpu.wait_dma2 semaphore(%arg17 : memref<!tpu.dma_semaphore, #tpu.memory_space<semaphore_mem>>) src(%dma_wait3A_31 : memref<640x64xf32, #tpu.memory_space<hbm>>) dst(%dma_wait3A_29 : memref<640x64xf32, #tpu.memory_space<vmem_shared>>)
    %barrier3A = arith.constant 0 : index
    tpu.barrier barrier_id(%barrier3A)
    %dma_start3A_32 = arith.constant 0 : i32
    %dma_start3A_33 = arith.constant 0 : i32
    %dma_start3A_34 = tpu.memref_slice %arg7[%dma_start3A_32, %dma_start3A_33] : memref<40x128xi32, #tpu.memory_space<vmem>> -> memref<1x128xi32, #tpu.memory_space<vmem>>
    %dma_start3A_35 = tpu.memref_squeeze %dma_start3A_34 : memref<1x128xi32, #tpu.memory_space<vmem>> -> memref<128xi32, #tpu.memory_space<vmem>>
    %dma_start3A_36 = arith.constant 0 : i32
    %dma_start3A_37 = arith.constant 0 : i32
    %dma_start3A_38 = tpu.memref_slice %arg12[%dma_start3A_36, %dma_start3A_37] : memref<10000x64xf32, #tpu.memory_space<vmem_shared>> -> memref<10000x64xf32, #tpu.memory_space<vmem_shared>>
    tpu.enqueue_indirect_dma source(%dma_start3A_38 : memref<10000x64xf32, #tpu.memory_space<vmem_shared>>) target(%arg10 : memref<128x64xf32, #tpu.memory_space<vmem>>) offsets(%dma_start3A_35 : memref<128xi32, #tpu.memory_space<vmem>>) semaphore(%arg14 : memref<!tpu.dma_semaphore, #tpu.memory_space<semaphore_mem>>)
    %dma_start3A_39 = arith.constant 1 : i32
    %dma_start3A_40 = arith.constant 0 : i32
    %dma_start3A_41 = tpu.memref_slice %arg7[%dma_start3A_39, %dma_start3A_40] : memref<40x128xi32, #tpu.memory_space<vmem>> -> memref<1x128xi32, #tpu.memory_space<vmem>>
    %dma_start3A_42 = tpu.memref_squeeze %dma_start3A_41 : memref<1x128xi32, #tpu.memory_space<vmem>> -> memref<128xi32, #tpu.memory_space<vmem>>
    %dma_start3A_43 = arith.constant 0 : i32
    %dma_start3A_44 = arith.constant 0 : i32
    %dma_start3A_45 = tpu.memref_slice %arg12[%dma_start3A_43, %dma_start3A_44] : memref<10000x64xf32, #tpu.memory_space<vmem_shared>> -> memref<10000x64xf32, #tpu.memory_space<vmem_shared>>
    tpu.enqueue_indirect_dma source(%dma_start3A_45 : memref<10000x64xf32, #tpu.memory_space<vmem_shared>>) target(%arg11 : memref<128x64xf32, #tpu.memory_space<vmem>>) offsets(%dma_start3A_42 : memref<128xi32, #tpu.memory_space<vmem>>) semaphore(%arg15 : memref<!tpu.dma_semaphore, #tpu.memory_space<semaphore_mem>>)
    %jit3A_46 = arith.constant 2 : i32
    %div3A = arith.divsi %select_n3A, %jit3A_46 : i32
    %sign3A = arith.constant 0 : i32
    %sign3A_47 = arith.cmpi sgt, %select_n3A, %sign3A : i32
    %sign3A_48 = arith.extui %sign3A_47 : i1 to i32
    %sign3A_49 = arith.constant 0 : i32
    %sign3A_50 = arith.cmpi slt, %select_n3A, %sign3A_49 : i32
    %sign3A_51 = arith.extui %sign3A_50 : i1 to i32
    %sign3A_52 = arith.subi %sign3A_48, %sign3A_51 : i32
    %sign3A_53 = arith.constant 0 : i32
    %sign3A_54 = arith.cmpi sgt, %jit3A_46, %sign3A_53 : i32
    %sign3A_55 = arith.extui %sign3A_54 : i1 to i32
    %sign3A_56 = arith.constant 0 : i32
    %sign3A_57 = arith.cmpi slt, %jit3A_46, %sign3A_56 : i32
    %sign3A_58 = arith.extui %sign3A_57 : i1 to i32
    %sign3A_59 = arith.subi %sign3A_55, %sign3A_58 : i32
    %ne3A = arith.cmpi ne, %sign3A_52, %sign3A_59 : i32
    %rem3A = arith.remsi %select_n3A, %jit3A_46 : i32
    %ne3A_60 = arith.constant 0 : i32
    %ne3A_61 = arith.cmpi ne, %rem3A, %ne3A_60 : i32
    %and3A = arith.andi %ne3A, %ne3A_61 : i1
    %sub3A = arith.constant 1 : i32
    %sub3A_62 = arith.subi %div3A, %sub3A : i32
    %select_n3A_63 = arith.select %and3A, %sub3A_62, %div3A : i32
    %while3A = arith.constant 0 : i32
    %while3A_64 = arith.constant 0 : i32
    %while3A_65 = arith.subi %select_n3A_63, %while3A_64 : i32
    %while3A_66 = arith.addi %while3A_64, %while3A_65 : i32
    %while3A_67 = arith.constant 1 : i32
    %while3A_68 = arith.divsi %while3A_65, %while3A_67 : i32
    %while3A_69 = arith.muli %while3A_68, %while3A_67 : i32
    %while3A_70 = arith.addi %while3A_64, %while3A_69 : i32
    %while3A_71 = arith.constant 1 : i32
    scf.for %while3A_81 = %while3A_64 to %while3A_70 step %while3A_71  : i32 {
      %mul3A_82 = arith.constant 2 : i32
      %mul3A_83 = arith.muli %mul3A_82, %while3A_81 : i32
      %add3A_84 = arith.constant 0 : i32
      %add3A_85 = arith.addi %mul3A_83, %add3A_84 : i32
      %dma_wait3A_86 = arith.constant 0 : i32
      %dma_wait3A_87 = tpu.memref_slice %arg7[%add3A_85, %dma_wait3A_86] : memref<40x128xi32, #tpu.memory_space<vmem>> -> memref<1x128xi32, #tpu.memory_space<vmem>>
      %dma_wait3A_88 = tpu.memref_squeeze %dma_wait3A_87 : memref<1x128xi32, #tpu.memory_space<vmem>> -> memref<128xi32, #tpu.memory_space<vmem>>
      %dma_wait3A_89 = arith.constant 0 : i32
      %dma_wait3A_90 = arith.constant 0 : i32
      %dma_wait3A_91 = tpu.memref_slice %arg12[%dma_wait3A_89, %dma_wait3A_90] : memref<10000x64xf32, #tpu.memory_space<vmem_shared>> -> memref<10000x64xf32, #tpu.memory_space<vmem_shared>>
      tpu.wait_indirect_dma semaphore(%arg14 : memref<!tpu.dma_semaphore, #tpu.memory_space<semaphore_mem>>) src(%dma_wait3A_91 : memref<10000x64xf32, #tpu.memory_space<vmem_shared>>) dst(%arg10 : memref<128x64xf32, #tpu.memory_space<vmem>>)
      %parallel_loop3A = arith.constant 0 : i32
      %parallel_loop3A_92 = arith.constant 8 : i32
      %parallel_loop3A_93 = arith.constant 1 : i32
      scf.for %parallel_loop3A_119 = %parallel_loop3A to %parallel_loop3A_92 step %parallel_loop3A_93  : i32 {
        %parallel_loop3A_120 = arith.constant 16 : i32
        %parallel_loop3A_121 = arith.muli %parallel_loop3A_119, %parallel_loop3A_120 : i32
        %parallel_loop3A_122 = arith.index_cast %add3A_85 : i32 to index
        %parallel_loop3A_123 = arith.index_cast %parallel_loop3A_121 : i32 to index
        %parallel_loop3A_124 = tpu.vector_load %arg9[%parallel_loop3A_122, %parallel_loop3A_123] {strides = array<i32>} : memref<40x128xf32, #tpu.memory_space<vmem>>, vector<1x16xf32>,
        %parallel_loop3A_125 = vector.shape_cast %parallel_loop3A_124 : vector<1x16xf32> to vector<16xf32>
        %parallel_loop3A_126 = vector.extract_strided_slice %parallel_loop3A_125 {offsets = [0], sizes = [1], strides = [1]} : vector<16xf32> to vector<1xf32>
        %parallel_loop3A_127 = vector.extract %parallel_loop3A_126[0] : f32 from vector<1xf32>
        %parallel_loop3A_128 = arith.constant 16 : i32
        %parallel_loop3A_129 = arith.muli %parallel_loop3A_119, %parallel_loop3A_128 : i32
        %parallel_loop3A_130 = arith.constant 0 : i32
        %parallel_loop3A_131 = arith.addi %parallel_loop3A_129, %parallel_loop3A_130 : i32
        %parallel_loop3A_132 = arith.index_cast %parallel_loop3A_131 : i32 to index
        %parallel_loop3A_133 = arith.constant 0 : index
        %parallel_loop3A_134 = tpu.vector_load %arg10[%parallel_loop3A_132, %parallel_loop3A_133] {strides = array<i32>} : memref<128x64xf32, #tpu.memory_space<vmem>>, vector<1x16xf32>,
        %parallel_loop3A_135 = vector.shape_cast %parallel_loop3A_134 : vector<1x16xf32> to vector<16xf32>
        %parallel_loop3A_136 = vector.broadcast %parallel_loop3A_127 : f32 to vector<16xf32>
        %parallel_loop3A_137 = arith.mulf %parallel_loop3A_135, %parallel_loop3A_136 : vector<16xf32>
        %parallel_loop3A_138 = arith.index_cast %parallel_loop3A_131 : i32 to index
        %parallel_loop3A_139 = arith.constant 0 : index
        %parallel_loop3A_140 = tpu.vector_load %arg10[%parallel_loop3A_138, %parallel_loop3A_139] {strides = array<i32>} : memref<128x64xf32, #tpu.memory_space<vmem>>, vector<1x16xf32>,
        %parallel_loop3A_141 = vector.shape_cast %parallel_loop3A_140 : vector<1x16xf32> to vector<16xf32>
        %parallel_loop3A_142 = vector.shape_cast %parallel_loop3A_137 : vector<16xf32> to vector<1x16xf32>
        tpu.vector_store %arg10[%parallel_loop3A_138, %parallel_loop3A_139], %parallel_loop3A_142 {strides = array<i32>} : memref<128x64xf32, #tpu.memory_space<vmem>>, vector<1x16xf32>,
        %parallel_loop3A_143 = arith.index_cast %parallel_loop3A_131 : i32 to index
        %parallel_loop3A_144 = arith.constant 16 : index
        %parallel_loop3A_145 = tpu.vector_load %arg10[%parallel_loop3A_143, %parallel_loop3A_144] {strides = array<i32>} : memref<128x64xf32, #tpu.memory_space<vmem>>, vector<1x16xf32>,
        %parallel_loop3A_146 = vector.shape_cast %parallel_loop3A_145 : vector<1x16xf32> to vector<16xf32>
        %parallel_loop3A_147 = vector.broadcast %parallel_loop3A_127 : f32 to vector<16xf32>
        %parallel_loop3A_148 = arith.mulf %parallel_loop3A_146, %parallel_loop3A_147 : vector<16xf32>
        %parallel_loop3A_149 = arith.index_cast %parallel_loop3A_131 : i32 to index
        %parallel_loop3A_150 = arith.constant 16 : index
        %parallel_loop3A_151 = tpu.vector_load %arg10[%parallel_loop3A_149, %parallel_loop3A_150] {strides = array<i32>} : memref<128x64xf32, #tpu.memory_space<vmem>>, vector<1x16xf32>,
        %parallel_loop3A_152 = vector.shape_cast %parallel_loop3A_151 : vector<1x16xf32> to vector<16xf32>
        %parallel_loop3A_153 = vector.shape_cast %parallel_loop3A_148 : vector<16xf32> to vector<1x16xf32>
        tpu.vector_store %arg10[%parallel_loop3A_149, %parallel_loop3A_150], %parallel_loop3A_153 {strides = array<i32>} : memref<128x64xf32, #tpu.memory_space<vmem>>, vector<1x16xf32>,
        %parallel_loop3A_154 = arith.index_cast %parallel_loop3A_131 : i32 to index
        %parallel_loop3A_155 = arith.constant 32 : index
        %parallel_loop3A_156 = tpu.vector_load %arg10[%parallel_loop3A_154, %parallel_loop3A_155] {strides = array<i32>} : memref<128x64xf32, #tpu.memory_space<vmem>>, vector<1x16xf32>,
        %parallel_loop3A_157 = vector.shape_cast %parallel_loop3A_156 : vector<1x16xf32> to vector<16xf32>
        %parallel_loop3A_158 = vector.broadcast %parallel_loop3A_127 : f32 to vector<16xf32>
        %parallel_loop3A_159 = arith.mulf %parallel_loop3A_157, %parallel_loop3A_158 : vector<16xf32>
        %parallel_loop3A_160 = arith.index_cast %parallel_loop3A_131 : i32 to index
        %parallel_loop3A_161 = arith.constant 32 : index
        %parallel_loop3A_162 = tpu.vector_load %arg10[%parallel_loop3A_160, %parallel_loop3A_161] {strides = array<i32>} : memref<128x64xf32, #tpu.memory_space<vmem>>, vector<1x16xf32>,
        %parallel_loop3A_163 = vector.shape_cast %parallel_loop3A_162 : vector<1x16xf32> to vector<16xf32>
        %parallel_loop3A_164 = vector.shape_cast %parallel_loop3A_159 : vector<16xf32> to vector<1x16xf32>
        tpu.vector_store %arg10[%parallel_loop3A_160, %parallel_loop3A_161], %parallel_loop3A_164 {strides = array<i32>} : memref<128x64xf32, #tpu.memory_space<vmem>>, vector<1x16xf32>,
        %parallel_loop3A_165 = arith.index_cast %parallel_loop3A_131 : i32 to index
        %parallel_loop3A_166 = arith.constant 48 : index
        %parallel_loop3A_167 = tpu.vector_load %arg10[%parallel_loop3A_165, %parallel_loop3A_166] {strides = array<i32>} : memref<128x64xf32, #tpu.memory_space<vmem>>, vector<1x16xf32>,
        %parallel_loop3A_168 = vector.shape_cast %parallel_loop3A_167 : vector<1x16xf32> to vector<16xf32>
        %parallel_loop3A_169 = vector.broadcast %parallel_loop3A_127 : f32 to vector<16xf32>
        %parallel_loop3A_170 = arith.mulf %parallel_loop3A_168, %parallel_loop3A_169 : vector<16xf32>
        %parallel_loop3A_171 = arith.index_cast %parallel_loop3A_131 : i32 to index
        %parallel_loop3A_172 = arith.constant 48 : index
        %parallel_loop3A_173 = tpu.vector_load %arg10[%parallel_loop3A_171, %parallel_loop3A_172] {strides = array<i32>} : memref<128x64xf32, #tpu.memory_space<vmem>>, vector<1x16xf32>,
        %parallel_loop3A_174 = vector.shape_cast %parallel_loop3A_173 : vector<1x16xf32> to vector<16xf32>
        %parallel_loop3A_175 = vector.shape_cast %parallel_loop3A_170 : vector<16xf32> to vector<1x16xf32>
        tpu.vector_store %arg10[%parallel_loop3A_171, %parallel_loop3A_172], %parallel_loop3A_175 {strides = array<i32>} : memref<128x64xf32, #tpu.memory_space<vmem>>, vector<1x16xf32>,
        %parallel_loop3A_176 = vector.extract_strided_slice %parallel_loop3A_125 {offsets = [1], sizes = [1], strides = [1]} : vector<16xf32> to vector<1xf32>
        %parallel_loop3A_177 = vector.extract %parallel_loop3A_176[0] : f32 from vector<1xf32>
        %parallel_loop3A_178 = arith.constant 16 : i32
        %parallel_loop3A_179 = arith.muli %parallel_loop3A_119, %parallel_loop3A_178 : i32
        %parallel_loop3A_180 = arith.constant 1 : i32
        %parallel_loop3A_181 = arith.addi %parallel_loop3A_179, %parallel_loop3A_180 : i32
        %parallel_loop3A_182 = arith.index_cast %parallel_loop3A_181 : i32 to index
        %parallel_loop3A_183 = arith.constant 0 : index
        %parallel_loop3A_184 = tpu.vector_load %arg10[%parallel_loop3A_182, %parallel_loop3A_183] {strides = array<i32>} : memref<128x64xf32, #tpu.memory_space<vmem>>, vector<1x16xf32>,
        %parallel_loop3A_185 = vector.shape_cast %parallel_loop3A_184 : vector<1x16xf32> to vector<16xf32>
        %parallel_loop3A_186 = vector.broadcast %parallel_loop3A_177 : f32 to vector<16xf32>
        %parallel_loop3A_187 = arith.mulf %parallel_loop3A_185, %parallel_loop3A_186 : vector<16xf32>
        %parallel_loop3A_188 = arith.index_cast %parallel_loop3A_181 : i32 to index
        %parallel_loop3A_189 = arith.constant 0 : index
        %parallel_loop3A_190 = tpu.vector_load %arg10[%parallel_loop3A_188, %parallel_loop3A_189] {strides = array<i32>} : memref<128x64xf32, #tpu.memory_space<vmem>>, vector<1x16xf32>,
        %parallel_loop3A_191 = vector.shape_cast %parallel_loop3A_190 : vector<1x16xf32> to vector<16xf32>
        %parallel_loop3A_192 = vector.shape_cast %parallel_loop3A_187 : vector<16xf32> to vector<1x16xf32>
        tpu.vector_store %arg10[%parallel_loop3A_188, %parallel_loop3A_189], %parallel_loop3A_192 {strides = array<i32>} : memref<128x64xf32, #tpu.memory_space<vmem>>, vector<1x16xf32>,
        %parallel_loop3A_193 = arith.index_cast %parallel_loop3A_181 : i32 to index
        %parallel_loop3A_194 = arith.constant 16 : index
        %parallel_loop3A_195 = tpu.vector_load %arg10[%parallel_loop3A_193, %parallel_loop3A_194] {strides = array<i32>} : memref<128x64xf32, #tpu.memory_space<vmem>>, vector<1x16xf32>,
        %parallel_loop3A_196 = vector.shape_cast %parallel_loop3A_195 : vector<1x16xf32> to vector<16xf32>
        %parallel_loop3A_197 = vector.broadcast %parallel_loop3A_177 : f32 to vector<16xf32>
        %parallel_loop3A_198 = arith.mulf %parallel_loop3A_196, %parallel_loop3A_197 : vector<16xf32>
        %parallel_loop3A_199 = arith.index_cast %parallel_loop3A_181 : i32 to index
        %parallel_loop3A_200 = arith.constant 16 : index
        %parallel_loop3A_201 = tpu.vector_load %arg10[%parallel_loop3A_199, %parallel_loop3A_200] {strides = array<i32>} : memref<128x64xf32, #tpu.memory_space<vmem>>, vector<1x16xf32>,
        %parallel_loop3A_202 = vector.shape_cast %parallel_loop3A_201 : vector<1x16xf32> to vector<16xf32>
        %parallel_loop3A_203 = vector.shape_cast %parallel_loop3A_198 : vector<16xf32> to vector<1x16xf32>
        tpu.vector_store %arg10[%parallel_loop3A_199, %parallel_loop3A_200], %parallel_loop3A_203 {strides = array<i32>} : memref<128x64xf32, #tpu.memory_space<vmem>>, vector<1x16xf32>,
        %parallel_loop3A_204 = arith.index_cast %parallel_loop3A_181 : i32 to index
        %parallel_loop3A_205 = arith.constant 32 : index
        %parallel_loop3A_206 = tpu.vector_load %arg10[%parallel_loop3A_204, %parallel_loop3A_205] {strides = array<i32>} : memref<128x64xf32, #tpu.memory_space<vmem>>, vector<1x16xf32>,
        %parallel_loop3A_207 = vector.shape_cast %parallel_loop3A_206 : vector<1x16xf32> to vector<16xf32>
        %parallel_loop3A_208 = vector.broadcast %parallel_loop3A_177 : f32 to vector<16xf32>
        %parallel_loop3A_209 = arith.mulf %parallel_loop3A_207, %parallel_loop3A_208 : vector<16xf32>
        %parallel_loop3A_210 = arith.index_cast %parallel_loop3A_181 : i32 to index
        %parallel_loop3A_211 = arith.constant 32 : index
        %parallel_loop3A_212 = tpu.vector_load %arg10[%parallel_loop3A_210, %parallel_loop3A_211] {strides = array<i32>} : memref<128x64xf32, #tpu.memory_space<vmem>>, vector<1x16xf32>,
        %parallel_loop3A_213 = vector.shape_cast %parallel_loop3A_212 : vector<1x16xf32> to vector<16xf32>
        %parallel_loop3A_214 = vector.shape_cast %parallel_loop3A_209 : vector<16xf32> to vector<1x16xf32>
        tpu.vector_store %arg10[%parallel_loop3A_210, %parallel_loop3A_211], %parallel_loop3A_214 {strides = array<i32>} : memref<128x64xf32, #tpu.memory_space<vmem>>, vector<1x16xf32>,
        %parallel_loop3A_215 = arith.index_cast %parallel_loop3A_181 : i32 to index
        %parallel_loop3A_216 = arith.constant 48 : index
        %parallel_loop3A_217 = tpu.vector_load %arg10[%parallel_loop3A_215, %parallel_loop3A_216] {strides = array<i32>} : memref<128x64xf32, #tpu.memory_space<vmem>>, vector<1x16xf32>,
        %parallel_loop3A_218 = vector.shape_cast %parallel_loop3A_217 : vector<1x16xf32> to vector<16xf32>
        %parallel_loop3A_219 = vector.broadcast %parallel_loop3A_177 : f32 to vector<16xf32>
        %parallel_loop3A_220 = arith.mulf %parallel_loop3A_218, %parallel_loop3A_219 : vector<16xf32>
        %parallel_loop3A_221 = arith.index_cast %parallel_loop3A_181 : i32 to index
        %parallel_loop3A_222 = arith.constant 48 : index
        %parallel_loop3A_223 = tpu.vector_load %arg10[%parallel_loop3A_221, %parallel_loop3A_222] {strides = array<i32>} : memref<128x64xf32, #tpu.memory_space<vmem>>, vector<1x16xf32>,
        %parallel_loop3A_224 = vector.shape_cast %parallel_loop3A_223 : vector<1x16xf32> to vector<16xf32>
        %parallel_loop3A_225 = vector.shape_cast %parallel_loop3A_220 : vector<16xf32> to vector<1x16xf32>
        tpu.vector_store %arg10[%parallel_loop3A_221, %parallel_loop3A_222], %parallel_loop3A_225 {strides = array<i32>} : memref<128x64xf32, #tpu.memory_space<vmem>>, vector<1x16xf32>,
        %parallel_loop3A_226 = vector.extract_strided_slice %parallel_loop3A_125 {offsets = [2], sizes = [1], strides = [1]} : vector<16xf32> to vector<1xf32>
        %parallel_loop3A_227 = vector.extract %parallel_loop3A_226[0] : f32 from vector<1xf32>
        %parallel_loop3A_228 = arith.constant 16 : i32
        %parallel_loop3A_229 = arith.muli %parallel_loop3A_119, %parallel_loop3A_228 : i32
        %parallel_loop3A_230 = arith.constant 2 : i32
        %parallel_loop3A_231 = arith.addi %parallel_loop3A_229, %parallel_loop3A_230 : i32
        %parallel_loop3A_232 = arith.index_cast %parallel_loop3A_231 : i32 to index
        %parallel_loop3A_233 = arith.constant 0 : index
        %parallel_loop3A_234 = tpu.vector_load %arg10[%parallel_loop3A_232, %parallel_loop3A_233] {strides = array<i32>} : memref<128x64xf32, #tpu.memory_space<vmem>>, vector<1x16xf32>,
        %parallel_loop3A_235 = vector.shape_cast %parallel_loop3A_234 : vector<1x16xf32> to vector<16xf32>
        %parallel_loop3A_236 = vector.broadcast %parallel_loop3A_227 : f32 to vector<16xf32>
        %parallel_loop3A_237 = arith.mulf %parallel_loop3A_235, %parallel_loop3A_236 : vector<16xf32>
        %parallel_loop3A_238 = arith.index_cast %parallel_loop3A_231 : i32 to index
        %parallel_loop3A_239 = arith.constant 0 : index
        %parallel_loop3A_240 = tpu.vector_load %arg10[%parallel_loop3A_238, %parallel_loop3A_239] {strides = array<i32>} : memref<128x64xf32, #tpu.memory_space<vmem>>, vector<1x16xf32>,
        %parallel_loop3A_241 = vector.shape_cast %parallel_loop3A_240 : vector<1x16xf32> to vector<16xf32>
        %parallel_loop3A_242 = vector.shape_cast %parallel_loop3A_237 : vector<16xf32> to vector<1x16xf32>
        tpu.vector_store %arg10[%parallel_loop3A_238, %parallel_loop3A_239], %parallel_loop3A_242 {strides = array<i32>} : memref<128x64xf32, #tpu.memory_space<vmem>>, vector<1x16xf32>,
        %parallel_loop3A_243 = arith.index_cast %parallel_loop3A_231 : i32 to index
        %parallel_loop3A_244 = arith.constant 16 : index
        %parallel_loop3A_245 = tpu.vector_load %arg10[%parallel_loop3A_243, %parallel_loop3A_244] {strides = array<i32>} : memref<128x64xf32, #tpu.memory_space<vmem>>, vector<1x16xf32>,
        %parallel_loop3A_246 = vector.shape_cast %parallel_loop3A_245 : vector<1x16xf32> to vector<16xf32>
        %parallel_loop3A_247 = vector.broadcast %parallel_loop3A_227 : f32 to vector<16xf32>
        %parallel_loop3A_248 = arith.mulf %parallel_loop3A_246, %parallel_loop3A_247 : vector<16xf32>
        %parallel_loop3A_249 = arith.index_cast %parallel_loop3A_231 : i32 to index
        %parallel_loop3A_250 = arith.constant 16 : index
        %parallel_loop3A_251 = tpu.vector_load %arg10[%parallel_loop3A_249, %parallel_loop3A_250] {strides = array<i32>} : memref<128x64xf32, #tpu.memory_space<vmem>>, vector<1x16xf32>,
        %parallel_loop3A_252 = vector.shape_cast %parallel_loop3A_251 : vector<1x16xf32> to vector<16xf32>
        %parallel_loop3A_253 = vector.shape_cast %parallel_loop3A_248 : vector<16xf32> to vector<1x16xf32>
        tpu.vector_store %arg10[%parallel_loop3A_249, %parallel_loop3A_250], %parallel_loop3A_253 {strides = array<i32>} : memref<128x64xf32, #tpu.memory_space<vmem>>, vector<1x16xf32>,
        %parallel_loop3A_254 = arith.index_cast %parallel_loop3A_231 : i32 to index
        %parallel_loop3A_255 = arith.constant 32 : index
        %parallel_loop3A_256 = tpu.vector_load %arg10[%parallel_loop3A_254, %parallel_loop3A_255] {strides = array<i32>} : memref<128x64xf32, #tpu.memory_space<vmem>>, vector<1x16xf32>,
        %parallel_loop3A_257 = vector.shape_cast %parallel_loop3A_256 : vector<1x16xf32> to vector<16xf32>
        %parallel_loop3A_258 = vector.broadcast %parallel_loop3A_227 : f32 to vector<16xf32>
        %parallel_loop3A_259 = arith.mulf %parallel_loop3A_257, %parallel_loop3A_258 : vector<16xf32>
        %parallel_loop3A_260 = arith.index_cast %parallel_loop3A_231 : i32 to index
        %parallel_loop3A_261 = arith.constant 32 : index
        %parallel_loop3A_262 = tpu.vector_load %arg10[%parallel_loop3A_260, %parallel_loop3A_261] {strides = array<i32>} : memref<128x64xf32, #tpu.memory_space<vmem>>, vector<1x16xf32>,
        %parallel_loop3A_263 = vector.shape_cast %parallel_loop3A_262 : vector<1x16xf32> to vector<16xf32>
        %parallel_loop3A_264 = vector.shape_cast %parallel_loop3A_259 : vector<16xf32> to vector<1x16xf32>
        tpu.vector_store %arg10[%parallel_loop3A_260, %parallel_loop3A_261], %parallel_loop3A_264 {strides = array<i32>} : memref<128x64xf32, #tpu.memory_space<vmem>>, vector<1x16xf32>,
        %parallel_loop3A_265 = arith.index_cast %parallel_loop3A_231 : i32 to index
        %parallel_loop3A_266 = arith.constant 48 : index
        %parallel_loop3A_267 = tpu.vector_load %arg10[%parallel_loop3A_265, %parallel_loop3A_266] {strides = array<i32>} : memref<128x64xf32, #tpu.memory_space<vmem>>, vector<1x16xf32>,
        %parallel_loop3A_268 = vector.shape_cast %parallel_loop3A_267 : vector<1x16xf32> to vector<16xf32>
        %parallel_loop3A_269 = vector.broadcast %parallel_loop3A_227 : f32 to vector<16xf32>
        %parallel_loop3A_270 = arith.mulf %parallel_loop3A_268, %parallel_loop3A_269 : vector<16xf32>
        %parallel_loop3A_271 = arith.index_cast %parallel_loop3A_231 : i32 to index
        %parallel_loop3A_272 = arith.constant 48 : index
        %parallel_loop3A_273 = tpu.vector_load %arg10[%parallel_loop3A_271, %parallel_loop3A_272] {strides = array<i32>} : memref<128x64xf32, #tpu.memory_space<vmem>>, vector<1x16xf32>,
        %parallel_loop3A_274 = vector.shape_cast %parallel_loop3A_273 : vector<1x16xf32> to vector<16xf32>
        %parallel_loop3A_275 = vector.shape_cast %parallel_loop3A_270 : vector<16xf32> to vector<1x16xf32>
        tpu.vector_store %arg10[%parallel_loop3A_271, %parallel_loop3A_272], %parallel_loop3A_275 {strides = array<i32>} : memref<128x64xf32, #tpu.memory_space<vmem>>, vector<1x16xf32>,
        %parallel_loop3A_276 = vector.extract_strided_slice %parallel_loop3A_125 {offsets = [3], sizes = [1], strides = [1]} : vector<16xf32> to vector<1xf32>
        %parallel_loop3A_277 = vector.extract %parallel_loop3A_276[0] : f32 from vector<1xf32>
        %parallel_loop3A_278 = arith.constant 16 : i32
        %parallel_loop3A_279 = arith.muli %parallel_loop3A_119, %parallel_loop3A_278 : i32
        %parallel_loop3A_280 = arith.constant 3 : i32
        %parallel_loop3A_281 = arith.addi %parallel_loop3A_279, %parallel_loop3A_280 : i32
        %parallel_loop3A_282 = arith.index_cast %parallel_loop3A_281 : i32 to index
        %parallel_loop3A_283 = arith.constant 0 : index
        %parallel_loop3A_284 = tpu.vector_load %arg10[%parallel_loop3A_282, %parallel_loop3A_283] {strides = array<i32>} : memref<128x64xf32, #tpu.memory_space<vmem>>, vector<1x16xf32>,
        %parallel_loop3A_285 = vector.shape_cast %parallel_loop3A_284 : vector<1x16xf32> to vector<16xf32>
        %parallel_loop3A_286 = vector.broadcast %parallel_loop3A_277 : f32 to vector<16xf32>
        %parallel_loop3A_287 = arith.mulf %parallel_loop3A_285, %parallel_loop3A_286 : vector<16xf32>
        %parallel_loop3A_288 = arith.index_cast %parallel_loop3A_281 : i32 to index
        %parallel_loop3A_289 = arith.constant 0 : index
        %parallel_loop3A_290 = tpu.vector_load %arg10[%parallel_loop3A_288, %parallel_loop3A_289] {strides = array<i32>} : memref<128x64xf32, #tpu.memory_space<vmem>>, vector<1x16xf32>,
        %parallel_loop3A_291 = vector.shape_cast %parallel_loop3A_290 : vector<1x16xf32> to vector<16xf32>
        %parallel_loop3A_292 = vector.shape_cast %parallel_loop3A_287 : vector<16xf32> to vector<1x16xf32>
        tpu.vector_store %arg10[%parallel_loop3A_288, %parallel_loop3A_289], %parallel_loop3A_292 {strides = array<i32>} : memref<128x64xf32, #tpu.memory_space<vmem>>, vector<1x16xf32>,
        %parallel_loop3A_293 = arith.index_cast %parallel_loop3A_281 : i32 to index
        %parallel_loop3A_294 = arith.constant 16 : index
        %parallel_loop3A_295 = tpu.vector_load %arg10[%parallel_loop3A_293, %parallel_loop3A_294] {strides = array<i32>} : memref<128x64xf32, #tpu.memory_space<vmem>>, vector<1x16xf32>,
        %parallel_loop3A_296 = vector.shape_cast %parallel_loop3A_295 : vector<1x16xf32> to vector<16xf32>
        %parallel_loop3A_297 = vector.broadcast %parallel_loop3A_277 : f32 to vector<16xf32>
        %parallel_loop3A_298 = arith.mulf %parallel_loop3A_296, %parallel_loop3A_297 : vector<16xf32>
        %parallel_loop3A_299 = arith.index_cast %parallel_loop3A_281 : i32 to index
        %parallel_loop3A_300 = arith.constant 16 : index
        %parallel_loop3A_301 = tpu.vector_load %arg10[%parallel_loop3A_299, %parallel_loop3A_300] {strides = array<i32>} : memref<128x64xf32, #tpu.memory_space<vmem>>, vector<1x16xf32>,
        %parallel_loop3A_302 = vector.shape_cast %parallel_loop3A_301 : vector<1x16xf32> to vector<16xf32>
        %parallel_loop3A_303 = vector.shape_cast %parallel_loop3A_298 : vector<16xf32> to vector<1x16xf32>
        tpu.vector_store %arg10[%parallel_loop3A_299, %parallel_loop3A_300], %parallel_loop3A_303 {strides = array<i32>} : memref<128x64xf32, #tpu.memory_space<vmem>>, vector<1x16xf32>,
        %parallel_loop3A_304 = arith.index_cast %parallel_loop3A_281 : i32 to index
        %parallel_loop3A_305 = arith.constant 32 : index
        %parallel_loop3A_306 = tpu.vector_load %arg10[%parallel_loop3A_304, %parallel_loop3A_305] {strides = array<i32>} : memref<128x64xf32, #tpu.memory_space<vmem>>, vector<1x16xf32>,
        %parallel_loop3A_307 = vector.shape_cast %parallel_loop3A_306 : vector<1x16xf32> to vector<16xf32>
        %parallel_loop3A_308 = vector.broadcast %parallel_loop3A_277 : f32 to vector<16xf32>
        %parallel_loop3A_309 = arith.mulf %parallel_loop3A_307, %parallel_loop3A_308 : vector<16xf32>
        %parallel_loop3A_310 = arith.index_cast %parallel_loop3A_281 : i32 to index
        %parallel_loop3A_311 = arith.constant 32 : index
        %parallel_loop3A_312 = tpu.vector_load %arg10[%parallel_loop3A_310, %parallel_loop3A_311] {strides = array<i32>} : memref<128x64xf32, #tpu.memory_space<vmem>>, vector<1x16xf32>,
        %parallel_loop3A_313 = vector.shape_cast %parallel_loop3A_312 : vector<1x16xf32> to vector<16xf32>
        %parallel_loop3A_314 = vector.shape_cast %parallel_loop3A_309 : vector<16xf32> to vector<1x16xf32>
        tpu.vector_store %arg10[%parallel_loop3A_310, %parallel_loop3A_311], %parallel_loop3A_314 {strides = array<i32>} : memref<128x64xf32, #tpu.memory_space<vmem>>, vector<1x16xf32>,
        %parallel_loop3A_315 = arith.index_cast %parallel_loop3A_281 : i32 to index
        %parallel_loop3A_316 = arith.constant 48 : index
        %parallel_loop3A_317 = tpu.vector_load %arg10[%parallel_loop3A_315, %parallel_loop3A_316] {strides = array<i32>} : memref<128x64xf32, #tpu.memory_space<vmem>>, vector<1x16xf32>,
        %parallel_loop3A_318 = vector.shape_cast %parallel_loop3A_317 : vector<1x16xf32> to vector<16xf32>
        %parallel_loop3A_319 = vector.broadcast %parallel_loop3A_277 : f32 to vector<16xf32>
        %parallel_loop3A_320 = arith.mulf %parallel_loop3A_318, %parallel_loop3A_319 : vector<16xf32>
        %parallel_loop3A_321 = arith.index_cast %parallel_loop3A_281 : i32 to index
        %parallel_loop3A_322 = arith.constant 48 : index
        %parallel_loop3A_323 = tpu.vector_load %arg10[%parallel_loop3A_321, %parallel_loop3A_322] {strides = array<i32>} : memref<128x64xf32, #tpu.memory_space<vmem>>, vector<1x16xf32>,
        %parallel_loop3A_324 = vector.shape_cast %parallel_loop3A_323 : vector<1x16xf32> to vector<16xf32>
        %parallel_loop3A_325 = vector.shape_cast %parallel_loop3A_320 : vector<16xf32> to vector<1x16xf32>
        tpu.vector_store %arg10[%parallel_loop3A_321, %parallel_loop3A_322], %parallel_loop3A_325 {strides = array<i32>} : memref<128x64xf32, #tpu.memory_space<vmem>>, vector<1x16xf32>,
        %parallel_loop3A_326 = vector.extract_strided_slice %parallel_loop3A_125 {offsets = [4], sizes = [1], strides = [1]} : vector<16xf32> to vector<1xf32>
        %parallel_loop3A_327 = vector.extract %parallel_loop3A_326[0] : f32 from vector<1xf32>
        %parallel_loop3A_328 = arith.constant 16 : i32
        %parallel_loop3A_329 = arith.muli %parallel_loop3A_119, %parallel_loop3A_328 : i32
        %parallel_loop3A_330 = arith.constant 4 : i32
        %parallel_loop3A_331 = arith.addi %parallel_loop3A_329, %parallel_loop3A_330 : i32
        %parallel_loop3A_332 = arith.index_cast %parallel_loop3A_331 : i32 to index
        %parallel_loop3A_333 = arith.constant 0 : index
        %parallel_loop3A_334 = tpu.vector_load %arg10[%parallel_loop3A_332, %parallel_loop3A_333] {strides = array<i32>} : memref<128x64xf32, #tpu.memory_space<vmem>>, vector<1x16xf32>,
        %parallel_loop3A_335 = vector.shape_cast %parallel_loop3A_334 : vector<1x16xf32> to vector<16xf32>
        %parallel_loop3A_336 = vector.broadcast %parallel_loop3A_327 : f32 to vector<16xf32>
        %parallel_loop3A_337 = arith.mulf %parallel_loop3A_335, %parallel_loop3A_336 : vector<16xf32>
        %parallel_loop3A_338 = arith.index_cast %parallel_loop3A_331 : i32 to index
        %parallel_loop3A_339 = arith.constant 0 : index
        %parallel_loop3A_340 = tpu.vector_load %arg10[%parallel_loop3A_338, %parallel_loop3A_339] {strides = array<i32>} : memref<128x64xf32, #tpu.memory_space<vmem>>, vector<1x16xf32>,
        %parallel_loop3A_341 = vector.shape_cast %parallel_loop3A_340 : vector<1x16xf32> to vector<16xf32>
        %parallel_loop3A_342 = vector.shape_cast %parallel_loop3A_337 : vector<16xf32> to vector<1x16xf32>
        tpu.vector_store %arg10[%parallel_loop3A_338, %parallel_loop3A_339], %parallel_loop3A_342 {strides = array<i32>} : memref<128x64xf32, #tpu.memory_space<vmem>>, vector<1x16xf32>,
        %parallel_loop3A_343 = arith.index_cast %parallel_loop3A_331 : i32 to index
        %parallel_loop3A_344 = arith.constant 16 : index
        %parallel_loop3A_345 = tpu.vector_load %arg10[%parallel_loop3A_343, %parallel_loop3A_344] {strides = array<i32>} : memref<128x64xf32, #tpu.memory_space<vmem>>, vector<1x16xf32>,
        %parallel_loop3A_346 = vector.shape_cast %parallel_loop3A_345 : vector<1x16xf32> to vector<16xf32>
        %parallel_loop3A_347 = vector.broadcast %parallel_loop3A_327 : f32 to vector<16xf32>
        %parallel_loop3A_348 = arith.mulf %parallel_loop3A_346, %parallel_loop3A_347 : vector<16xf32>
        %parallel_loop3A_349 = arith.index_cast %parallel_loop3A_331 : i32 to index
        %parallel_loop3A_350 = arith.constant 16 : index
        %parallel_loop3A_351 = tpu.vector_load %arg10[%parallel_loop3A_349, %parallel_loop3A_350] {strides = array<i32>} : memref<128x64xf32, #tpu.memory_space<vmem>>, vector<1x16xf32>,
        %parallel_loop3A_352 = vector.shape_cast %parallel_loop3A_351 : vector<1x16xf32> to vector<16xf32>
        %parallel_loop3A_353 = vector.shape_cast %parallel_loop3A_348 : vector<16xf32> to vector<1x16xf32>
        tpu.vector_store %arg10[%parallel_loop3A_349, %parallel_loop3A_350], %parallel_loop3A_353 {strides = array<i32>} : memref<128x64xf32, #tpu.memory_space<vmem>>, vector<1x16xf32>,
        %parallel_loop3A_354 = arith.index_cast %parallel_loop3A_331 : i32 to index
        %parallel_loop3A_355 = arith.constant 32 : index
        %parallel_loop3A_356 = tpu.vector_load %arg10[%parallel_loop3A_354, %parallel_loop3A_355] {strides = array<i32>} : memref<128x64xf32, #tpu.memory_space<vmem>>, vector<1x16xf32>,
        %parallel_loop3A_357 = vector.shape_cast %parallel_loop3A_356 : vector<1x16xf32> to vector<16xf32>
        %parallel_loop3A_358 = vector.broadcast %parallel_loop3A_327 : f32 to vector<16xf32>
        %parallel_loop3A_359 = arith.mulf %parallel_loop3A_357, %parallel_loop3A_358 : vector<16xf32>
        %parallel_loop3A_360 = arith.index_cast %parallel_loop3A_331 : i32 to index
        %parallel_loop3A_361 = arith.constant 32 : index
        %parallel_loop3A_362 = tpu.vector_load %arg10[%parallel_loop3A_360, %parallel_loop3A_361] {strides = array<i32>} : memref<128x64xf32, #tpu.memory_space<vmem>>, vector<1x16xf32>,
        %parallel_loop3A_363 = vector.shape_cast %parallel_loop3A_362 : vector<1x16xf32> to vector<16xf32>
        %parallel_loop3A_364 = vector.shape_cast %parallel_loop3A_359 : vector<16xf32> to vector<1x16xf32>
        tpu.vector_store %arg10[%parallel_loop3A_360, %parallel_loop3A_361], %parallel_loop3A_364 {strides = array<i32>} : memref<128x64xf32, #tpu.memory_space<vmem>>, vector<1x16xf32>,
        %parallel_loop3A_365 = arith.index_cast %parallel_loop3A_331 : i32 to index
        %parallel_loop3A_366 = arith.constant 48 : index
        %parallel_loop3A_367 = tpu.vector_load %arg10[%parallel_loop3A_365, %parallel_loop3A_366] {strides = array<i32>} : memref<128x64xf32, #tpu.memory_space<vmem>>, vector<1x16xf32>,
        %parallel_loop3A_368 = vector.shape_cast %parallel_loop3A_367 : vector<1x16xf32> to vector<16xf32>
        %parallel_loop3A_369 = vector.broadcast %parallel_loop3A_327 : f32 to vector<16xf32>
        %parallel_loop3A_370 = arith.mulf %parallel_loop3A_368, %parallel_loop3A_369 : vector<16xf32>
        %parallel_loop3A_371 = arith.index_cast %parallel_loop3A_331 : i32 to index
        %parallel_loop3A_372 = arith.constant 48 : index
        %parallel_loop3A_373 = tpu.vector_load %arg10[%parallel_loop3A_371, %parallel_loop3A_372] {strides = array<i32>} : memref<128x64xf32, #tpu.memory_space<vmem>>, vector<1x16xf32>,
        %parallel_loop3A_374 = vector.shape_cast %parallel_loop3A_373 : vector<1x16xf32> to vector<16xf32>
        %parallel_loop3A_375 = vector.shape_cast %parallel_loop3A_370 : vector<16xf32> to vector<1x16xf32>
        tpu.vector_store %arg10[%parallel_loop3A_371, %parallel_loop3A_372], %parallel_loop3A_375 {strides = array<i32>} : memref<128x64xf32, #tpu.memory_space<vmem>>, vector<1x16xf32>,
        %parallel_loop3A_376 = vector.extract_strided_slice %parallel_loop3A_125 {offsets = [5], sizes = [1], strides = [1]} : vector<16xf32> to vector<1xf32>
        %parallel_loop3A_377 = vector.extract %parallel_loop3A_376[0] : f32 from vector<1xf32>
        %parallel_loop3A_378 = arith.constant 16 : i32
        %parallel_loop3A_379 = arith.muli %parallel_loop3A_119, %parallel_loop3A_378 : i32
        %parallel_loop3A_380 = arith.constant 5 : i32
        %parallel_loop3A_381 = arith.addi %parallel_loop3A_379, %parallel_loop3A_380 : i32
        %parallel_loop3A_382 = arith.index_cast %parallel_loop3A_381 : i32 to index
        %parallel_loop3A_383 = arith.constant 0 : index
        %parallel_loop3A_384 = tpu.vector_load %arg10[%parallel_loop3A_382, %parallel_loop3A_383] {strides = array<i32>} : memref<128x64xf32, #tpu.memory_space<vmem>>, vector<1x16xf32>,
        %parallel_loop3A_385 = vector.shape_cast %parallel_loop3A_384 : vector<1x16xf32> to vector<16xf32>
        %parallel_loop3A_386 = vector.broadcast %parallel_loop3A_377 : f32 to vector<16xf32>
        %parallel_loop3A_387 = arith.mulf %parallel_loop3A_385, %parallel_loop3A_386 : vector<16xf32>
        %parallel_loop3A_388 = arith.index_cast %parallel_loop3A_381 : i32 to index
        %parallel_loop3A_389 = arith.constant 0 : index
        %parallel_loop3A_390 = tpu.vector_load %arg10[%parallel_loop3A_388, %parallel_loop3A_389] {strides = array<i32>} : memref<128x64xf32, #tpu.memory_space<vmem>>, vector<1x16xf32>,
        %parallel_loop3A_391 = vector.shape_cast %parallel_loop3A_390 : vector<1x16xf32> to vector<16xf32>
        %parallel_loop3A_392 = vector.shape_cast %parallel_loop3A_387 : vector<16xf32> to vector<1x16xf32>
        tpu.vector_store %arg10[%parallel_loop3A_388, %parallel_loop3A_389], %parallel_loop3A_392 {strides = array<i32>} : memref<128x64xf32, #tpu.memory_space<vmem>>, vector<1x16xf32>,
        %parallel_loop3A_393 = arith.index_cast %parallel_loop3A_381 : i32 to index
        %parallel_loop3A_394 = arith.constant 16 : index
        %parallel_loop3A_395 = tpu.vector_load %arg10[%parallel_loop3A_393, %parallel_loop3A_394] {strides = array<i32>} : memref<128x64xf32, #tpu.memory_space<vmem>>, vector<1x16xf32>,
        %parallel_loop3A_396 = vector.shape_cast %parallel_loop3A_395 : vector<1x16xf32> to vector<16xf32>
        %parallel_loop3A_397 = vector.broadcast %parallel_loop3A_377 : f32 to vector<16xf32>
        %parallel_loop3A_398 = arith.mulf %parallel_loop3A_396, %parallel_loop3A_397 : vector<16xf32>
        %parallel_loop3A_399 = arith.index_cast %parallel_loop3A_381 : i32 to index
        %parallel_loop3A_400 = arith.constant 16 : index
        %parallel_loop3A_401 = tpu.vector_load %arg10[%parallel_loop3A_399, %parallel_loop3A_400] {strides = array<i32>} : memref<128x64xf32, #tpu.memory_space<vmem>>, vector<1x16xf32>,
        %parallel_loop3A_402 = vector.shape_cast %parallel_loop3A_401 : vector<1x16xf32> to vector<16xf32>
        %parallel_loop3A_403 = vector.shape_cast %parallel_loop3A_398 : vector<16xf32> to vector<1x16xf32>
        tpu.vector_store %arg10[%parallel_loop3A_399, %parallel_loop3A_400], %parallel_loop3A_403 {strides = array<i32>} : memref<128x64xf32, #tpu.memory_space<vmem>>, vector<1x16xf32>,
        %parallel_loop3A_404 = arith.index_cast %parallel_loop3A_381 : i32 to index
        %parallel_loop3A_405 = arith.constant 32 : index
        %parallel_loop3A_406 = tpu.vector_load %arg10[%parallel_loop3A_404, %parallel_loop3A_405] {strides = array<i32>} : memref<128x64xf32, #tpu.memory_space<vmem>>, vector<1x16xf32>,
        %parallel_loop3A_407 = vector.shape_cast %parallel_loop3A_406 : vector<1x16xf32> to vector<16xf32>
        %parallel_loop3A_408 = vector.broadcast %parallel_loop3A_377 : f32 to vector<16xf32>
        %parallel_loop3A_409 = arith.mulf %parallel_loop3A_407, %parallel_loop3A_408 : vector<16xf32>
        %parallel_loop3A_410 = arith.index_cast %parallel_loop3A_381 : i32 to index
        %parallel_loop3A_411 = arith.constant 32 : index
        %parallel_loop3A_412 = tpu.vector_load %arg10[%parallel_loop3A_410, %parallel_loop3A_411] {strides = array<i32>} : memref<128x64xf32, #tpu.memory_space<vmem>>, vector<1x16xf32>,
        %parallel_loop3A_413 = vector.shape_cast %parallel_loop3A_412 : vector<1x16xf32> to vector<16xf32>
        %parallel_loop3A_414 = vector.shape_cast %parallel_loop3A_409 : vector<16xf32> to vector<1x16xf32>
        tpu.vector_store %arg10[%parallel_loop3A_410, %parallel_loop3A_411], %parallel_loop3A_414 {strides = array<i32>} : memref<128x64xf32, #tpu.memory_space<vmem>>, vector<1x16xf32>,
        %parallel_loop3A_415 = arith.index_cast %parallel_loop3A_381 : i32 to index
        %parallel_loop3A_416 = arith.constant 48 : index
        %parallel_loop3A_417 = tpu.vector_load %arg10[%parallel_loop3A_415, %parallel_loop3A_416] {strides = array<i32>} : memref<128x64xf32, #tpu.memory_space<vmem>>, vector<1x16xf32>,
        %parallel_loop3A_418 = vector.shape_cast %parallel_loop3A_417 : vector<1x16xf32> to vector<16xf32>
        %parallel_loop3A_419 = vector.broadcast %parallel_loop3A_377 : f32 to vector<16xf32>
        %parallel_loop3A_420 = arith.mulf %parallel_loop3A_418, %parallel_loop3A_419 : vector<16xf32>
        %parallel_loop3A_421 = arith.index_cast %parallel_loop3A_381 : i32 to index
        %parallel_loop3A_422 = arith.constant 48 : index
        %parallel_loop3A_423 = tpu.vector_load %arg10[%parallel_loop3A_421, %parallel_loop3A_422] {strides = array<i32>} : memref<128x64xf32, #tpu.memory_space<vmem>>, vector<1x16xf32>,
        %parallel_loop3A_424 = vector.shape_cast %parallel_loop3A_423 : vector<1x16xf32> to vector<16xf32>
        %parallel_loop3A_425 = vector.shape_cast %parallel_loop3A_420 : vector<16xf32> to vector<1x16xf32>
        tpu.vector_store %arg10[%parallel_loop3A_421, %parallel_loop3A_422], %parallel_loop3A_425 {strides = array<i32>} : memref<128x64xf32, #tpu.memory_space<vmem>>, vector<1x16xf32>,
        %parallel_loop3A_426 = vector.extract_strided_slice %parallel_loop3A_125 {offsets = [6], sizes = [1], strides = [1]} : vector<16xf32> to vector<1xf32>
        %parallel_loop3A_427 = vector.extract %parallel_loop3A_426[0] : f32 from vector<1xf32>
        %parallel_loop3A_428 = arith.constant 16 : i32
        %parallel_loop3A_429 = arith.muli %parallel_loop3A_119, %parallel_loop3A_428 : i32
        %parallel_loop3A_430 = arith.constant 6 : i32
        %parallel_loop3A_431 = arith.addi %parallel_loop3A_429, %parallel_loop3A_430 : i32
        %parallel_loop3A_432 = arith.index_cast %parallel_loop3A_431 : i32 to index
        %parallel_loop3A_433 = arith.constant 0 : index
        %parallel_loop3A_434 = tpu.vector_load %arg10[%parallel_loop3A_432, %parallel_loop3A_433] {strides = array<i32>} : memref<128x64xf32, #tpu.memory_space<vmem>>, vector<1x16xf32>,
        %parallel_loop3A_435 = vector.shape_cast %parallel_loop3A_434 : vector<1x16xf32> to vector<16xf32>
        %parallel_loop3A_436 = vector.broadcast %parallel_loop3A_427 : f32 to vector<16xf32>
        %parallel_loop3A_437 = arith.mulf %parallel_loop3A_435, %parallel_loop3A_436 : vector<16xf32>
        %parallel_loop3A_438 = arith.index_cast %parallel_loop3A_431 : i32 to index
        %parallel_loop3A_439 = arith.constant 0 : index
        %parallel_loop3A_440 = tpu.vector_load %arg10[%parallel_loop3A_438, %parallel_loop3A_439] {strides = array<i32>} : memref<128x64xf32, #tpu.memory_space<vmem>>, vector<1x16xf32>,
        %parallel_loop3A_441 = vector.shape_cast %parallel_loop3A_440 : vector<1x16xf32> to vector<16xf32>
        %parallel_loop3A_442 = vector.shape_cast %parallel_loop3A_437 : vector<16xf32> to vector<1x16xf32>
        tpu.vector_store %arg10[%parallel_loop3A_438, %parallel_loop3A_439], %parallel_loop3A_442 {strides = array<i32>} : memref<128x64xf32, #tpu.memory_space<vmem>>, vector<1x16xf32>,
        %parallel_loop3A_443 = arith.index_cast %parallel_loop3A_431 : i32 to index
        %parallel_loop3A_444 = arith.constant 16 : index
        %parallel_loop3A_445 = tpu.vector_load %arg10[%parallel_loop3A_443, %parallel_loop3A_444] {strides = array<i32>} : memref<128x64xf32, #tpu.memory_space<vmem>>, vector<1x16xf32>,
        %parallel_loop3A_446 = vector.shape_cast %parallel_loop3A_445 : vector<1x16xf32> to vector<16xf32>
        %parallel_loop3A_447 = vector.broadcast %parallel_loop3A_427 : f32 to vector<16xf32>
        %parallel_loop3A_448 = arith.mulf %parallel_loop3A_446, %parallel_loop3A_447 : vector<16xf32>
        %parallel_loop3A_449 = arith.index_cast %parallel_loop3A_431 : i32 to index
        %parallel_loop3A_450 = arith.constant 16 : index
        %parallel_loop3A_451 = tpu.vector_load %arg10[%parallel_loop3A_449, %parallel_loop3A_450] {strides = array<i32>} : memref<128x64xf32, #tpu.memory_space<vmem>>, vector<1x16xf32>,
        %parallel_loop3A_452 = vector.shape_cast %parallel_loop3A_451 : vector<1x16xf32> to vector<16xf32>
        %parallel_loop3A_453 = vector.shape_cast %parallel_loop3A_448 : vector<16xf32> to vector<1x16xf32>
        tpu.vector_store %arg10[%parallel_loop3A_449, %parallel_loop3A_450], %parallel_loop3A_453 {strides = array<i32>} : memref<128x64xf32, #tpu.memory_space<vmem>>, vector<1x16xf32>,
        %parallel_loop3A_454 = arith.index_cast %parallel_loop3A_431 : i32 to index
        %parallel_loop3A_455 = arith.constant 32 : index
        %parallel_loop3A_456 = tpu.vector_load %arg10[%parallel_loop3A_454, %parallel_loop3A_455] {strides = array<i32>} : memref<128x64xf32, #tpu.memory_space<vmem>>, vector<1x16xf32>,
        %parallel_loop3A_457 = vector.shape_cast %parallel_loop3A_456 : vector<1x16xf32> to vector<16xf32>
        %parallel_loop3A_458 = vector.broadcast %parallel_loop3A_427 : f32 to vector<16xf32>
        %parallel_loop3A_459 = arith.mulf %parallel_loop3A_457, %parallel_loop3A_458 : vector<16xf32>
        %parallel_loop3A_460 = arith.index_cast %parallel_loop3A_431 : i32 to index
        %parallel_loop3A_461 = arith.constant 32 : index
        %parallel_loop3A_462 = tpu.vector_load %arg10[%parallel_loop3A_460, %parallel_loop3A_461] {strides = array<i32>} : memref<128x64xf32, #tpu.memory_space<vmem>>, vector<1x16xf32>,
        %parallel_loop3A_463 = vector.shape_cast %parallel_loop3A_462 : vector<1x16xf32> to vector<16xf32>
        %parallel_loop3A_464 = vector.shape_cast %parallel_loop3A_459 : vector<16xf32> to vector<1x16xf32>
        tpu.vector_store %arg10[%parallel_loop3A_460, %parallel_loop3A_461], %parallel_loop3A_464 {strides = array<i32>} : memref<128x64xf32, #tpu.memory_space<vmem>>, vector<1x16xf32>,
        %parallel_loop3A_465 = arith.index_cast %parallel_loop3A_431 : i32 to index
        %parallel_loop3A_466 = arith.constant 48 : index
        %parallel_loop3A_467 = tpu.vector_load %arg10[%parallel_loop3A_465, %parallel_loop3A_466] {strides = array<i32>} : memref<128x64xf32, #tpu.memory_space<vmem>>, vector<1x16xf32>,
        %parallel_loop3A_468 = vector.shape_cast %parallel_loop3A_467 : vector<1x16xf32> to vector<16xf32>
        %parallel_loop3A_469 = vector.broadcast %parallel_loop3A_427 : f32 to vector<16xf32>
        %parallel_loop3A_470 = arith.mulf %parallel_loop3A_468, %parallel_loop3A_469 : vector<16xf32>
        %parallel_loop3A_471 = arith.index_cast %parallel_loop3A_431 : i32 to index
        %parallel_loop3A_472 = arith.constant 48 : index
        %parallel_loop3A_473 = tpu.vector_load %arg10[%parallel_loop3A_471, %parallel_loop3A_472] {strides = array<i32>} : memref<128x64xf32, #tpu.memory_space<vmem>>, vector<1x16xf32>,
        %parallel_loop3A_474 = vector.shape_cast %parallel_loop3A_473 : vector<1x16xf32> to vector<16xf32>
        %parallel_loop3A_475 = vector.shape_cast %parallel_loop3A_470 : vector<16xf32> to vector<1x16xf32>
        tpu.vector_store %arg10[%parallel_loop3A_471, %parallel_loop3A_472], %parallel_loop3A_475 {strides = array<i32>} : memref<128x64xf32, #tpu.memory_space<vmem>>, vector<1x16xf32>,
        %parallel_loop3A_476 = vector.extract_strided_slice %parallel_loop3A_125 {offsets = [7], sizes = [1], strides = [1]} : vector<16xf32> to vector<1xf32>
        %parallel_loop3A_477 = vector.extract %parallel_loop3A_476[0] : f32 from vector<1xf32>
        %parallel_loop3A_478 = arith.constant 16 : i32
        %parallel_loop3A_479 = arith.muli %parallel_loop3A_119, %parallel_loop3A_478 : i32
        %parallel_loop3A_480 = arith.constant 7 : i32
        %parallel_loop3A_481 = arith.addi %parallel_loop3A_479, %parallel_loop3A_480 : i32
        %parallel_loop3A_482 = arith.index_cast %parallel_loop3A_481 : i32 to index
        %parallel_loop3A_483 = arith.constant 0 : index
        %parallel_loop3A_484 = tpu.vector_load %arg10[%parallel_loop3A_482, %parallel_loop3A_483] {strides = array<i32>} : memref<128x64xf32, #tpu.memory_space<vmem>>, vector<1x16xf32>,
        %parallel_loop3A_485 = vector.shape_cast %parallel_loop3A_484 : vector<1x16xf32> to vector<16xf32>
        %parallel_loop3A_486 = vector.broadcast %parallel_loop3A_477 : f32 to vector<16xf32>
        %parallel_loop3A_487 = arith.mulf %parallel_loop3A_485, %parallel_loop3A_486 : vector<16xf32>
        %parallel_loop3A_488 = arith.index_cast %parallel_loop3A_481 : i32 to index
        %parallel_loop3A_489 = arith.constant 0 : index
        %parallel_loop3A_490 = tpu.vector_load %arg10[%parallel_loop3A_488, %parallel_loop3A_489] {strides = array<i32>} : memref<128x64xf32, #tpu.memory_space<vmem>>, vector<1x16xf32>,
        %parallel_loop3A_491 = vector.shape_cast %parallel_loop3A_490 : vector<1x16xf32> to vector<16xf32>
        %parallel_loop3A_492 = vector.shape_cast %parallel_loop3A_487 : vector<16xf32> to vector<1x16xf32>
        tpu.vector_store %arg10[%parallel_loop3A_488, %parallel_loop3A_489], %parallel_loop3A_492 {strides = array<i32>} : memref<128x64xf32, #tpu.memory_space<vmem>>, vector<1x16xf32>,
        %parallel_loop3A_493 = arith.index_cast %parallel_loop3A_481 : i32 to index
        %parallel_loop3A_494 = arith.constant 16 : index
        %parallel_loop3A_495 = tpu.vector_load %arg10[%parallel_loop3A_493, %parallel_loop3A_494] {strides = array<i32>} : memref<128x64xf32, #tpu.memory_space<vmem>>, vector<1x16xf32>,
        %parallel_loop3A_496 = vector.shape_cast %parallel_loop3A_495 : vector<1x16xf32> to vector<16xf32>
        %parallel_loop3A_497 = vector.broadcast %parallel_loop3A_477 : f32 to vector<16xf32>
        %parallel_loop3A_498 = arith.mulf %parallel_loop3A_496, %parallel_loop3A_497 : vector<16xf32>
        %parallel_loop3A_499 = arith.index_cast %parallel_loop3A_481 : i32 to index
        %parallel_loop3A_500 = arith.constant 16 : index
        %parallel_loop3A_501 = tpu.vector_load %arg10[%parallel_loop3A_499, %parallel_loop3A_500] {strides = array<i32>} : memref<128x64xf32, #tpu.memory_space<vmem>>, vector<1x16xf32>,
        %parallel_loop3A_502 = vector.shape_cast %parallel_loop3A_501 : vector<1x16xf32> to vector<16xf32>
        %parallel_loop3A_503 = vector.shape_cast %parallel_loop3A_498 : vector<16xf32> to vector<1x16xf32>
        tpu.vector_store %arg10[%parallel_loop3A_499, %parallel_loop3A_500], %parallel_loop3A_503 {strides = array<i32>} : memref<128x64xf32, #tpu.memory_space<vmem>>, vector<1x16xf32>,
        %parallel_loop3A_504 = arith.index_cast %parallel_loop3A_481 : i32 to index
        %parallel_loop3A_505 = arith.constant 32 : index
        %parallel_loop3A_506 = tpu.vector_load %arg10[%parallel_loop3A_504, %parallel_loop3A_505] {strides = array<i32>} : memref<128x64xf32, #tpu.memory_space<vmem>>, vector<1x16xf32>,
        %parallel_loop3A_507 = vector.shape_cast %parallel_loop3A_506 : vector<1x16xf32> to vector<16xf32>
        %parallel_loop3A_508 = vector.broadcast %parallel_loop3A_477 : f32 to vector<16xf32>
        %parallel_loop3A_509 = arith.mulf %parallel_loop3A_507, %parallel_loop3A_508 : vector<16xf32>
        %parallel_loop3A_510 = arith.index_cast %parallel_loop3A_481 : i32 to index
        %parallel_loop3A_511 = arith.constant 32 : index
        %parallel_loop3A_512 = tpu.vector_load %arg10[%parallel_loop3A_510, %parallel_loop3A_511] {strides = array<i32>} : memref<128x64xf32, #tpu.memory_space<vmem>>, vector<1x16xf32>,
        %parallel_loop3A_513 = vector.shape_cast %parallel_loop3A_512 : vector<1x16xf32> to vector<16xf32>
        %parallel_loop3A_514 = vector.shape_cast %parallel_loop3A_509 : vector<16xf32> to vector<1x16xf32>
        tpu.vector_store %arg10[%parallel_loop3A_510, %parallel_loop3A_511], %parallel_loop3A_514 {strides = array<i32>} : memref<128x64xf32, #tpu.memory_space<vmem>>, vector<1x16xf32>,
        %parallel_loop3A_515 = arith.index_cast %parallel_loop3A_481 : i32 to index
        %parallel_loop3A_516 = arith.constant 48 : index
        %parallel_loop3A_517 = tpu.vector_load %arg10[%parallel_loop3A_515, %parallel_loop3A_516] {strides = array<i32>} : memref<128x64xf32, #tpu.memory_space<vmem>>, vector<1x16xf32>,
        %parallel_loop3A_518 = vector.shape_cast %parallel_loop3A_517 : vector<1x16xf32> to vector<16xf32>
        %parallel_loop3A_519 = vector.broadcast %parallel_loop3A_477 : f32 to vector<16xf32>
        %parallel_loop3A_520 = arith.mulf %parallel_loop3A_518, %parallel_loop3A_519 : vector<16xf32>
        %parallel_loop3A_521 = arith.index_cast %parallel_loop3A_481 : i32 to index
        %parallel_loop3A_522 = arith.constant 48 : index
        %parallel_loop3A_523 = tpu.vector_load %arg10[%parallel_loop3A_521, %parallel_loop3A_522] {strides = array<i32>} : memref<128x64xf32, #tpu.memory_space<vmem>>, vector<1x16xf32>,
        %parallel_loop3A_524 = vector.shape_cast %parallel_loop3A_523 : vector<1x16xf32> to vector<16xf32>
        %parallel_loop3A_525 = vector.shape_cast %parallel_loop3A_520 : vector<16xf32> to vector<1x16xf32>
        tpu.vector_store %arg10[%parallel_loop3A_521, %parallel_loop3A_522], %parallel_loop3A_525 {strides = array<i32>} : memref<128x64xf32, #tpu.memory_space<vmem>>, vector<1x16xf32>,
        %parallel_loop3A_526 = vector.extract_strided_slice %parallel_loop3A_125 {offsets = [8], sizes = [1], strides = [1]} : vector<16xf32> to vector<1xf32>
        %parallel_loop3A_527 = vector.extract %parallel_loop3A_526[0] : f32 from vector<1xf32>
        %parallel_loop3A_528 = arith.constant 16 : i32
        %parallel_loop3A_529 = arith.muli %parallel_loop3A_119, %parallel_loop3A_528 : i32
        %parallel_loop3A_530 = arith.constant 8 : i32
        %parallel_loop3A_531 = arith.addi %parallel_loop3A_529, %parallel_loop3A_530 : i32
        %parallel_loop3A_532 = arith.index_cast %parallel_loop3A_531 : i32 to index
        %parallel_loop3A_533 = arith.constant 0 : index
        %parallel_loop3A_534 = tpu.vector_load %arg10[%parallel_loop3A_532, %parallel_loop3A_533] {strides = array<i32>} : memref<128x64xf32, #tpu.memory_space<vmem>>, vector<1x16xf32>,
        %parallel_loop3A_535 = vector.shape_cast %parallel_loop3A_534 : vector<1x16xf32> to vector<16xf32>
        %parallel_loop3A_536 = vector.broadcast %parallel_loop3A_527 : f32 to vector<16xf32>
        %parallel_loop3A_537 = arith.mulf %parallel_loop3A_535, %parallel_loop3A_536 : vector<16xf32>
        %parallel_loop3A_538 = arith.index_cast %parallel_loop3A_531 : i32 to index
        %parallel_loop3A_539 = arith.constant 0 : index
        %parallel_loop3A_540 = tpu.vector_load %arg10[%parallel_loop3A_538, %parallel_loop3A_539] {strides = array<i32>} : memref<128x64xf32, #tpu.memory_space<vmem>>, vector<1x16xf32>,
        %parallel_loop3A_541 = vector.shape_cast %parallel_loop3A_540 : vector<1x16xf32> to vector<16xf32>
        %parallel_loop3A_542 = vector.shape_cast %parallel_loop3A_537 : vector<16xf32> to vector<1x16xf32>
        tpu.vector_store %arg10[%parallel_loop3A_538, %parallel_loop3A_539], %parallel_loop3A_542 {strides = array<i32>} : memref<128x64xf32, #tpu.memory_space<vmem>>, vector<1x16xf32>,
        %parallel_loop3A_543 = arith.index_cast %parallel_loop3A_531 : i32 to index
        %parallel_loop3A_544 = arith.constant 16 : index
        %parallel_loop3A_545 = tpu.vector_load %arg10[%parallel_loop3A_543, %parallel_loop3A_544] {strides = array<i32>} : memref<128x64xf32, #tpu.memory_space<vmem>>, vector<1x16xf32>,
        %parallel_loop3A_546 = vector.shape_cast %parallel_loop3A_545 : vector<1x16xf32> to vector<16xf32>
        %parallel_loop3A_547 = vector.broadcast %parallel_loop3A_527 : f32 to vector<16xf32>
        %parallel_loop3A_548 = arith.mulf %parallel_loop3A_546, %parallel_loop3A_547 : vector<16xf32>
        %parallel_loop3A_549 = arith.index_cast %parallel_loop3A_531 : i32 to index
        %parallel_loop3A_550 = arith.constant 16 : index
        %parallel_loop3A_551 = tpu.vector_load %arg10[%parallel_loop3A_549, %parallel_loop3A_550] {strides = array<i32>} : memref<128x64xf32, #tpu.memory_space<vmem>>, vector<1x16xf32>,
        %parallel_loop3A_552 = vector.shape_cast %parallel_loop3A_551 : vector<1x16xf32> to vector<16xf32>
        %parallel_loop3A_553 = vector.shape_cast %parallel_loop3A_548 : vector<16xf32> to vector<1x16xf32>
        tpu.vector_store %arg10[%parallel_loop3A_549, %parallel_loop3A_550], %parallel_loop3A_553 {strides = array<i32>} : memref<128x64xf32, #tpu.memory_space<vmem>>, vector<1x16xf32>,
        %parallel_loop3A_554 = arith.index_cast %parallel_loop3A_531 : i32 to index
        %parallel_loop3A_555 = arith.constant 32 : index
        %parallel_loop3A_556 = tpu.vector_load %arg10[%parallel_loop3A_554, %parallel_loop3A_555] {strides = array<i32>} : memref<128x64xf32, #tpu.memory_space<vmem>>, vector<1x16xf32>,
        %parallel_loop3A_557 = vector.shape_cast %parallel_loop3A_556 : vector<1x16xf32> to vector<16xf32>
        %parallel_loop3A_558 = vector.broadcast %parallel_loop3A_527 : f32 to vector<16xf32>
        %parallel_loop3A_559 = arith.mulf %parallel_loop3A_557, %parallel_loop3A_558 : vector<16xf32>
        %parallel_loop3A_560 = arith.index_cast %parallel_loop3A_531 : i32 to index
        %parallel_loop3A_561 = arith.constant 32 : index
        %parallel_loop3A_562 = tpu.vector_load %arg10[%parallel_loop3A_560, %parallel_loop3A_561] {strides = array<i32>} : memref<128x64xf32, #tpu.memory_space<vmem>>, vector<1x16xf32>,
        %parallel_loop3A_563 = vector.shape_cast %parallel_loop3A_562 : vector<1x16xf32> to vector<16xf32>
        %parallel_loop3A_564 = vector.shape_cast %parallel_loop3A_559 : vector<16xf32> to vector<1x16xf32>
        tpu.vector_store %arg10[%parallel_loop3A_560, %parallel_loop3A_561], %parallel_loop3A_564 {strides = array<i32>} : memref<128x64xf32, #tpu.memory_space<vmem>>, vector<1x16xf32>,
        %parallel_loop3A_565 = arith.index_cast %parallel_loop3A_531 : i32 to index
        %parallel_loop3A_566 = arith.constant 48 : index
        %parallel_loop3A_567 = tpu.vector_load %arg10[%parallel_loop3A_565, %parallel_loop3A_566] {strides = array<i32>} : memref<128x64xf32, #tpu.memory_space<vmem>>, vector<1x16xf32>,
        %parallel_loop3A_568 = vector.shape_cast %parallel_loop3A_567 : vector<1x16xf32> to vector<16xf32>
        %parallel_loop3A_569 = vector.broadcast %parallel_loop3A_527 : f32 to vector<16xf32>
        %parallel_loop3A_570 = arith.mulf %parallel_loop3A_568, %parallel_loop3A_569 : vector<16xf32>
        %parallel_loop3A_571 = arith.index_cast %parallel_loop3A_531 : i32 to index
        %parallel_loop3A_572 = arith.constant 48 : index
        %parallel_loop3A_573 = tpu.vector_load %arg10[%parallel_loop3A_571, %parallel_loop3A_572] {strides = array<i32>} : memref<128x64xf32, #tpu.memory_space<vmem>>, vector<1x16xf32>,
        %parallel_loop3A_574 = vector.shape_cast %parallel_loop3A_573 : vector<1x16xf32> to vector<16xf32>
        %parallel_loop3A_575 = vector.shape_cast %parallel_loop3A_570 : vector<16xf32> to vector<1x16xf32>
        tpu.vector_store %arg10[%parallel_loop3A_571, %parallel_loop3A_572], %parallel_loop3A_575 {strides = array<i32>} : memref<128x64xf32, #tpu.memory_space<vmem>>, vector<1x16xf32>,
        %parallel_loop3A_576 = vector.extract_strided_slice %parallel_loop3A_125 {offsets = [9], sizes = [1], strides = [1]} : vector<16xf32> to vector<1xf32>
        %parallel_loop3A_577 = vector.extract %parallel_loop3A_576[0] : f32 from vector<1xf32>
        %parallel_loop3A_578 = arith.constant 16 : i32
        %parallel_loop3A_579 = arith.muli %parallel_loop3A_119, %parallel_loop3A_578 : i32
        %parallel_loop3A_580 = arith.constant 9 : i32
        %parallel_loop3A_581 = arith.addi %parallel_loop3A_579, %parallel_loop3A_580 : i32
        %parallel_loop3A_582 = arith.index_cast %parallel_loop3A_581 : i32 to index
        %parallel_loop3A_583 = arith.constant 0 : index
        %parallel_loop3A_584 = tpu.vector_load %arg10[%parallel_loop3A_582, %parallel_loop3A_583] {strides = array<i32>} : memref<128x64xf32, #tpu.memory_space<vmem>>, vector<1x16xf32>,
        %parallel_loop3A_585 = vector.shape_cast %parallel_loop3A_584 : vector<1x16xf32> to vector<16xf32>
        %parallel_loop3A_586 = vector.broadcast %parallel_loop3A_577 : f32 to vector<16xf32>
        %parallel_loop3A_587 = arith.mulf %parallel_loop3A_585, %parallel_loop3A_586 : vector<16xf32>
        %parallel_loop3A_588 = arith.index_cast %parallel_loop3A_581 : i32 to index
        %parallel_loop3A_589 = arith.constant 0 : index
        %parallel_loop3A_590 = tpu.vector_load %arg10[%parallel_loop3A_588, %parallel_loop3A_589] {strides = array<i32>} : memref<128x64xf32, #tpu.memory_space<vmem>>, vector<1x16xf32>,
        %parallel_loop3A_591 = vector.shape_cast %parallel_loop3A_590 : vector<1x16xf32> to vector<16xf32>
        %parallel_loop3A_592 = vector.shape_cast %parallel_loop3A_587 : vector<16xf32> to vector<1x16xf32>
        tpu.vector_store %arg10[%parallel_loop3A_588, %parallel_loop3A_589], %parallel_loop3A_592 {strides = array<i32>} : memref<128x64xf32, #tpu.memory_space<vmem>>, vector<1x16xf32>,
        %parallel_loop3A_593 = arith.index_cast %parallel_loop3A_581 : i32 to index
        %parallel_loop3A_594 = arith.constant 16 : index
        %parallel_loop3A_595 = tpu.vector_load %arg10[%parallel_loop3A_593, %parallel_loop3A_594] {strides = array<i32>} : memref<128x64xf32, #tpu.memory_space<vmem>>, vector<1x16xf32>,
        %parallel_loop3A_596 = vector.shape_cast %parallel_loop3A_595 : vector<1x16xf32> to vector<16xf32>
        %parallel_loop3A_597 = vector.broadcast %parallel_loop3A_577 : f32 to vector<16xf32>
        %parallel_loop3A_598 = arith.mulf %parallel_loop3A_596, %parallel_loop3A_597 : vector<16xf32>
        %parallel_loop3A_599 = arith.index_cast %parallel_loop3A_581 : i32 to index
        %parallel_loop3A_600 = arith.constant 16 : index
        %parallel_loop3A_601 = tpu.vector_load %arg10[%parallel_loop3A_599, %parallel_loop3A_600] {strides = array<i32>} : memref<128x64xf32, #tpu.memory_space<vmem>>, vector<1x16xf32>,
        %parallel_loop3A_602 = vector.shape_cast %parallel_loop3A_601 : vector<1x16xf32> to vector<16xf32>
        %parallel_loop3A_603 = vector.shape_cast %parallel_loop3A_598 : vector<16xf32> to vector<1x16xf32>
        tpu.vector_store %arg10[%parallel_loop3A_599, %parallel_loop3A_600], %parallel_loop3A_603 {strides = array<i32>} : memref<128x64xf32, #tpu.memory_space<vmem>>, vector<1x16xf32>,
        %parallel_loop3A_604 = arith.index_cast %parallel_loop3A_581 : i32 to index
        %parallel_loop3A_605 = arith.constant 32 : index
        %parallel_loop3A_606 = tpu.vector_load %arg10[%parallel_loop3A_604, %parallel_loop3A_605] {strides = array<i32>} : memref<128x64xf32, #tpu.memory_space<vmem>>, vector<1x16xf32>,
        %parallel_loop3A_607 = vector.shape_cast %parallel_loop3A_606 : vector<1x16xf32> to vector<16xf32>
        %parallel_loop3A_608 = vector.broadcast %parallel_loop3A_577 : f32 to vector<16xf32>
        %parallel_loop3A_609 = arith.mulf %parallel_loop3A_607, %parallel_loop3A_608 : vector<16xf32>
        %parallel_loop3A_610 = arith.index_cast %parallel_loop3A_581 : i32 to index
        %parallel_loop3A_611 = arith.constant 32 : index
        %parallel_loop3A_612 = tpu.vector_load %arg10[%parallel_loop3A_610, %parallel_loop3A_611] {strides = array<i32>} : memref<128x64xf32, #tpu.memory_space<vmem>>, vector<1x16xf32>,
        %parallel_loop3A_613 = vector.shape_cast %parallel_loop3A_612 : vector<1x16xf32> to vector<16xf32>
        %parallel_loop3A_614 = vector.shape_cast %parallel_loop3A_609 : vector<16xf32> to vector<1x16xf32>
        tpu.vector_store %arg10[%parallel_loop3A_610, %parallel_loop3A_611], %parallel_loop3A_614 {strides = array<i32>} : memref<128x64xf32, #tpu.memory_space<vmem>>, vector<1x16xf32>,
        %parallel_loop3A_615 = arith.index_cast %parallel_loop3A_581 : i32 to index
        %parallel_loop3A_616 = arith.constant 48 : index
        %parallel_loop3A_617 = tpu.vector_load %arg10[%parallel_loop3A_615, %parallel_loop3A_616] {strides = array<i32>} : memref<128x64xf32, #tpu.memory_space<vmem>>, vector<1x16xf32>,
        %parallel_loop3A_618 = vector.shape_cast %parallel_loop3A_617 : vector<1x16xf32> to vector<16xf32>
        %parallel_loop3A_619 = vector.broadcast %parallel_loop3A_577 : f32 to vector<16xf32>
        %parallel_loop3A_620 = arith.mulf %parallel_loop3A_618, %parallel_loop3A_619 : vector<16xf32>
        %parallel_loop3A_621 = arith.index_cast %parallel_loop3A_581 : i32 to index
        %parallel_loop3A_622 = arith.constant 48 : index
        %parallel_loop3A_623 = tpu.vector_load %arg10[%parallel_loop3A_621, %parallel_loop3A_622] {strides = array<i32>} : memref<128x64xf32, #tpu.memory_space<vmem>>, vector<1x16xf32>,
        %parallel_loop3A_624 = vector.shape_cast %parallel_loop3A_623 : vector<1x16xf32> to vector<16xf32>
        %parallel_loop3A_625 = vector.shape_cast %parallel_loop3A_620 : vector<16xf32> to vector<1x16xf32>
        tpu.vector_store %arg10[%parallel_loop3A_621, %parallel_loop3A_622], %parallel_loop3A_625 {strides = array<i32>} : memref<128x64xf32, #tpu.memory_space<vmem>>, vector<1x16xf32>,
        %parallel_loop3A_626 = vector.extract_strided_slice %parallel_loop3A_125 {offsets = [10], sizes = [1], strides = [1]} : vector<16xf32> to vector<1xf32>
        %parallel_loop3A_627 = vector.extract %parallel_loop3A_626[0] : f32 from vector<1xf32>
        %parallel_loop3A_628 = arith.constant 16 : i32
        %parallel_loop3A_629 = arith.muli %parallel_loop3A_119, %parallel_loop3A_628 : i32
        %parallel_loop3A_630 = arith.constant 10 : i32
        %parallel_loop3A_631 = arith.addi %parallel_loop3A_629, %parallel_loop3A_630 : i32
        %parallel_loop3A_632 = arith.index_cast %parallel_loop3A_631 : i32 to index
        %parallel_loop3A_633 = arith.constant 0 : index
        %parallel_loop3A_634 = tpu.vector_load %arg10[%parallel_loop3A_632, %parallel_loop3A_633] {strides = array<i32>} : memref<128x64xf32, #tpu.memory_space<vmem>>, vector<1x16xf32>,
        %parallel_loop3A_635 = vector.shape_cast %parallel_loop3A_634 : vector<1x16xf32> to vector<16xf32>
        %parallel_loop3A_636 = vector.broadcast %parallel_loop3A_627 : f32 to vector<16xf32>
        %parallel_loop3A_637 = arith.mulf %parallel_loop3A_635, %parallel_loop3A_636 : vector<16xf32>
        %parallel_loop3A_638 = arith.index_cast %parallel_loop3A_631 : i32 to index
        %parallel_loop3A_639 = arith.constant 0 : index
        %parallel_loop3A_640 = tpu.vector_load %arg10[%parallel_loop3A_638, %parallel_loop3A_639] {strides = array<i32>} : memref<128x64xf32, #tpu.memory_space<vmem>>, vector<1x16xf32>,
        %parallel_loop3A_641 = vector.shape_cast %parallel_loop3A_640 : vector<1x16xf32> to vector<16xf32>
        %parallel_loop3A_642 = vector.shape_cast %parallel_loop3A_637 : vector<16xf32> to vector<1x16xf32>
        tpu.vector_store %arg10[%parallel_loop3A_638, %parallel_loop3A_639], %parallel_loop3A_642 {strides = array<i32>} : memref<128x64xf32, #tpu.memory_space<vmem>>, vector<1x16xf32>,
        %parallel_loop3A_643 = arith.index_cast %parallel_loop3A_631 : i32 to index
        %parallel_loop3A_644 = arith.constant 16 : index
        %parallel_loop3A_645 = tpu.vector_load %arg10[%parallel_loop3A_643, %parallel_loop3A_644] {strides = array<i32>} : memref<128x64xf32, #tpu.memory_space<vmem>>, vector<1x16xf32>,
        %parallel_loop3A_646 = vector.shape_cast %parallel_loop3A_645 : vector<1x16xf32> to vector<16xf32>
        %parallel_loop3A_647 = vector.broadcast %parallel_loop3A_627 : f32 to vector<16xf32>
        %parallel_loop3A_648 = arith.mulf %parallel_loop3A_646, %parallel_loop3A_647 : vector<16xf32>
        %parallel_loop3A_649 = arith.index_cast %parallel_loop3A_631 : i32 to index
        %parallel_loop3A_650 = arith.constant 16 : index
        %parallel_loop3A_651 = tpu.vector_load %arg10[%parallel_loop3A_649, %parallel_loop3A_650] {strides = array<i32>} : memref<128x64xf32, #tpu.memory_space<vmem>>, vector<1x16xf32>,
        %parallel_loop3A_652 = vector.shape_cast %parallel_loop3A_651 : vector<1x16xf32> to vector<16xf32>
        %parallel_loop3A_653 = vector.shape_cast %parallel_loop3A_648 : vector<16xf32> to vector<1x16xf32>
        tpu.vector_store %arg10[%parallel_loop3A_649, %parallel_loop3A_650], %parallel_loop3A_653 {strides = array<i32>} : memref<128x64xf32, #tpu.memory_space<vmem>>, vector<1x16xf32>,
        %parallel_loop3A_654 = arith.index_cast %parallel_loop3A_631 : i32 to index
        %parallel_loop3A_655 = arith.constant 32 : index
        %parallel_loop3A_656 = tpu.vector_load %arg10[%parallel_loop3A_654, %parallel_loop3A_655] {strides = array<i32>} : memref<128x64xf32, #tpu.memory_space<vmem>>, vector<1x16xf32>,
        %parallel_loop3A_657 = vector.shape_cast %parallel_loop3A_656 : vector<1x16xf32> to vector<16xf32>
        %parallel_loop3A_658 = vector.broadcast %parallel_loop3A_627 : f32 to vector<16xf32>
        %parallel_loop3A_659 = arith.mulf %parallel_loop3A_657, %parallel_loop3A_658 : vector<16xf32>
        %parallel_loop3A_660 = arith.index_cast %parallel_loop3A_631 : i32 to index
        %parallel_loop3A_661 = arith.constant 32 : index
        %parallel_loop3A_662 = tpu.vector_load %arg10[%parallel_loop3A_660, %parallel_loop3A_661] {strides = array<i32>} : memref<128x64xf32, #tpu.memory_space<vmem>>, vector<1x16xf32>,
        %parallel_loop3A_663 = vector.shape_cast %parallel_loop3A_662 : vector<1x16xf32> to vector<16xf32>
        %parallel_loop3A_664 = vector.shape_cast %parallel_loop3A_659 : vector<16xf32> to vector<1x16xf32>
        tpu.vector_store %arg10[%parallel_loop3A_660, %parallel_loop3A_661], %parallel_loop3A_664 {strides = array<i32>} : memref<128x64xf32, #tpu.memory_space<vmem>>, vector<1x16xf32>,
        %parallel_loop3A_665 = arith.index_cast %parallel_loop3A_631 : i32 to index
        %parallel_loop3A_666 = arith.constant 48 : index
        %parallel_loop3A_667 = tpu.vector_load %arg10[%parallel_loop3A_665, %parallel_loop3A_666] {strides = array<i32>} : memref<128x64xf32, #tpu.memory_space<vmem>>, vector<1x16xf32>,
        %parallel_loop3A_668 = vector.shape_cast %parallel_loop3A_667 : vector<1x16xf32> to vector<16xf32>
        %parallel_loop3A_669 = vector.broadcast %parallel_loop3A_627 : f32 to vector<16xf32>
        %parallel_loop3A_670 = arith.mulf %parallel_loop3A_668, %parallel_loop3A_669 : vector<16xf32>
        %parallel_loop3A_671 = arith.index_cast %parallel_loop3A_631 : i32 to index
        %parallel_loop3A_672 = arith.constant 48 : index
        %parallel_loop3A_673 = tpu.vector_load %arg10[%parallel_loop3A_671, %parallel_loop3A_672] {strides = array<i32>} : memref<128x64xf32, #tpu.memory_space<vmem>>, vector<1x16xf32>,
        %parallel_loop3A_674 = vector.shape_cast %parallel_loop3A_673 : vector<1x16xf32> to vector<16xf32>
        %parallel_loop3A_675 = vector.shape_cast %parallel_loop3A_670 : vector<16xf32> to vector<1x16xf32>
        tpu.vector_store %arg10[%parallel_loop3A_671, %parallel_loop3A_672], %parallel_loop3A_675 {strides = array<i32>} : memref<128x64xf32, #tpu.memory_space<vmem>>, vector<1x16xf32>,
        %parallel_loop3A_676 = vector.extract_strided_slice %parallel_loop3A_125 {offsets = [11], sizes = [1], strides = [1]} : vector<16xf32> to vector<1xf32>
        %parallel_loop3A_677 = vector.extract %parallel_loop3A_676[0] : f32 from vector<1xf32>
        %parallel_loop3A_678 = arith.constant 16 : i32
        %parallel_loop3A_679 = arith.muli %parallel_loop3A_119, %parallel_loop3A_678 : i32
        %parallel_loop3A_680 = arith.constant 11 : i32
        %parallel_loop3A_681 = arith.addi %parallel_loop3A_679, %parallel_loop3A_680 : i32
        %parallel_loop3A_682 = arith.index_cast %parallel_loop3A_681 : i32 to index
        %parallel_loop3A_683 = arith.constant 0 : index
        %parallel_loop3A_684 = tpu.vector_load %arg10[%parallel_loop3A_682, %parallel_loop3A_683] {strides = array<i32>} : memref<128x64xf32, #tpu.memory_space<vmem>>, vector<1x16xf32>,
        %parallel_loop3A_685 = vector.shape_cast %parallel_loop3A_684 : vector<1x16xf32> to vector<16xf32>
        %parallel_loop3A_686 = vector.broadcast %parallel_loop3A_677 : f32 to vector<16xf32>
        %parallel_loop3A_687 = arith.mulf %parallel_loop3A_685, %parallel_loop3A_686 : vector<16xf32>
        %parallel_loop3A_688 = arith.index_cast %parallel_loop3A_681 : i32 to index
        %parallel_loop3A_689 = arith.constant 0 : index
        %parallel_loop3A_690 = tpu.vector_load %arg10[%parallel_loop3A_688, %parallel_loop3A_689] {strides = array<i32>} : memref<128x64xf32, #tpu.memory_space<vmem>>, vector<1x16xf32>,
        %parallel_loop3A_691 = vector.shape_cast %parallel_loop3A_690 : vector<1x16xf32> to vector<16xf32>
        %parallel_loop3A_692 = vector.shape_cast %parallel_loop3A_687 : vector<16xf32> to vector<1x16xf32>
        tpu.vector_store %arg10[%parallel_loop3A_688, %parallel_loop3A_689], %parallel_loop3A_692 {strides = array<i32>} : memref<128x64xf32, #tpu.memory_space<vmem>>, vector<1x16xf32>,
        %parallel_loop3A_693 = arith.index_cast %parallel_loop3A_681 : i32 to index
        %parallel_loop3A_694 = arith.constant 16 : index
        %parallel_loop3A_695 = tpu.vector_load %arg10[%parallel_loop3A_693, %parallel_loop3A_694] {strides = array<i32>} : memref<128x64xf32, #tpu.memory_space<vmem>>, vector<1x16xf32>,
        %parallel_loop3A_696 = vector.shape_cast %parallel_loop3A_695 : vector<1x16xf32> to vector<16xf32>
        %parallel_loop3A_697 = vector.broadcast %parallel_loop3A_677 : f32 to vector<16xf32>
        %parallel_loop3A_698 = arith.mulf %parallel_loop3A_696, %parallel_loop3A_697 : vector<16xf32>
        %parallel_loop3A_699 = arith.index_cast %parallel_loop3A_681 : i32 to index
        %parallel_loop3A_700 = arith.constant 16 : index
        %parallel_loop3A_701 = tpu.vector_load %arg10[%parallel_loop3A_699, %parallel_loop3A_700] {strides = array<i32>} : memref<128x64xf32, #tpu.memory_space<vmem>>, vector<1x16xf32>,
        %parallel_loop3A_702 = vector.shape_cast %parallel_loop3A_701 : vector<1x16xf32> to vector<16xf32>
        %parallel_loop3A_703 = vector.shape_cast %parallel_loop3A_698 : vector<16xf32> to vector<1x16xf32>
        tpu.vector_store %arg10[%parallel_loop3A_699, %parallel_loop3A_700], %parallel_loop3A_703 {strides = array<i32>} : memref<128x64xf32, #tpu.memory_space<vmem>>, vector<1x16xf32>,
        %parallel_loop3A_704 = arith.index_cast %parallel_loop3A_681 : i32 to index
        %parallel_loop3A_705 = arith.constant 32 : index
        %parallel_loop3A_706 = tpu.vector_load %arg10[%parallel_loop3A_704, %parallel_loop3A_705] {strides = array<i32>} : memref<128x64xf32, #tpu.memory_space<vmem>>, vector<1x16xf32>,
        %parallel_loop3A_707 = vector.shape_cast %parallel_loop3A_706 : vector<1x16xf32> to vector<16xf32>
        %parallel_loop3A_708 = vector.broadcast %parallel_loop3A_677 : f32 to vector<16xf32>
        %parallel_loop3A_709 = arith.mulf %parallel_loop3A_707, %parallel_loop3A_708 : vector<16xf32>
        %parallel_loop3A_710 = arith.index_cast %parallel_loop3A_681 : i32 to index
        %parallel_loop3A_711 = arith.constant 32 : index
        %parallel_loop3A_712 = tpu.vector_load %arg10[%parallel_loop3A_710, %parallel_loop3A_711] {strides = array<i32>} : memref<128x64xf32, #tpu.memory_space<vmem>>, vector<1x16xf32>,
        %parallel_loop3A_713 = vector.shape_cast %parallel_loop3A_712 : vector<1x16xf32> to vector<16xf32>
        %parallel_loop3A_714 = vector.shape_cast %parallel_loop3A_709 : vector<16xf32> to vector<1x16xf32>
        tpu.vector_store %arg10[%parallel_loop3A_710, %parallel_loop3A_711], %parallel_loop3A_714 {strides = array<i32>} : memref<128x64xf32, #tpu.memory_space<vmem>>, vector<1x16xf32>,
        %parallel_loop3A_715 = arith.index_cast %parallel_loop3A_681 : i32 to index
        %parallel_loop3A_716 = arith.constant 48 : index
        %parallel_loop3A_717 = tpu.vector_load %arg10[%parallel_loop3A_715, %parallel_loop3A_716] {strides = array<i32>} : memref<128x64xf32, #tpu.memory_space<vmem>>, vector<1x16xf32>,
        %parallel_loop3A_718 = vector.shape_cast %parallel_loop3A_717 : vector<1x16xf32> to vector<16xf32>
        %parallel_loop3A_719 = vector.broadcast %parallel_loop3A_677 : f32 to vector<16xf32>
        %parallel_loop3A_720 = arith.mulf %parallel_loop3A_718, %parallel_loop3A_719 : vector<16xf32>
        %parallel_loop3A_721 = arith.index_cast %parallel_loop3A_681 : i32 to index
        %parallel_loop3A_722 = arith.constant 48 : index
        %parallel_loop3A_723 = tpu.vector_load %arg10[%parallel_loop3A_721, %parallel_loop3A_722] {strides = array<i32>} : memref<128x64xf32, #tpu.memory_space<vmem>>, vector<1x16xf32>,
        %parallel_loop3A_724 = vector.shape_cast %parallel_loop3A_723 : vector<1x16xf32> to vector<16xf32>
        %parallel_loop3A_725 = vector.shape_cast %parallel_loop3A_720 : vector<16xf32> to vector<1x16xf32>
        tpu.vector_store %arg10[%parallel_loop3A_721, %parallel_loop3A_722], %parallel_loop3A_725 {strides = array<i32>} : memref<128x64xf32, #tpu.memory_space<vmem>>, vector<1x16xf32>,
        %parallel_loop3A_726 = vector.extract_strided_slice %parallel_loop3A_125 {offsets = [12], sizes = [1], strides = [1]} : vector<16xf32> to vector<1xf32>
        %parallel_loop3A_727 = vector.extract %parallel_loop3A_726[0] : f32 from vector<1xf32>
        %parallel_loop3A_728 = arith.constant 16 : i32
        %parallel_loop3A_729 = arith.muli %parallel_loop3A_119, %parallel_loop3A_728 : i32
        %parallel_loop3A_730 = arith.constant 12 : i32
        %parallel_loop3A_731 = arith.addi %parallel_loop3A_729, %parallel_loop3A_730 : i32
        %parallel_loop3A_732 = arith.index_cast %parallel_loop3A_731 : i32 to index
        %parallel_loop3A_733 = arith.constant 0 : index
        %parallel_loop3A_734 = tpu.vector_load %arg10[%parallel_loop3A_732, %parallel_loop3A_733] {strides = array<i32>} : memref<128x64xf32, #tpu.memory_space<vmem>>, vector<1x16xf32>,
        %parallel_loop3A_735 = vector.shape_cast %parallel_loop3A_734 : vector<1x16xf32> to vector<16xf32>
        %parallel_loop3A_736 = vector.broadcast %parallel_loop3A_727 : f32 to vector<16xf32>
        %parallel_loop3A_737 = arith.mulf %parallel_loop3A_735, %parallel_loop3A_736 : vector<16xf32>
        %parallel_loop3A_738 = arith.index_cast %parallel_loop3A_731 : i32 to index
        %parallel_loop3A_739 = arith.constant 0 : index
        %parallel_loop3A_740 = tpu.vector_load %arg10[%parallel_loop3A_738, %parallel_loop3A_739] {strides = array<i32>} : memref<128x64xf32, #tpu.memory_space<vmem>>, vector<1x16xf32>,
        %parallel_loop3A_741 = vector.shape_cast %parallel_loop3A_740 : vector<1x16xf32> to vector<16xf32>
        %parallel_loop3A_742 = vector.shape_cast %parallel_loop3A_737 : vector<16xf32> to vector<1x16xf32>
        tpu.vector_store %arg10[%parallel_loop3A_738, %parallel_loop3A_739], %parallel_loop3A_742 {strides = array<i32>} : memref<128x64xf32, #tpu.memory_space<vmem>>, vector<1x16xf32>,
        %parallel_loop3A_743 = arith.index_cast %parallel_loop3A_731 : i32 to index
        %parallel_loop3A_744 = arith.constant 16 : index
        %parallel_loop3A_745 = tpu.vector_load %arg10[%parallel_loop3A_743, %parallel_loop3A_744] {strides = array<i32>} : memref<128x64xf32, #tpu.memory_space<vmem>>, vector<1x16xf32>,
        %parallel_loop3A_746 = vector.shape_cast %parallel_loop3A_745 : vector<1x16xf32> to vector<16xf32>
        %parallel_loop3A_747 = vector.broadcast %parallel_loop3A_727 : f32 to vector<16xf32>
        %parallel_loop3A_748 = arith.mulf %parallel_loop3A_746, %parallel_loop3A_747 : vector<16xf32>
        %parallel_loop3A_749 = arith.index_cast %parallel_loop3A_731 : i32 to index
        %parallel_loop3A_750 = arith.constant 16 : index
        %parallel_loop3A_751 = tpu.vector_load %arg10[%parallel_loop3A_749, %parallel_loop3A_750] {strides = array<i32>} : memref<128x64xf32, #tpu.memory_space<vmem>>, vector<1x16xf32>,
        %parallel_loop3A_752 = vector.shape_cast %parallel_loop3A_751 : vector<1x16xf32> to vector<16xf32>
        %parallel_loop3A_753 = vector.shape_cast %parallel_loop3A_748 : vector<16xf32> to vector<1x16xf32>
        tpu.vector_store %arg10[%parallel_loop3A_749, %parallel_loop3A_750], %parallel_loop3A_753 {strides = array<i32>} : memref<128x64xf32, #tpu.memory_space<vmem>>, vector<1x16xf32>,
        %parallel_loop3A_754 = arith.index_cast %parallel_loop3A_731 : i32 to index
        %parallel_loop3A_755 = arith.constant 32 : index
        %parallel_loop3A_756 = tpu.vector_load %arg10[%parallel_loop3A_754, %parallel_loop3A_755] {strides = array<i32>} : memref<128x64xf32, #tpu.memory_space<vmem>>, vector<1x16xf32>,
        %parallel_loop3A_757 = vector.shape_cast %parallel_loop3A_756 : vector<1x16xf32> to vector<16xf32>
        %parallel_loop3A_758 = vector.broadcast %parallel_loop3A_727 : f32 to vector<16xf32>
        %parallel_loop3A_759 = arith.mulf %parallel_loop3A_757, %parallel_loop3A_758 : vector<16xf32>
        %parallel_loop3A_760 = arith.index_cast %parallel_loop3A_731 : i32 to index
        %parallel_loop3A_761 = arith.constant 32 : index
        %parallel_loop3A_762 = tpu.vector_load %arg10[%parallel_loop3A_760, %parallel_loop3A_761] {strides = array<i32>} : memref<128x64xf32, #tpu.memory_space<vmem>>, vector<1x16xf32>,
        %parallel_loop3A_763 = vector.shape_cast %parallel_loop3A_762 : vector<1x16xf32> to vector<16xf32>
        %parallel_loop3A_764 = vector.shape_cast %parallel_loop3A_759 : vector<16xf32> to vector<1x16xf32>
        tpu.vector_store %arg10[%parallel_loop3A_760, %parallel_loop3A_761], %parallel_loop3A_764 {strides = array<i32>} : memref<128x64xf32, #tpu.memory_space<vmem>>, vector<1x16xf32>,
        %parallel_loop3A_765 = arith.index_cast %parallel_loop3A_731 : i32 to index
        %parallel_loop3A_766 = arith.constant 48 : index
        %parallel_loop3A_767 = tpu.vector_load %arg10[%parallel_loop3A_765, %parallel_loop3A_766] {strides = array<i32>} : memref<128x64xf32, #tpu.memory_space<vmem>>, vector<1x16xf32>,
        %parallel_loop3A_768 = vector.shape_cast %parallel_loop3A_767 : vector<1x16xf32> to vector<16xf32>
        %parallel_loop3A_769 = vector.broadcast %parallel_loop3A_727 : f32 to vector<16xf32>
        %parallel_loop3A_770 = arith.mulf %parallel_loop3A_768, %parallel_loop3A_769 : vector<16xf32>
        %parallel_loop3A_771 = arith.index_cast %parallel_loop3A_731 : i32 to index
        %parallel_loop3A_772 = arith.constant 48 : index
        %parallel_loop3A_773 = tpu.vector_load %arg10[%parallel_loop3A_771, %parallel_loop3A_772] {strides = array<i32>} : memref<128x64xf32, #tpu.memory_space<vmem>>, vector<1x16xf32>,
        %parallel_loop3A_774 = vector.shape_cast %parallel_loop3A_773 : vector<1x16xf32> to vector<16xf32>
        %parallel_loop3A_775 = vector.shape_cast %parallel_loop3A_770 : vector<16xf32> to vector<1x16xf32>
        tpu.vector_store %arg10[%parallel_loop3A_771, %parallel_loop3A_772], %parallel_loop3A_775 {strides = array<i32>} : memref<128x64xf32, #tpu.memory_space<vmem>>, vector<1x16xf32>,
        %parallel_loop3A_776 = vector.extract_strided_slice %parallel_loop3A_125 {offsets = [13], sizes = [1], strides = [1]} : vector<16xf32> to vector<1xf32>
        %parallel_loop3A_777 = vector.extract %parallel_loop3A_776[0] : f32 from vector<1xf32>
        %parallel_loop3A_778 = arith.constant 16 : i32
        %parallel_loop3A_779 = arith.muli %parallel_loop3A_119, %parallel_loop3A_778 : i32
        %parallel_loop3A_780 = arith.constant 13 : i32
        %parallel_loop3A_781 = arith.addi %parallel_loop3A_779, %parallel_loop3A_780 : i32
        %parallel_loop3A_782 = arith.index_cast %parallel_loop3A_781 : i32 to index
        %parallel_loop3A_783 = arith.constant 0 : index
        %parallel_loop3A_784 = tpu.vector_load %arg10[%parallel_loop3A_782, %parallel_loop3A_783] {strides = array<i32>} : memref<128x64xf32, #tpu.memory_space<vmem>>, vector<1x16xf32>,
        %parallel_loop3A_785 = vector.shape_cast %parallel_loop3A_784 : vector<1x16xf32> to vector<16xf32>
        %parallel_loop3A_786 = vector.broadcast %parallel_loop3A_777 : f32 to vector<16xf32>
        %parallel_loop3A_787 = arith.mulf %parallel_loop3A_785, %parallel_loop3A_786 : vector<16xf32>
        %parallel_loop3A_788 = arith.index_cast %parallel_loop3A_781 : i32 to index
        %parallel_loop3A_789 = arith.constant 0 : index
        %parallel_loop3A_790 = tpu.vector_load %arg10[%parallel_loop3A_788, %parallel_loop3A_789] {strides = array<i32>} : memref<128x64xf32, #tpu.memory_space<vmem>>, vector<1x16xf32>,
        %parallel_loop3A_791 = vector.shape_cast %parallel_loop3A_790 : vector<1x16xf32> to vector<16xf32>
        %parallel_loop3A_792 = vector.shape_cast %parallel_loop3A_787 : vector<16xf32> to vector<1x16xf32>
        tpu.vector_store %arg10[%parallel_loop3A_788, %parallel_loop3A_789], %parallel_loop3A_792 {strides = array<i32>} : memref<128x64xf32, #tpu.memory_space<vmem>>, vector<1x16xf32>,
        %parallel_loop3A_793 = arith.index_cast %parallel_loop3A_781 : i32 to index
        %parallel_loop3A_794 = arith.constant 16 : index
        %parallel_loop3A_795 = tpu.vector_load %arg10[%parallel_loop3A_793, %parallel_loop3A_794] {strides = array<i32>} : memref<128x64xf32, #tpu.memory_space<vmem>>, vector<1x16xf32>,
        %parallel_loop3A_796 = vector.shape_cast %parallel_loop3A_795 : vector<1x16xf32> to vector<16xf32>
        %parallel_loop3A_797 = vector.broadcast %parallel_loop3A_777 : f32 to vector<16xf32>
        %parallel_loop3A_798 = arith.mulf %parallel_loop3A_796, %parallel_loop3A_797 : vector<16xf32>
        %parallel_loop3A_799 = arith.index_cast %parallel_loop3A_781 : i32 to index
        %parallel_loop3A_800 = arith.constant 16 : index
        %parallel_loop3A_801 = tpu.vector_load %arg10[%parallel_loop3A_799, %parallel_loop3A_800] {strides = array<i32>} : memref<128x64xf32, #tpu.memory_space<vmem>>, vector<1x16xf32>,
        %parallel_loop3A_802 = vector.shape_cast %parallel_loop3A_801 : vector<1x16xf32> to vector<16xf32>
        %parallel_loop3A_803 = vector.shape_cast %parallel_loop3A_798 : vector<16xf32> to vector<1x16xf32>
        tpu.vector_store %arg10[%parallel_loop3A_799, %parallel_loop3A_800], %parallel_loop3A_803 {strides = array<i32>} : memref<128x64xf32, #tpu.memory_space<vmem>>, vector<1x16xf32>,
        %parallel_loop3A_804 = arith.index_cast %parallel_loop3A_781 : i32 to index
        %parallel_loop3A_805 = arith.constant 32 : index
        %parallel_loop3A_806 = tpu.vector_load %arg10[%parallel_loop3A_804, %parallel_loop3A_805] {strides = array<i32>} : memref<128x64xf32, #tpu.memory_space<vmem>>, vector<1x16xf32>,
        %parallel_loop3A_807 = vector.shape_cast %parallel_loop3A_806 : vector<1x16xf32> to vector<16xf32>
        %parallel_loop3A_808 = vector.broadcast %parallel_loop3A_777 : f32 to vector<16xf32>
        %parallel_loop3A_809 = arith.mulf %parallel_loop3A_807, %parallel_loop3A_808 : vector<16xf32>
        %parallel_loop3A_810 = arith.index_cast %parallel_loop3A_781 : i32 to index
        %parallel_loop3A_811 = arith.constant 32 : index
        %parallel_loop3A_812 = tpu.vector_load %arg10[%parallel_loop3A_810, %parallel_loop3A_811] {strides = array<i32>} : memref<128x64xf32, #tpu.memory_space<vmem>>, vector<1x16xf32>,
        %parallel_loop3A_813 = vector.shape_cast %parallel_loop3A_812 : vector<1x16xf32> to vector<16xf32>
        %parallel_loop3A_814 = vector.shape_cast %parallel_loop3A_809 : vector<16xf32> to vector<1x16xf32>
        tpu.vector_store %arg10[%parallel_loop3A_810, %parallel_loop3A_811], %parallel_loop3A_814 {strides = array<i32>} : memref<128x64xf32, #tpu.memory_space<vmem>>, vector<1x16xf32>,
        %parallel_loop3A_815 = arith.index_cast %parallel_loop3A_781 : i32 to index
        %parallel_loop3A_816 = arith.constant 48 : index
        %parallel_loop3A_817 = tpu.vector_load %arg10[%parallel_loop3A_815, %parallel_loop3A_816] {strides = array<i32>} : memref<128x64xf32, #tpu.memory_space<vmem>>, vector<1x16xf32>,
        %parallel_loop3A_818 = vector.shape_cast %parallel_loop3A_817 : vector<1x16xf32> to vector<16xf32>
        %parallel_loop3A_819 = vector.broadcast %parallel_loop3A_777 : f32 to vector<16xf32>
        %parallel_loop3A_820 = arith.mulf %parallel_loop3A_818, %parallel_loop3A_819 : vector<16xf32>
        %parallel_loop3A_821 = arith.index_cast %parallel_loop3A_781 : i32 to index
        %parallel_loop3A_822 = arith.constant 48 : index
        %parallel_loop3A_823 = tpu.vector_load %arg10[%parallel_loop3A_821, %parallel_loop3A_822] {strides = array<i32>} : memref<128x64xf32, #tpu.memory_space<vmem>>, vector<1x16xf32>,
        %parallel_loop3A_824 = vector.shape_cast %parallel_loop3A_823 : vector<1x16xf32> to vector<16xf32>
        %parallel_loop3A_825 = vector.shape_cast %parallel_loop3A_820 : vector<16xf32> to vector<1x16xf32>
        tpu.vector_store %arg10[%parallel_loop3A_821, %parallel_loop3A_822], %parallel_loop3A_825 {strides = array<i32>} : memref<128x64xf32, #tpu.memory_space<vmem>>, vector<1x16xf32>,
        %parallel_loop3A_826 = vector.extract_strided_slice %parallel_loop3A_125 {offsets = [14], sizes = [1], strides = [1]} : vector<16xf32> to vector<1xf32>
        %parallel_loop3A_827 = vector.extract %parallel_loop3A_826[0] : f32 from vector<1xf32>
        %parallel_loop3A_828 = arith.constant 16 : i32
        %parallel_loop3A_829 = arith.muli %parallel_loop3A_119, %parallel_loop3A_828 : i32
        %parallel_loop3A_830 = arith.constant 14 : i32
        %parallel_loop3A_831 = arith.addi %parallel_loop3A_829, %parallel_loop3A_830 : i32
        %parallel_loop3A_832 = arith.index_cast %parallel_loop3A_831 : i32 to index
        %parallel_loop3A_833 = arith.constant 0 : index
        %parallel_loop3A_834 = tpu.vector_load %arg10[%parallel_loop3A_832, %parallel_loop3A_833] {strides = array<i32>} : memref<128x64xf32, #tpu.memory_space<vmem>>, vector<1x16xf32>,
        %parallel_loop3A_835 = vector.shape_cast %parallel_loop3A_834 : vector<1x16xf32> to vector<16xf32>
        %parallel_loop3A_836 = vector.broadcast %parallel_loop3A_827 : f32 to vector<16xf32>
        %parallel_loop3A_837 = arith.mulf %parallel_loop3A_835, %parallel_loop3A_836 : vector<16xf32>
        %parallel_loop3A_838 = arith.index_cast %parallel_loop3A_831 : i32 to index
        %parallel_loop3A_839 = arith.constant 0 : index
        %parallel_loop3A_840 = tpu.vector_load %arg10[%parallel_loop3A_838, %parallel_loop3A_839] {strides = array<i32>} : memref<128x64xf32, #tpu.memory_space<vmem>>, vector<1x16xf32>,
        %parallel_loop3A_841 = vector.shape_cast %parallel_loop3A_840 : vector<1x16xf32> to vector<16xf32>
        %parallel_loop3A_842 = vector.shape_cast %parallel_loop3A_837 : vector<16xf32> to vector<1x16xf32>
        tpu.vector_store %arg10[%parallel_loop3A_838, %parallel_loop3A_839], %parallel_loop3A_842 {strides = array<i32>} : memref<128x64xf32, #tpu.memory_space<vmem>>, vector<1x16xf32>,
        %parallel_loop3A_843 = arith.index_cast %parallel_loop3A_831 : i32 to index
        %parallel_loop3A_844 = arith.constant 16 : index
        %parallel_loop3A_845 = tpu.vector_load %arg10[%parallel_loop3A_843, %parallel_loop3A_844] {strides = array<i32>} : memref<128x64xf32, #tpu.memory_space<vmem>>, vector<1x16xf32>,
        %parallel_loop3A_846 = vector.shape_cast %parallel_loop3A_845 : vector<1x16xf32> to vector<16xf32>
        %parallel_loop3A_847 = vector.broadcast %parallel_loop3A_827 : f32 to vector<16xf32>
        %parallel_loop3A_848 = arith.mulf %parallel_loop3A_846, %parallel_loop3A_847 : vector<16xf32>
        %parallel_loop3A_849 = arith.index_cast %parallel_loop3A_831 : i32 to index
        %parallel_loop3A_850 = arith.constant 16 : index
        %parallel_loop3A_851 = tpu.vector_load %arg10[%parallel_loop3A_849, %parallel_loop3A_850] {strides = array<i32>} : memref<128x64xf32, #tpu.memory_space<vmem>>, vector<1x16xf32>,
        %parallel_loop3A_852 = vector.shape_cast %parallel_loop3A_851 : vector<1x16xf32> to vector<16xf32>
        %parallel_loop3A_853 = vector.shape_cast %parallel_loop3A_848 : vector<16xf32> to vector<1x16xf32>
        tpu.vector_store %arg10[%parallel_loop3A_849, %parallel_loop3A_850], %parallel_loop3A_853 {strides = array<i32>} : memref<128x64xf32, #tpu.memory_space<vmem>>, vector<1x16xf32>,
        %parallel_loop3A_854 = arith.index_cast %parallel_loop3A_831 : i32 to index
        %parallel_loop3A_855 = arith.constant 32 : index
        %parallel_loop3A_856 = tpu.vector_load %arg10[%parallel_loop3A_854, %parallel_loop3A_855] {strides = array<i32>} : memref<128x64xf32, #tpu.memory_space<vmem>>, vector<1x16xf32>,
        %parallel_loop3A_857 = vector.shape_cast %parallel_loop3A_856 : vector<1x16xf32> to vector<16xf32>
        %parallel_loop3A_858 = vector.broadcast %parallel_loop3A_827 : f32 to vector<16xf32>
        %parallel_loop3A_859 = arith.mulf %parallel_loop3A_857, %parallel_loop3A_858 : vector<16xf32>
        %parallel_loop3A_860 = arith.index_cast %parallel_loop3A_831 : i32 to index
        %parallel_loop3A_861 = arith.constant 32 : index
        %parallel_loop3A_862 = tpu.vector_load %arg10[%parallel_loop3A_860, %parallel_loop3A_861] {strides = array<i32>} : memref<128x64xf32, #tpu.memory_space<vmem>>, vector<1x16xf32>,
        %parallel_loop3A_863 = vector.shape_cast %parallel_loop3A_862 : vector<1x16xf32> to vector<16xf32>
        %parallel_loop3A_864 = vector.shape_cast %parallel_loop3A_859 : vector<16xf32> to vector<1x16xf32>
        tpu.vector_store %arg10[%parallel_loop3A_860, %parallel_loop3A_861], %parallel_loop3A_864 {strides = array<i32>} : memref<128x64xf32, #tpu.memory_space<vmem>>, vector<1x16xf32>,
        %parallel_loop3A_865 = arith.index_cast %parallel_loop3A_831 : i32 to index
        %parallel_loop3A_866 = arith.constant 48 : index
        %parallel_loop3A_867 = tpu.vector_load %arg10[%parallel_loop3A_865, %parallel_loop3A_866] {strides = array<i32>} : memref<128x64xf32, #tpu.memory_space<vmem>>, vector<1x16xf32>,
        %parallel_loop3A_868 = vector.shape_cast %parallel_loop3A_867 : vector<1x16xf32> to vector<16xf32>
        %parallel_loop3A_869 = vector.broadcast %parallel_loop3A_827 : f32 to vector<16xf32>
        %parallel_loop3A_870 = arith.mulf %parallel_loop3A_868, %parallel_loop3A_869 : vector<16xf32>
        %parallel_loop3A_871 = arith.index_cast %parallel_loop3A_831 : i32 to index
        %parallel_loop3A_872 = arith.constant 48 : index
        %parallel_loop3A_873 = tpu.vector_load %arg10[%parallel_loop3A_871, %parallel_loop3A_872] {strides = array<i32>} : memref<128x64xf32, #tpu.memory_space<vmem>>, vector<1x16xf32>,
        %parallel_loop3A_874 = vector.shape_cast %parallel_loop3A_873 : vector<1x16xf32> to vector<16xf32>
        %parallel_loop3A_875 = vector.shape_cast %parallel_loop3A_870 : vector<16xf32> to vector<1x16xf32>
        tpu.vector_store %arg10[%parallel_loop3A_871, %parallel_loop3A_872], %parallel_loop3A_875 {strides = array<i32>} : memref<128x64xf32, #tpu.memory_space<vmem>>, vector<1x16xf32>,
        %parallel_loop3A_876 = vector.extract_strided_slice %parallel_loop3A_125 {offsets = [15], sizes = [1], strides = [1]} : vector<16xf32> to vector<1xf32>
        %parallel_loop3A_877 = vector.extract %parallel_loop3A_876[0] : f32 from vector<1xf32>
        %parallel_loop3A_878 = arith.constant 16 : i32
        %parallel_loop3A_879 = arith.muli %parallel_loop3A_119, %parallel_loop3A_878 : i32
        %parallel_loop3A_880 = arith.constant 15 : i32
        %parallel_loop3A_881 = arith.addi %parallel_loop3A_879, %parallel_loop3A_880 : i32
        %parallel_loop3A_882 = arith.index_cast %parallel_loop3A_881 : i32 to index
        %parallel_loop3A_883 = arith.constant 0 : index
        %parallel_loop3A_884 = tpu.vector_load %arg10[%parallel_loop3A_882, %parallel_loop3A_883] {strides = array<i32>} : memref<128x64xf32, #tpu.memory_space<vmem>>, vector<1x16xf32>,
        %parallel_loop3A_885 = vector.shape_cast %parallel_loop3A_884 : vector<1x16xf32> to vector<16xf32>
        %parallel_loop3A_886 = vector.broadcast %parallel_loop3A_877 : f32 to vector<16xf32>
        %parallel_loop3A_887 = arith.mulf %parallel_loop3A_885, %parallel_loop3A_886 : vector<16xf32>
        %parallel_loop3A_888 = arith.index_cast %parallel_loop3A_881 : i32 to index
        %parallel_loop3A_889 = arith.constant 0 : index
        %parallel_loop3A_890 = tpu.vector_load %arg10[%parallel_loop3A_888, %parallel_loop3A_889] {strides = array<i32>} : memref<128x64xf32, #tpu.memory_space<vmem>>, vector<1x16xf32>,
        %parallel_loop3A_891 = vector.shape_cast %parallel_loop3A_890 : vector<1x16xf32> to vector<16xf32>
        %parallel_loop3A_892 = vector.shape_cast %parallel_loop3A_887 : vector<16xf32> to vector<1x16xf32>
        tpu.vector_store %arg10[%parallel_loop3A_888, %parallel_loop3A_889], %parallel_loop3A_892 {strides = array<i32>} : memref<128x64xf32, #tpu.memory_space<vmem>>, vector<1x16xf32>,
        %parallel_loop3A_893 = arith.index_cast %parallel_loop3A_881 : i32 to index
        %parallel_loop3A_894 = arith.constant 16 : index
        %parallel_loop3A_895 = tpu.vector_load %arg10[%parallel_loop3A_893, %parallel_loop3A_894] {strides = array<i32>} : memref<128x64xf32, #tpu.memory_space<vmem>>, vector<1x16xf32>,
        %parallel_loop3A_896 = vector.shape_cast %parallel_loop3A_895 : vector<1x16xf32> to vector<16xf32>
        %parallel_loop3A_897 = vector.broadcast %parallel_loop3A_877 : f32 to vector<16xf32>
        %parallel_loop3A_898 = arith.mulf %parallel_loop3A_896, %parallel_loop3A_897 : vector<16xf32>
        %parallel_loop3A_899 = arith.index_cast %parallel_loop3A_881 : i32 to index
        %parallel_loop3A_900 = arith.constant 16 : index
        %parallel_loop3A_901 = tpu.vector_load %arg10[%parallel_loop3A_899, %parallel_loop3A_900] {strides = array<i32>} : memref<128x64xf32, #tpu.memory_space<vmem>>, vector<1x16xf32>,
        %parallel_loop3A_902 = vector.shape_cast %parallel_loop3A_901 : vector<1x16xf32> to vector<16xf32>
        %parallel_loop3A_903 = vector.shape_cast %parallel_loop3A_898 : vector<16xf32> to vector<1x16xf32>
        tpu.vector_store %arg10[%parallel_loop3A_899, %parallel_loop3A_900], %parallel_loop3A_903 {strides = array<i32>} : memref<128x64xf32, #tpu.memory_space<vmem>>, vector<1x16xf32>,
        %parallel_loop3A_904 = arith.index_cast %parallel_loop3A_881 : i32 to index
        %parallel_loop3A_905 = arith.constant 32 : index
        %parallel_loop3A_906 = tpu.vector_load %arg10[%parallel_loop3A_904, %parallel_loop3A_905] {strides = array<i32>} : memref<128x64xf32, #tpu.memory_space<vmem>>, vector<1x16xf32>,
        %parallel_loop3A_907 = vector.shape_cast %parallel_loop3A_906 : vector<1x16xf32> to vector<16xf32>
        %parallel_loop3A_908 = vector.broadcast %parallel_loop3A_877 : f32 to vector<16xf32>
        %parallel_loop3A_909 = arith.mulf %parallel_loop3A_907, %parallel_loop3A_908 : vector<16xf32>
        %parallel_loop3A_910 = arith.index_cast %parallel_loop3A_881 : i32 to index
        %parallel_loop3A_911 = arith.constant 32 : index
        %parallel_loop3A_912 = tpu.vector_load %arg10[%parallel_loop3A_910, %parallel_loop3A_911] {strides = array<i32>} : memref<128x64xf32, #tpu.memory_space<vmem>>, vector<1x16xf32>,
        %parallel_loop3A_913 = vector.shape_cast %parallel_loop3A_912 : vector<1x16xf32> to vector<16xf32>
        %parallel_loop3A_914 = vector.shape_cast %parallel_loop3A_909 : vector<16xf32> to vector<1x16xf32>
        tpu.vector_store %arg10[%parallel_loop3A_910, %parallel_loop3A_911], %parallel_loop3A_914 {strides = array<i32>} : memref<128x64xf32, #tpu.memory_space<vmem>>, vector<1x16xf32>,
        %parallel_loop3A_915 = arith.index_cast %parallel_loop3A_881 : i32 to index
        %parallel_loop3A_916 = arith.constant 48 : index
        %parallel_loop3A_917 = tpu.vector_load %arg10[%parallel_loop3A_915, %parallel_loop3A_916] {strides = array<i32>} : memref<128x64xf32, #tpu.memory_space<vmem>>, vector<1x16xf32>,
        %parallel_loop3A_918 = vector.shape_cast %parallel_loop3A_917 : vector<1x16xf32> to vector<16xf32>
        %parallel_loop3A_919 = vector.broadcast %parallel_loop3A_877 : f32 to vector<16xf32>
        %parallel_loop3A_920 = arith.mulf %parallel_loop3A_918, %parallel_loop3A_919 : vector<16xf32>
        %parallel_loop3A_921 = arith.index_cast %parallel_loop3A_881 : i32 to index
        %parallel_loop3A_922 = arith.constant 48 : index
        %parallel_loop3A_923 = tpu.vector_load %arg10[%parallel_loop3A_921, %parallel_loop3A_922] {strides = array<i32>} : memref<128x64xf32, #tpu.memory_space<vmem>>, vector<1x16xf32>,
        %parallel_loop3A_924 = vector.shape_cast %parallel_loop3A_923 : vector<1x16xf32> to vector<16xf32>
        %parallel_loop3A_925 = vector.shape_cast %parallel_loop3A_920 : vector<16xf32> to vector<1x16xf32>
        tpu.vector_store %arg10[%parallel_loop3A_921, %parallel_loop3A_922], %parallel_loop3A_925 {strides = array<i32>} : memref<128x64xf32, #tpu.memory_space<vmem>>, vector<1x16xf32>,
      } {sc.loop_unroll_factor = 2 : i64, sc.parallel_access}
      "tpu.region"() ({
        %run_scoped3A = tpu.sem_alloc : memref<!tpu.dma_semaphore, #tpu.memory_space<semaphore_mem>>
        %dma_start3A_119 = arith.constant 0 : i32
        %dma_start3A_120 = tpu.memref_slice %arg8[%add3A_85, %dma_start3A_119] : memref<40x128xi32, #tpu.memory_space<vmem>> -> memref<1x128xi32, #tpu.memory_space<vmem>>
        %dma_start3A_121 = tpu.memref_squeeze %dma_start3A_120 : memref<1x128xi32, #tpu.memory_space<vmem>> -> memref<128xi32, #tpu.memory_space<vmem>>
        %dma_start3A_122 = arith.constant 0 : i32
        %dma_start3A_123 = arith.constant 0 : i32
        %dma_start3A_124 = tpu.memref_slice %arg13[%dma_start3A_122, %dma_start3A_123] : memref<10240x64xf32, #tpu.memory_space<vmem_shared>> -> memref<10240x64xf32, #tpu.memory_space<vmem_shared>>
        tpu.enqueue_indirect_dma source(%arg10 : memref<128x64xf32, #tpu.memory_space<vmem>>) target(%dma_start3A_124 : memref<10240x64xf32, #tpu.memory_space<vmem_shared>>) offsets(%dma_start3A_121 : memref<128xi32, #tpu.memory_space<vmem>>) semaphore(%run_scoped3A : memref<!tpu.dma_semaphore, #tpu.memory_space<semaphore_mem>>) {add = true}
        %dma_wait3A_125 = arith.constant 0 : i32
        %dma_wait3A_126 = tpu.memref_slice %arg8[%add3A_85, %dma_wait3A_125] : memref<40x128xi32, #tpu.memory_space<vmem>> -> memref<1x128xi32, #tpu.memory_space<vmem>>
        %dma_wait3A_127 = tpu.memref_squeeze %dma_wait3A_126 : memref<1x128xi32, #tpu.memory_space<vmem>> -> memref<128xi32, #tpu.memory_space<vmem>>
        %dma_wait3A_128 = arith.constant 0 : i32
        %dma_wait3A_129 = arith.constant 0 : i32
        %dma_wait3A_130 = tpu.memref_slice %arg13[%dma_wait3A_128, %dma_wait3A_129] : memref<10240x64xf32, #tpu.memory_space<vmem_shared>> -> memref<10240x64xf32, #tpu.memory_space<vmem_shared>>
        tpu.wait_indirect_dma semaphore(%run_scoped3A : memref<!tpu.dma_semaphore, #tpu.memory_space<semaphore_mem>>) src(%arg10 : memref<128x64xf32, #tpu.memory_space<vmem>>) dst(%dma_wait3A_130 : memref<10240x64xf32, #tpu.memory_space<vmem_shared>>)
        tpu.yield
      }) : () -> ()
      %add3A_94 = arith.constant 2 : i32
      %add3A_95 = arith.addi %add3A_85, %add3A_94 : i32
      %lt3A_96 = arith.cmpi slt, %add3A_95, %select_n3A : i32
      %convert_element_type3A_97 = arith.extui %lt3A_96 : i1 to i32
      %cond3A_98 = arith.constant 0 : i32
      %cond3A_99 = arith.cmpi ne, %convert_element_type3A_97, %cond3A_98 : i32
      scf.if %cond3A_99 {
        %add3A_119 = arith.constant 2 : i32
        %add3A_120 = arith.addi %add3A_85, %add3A_119 : i32
        %dma_start3A_121 = arith.constant 0 : i32
        %dma_start3A_122 = tpu.memref_slice %arg7[%add3A_120, %dma_start3A_121] : memref<40x128xi32, #tpu.memory_space<vmem>> -> memref<1x128xi32, #tpu.memory_space<vmem>>
        %dma_start3A_123 = tpu.memref_squeeze %dma_start3A_122 : memref<1x128xi32, #tpu.memory_space<vmem>> -> memref<128xi32, #tpu.memory_space<vmem>>
        %dma_start3A_124 = arith.constant 0 : i32
        %dma_start3A_125 = arith.constant 0 : i32
        %dma_start3A_126 = tpu.memref_slice %arg12[%dma_start3A_124, %dma_start3A_125] : memref<10000x64xf32, #tpu.memory_space<vmem_shared>> -> memref<10000x64xf32, #tpu.memory_space<vmem_shared>>
        tpu.enqueue_indirect_dma source(%dma_start3A_126 : memref<10000x64xf32, #tpu.memory_space<vmem_shared>>) target(%arg10 : memref<128x64xf32, #tpu.memory_space<vmem>>) offsets(%dma_start3A_123 : memref<128xi32, #tpu.memory_space<vmem>>) semaphore(%arg14 : memref<!tpu.dma_semaphore, #tpu.memory_space<semaphore_mem>>)
      } else {
      }
      %mul3A_100 = arith.constant 2 : i32
      %mul3A_101 = arith.muli %mul3A_100, %while3A_81 : i32
      %add3A_102 = arith.constant 1 : i32
      %add3A_103 = arith.addi %mul3A_101, %add3A_102 : i32
      %dma_wait3A_104 = arith.constant 0 : i32
      %dma_wait3A_105 = tpu.memref_slice %arg7[%add3A_103, %dma_wait3A_104] : memref<40x128xi32, #tpu.memory_space<vmem>> -> memref<1x128xi32, #tpu.memory_space<vmem>>
      %dma_wait3A_106 = tpu.memref_squeeze %dma_wait3A_105 : memref<1x128xi32, #tpu.memory_space<vmem>> -> memref<128xi32, #tpu.memory_space<vmem>>
      %dma_wait3A_107 = arith.constant 0 : i32
      %dma_wait3A_108 = arith.constant 0 : i32
      %dma_wait3A_109 = tpu.memref_slice %arg12[%dma_wait3A_107, %dma_wait3A_108] : memref<10000x64xf32, #tpu.memory_space<vmem_shared>> -> memref<10000x64xf32, #tpu.memory_space<vmem_shared>>
      tpu.wait_indirect_dma semaphore(%arg15 : memref<!tpu.dma_semaphore, #tpu.memory_space<semaphore_mem>>) src(%dma_wait3A_109 : memref<10000x64xf32, #tpu.memory_space<vmem_shared>>) dst(%arg11 : memref<128x64xf32, #tpu.memory_space<vmem>>)
      %parallel_loop3A_110 = arith.constant 0 : i32
      %parallel_loop3A_111 = arith.constant 8 : i32
      %parallel_loop3A_112 = arith.constant 1 : i32
      scf.for %parallel_loop3A_119 = %parallel_loop3A_110 to %parallel_loop3A_111 step %parallel_loop3A_112  : i32 {
        %parallel_loop3A_120 = arith.constant 16 : i32
        %parallel_loop3A_121 = arith.muli %parallel_loop3A_119, %parallel_loop3A_120 : i32
        %parallel_loop3A_122 = arith.index_cast %add3A_103 : i32 to index
        %parallel_loop3A_123 = arith.index_cast %parallel_loop3A_121 : i32 to index
        %parallel_loop3A_124 = tpu.vector_load %arg9[%parallel_loop3A_122, %parallel_loop3A_123] {strides = array<i32>} : memref<40x128xf32, #tpu.memory_space<vmem>>, vector<1x16xf32>,
        %parallel_loop3A_125 = vector.shape_cast %parallel_loop3A_124 : vector<1x16xf32> to vector<16xf32>
        %parallel_loop3A_126 = vector.extract_strided_slice %parallel_loop3A_125 {offsets = [0], sizes = [1], strides = [1]} : vector<16xf32> to vector<1xf32>
        %parallel_loop3A_127 = vector.extract %parallel_loop3A_126[0] : f32 from vector<1xf32>
        %parallel_loop3A_128 = arith.constant 16 : i32
        %parallel_loop3A_129 = arith.muli %parallel_loop3A_119, %parallel_loop3A_128 : i32
        %parallel_loop3A_130 = arith.constant 0 : i32
        %parallel_loop3A_131 = arith.addi %parallel_loop3A_129, %parallel_loop3A_130 : i32
        %parallel_loop3A_132 = arith.index_cast %parallel_loop3A_131 : i32 to index
        %parallel_loop3A_133 = arith.constant 0 : index
        %parallel_loop3A_134 = tpu.vector_load %arg11[%parallel_loop3A_132, %parallel_loop3A_133] {strides = array<i32>} : memref<128x64xf32, #tpu.memory_space<vmem>>, vector<1x16xf32>,
        %parallel_loop3A_135 = vector.shape_cast %parallel_loop3A_134 : vector<1x16xf32> to vector<16xf32>
        %parallel_loop3A_136 = vector.broadcast %parallel_loop3A_127 : f32 to vector<16xf32>
        %parallel_loop3A_137 = arith.mulf %parallel_loop3A_135, %parallel_loop3A_136 : vector<16xf32>
        %parallel_loop3A_138 = arith.index_cast %parallel_loop3A_131 : i32 to index
        %parallel_loop3A_139 = arith.constant 0 : index
        %parallel_loop3A_140 = tpu.vector_load %arg11[%parallel_loop3A_138, %parallel_loop3A_139] {strides = array<i32>} : memref<128x64xf32, #tpu.memory_space<vmem>>, vector<1x16xf32>,
        %parallel_loop3A_141 = vector.shape_cast %parallel_loop3A_140 : vector<1x16xf32> to vector<16xf32>
        %parallel_loop3A_142 = vector.shape_cast %parallel_loop3A_137 : vector<16xf32> to vector<1x16xf32>
        tpu.vector_store %arg11[%parallel_loop3A_138, %parallel_loop3A_139], %parallel_loop3A_142 {strides = array<i32>} : memref<128x64xf32, #tpu.memory_space<vmem>>, vector<1x16xf32>,
        %parallel_loop3A_143 = arith.index_cast %parallel_loop3A_131 : i32 to index
        %parallel_loop3A_144 = arith.constant 16 : index
        %parallel_loop3A_145 = tpu.vector_load %arg11[%parallel_loop3A_143, %parallel_loop3A_144] {strides = array<i32>} : memref<128x64xf32, #tpu.memory_space<vmem>>, vector<1x16xf32>,
        %parallel_loop3A_146 = vector.shape_cast %parallel_loop3A_145 : vector<1x16xf32> to vector<16xf32>
        %parallel_loop3A_147 = vector.broadcast %parallel_loop3A_127 : f32 to vector<16xf32>
        %parallel_loop3A_148 = arith.mulf %parallel_loop3A_146, %parallel_loop3A_147 : vector<16xf32>
        %parallel_loop3A_149 = arith.index_cast %parallel_loop3A_131 : i32 to index
        %parallel_loop3A_150 = arith.constant 16 : index
        %parallel_loop3A_151 = tpu.vector_load %arg11[%parallel_loop3A_149, %parallel_loop3A_150] {strides = array<i32>} : memref<128x64xf32, #tpu.memory_space<vmem>>, vector<1x16xf32>,
        %parallel_loop3A_152 = vector.shape_cast %parallel_loop3A_151 : vector<1x16xf32> to vector<16xf32>
        %parallel_loop3A_153 = vector.shape_cast %parallel_loop3A_148 : vector<16xf32> to vector<1x16xf32>
        tpu.vector_store %arg11[%parallel_loop3A_149, %parallel_loop3A_150], %parallel_loop3A_153 {strides = array<i32>} : memref<128x64xf32, #tpu.memory_space<vmem>>, vector<1x16xf32>,
        %parallel_loop3A_154 = arith.index_cast %parallel_loop3A_131 : i32 to index
        %parallel_loop3A_155 = arith.constant 32 : index
        %parallel_loop3A_156 = tpu.vector_load %arg11[%parallel_loop3A_154, %parallel_loop3A_155] {strides = array<i32>} : memref<128x64xf32, #tpu.memory_space<vmem>>, vector<1x16xf32>,
        %parallel_loop3A_157 = vector.shape_cast %parallel_loop3A_156 : vector<1x16xf32> to vector<16xf32>
        %parallel_loop3A_158 = vector.broadcast %parallel_loop3A_127 : f32 to vector<16xf32>
        %parallel_loop3A_159 = arith.mulf %parallel_loop3A_157, %parallel_loop3A_158 : vector<16xf32>
        %parallel_loop3A_160 = arith.index_cast %parallel_loop3A_131 : i32 to index
        %parallel_loop3A_161 = arith.constant 32 : index
        %parallel_loop3A_162 = tpu.vector_load %arg11[%parallel_loop3A_160, %parallel_loop3A_161] {strides = array<i32>} : memref<128x64xf32, #tpu.memory_space<vmem>>, vector<1x16xf32>,
        %parallel_loop3A_163 = vector.shape_cast %parallel_loop3A_162 : vector<1x16xf32> to vector<16xf32>
        %parallel_loop3A_164 = vector.shape_cast %parallel_loop3A_159 : vector<16xf32> to vector<1x16xf32>
        tpu.vector_store %arg11[%parallel_loop3A_160, %parallel_loop3A_161], %parallel_loop3A_164 {strides = array<i32>} : memref<128x64xf32, #tpu.memory_space<vmem>>, vector<1x16xf32>,
        %parallel_loop3A_165 = arith.index_cast %parallel_loop3A_131 : i32 to index
        %parallel_loop3A_166 = arith.constant 48 : index
        %parallel_loop3A_167 = tpu.vector_load %arg11[%parallel_loop3A_165, %parallel_loop3A_166] {strides = array<i32>} : memref<128x64xf32, #tpu.memory_space<vmem>>, vector<1x16xf32>,
        %parallel_loop3A_168 = vector.shape_cast %parallel_loop3A_167 : vector<1x16xf32> to vector<16xf32>
        %parallel_loop3A_169 = vector.broadcast %parallel_loop3A_127 : f32 to vector<16xf32>
        %parallel_loop3A_170 = arith.mulf %parallel_loop3A_168, %parallel_loop3A_169 : vector<16xf32>
        %parallel_loop3A_171 = arith.index_cast %parallel_loop3A_131 : i32 to index
        %parallel_loop3A_172 = arith.constant 48 : index
        %parallel_loop3A_173 = tpu.vector_load %arg11[%parallel_loop3A_171, %parallel_loop3A_172] {strides = array<i32>} : memref<128x64xf32, #tpu.memory_space<vmem>>, vector<1x16xf32>,
        %parallel_loop3A_174 = vector.shape_cast %parallel_loop3A_173 : vector<1x16xf32> to vector<16xf32>
        %parallel_loop3A_175 = vector.shape_cast %parallel_loop3A_170 : vector<16xf32> to vector<1x16xf32>
        tpu.vector_store %arg11[%parallel_loop3A_171, %parallel_loop3A_172], %parallel_loop3A_175 {strides = array<i32>} : memref<128x64xf32, #tpu.memory_space<vmem>>, vector<1x16xf32>,
        %parallel_loop3A_176 = vector.extract_strided_slice %parallel_loop3A_125 {offsets = [1], sizes = [1], strides = [1]} : vector<16xf32> to vector<1xf32>
        %parallel_loop3A_177 = vector.extract %parallel_loop3A_176[0] : f32 from vector<1xf32>
        %parallel_loop3A_178 = arith.constant 16 : i32
        %parallel_loop3A_179 = arith.muli %parallel_loop3A_119, %parallel_loop3A_178 : i32
        %parallel_loop3A_180 = arith.constant 1 : i32
        %parallel_loop3A_181 = arith.addi %parallel_loop3A_179, %parallel_loop3A_180 : i32
        %parallel_loop3A_182 = arith.index_cast %parallel_loop3A_181 : i32 to index
        %parallel_loop3A_183 = arith.constant 0 : index
        %parallel_loop3A_184 = tpu.vector_load %arg11[%parallel_loop3A_182, %parallel_loop3A_183] {strides = array<i32>} : memref<128x64xf32, #tpu.memory_space<vmem>>, vector<1x16xf32>,
        %parallel_loop3A_185 = vector.shape_cast %parallel_loop3A_184 : vector<1x16xf32> to vector<16xf32>
        %parallel_loop3A_186 = vector.broadcast %parallel_loop3A_177 : f32 to vector<16xf32>
        %parallel_loop3A_187 = arith.mulf %parallel_loop3A_185, %parallel_loop3A_186 : vector<16xf32>
        %parallel_loop3A_188 = arith.index_cast %parallel_loop3A_181 : i32 to index
        %parallel_loop3A_189 = arith.constant 0 : index
        %parallel_loop3A_190 = tpu.vector_load %arg11[%parallel_loop3A_188, %parallel_loop3A_189] {strides = array<i32>} : memref<128x64xf32, #tpu.memory_space<vmem>>, vector<1x16xf32>,
        %parallel_loop3A_191 = vector.shape_cast %parallel_loop3A_190 : vector<1x16xf32> to vector<16xf32>
        %parallel_loop3A_192 = vector.shape_cast %parallel_loop3A_187 : vector<16xf32> to vector<1x16xf32>
        tpu.vector_store %arg11[%parallel_loop3A_188, %parallel_loop3A_189], %parallel_loop3A_192 {strides = array<i32>} : memref<128x64xf32, #tpu.memory_space<vmem>>, vector<1x16xf32>,
        %parallel_loop3A_193 = arith.index_cast %parallel_loop3A_181 : i32 to index
        %parallel_loop3A_194 = arith.constant 16 : index
        %parallel_loop3A_195 = tpu.vector_load %arg11[%parallel_loop3A_193, %parallel_loop3A_194] {strides = array<i32>} : memref<128x64xf32, #tpu.memory_space<vmem>>, vector<1x16xf32>,
        %parallel_loop3A_196 = vector.shape_cast %parallel_loop3A_195 : vector<1x16xf32> to vector<16xf32>
        %parallel_loop3A_197 = vector.broadcast %parallel_loop3A_177 : f32 to vector<16xf32>
        %parallel_loop3A_198 = arith.mulf %parallel_loop3A_196, %parallel_loop3A_197 : vector<16xf32>
        %parallel_loop3A_199 = arith.index_cast %parallel_loop3A_181 : i32 to index
        %parallel_loop3A_200 = arith.constant 16 : index
        %parallel_loop3A_201 = tpu.vector_load %arg11[%parallel_loop3A_199, %parallel_loop3A_200] {strides = array<i32>} : memref<128x64xf32, #tpu.memory_space<vmem>>, vector<1x16xf32>,
        %parallel_loop3A_202 = vector.shape_cast %parallel_loop3A_201 : vector<1x16xf32> to vector<16xf32>
        %parallel_loop3A_203 = vector.shape_cast %parallel_loop3A_198 : vector<16xf32> to vector<1x16xf32>
        tpu.vector_store %arg11[%parallel_loop3A_199, %parallel_loop3A_200], %parallel_loop3A_203 {strides = array<i32>} : memref<128x64xf32, #tpu.memory_space<vmem>>, vector<1x16xf32>,
        %parallel_loop3A_204 = arith.index_cast %parallel_loop3A_181 : i32 to index
        %parallel_loop3A_205 = arith.constant 32 : index
        %parallel_loop3A_206 = tpu.vector_load %arg11[%parallel_loop3A_204, %parallel_loop3A_205] {strides = array<i32>} : memref<128x64xf32, #tpu.memory_space<vmem>>, vector<1x16xf32>,
        %parallel_loop3A_207 = vector.shape_cast %parallel_loop3A_206 : vector<1x16xf32> to vector<16xf32>
        %parallel_loop3A_208 = vector.broadcast %parallel_loop3A_177 : f32 to vector<16xf32>
        %parallel_loop3A_209 = arith.mulf %parallel_loop3A_207, %parallel_loop3A_208 : vector<16xf32>
        %parallel_loop3A_210 = arith.index_cast %parallel_loop3A_181 : i32 to index
        %parallel_loop3A_211 = arith.constant 32 : index
        %parallel_loop3A_212 = tpu.vector_load %arg11[%parallel_loop3A_210, %parallel_loop3A_211] {strides = array<i32>} : memref<128x64xf32, #tpu.memory_space<vmem>>, vector<1x16xf32>,
        %parallel_loop3A_213 = vector.shape_cast %parallel_loop3A_212 : vector<1x16xf32> to vector<16xf32>
        %parallel_loop3A_214 = vector.shape_cast %parallel_loop3A_209 : vector<16xf32> to vector<1x16xf32>
        tpu.vector_store %arg11[%parallel_loop3A_210, %parallel_loop3A_211], %parallel_loop3A_214 {strides = array<i32>} : memref<128x64xf32, #tpu.memory_space<vmem>>, vector<1x16xf32>,
        %parallel_loop3A_215 = arith.index_cast %parallel_loop3A_181 : i32 to index
        %parallel_loop3A_216 = arith.constant 48 : index
        %parallel_loop3A_217 = tpu.vector_load %arg11[%parallel_loop3A_215, %parallel_loop3A_216] {strides = array<i32>} : memref<128x64xf32, #tpu.memory_space<vmem>>, vector<1x16xf32>,
        %parallel_loop3A_218 = vector.shape_cast %parallel_loop3A_217 : vector<1x16xf32> to vector<16xf32>
        %parallel_loop3A_219 = vector.broadcast %parallel_loop3A_177 : f32 to vector<16xf32>
        %parallel_loop3A_220 = arith.mulf %parallel_loop3A_218, %parallel_loop3A_219 : vector<16xf32>
        %parallel_loop3A_221 = arith.index_cast %parallel_loop3A_181 : i32 to index
        %parallel_loop3A_222 = arith.constant 48 : index
        %parallel_loop3A_223 = tpu.vector_load %arg11[%parallel_loop3A_221, %parallel_loop3A_222] {strides = array<i32>} : memref<128x64xf32, #tpu.memory_space<vmem>>, vector<1x16xf32>,
        %parallel_loop3A_224 = vector.shape_cast %parallel_loop3A_223 : vector<1x16xf32> to vector<16xf32>
        %parallel_loop3A_225 = vector.shape_cast %parallel_loop3A_220 : vector<16xf32> to vector<1x16xf32>
        tpu.vector_store %arg11[%parallel_loop3A_221, %parallel_loop3A_222], %parallel_loop3A_225 {strides = array<i32>} : memref<128x64xf32, #tpu.memory_space<vmem>>, vector<1x16xf32>,
        %parallel_loop3A_226 = vector.extract_strided_slice %parallel_loop3A_125 {offsets = [2], sizes = [1], strides = [1]} : vector<16xf32> to vector<1xf32>
        %parallel_loop3A_227 = vector.extract %parallel_loop3A_226[0] : f32 from vector<1xf32>
        %parallel_loop3A_228 = arith.constant 16 : i32
        %parallel_loop3A_229 = arith.muli %parallel_loop3A_119, %parallel_loop3A_228 : i32
        %parallel_loop3A_230 = arith.constant 2 : i32
        %parallel_loop3A_231 = arith.addi %parallel_loop3A_229, %parallel_loop3A_230 : i32
        %parallel_loop3A_232 = arith.index_cast %parallel_loop3A_231 : i32 to index
        %parallel_loop3A_233 = arith.constant 0 : index
        %parallel_loop3A_234 = tpu.vector_load %arg11[%parallel_loop3A_232, %parallel_loop3A_233] {strides = array<i32>} : memref<128x64xf32, #tpu.memory_space<vmem>>, vector<1x16xf32>,
        %parallel_loop3A_235 = vector.shape_cast %parallel_loop3A_234 : vector<1x16xf32> to vector<16xf32>
        %parallel_loop3A_236 = vector.broadcast %parallel_loop3A_227 : f32 to vector<16xf32>
        %parallel_loop3A_237 = arith.mulf %parallel_loop3A_235, %parallel_loop3A_236 : vector<16xf32>
        %parallel_loop3A_238 = arith.index_cast %parallel_loop3A_231 : i32 to index
        %parallel_loop3A_239 = arith.constant 0 : index
        %parallel_loop3A_240 = tpu.vector_load %arg11[%parallel_loop3A_238, %parallel_loop3A_239] {strides = array<i32>} : memref<128x64xf32, #tpu.memory_space<vmem>>, vector<1x16xf32>,
        %parallel_loop3A_241 = vector.shape_cast %parallel_loop3A_240 : vector<1x16xf32> to vector<16xf32>
        %parallel_loop3A_242 = vector.shape_cast %parallel_loop3A_237 : vector<16xf32> to vector<1x16xf32>
        tpu.vector_store %arg11[%parallel_loop3A_238, %parallel_loop3A_239], %parallel_loop3A_242 {strides = array<i32>} : memref<128x64xf32, #tpu.memory_space<vmem>>, vector<1x16xf32>,
        %parallel_loop3A_243 = arith.index_cast %parallel_loop3A_231 : i32 to index
        %parallel_loop3A_244 = arith.constant 16 : index
        %parallel_loop3A_245 = tpu.vector_load %arg11[%parallel_loop3A_243, %parallel_loop3A_244] {strides = array<i32>} : memref<128x64xf32, #tpu.memory_space<vmem>>, vector<1x16xf32>,
        %parallel_loop3A_246 = vector.shape_cast %parallel_loop3A_245 : vector<1x16xf32> to vector<16xf32>
        %parallel_loop3A_247 = vector.broadcast %parallel_loop3A_227 : f32 to vector<16xf32>
        %parallel_loop3A_248 = arith.mulf %parallel_loop3A_246, %parallel_loop3A_247 : vector<16xf32>
        %parallel_loop3A_249 = arith.index_cast %parallel_loop3A_231 : i32 to index
        %parallel_loop3A_250 = arith.constant 16 : index
        %parallel_loop3A_251 = tpu.vector_load %arg11[%parallel_loop3A_249, %parallel_loop3A_250] {strides = array<i32>} : memref<128x64xf32, #tpu.memory_space<vmem>>, vector<1x16xf32>,
        %parallel_loop3A_252 = vector.shape_cast %parallel_loop3A_251 : vector<1x16xf32> to vector<16xf32>
        %parallel_loop3A_253 = vector.shape_cast %parallel_loop3A_248 : vector<16xf32> to vector<1x16xf32>
        tpu.vector_store %arg11[%parallel_loop3A_249, %parallel_loop3A_250], %parallel_loop3A_253 {strides = array<i32>} : memref<128x64xf32, #tpu.memory_space<vmem>>, vector<1x16xf32>,
        %parallel_loop3A_254 = arith.index_cast %parallel_loop3A_231 : i32 to index
        %parallel_loop3A_255 = arith.constant 32 : index
        %parallel_loop3A_256 = tpu.vector_load %arg11[%parallel_loop3A_254, %parallel_loop3A_255] {strides = array<i32>} : memref<128x64xf32, #tpu.memory_space<vmem>>, vector<1x16xf32>,
        %parallel_loop3A_257 = vector.shape_cast %parallel_loop3A_256 : vector<1x16xf32> to vector<16xf32>
        %parallel_loop3A_258 = vector.broadcast %parallel_loop3A_227 : f32 to vector<16xf32>
        %parallel_loop3A_259 = arith.mulf %parallel_loop3A_257, %parallel_loop3A_258 : vector<16xf32>
        %parallel_loop3A_260 = arith.index_cast %parallel_loop3A_231 : i32 to index
        %parallel_loop3A_261 = arith.constant 32 : index
        %parallel_loop3A_262 = tpu.vector_load %arg11[%parallel_loop3A_260, %parallel_loop3A_261] {strides = array<i32>} : memref<128x64xf32, #tpu.memory_space<vmem>>, vector<1x16xf32>,
        %parallel_loop3A_263 = vector.shape_cast %parallel_loop3A_262 : vector<1x16xf32> to vector<16xf32>
        %parallel_loop3A_264 = vector.shape_cast %parallel_loop3A_259 : vector<16xf32> to vector<1x16xf32>
        tpu.vector_store %arg11[%parallel_loop3A_260, %parallel_loop3A_261], %parallel_loop3A_264 {strides = array<i32>} : memref<128x64xf32, #tpu.memory_space<vmem>>, vector<1x16xf32>,
        %parallel_loop3A_265 = arith.index_cast %parallel_loop3A_231 : i32 to index
        %parallel_loop3A_266 = arith.constant 48 : index
        %parallel_loop3A_267 = tpu.vector_load %arg11[%parallel_loop3A_265, %parallel_loop3A_266] {strides = array<i32>} : memref<128x64xf32, #tpu.memory_space<vmem>>, vector<1x16xf32>,
        %parallel_loop3A_268 = vector.shape_cast %parallel_loop3A_267 : vector<1x16xf32> to vector<16xf32>
        %parallel_loop3A_269 = vector.broadcast %parallel_loop3A_227 : f32 to vector<16xf32>
        %parallel_loop3A_270 = arith.mulf %parallel_loop3A_268, %parallel_loop3A_269 : vector<16xf32>
        %parallel_loop3A_271 = arith.index_cast %parallel_loop3A_231 : i32 to index
        %parallel_loop3A_272 = arith.constant 48 : index
        %parallel_loop3A_273 = tpu.vector_load %arg11[%parallel_loop3A_271, %parallel_loop3A_272] {strides = array<i32>} : memref<128x64xf32, #tpu.memory_space<vmem>>, vector<1x16xf32>,
        %parallel_loop3A_274 = vector.shape_cast %parallel_loop3A_273 : vector<1x16xf32> to vector<16xf32>
        %parallel_loop3A_275 = vector.shape_cast %parallel_loop3A_270 : vector<16xf32> to vector<1x16xf32>
        tpu.vector_store %arg11[%parallel_loop3A_271, %parallel_loop3A_272], %parallel_loop3A_275 {strides = array<i32>} : memref<128x64xf32, #tpu.memory_space<vmem>>, vector<1x16xf32>,
        %parallel_loop3A_276 = vector.extract_strided_slice %parallel_loop3A_125 {offsets = [3], sizes = [1], strides = [1]} : vector<16xf32> to vector<1xf32>
        %parallel_loop3A_277 = vector.extract %parallel_loop3A_276[0] : f32 from vector<1xf32>
        %parallel_loop3A_278 = arith.constant 16 : i32
        %parallel_loop3A_279 = arith.muli %parallel_loop3A_119, %parallel_loop3A_278 : i32
        %parallel_loop3A_280 = arith.constant 3 : i32
        %parallel_loop3A_281 = arith.addi %parallel_loop3A_279, %parallel_loop3A_280 : i32
        %parallel_loop3A_282 = arith.index_cast %parallel_loop3A_281 : i32 to index
        %parallel_loop3A_283 = arith.constant 0 : index
        %parallel_loop3A_284 = tpu.vector_load %arg11[%parallel_loop3A_282, %parallel_loop3A_283] {strides = array<i32>} : memref<128x64xf32, #tpu.memory_space<vmem>>, vector<1x16xf32>,
        %parallel_loop3A_285 = vector.shape_cast %parallel_loop3A_284 : vector<1x16xf32> to vector<16xf32>
        %parallel_loop3A_286 = vector.broadcast %parallel_loop3A_277 : f32 to vector<16xf32>
        %parallel_loop3A_287 = arith.mulf %parallel_loop3A_285, %parallel_loop3A_286 : vector<16xf32>
        %parallel_loop3A_288 = arith.index_cast %parallel_loop3A_281 : i32 to index
        %parallel_loop3A_289 = arith.constant 0 : index
        %parallel_loop3A_290 = tpu.vector_load %arg11[%parallel_loop3A_288, %parallel_loop3A_289] {strides = array<i32>} : memref<128x64xf32, #tpu.memory_space<vmem>>, vector<1x16xf32>,
        %parallel_loop3A_291 = vector.shape_cast %parallel_loop3A_290 : vector<1x16xf32> to vector<16xf32>
        %parallel_loop3A_292 = vector.shape_cast %parallel_loop3A_287 : vector<16xf32> to vector<1x16xf32>
        tpu.vector_store %arg11[%parallel_loop3A_288, %parallel_loop3A_289], %parallel_loop3A_292 {strides = array<i32>} : memref<128x64xf32, #tpu.memory_space<vmem>>, vector<1x16xf32>,
        %parallel_loop3A_293 = arith.index_cast %parallel_loop3A_281 : i32 to index
        %parallel_loop3A_294 = arith.constant 16 : index
        %parallel_loop3A_295 = tpu.vector_load %arg11[%parallel_loop3A_293, %parallel_loop3A_294] {strides = array<i32>} : memref<128x64xf32, #tpu.memory_space<vmem>>, vector<1x16xf32>,
        %parallel_loop3A_296 = vector.shape_cast %parallel_loop3A_295 : vector<1x16xf32> to vector<16xf32>
        %parallel_loop3A_297 = vector.broadcast %parallel_loop3A_277 : f32 to vector<16xf32>
        %parallel_loop3A_298 = arith.mulf %parallel_loop3A_296, %parallel_loop3A_297 : vector<16xf32>
        %parallel_loop3A_299 = arith.index_cast %parallel_loop3A_281 : i32 to index
        %parallel_loop3A_300 = arith.constant 16 : index
        %parallel_loop3A_301 = tpu.vector_load %arg11[%parallel_loop3A_299, %parallel_loop3A_300] {strides = array<i32>} : memref<128x64xf32, #tpu.memory_space<vmem>>, vector<1x16xf32>,
        %parallel_loop3A_302 = vector.shape_cast %parallel_loop3A_301 : vector<1x16xf32> to vector<16xf32>
        %parallel_loop3A_303 = vector.shape_cast %parallel_loop3A_298 : vector<16xf32> to vector<1x16xf32>
        tpu.vector_store %arg11[%parallel_loop3A_299, %parallel_loop3A_300], %parallel_loop3A_303 {strides = array<i32>} : memref<128x64xf32, #tpu.memory_space<vmem>>, vector<1x16xf32>,
        %parallel_loop3A_304 = arith.index_cast %parallel_loop3A_281 : i32 to index
        %parallel_loop3A_305 = arith.constant 32 : index
        %parallel_loop3A_306 = tpu.vector_load %arg11[%parallel_loop3A_304, %parallel_loop3A_305] {strides = array<i32>} : memref<128x64xf32, #tpu.memory_space<vmem>>, vector<1x16xf32>,
        %parallel_loop3A_307 = vector.shape_cast %parallel_loop3A_306 : vector<1x16xf32> to vector<16xf32>
        %parallel_loop3A_308 = vector.broadcast %parallel_loop3A_277 : f32 to vector<16xf32>
        %parallel_loop3A_309 = arith.mulf %parallel_loop3A_307, %parallel_loop3A_308 : vector<16xf32>
        %parallel_loop3A_310 = arith.index_cast %parallel_loop3A_281 : i32 to index
        %parallel_loop3A_311 = arith.constant 32 : index
        %parallel_loop3A_312 = tpu.vector_load %arg11[%parallel_loop3A_310, %parallel_loop3A_311] {strides = array<i32>} : memref<128x64xf32, #tpu.memory_space<vmem>>, vector<1x16xf32>,
        %parallel_loop3A_313 = vector.shape_cast %parallel_loop3A_312 : vector<1x16xf32> to vector<16xf32>
        %parallel_loop3A_314 = vector.shape_cast %parallel_loop3A_309 : vector<16xf32> to vector<1x16xf32>
        tpu.vector_store %arg11[%parallel_loop3A_310, %parallel_loop3A_311], %parallel_loop3A_314 {strides = array<i32>} : memref<128x64xf32, #tpu.memory_space<vmem>>, vector<1x16xf32>,
        %parallel_loop3A_315 = arith.index_cast %parallel_loop3A_281 : i32 to index
        %parallel_loop3A_316 = arith.constant 48 : index
        %parallel_loop3A_317 = tpu.vector_load %arg11[%parallel_loop3A_315, %parallel_loop3A_316] {strides = array<i32>} : memref<128x64xf32, #tpu.memory_space<vmem>>, vector<1x16xf32>,
        %parallel_loop3A_318 = vector.shape_cast %parallel_loop3A_317 : vector<1x16xf32> to vector<16xf32>
        %parallel_loop3A_319 = vector.broadcast %parallel_loop3A_277 : f32 to vector<16xf32>
        %parallel_loop3A_320 = arith.mulf %parallel_loop3A_318, %parallel_loop3A_319 : vector<16xf32>
        %parallel_loop3A_321 = arith.index_cast %parallel_loop3A_281 : i32 to index
        %parallel_loop3A_322 = arith.constant 48 : index
        %parallel_loop3A_323 = tpu.vector_load %arg11[%parallel_loop3A_321, %parallel_loop3A_322] {strides = array<i32>} : memref<128x64xf32, #tpu.memory_space<vmem>>, vector<1x16xf32>,
        %parallel_loop3A_324 = vector.shape_cast %parallel_loop3A_323 : vector<1x16xf32> to vector<16xf32>
        %parallel_loop3A_325 = vector.shape_cast %parallel_loop3A_320 : vector<16xf32> to vector<1x16xf32>
        tpu.vector_store %arg11[%parallel_loop3A_321, %parallel_loop3A_322], %parallel_loop3A_325 {strides = array<i32>} : memref<128x64xf32, #tpu.memory_space<vmem>>, vector<1x16xf32>,
        %parallel_loop3A_326 = vector.extract_strided_slice %parallel_loop3A_125 {offsets = [4], sizes = [1], strides = [1]} : vector<16xf32> to vector<1xf32>
        %parallel_loop3A_327 = vector.extract %parallel_loop3A_326[0] : f32 from vector<1xf32>
        %parallel_loop3A_328 = arith.constant 16 : i32
        %parallel_loop3A_329 = arith.muli %parallel_loop3A_119, %parallel_loop3A_328 : i32
        %parallel_loop3A_330 = arith.constant 4 : i32
        %parallel_loop3A_331 = arith.addi %parallel_loop3A_329, %parallel_loop3A_330 : i32
        %parallel_loop3A_332 = arith.index_cast %parallel_loop3A_331 : i32 to index
        %parallel_loop3A_333 = arith.constant 0 : index
        %parallel_loop3A_334 = tpu.vector_load %arg11[%parallel_loop3A_332, %parallel_loop3A_333] {strides = array<i32>} : memref<128x64xf32, #tpu.memory_space<vmem>>, vector<1x16xf32>,
        %parallel_loop3A_335 = vector.shape_cast %parallel_loop3A_334 : vector<1x16xf32> to vector<16xf32>
        %parallel_loop3A_336 = vector.broadcast %parallel_loop3A_327 : f32 to vector<16xf32>
        %parallel_loop3A_337 = arith.mulf %parallel_loop3A_335, %parallel_loop3A_336 : vector<16xf32>
        %parallel_loop3A_338 = arith.index_cast %parallel_loop3A_331 : i32 to index
        %parallel_loop3A_339 = arith.constant 0 : index
        %parallel_loop3A_340 = tpu.vector_load %arg11[%parallel_loop3A_338, %parallel_loop3A_339] {strides = array<i32>} : memref<128x64xf32, #tpu.memory_space<vmem>>, vector<1x16xf32>,
        %parallel_loop3A_341 = vector.shape_cast %parallel_loop3A_340 : vector<1x16xf32> to vector<16xf32>
        %parallel_loop3A_342 = vector.shape_cast %parallel_loop3A_337 : vector<16xf32> to vector<1x16xf32>
        tpu.vector_store %arg11[%parallel_loop3A_338, %parallel_loop3A_339], %parallel_loop3A_342 {strides = array<i32>} : memref<128x64xf32, #tpu.memory_space<vmem>>, vector<1x16xf32>,
        %parallel_loop3A_343 = arith.index_cast %parallel_loop3A_331 : i32 to index
        %parallel_loop3A_344 = arith.constant 16 : index
        %parallel_loop3A_345 = tpu.vector_load %arg11[%parallel_loop3A_343, %parallel_loop3A_344] {strides = array<i32>} : memref<128x64xf32, #tpu.memory_space<vmem>>, vector<1x16xf32>,
        %parallel_loop3A_346 = vector.shape_cast %parallel_loop3A_345 : vector<1x16xf32> to vector<16xf32>
        %parallel_loop3A_347 = vector.broadcast %parallel_loop3A_327 : f32 to vector<16xf32>
        %parallel_loop3A_348 = arith.mulf %parallel_loop3A_346, %parallel_loop3A_347 : vector<16xf32>
        %parallel_loop3A_349 = arith.index_cast %parallel_loop3A_331 : i32 to index
        %parallel_loop3A_350 = arith.constant 16 : index
        %parallel_loop3A_351 = tpu.vector_load %arg11[%parallel_loop3A_349, %parallel_loop3A_350] {strides = array<i32>} : memref<128x64xf32, #tpu.memory_space<vmem>>, vector<1x16xf32>,
        %parallel_loop3A_352 = vector.shape_cast %parallel_loop3A_351 : vector<1x16xf32> to vector<16xf32>
        %parallel_loop3A_353 = vector.shape_cast %parallel_loop3A_348 : vector<16xf32> to vector<1x16xf32>
        tpu.vector_store %arg11[%parallel_loop3A_349, %parallel_loop3A_350], %parallel_loop3A_353 {strides = array<i32>} : memref<128x64xf32, #tpu.memory_space<vmem>>, vector<1x16xf32>,
        %parallel_loop3A_354 = arith.index_cast %parallel_loop3A_331 : i32 to index
        %parallel_loop3A_355 = arith.constant 32 : index
        %parallel_loop3A_356 = tpu.vector_load %arg11[%parallel_loop3A_354, %parallel_loop3A_355] {strides = array<i32>} : memref<128x64xf32, #tpu.memory_space<vmem>>, vector<1x16xf32>,
        %parallel_loop3A_357 = vector.shape_cast %parallel_loop3A_356 : vector<1x16xf32> to vector<16xf32>
        %parallel_loop3A_358 = vector.broadcast %parallel_loop3A_327 : f32 to vector<16xf32>
        %parallel_loop3A_359 = arith.mulf %parallel_loop3A_357, %parallel_loop3A_358 : vector<16xf32>
        %parallel_loop3A_360 = arith.index_cast %parallel_loop3A_331 : i32 to index
        %parallel_loop3A_361 = arith.constant 32 : index
        %parallel_loop3A_362 = tpu.vector_load %arg11[%parallel_loop3A_360, %parallel_loop3A_361] {strides = array<i32>} : memref<128x64xf32, #tpu.memory_space<vmem>>, vector<1x16xf32>,
        %parallel_loop3A_363 = vector.shape_cast %parallel_loop3A_362 : vector<1x16xf32> to vector<16xf32>
        %parallel_loop3A_364 = vector.shape_cast %parallel_loop3A_359 : vector<16xf32> to vector<1x16xf32>
        tpu.vector_store %arg11[%parallel_loop3A_360, %parallel_loop3A_361], %parallel_loop3A_364 {strides = array<i32>} : memref<128x64xf32, #tpu.memory_space<vmem>>, vector<1x16xf32>,
        %parallel_loop3A_365 = arith.index_cast %parallel_loop3A_331 : i32 to index
        %parallel_loop3A_366 = arith.constant 48 : index
        %parallel_loop3A_367 = tpu.vector_load %arg11[%parallel_loop3A_365, %parallel_loop3A_366] {strides = array<i32>} : memref<128x64xf32, #tpu.memory_space<vmem>>, vector<1x16xf32>,
        %parallel_loop3A_368 = vector.shape_cast %parallel_loop3A_367 : vector<1x16xf32> to vector<16xf32>
        %parallel_loop3A_369 = vector.broadcast %parallel_loop3A_327 : f32 to vector<16xf32>
        %parallel_loop3A_370 = arith.mulf %parallel_loop3A_368, %parallel_loop3A_369 : vector<16xf32>
        %parallel_loop3A_371 = arith.index_cast %parallel_loop3A_331 : i32 to index
        %parallel_loop3A_372 = arith.constant 48 : index
        %parallel_loop3A_373 = tpu.vector_load %arg11[%parallel_loop3A_371, %parallel_loop3A_372] {strides = array<i32>} : memref<128x64xf32, #tpu.memory_space<vmem>>, vector<1x16xf32>,
        %parallel_loop3A_374 = vector.shape_cast %parallel_loop3A_373 : vector<1x16xf32> to vector<16xf32>
        %parallel_loop3A_375 = vector.shape_cast %parallel_loop3A_370 : vector<16xf32> to vector<1x16xf32>
        tpu.vector_store %arg11[%parallel_loop3A_371, %parallel_loop3A_372], %parallel_loop3A_375 {strides = array<i32>} : memref<128x64xf32, #tpu.memory_space<vmem>>, vector<1x16xf32>,
        %parallel_loop3A_376 = vector.extract_strided_slice %parallel_loop3A_125 {offsets = [5], sizes = [1], strides = [1]} : vector<16xf32> to vector<1xf32>
        %parallel_loop3A_377 = vector.extract %parallel_loop3A_376[0] : f32 from vector<1xf32>
        %parallel_loop3A_378 = arith.constant 16 : i32
        %parallel_loop3A_379 = arith.muli %parallel_loop3A_119, %parallel_loop3A_378 : i32
        %parallel_loop3A_380 = arith.constant 5 : i32
        %parallel_loop3A_381 = arith.addi %parallel_loop3A_379, %parallel_loop3A_380 : i32
        %parallel_loop3A_382 = arith.index_cast %parallel_loop3A_381 : i32 to index
        %parallel_loop3A_383 = arith.constant 0 : index
        %parallel_loop3A_384 = tpu.vector_load %arg11[%parallel_loop3A_382, %parallel_loop3A_383] {strides = array<i32>} : memref<128x64xf32, #tpu.memory_space<vmem>>, vector<1x16xf32>,
        %parallel_loop3A_385 = vector.shape_cast %parallel_loop3A_384 : vector<1x16xf32> to vector<16xf32>
        %parallel_loop3A_386 = vector.broadcast %parallel_loop3A_377 : f32 to vector<16xf32>
        %parallel_loop3A_387 = arith.mulf %parallel_loop3A_385, %parallel_loop3A_386 : vector<16xf32>
        %parallel_loop3A_388 = arith.index_cast %parallel_loop3A_381 : i32 to index
        %parallel_loop3A_389 = arith.constant 0 : index
        %parallel_loop3A_390 = tpu.vector_load %arg11[%parallel_loop3A_388, %parallel_loop3A_389] {strides = array<i32>} : memref<128x64xf32, #tpu.memory_space<vmem>>, vector<1x16xf32>,
        %parallel_loop3A_391 = vector.shape_cast %parallel_loop3A_390 : vector<1x16xf32> to vector<16xf32>
        %parallel_loop3A_392 = vector.shape_cast %parallel_loop3A_387 : vector<16xf32> to vector<1x16xf32>
        tpu.vector_store %arg11[%parallel_loop3A_388, %parallel_loop3A_389], %parallel_loop3A_392 {strides = array<i32>} : memref<128x64xf32, #tpu.memory_space<vmem>>, vector<1x16xf32>,
        %parallel_loop3A_393 = arith.index_cast %parallel_loop3A_381 : i32 to index
        %parallel_loop3A_394 = arith.constant 16 : index
        %parallel_loop3A_395 = tpu.vector_load %arg11[%parallel_loop3A_393, %parallel_loop3A_394] {strides = array<i32>} : memref<128x64xf32, #tpu.memory_space<vmem>>, vector<1x16xf32>,
        %parallel_loop3A_396 = vector.shape_cast %parallel_loop3A_395 : vector<1x16xf32> to vector<16xf32>
        %parallel_loop3A_397 = vector.broadcast %parallel_loop3A_377 : f32 to vector<16xf32>
        %parallel_loop3A_398 = arith.mulf %parallel_loop3A_396, %parallel_loop3A_397 : vector<16xf32>
        %parallel_loop3A_399 = arith.index_cast %parallel_loop3A_381 : i32 to index
        %parallel_loop3A_400 = arith.constant 16 : index
        %parallel_loop3A_401 = tpu.vector_load %arg11[%parallel_loop3A_399, %parallel_loop3A_400] {strides = array<i32>} : memref<128x64xf32, #tpu.memory_space<vmem>>, vector<1x16xf32>,
        %parallel_loop3A_402 = vector.shape_cast %parallel_loop3A_401 : vector<1x16xf32> to vector<16xf32>
        %parallel_loop3A_403 = vector.shape_cast %parallel_loop3A_398 : vector<16xf32> to vector<1x16xf32>
        tpu.vector_store %arg11[%parallel_loop3A_399, %parallel_loop3A_400], %parallel_loop3A_403 {strides = array<i32>} : memref<128x64xf32, #tpu.memory_space<vmem>>, vector<1x16xf32>,
        %parallel_loop3A_404 = arith.index_cast %parallel_loop3A_381 : i32 to index
        %parallel_loop3A_405 = arith.constant 32 : index
        %parallel_loop3A_406 = tpu.vector_load %arg11[%parallel_loop3A_404, %parallel_loop3A_405] {strides = array<i32>} : memref<128x64xf32, #tpu.memory_space<vmem>>, vector<1x16xf32>,
        %parallel_loop3A_407 = vector.shape_cast %parallel_loop3A_406 : vector<1x16xf32> to vector<16xf32>
        %parallel_loop3A_408 = vector.broadcast %parallel_loop3A_377 : f32 to vector<16xf32>
        %parallel_loop3A_409 = arith.mulf %parallel_loop3A_407, %parallel_loop3A_408 : vector<16xf32>
        %parallel_loop3A_410 = arith.index_cast %parallel_loop3A_381 : i32 to index
        %parallel_loop3A_411 = arith.constant 32 : index
        %parallel_loop3A_412 = tpu.vector_load %arg11[%parallel_loop3A_410, %parallel_loop3A_411] {strides = array<i32>} : memref<128x64xf32, #tpu.memory_space<vmem>>, vector<1x16xf32>,
        %parallel_loop3A_413 = vector.shape_cast %parallel_loop3A_412 : vector<1x16xf32> to vector<16xf32>
        %parallel_loop3A_414 = vector.shape_cast %parallel_loop3A_409 : vector<16xf32> to vector<1x16xf32>
        tpu.vector_store %arg11[%parallel_loop3A_410, %parallel_loop3A_411], %parallel_loop3A_414 {strides = array<i32>} : memref<128x64xf32, #tpu.memory_space<vmem>>, vector<1x16xf32>,
        %parallel_loop3A_415 = arith.index_cast %parallel_loop3A_381 : i32 to index
        %parallel_loop3A_416 = arith.constant 48 : index
        %parallel_loop3A_417 = tpu.vector_load %arg11[%parallel_loop3A_415, %parallel_loop3A_416] {strides = array<i32>} : memref<128x64xf32, #tpu.memory_space<vmem>>, vector<1x16xf32>,
        %parallel_loop3A_418 = vector.shape_cast %parallel_loop3A_417 : vector<1x16xf32> to vector<16xf32>
        %parallel_loop3A_419 = vector.broadcast %parallel_loop3A_377 : f32 to vector<16xf32>
        %parallel_loop3A_420 = arith.mulf %parallel_loop3A_418, %parallel_loop3A_419 : vector<16xf32>
        %parallel_loop3A_421 = arith.index_cast %parallel_loop3A_381 : i32 to index
        %parallel_loop3A_422 = arith.constant 48 : index
        %parallel_loop3A_423 = tpu.vector_load %arg11[%parallel_loop3A_421, %parallel_loop3A_422] {strides = array<i32>} : memref<128x64xf32, #tpu.memory_space<vmem>>, vector<1x16xf32>,
        %parallel_loop3A_424 = vector.shape_cast %parallel_loop3A_423 : vector<1x16xf32> to vector<16xf32>
        %parallel_loop3A_425 = vector.shape_cast %parallel_loop3A_420 : vector<16xf32> to vector<1x16xf32>
        tpu.vector_store %arg11[%parallel_loop3A_421, %parallel_loop3A_422], %parallel_loop3A_425 {strides = array<i32>} : memref<128x64xf32, #tpu.memory_space<vmem>>, vector<1x16xf32>,
        %parallel_loop3A_426 = vector.extract_strided_slice %parallel_loop3A_125 {offsets = [6], sizes = [1], strides = [1]} : vector<16xf32> to vector<1xf32>
        %parallel_loop3A_427 = vector.extract %parallel_loop3A_426[0] : f32 from vector<1xf32>
        %parallel_loop3A_428 = arith.constant 16 : i32
        %parallel_loop3A_429 = arith.muli %parallel_loop3A_119, %parallel_loop3A_428 : i32
        %parallel_loop3A_430 = arith.constant 6 : i32
        %parallel_loop3A_431 = arith.addi %parallel_loop3A_429, %parallel_loop3A_430 : i32
        %parallel_loop3A_432 = arith.index_cast %parallel_loop3A_431 : i32 to index
        %parallel_loop3A_433 = arith.constant 0 : index
        %parallel_loop3A_434 = tpu.vector_load %arg11[%parallel_loop3A_432, %parallel_loop3A_433] {strides = array<i32>} : memref<128x64xf32, #tpu.memory_space<vmem>>, vector<1x16xf32>,
        %parallel_loop3A_435 = vector.shape_cast %parallel_loop3A_434 : vector<1x16xf32> to vector<16xf32>
        %parallel_loop3A_436 = vector.broadcast %parallel_loop3A_427 : f32 to vector<16xf32>
        %parallel_loop3A_437 = arith.mulf %parallel_loop3A_435, %parallel_loop3A_436 : vector<16xf32>
        %parallel_loop3A_438 = arith.index_cast %parallel_loop3A_431 : i32 to index
        %parallel_loop3A_439 = arith.constant 0 : index
        %parallel_loop3A_440 = tpu.vector_load %arg11[%parallel_loop3A_438, %parallel_loop3A_439] {strides = array<i32>} : memref<128x64xf32, #tpu.memory_space<vmem>>, vector<1x16xf32>,
        %parallel_loop3A_441 = vector.shape_cast %parallel_loop3A_440 : vector<1x16xf32> to vector<16xf32>
        %parallel_loop3A_442 = vector.shape_cast %parallel_loop3A_437 : vector<16xf32> to vector<1x16xf32>
        tpu.vector_store %arg11[%parallel_loop3A_438, %parallel_loop3A_439], %parallel_loop3A_442 {strides = array<i32>} : memref<128x64xf32, #tpu.memory_space<vmem>>, vector<1x16xf32>,
        %parallel_loop3A_443 = arith.index_cast %parallel_loop3A_431 : i32 to index
        %parallel_loop3A_444 = arith.constant 16 : index
        %parallel_loop3A_445 = tpu.vector_load %arg11[%parallel_loop3A_443, %parallel_loop3A_444] {strides = array<i32>} : memref<128x64xf32, #tpu.memory_space<vmem>>, vector<1x16xf32>,
        %parallel_loop3A_446 = vector.shape_cast %parallel_loop3A_445 : vector<1x16xf32> to vector<16xf32>
        %parallel_loop3A_447 = vector.broadcast %parallel_loop3A_427 : f32 to vector<16xf32>
        %parallel_loop3A_448 = arith.mulf %parallel_loop3A_446, %parallel_loop3A_447 : vector<16xf32>
        %parallel_loop3A_449 = arith.index_cast %parallel_loop3A_431 : i32 to index
        %parallel_loop3A_450 = arith.constant 16 : index
        %parallel_loop3A_451 = tpu.vector_load %arg11[%parallel_loop3A_449, %parallel_loop3A_450] {strides = array<i32>} : memref<128x64xf32, #tpu.memory_space<vmem>>, vector<1x16xf32>,
        %parallel_loop3A_452 = vector.shape_cast %parallel_loop3A_451 : vector<1x16xf32> to vector<16xf32>
        %parallel_loop3A_453 = vector.shape_cast %parallel_loop3A_448 : vector<16xf32> to vector<1x16xf32>
        tpu.vector_store %arg11[%parallel_loop3A_449, %parallel_loop3A_450], %parallel_loop3A_453 {strides = array<i32>} : memref<128x64xf32, #tpu.memory_space<vmem>>, vector<1x16xf32>,
        %parallel_loop3A_454 = arith.index_cast %parallel_loop3A_431 : i32 to index
        %parallel_loop3A_455 = arith.constant 32 : index
        %parallel_loop3A_456 = tpu.vector_load %arg11[%parallel_loop3A_454, %parallel_loop3A_455] {strides = array<i32>} : memref<128x64xf32, #tpu.memory_space<vmem>>, vector<1x16xf32>,
        %parallel_loop3A_457 = vector.shape_cast %parallel_loop3A_456 : vector<1x16xf32> to vector<16xf32>
        %parallel_loop3A_458 = vector.broadcast %parallel_loop3A_427 : f32 to vector<16xf32>
        %parallel_loop3A_459 = arith.mulf %parallel_loop3A_457, %parallel_loop3A_458 : vector<16xf32>
        %parallel_loop3A_460 = arith.index_cast %parallel_loop3A_431 : i32 to index
        %parallel_loop3A_461 = arith.constant 32 : index
        %parallel_loop3A_462 = tpu.vector_load %arg11[%parallel_loop3A_460, %parallel_loop3A_461] {strides = array<i32>} : memref<128x64xf32, #tpu.memory_space<vmem>>, vector<1x16xf32>,
        %parallel_loop3A_463 = vector.shape_cast %parallel_loop3A_462 : vector<1x16xf32> to vector<16xf32>
        %parallel_loop3A_464 = vector.shape_cast %parallel_loop3A_459 : vector<16xf32> to vector<1x16xf32>
        tpu.vector_store %arg11[%parallel_loop3A_460, %parallel_loop3A_461], %parallel_loop3A_464 {strides = array<i32>} : memref<128x64xf32, #tpu.memory_space<vmem>>, vector<1x16xf32>,
        %parallel_loop3A_465 = arith.index_cast %parallel_loop3A_431 : i32 to index
        %parallel_loop3A_466 = arith.constant 48 : index
        %parallel_loop3A_467 = tpu.vector_load %arg11[%parallel_loop3A_465, %parallel_loop3A_466] {strides = array<i32>} : memref<128x64xf32, #tpu.memory_space<vmem>>, vector<1x16xf32>,
        %parallel_loop3A_468 = vector.shape_cast %parallel_loop3A_467 : vector<1x16xf32> to vector<16xf32>
        %parallel_loop3A_469 = vector.broadcast %parallel_loop3A_427 : f32 to vector<16xf32>
        %parallel_loop3A_470 = arith.mulf %parallel_loop3A_468, %parallel_loop3A_469 : vector<16xf32>
        %parallel_loop3A_471 = arith.index_cast %parallel_loop3A_431 : i32 to index
        %parallel_loop3A_472 = arith.constant 48 : index
        %parallel_loop3A_473 = tpu.vector_load %arg11[%parallel_loop3A_471, %parallel_loop3A_472] {strides = array<i32>} : memref<128x64xf32, #tpu.memory_space<vmem>>, vector<1x16xf32>,
        %parallel_loop3A_474 = vector.shape_cast %parallel_loop3A_473 : vector<1x16xf32> to vector<16xf32>
        %parallel_loop3A_475 = vector.shape_cast %parallel_loop3A_470 : vector<16xf32> to vector<1x16xf32>
        tpu.vector_store %arg11[%parallel_loop3A_471, %parallel_loop3A_472], %parallel_loop3A_475 {strides = array<i32>} : memref<128x64xf32, #tpu.memory_space<vmem>>, vector<1x16xf32>,
        %parallel_loop3A_476 = vector.extract_strided_slice %parallel_loop3A_125 {offsets = [7], sizes = [1], strides = [1]} : vector<16xf32> to vector<1xf32>
        %parallel_loop3A_477 = vector.extract %parallel_loop3A_476[0] : f32 from vector<1xf32>
        %parallel_loop3A_478 = arith.constant 16 : i32
        %parallel_loop3A_479 = arith.muli %parallel_loop3A_119, %parallel_loop3A_478 : i32
        %parallel_loop3A_480 = arith.constant 7 : i32
        %parallel_loop3A_481 = arith.addi %parallel_loop3A_479, %parallel_loop3A_480 : i32
        %parallel_loop3A_482 = arith.index_cast %parallel_loop3A_481 : i32 to index
        %parallel_loop3A_483 = arith.constant 0 : index
        %parallel_loop3A_484 = tpu.vector_load %arg11[%parallel_loop3A_482, %parallel_loop3A_483] {strides = array<i32>} : memref<128x64xf32, #tpu.memory_space<vmem>>, vector<1x16xf32>,
        %parallel_loop3A_485 = vector.shape_cast %parallel_loop3A_484 : vector<1x16xf32> to vector<16xf32>
        %parallel_loop3A_486 = vector.broadcast %parallel_loop3A_477 : f32 to vector<16xf32>
        %parallel_loop3A_487 = arith.mulf %parallel_loop3A_485, %parallel_loop3A_486 : vector<16xf32>
        %parallel_loop3A_488 = arith.index_cast %parallel_loop3A_481 : i32 to index
        %parallel_loop3A_489 = arith.constant 0 : index
        %parallel_loop3A_490 = tpu.vector_load %arg11[%parallel_loop3A_488, %parallel_loop3A_489] {strides = array<i32>} : memref<128x64xf32, #tpu.memory_space<vmem>>, vector<1x16xf32>,
        %parallel_loop3A_491 = vector.shape_cast %parallel_loop3A_490 : vector<1x16xf32> to vector<16xf32>
        %parallel_loop3A_492 = vector.shape_cast %parallel_loop3A_487 : vector<16xf32> to vector<1x16xf32>
        tpu.vector_store %arg11[%parallel_loop3A_488, %parallel_loop3A_489], %parallel_loop3A_492 {strides = array<i32>} : memref<128x64xf32, #tpu.memory_space<vmem>>, vector<1x16xf32>,
        %parallel_loop3A_493 = arith.index_cast %parallel_loop3A_481 : i32 to index
        %parallel_loop3A_494 = arith.constant 16 : index
        %parallel_loop3A_495 = tpu.vector_load %arg11[%parallel_loop3A_493, %parallel_loop3A_494] {strides = array<i32>} : memref<128x64xf32, #tpu.memory_space<vmem>>, vector<1x16xf32>,
        %parallel_loop3A_496 = vector.shape_cast %parallel_loop3A_495 : vector<1x16xf32> to vector<16xf32>
        %parallel_loop3A_497 = vector.broadcast %parallel_loop3A_477 : f32 to vector<16xf32>
        %parallel_loop3A_498 = arith.mulf %parallel_loop3A_496, %parallel_loop3A_497 : vector<16xf32>
        %parallel_loop3A_499 = arith.index_cast %parallel_loop3A_481 : i32 to index
        %parallel_loop3A_500 = arith.constant 16 : index
        %parallel_loop3A_501 = tpu.vector_load %arg11[%parallel_loop3A_499, %parallel_loop3A_500] {strides = array<i32>} : memref<128x64xf32, #tpu.memory_space<vmem>>, vector<1x16xf32>,
        %parallel_loop3A_502 = vector.shape_cast %parallel_loop3A_501 : vector<1x16xf32> to vector<16xf32>
        %parallel_loop3A_503 = vector.shape_cast %parallel_loop3A_498 : vector<16xf32> to vector<1x16xf32>
        tpu.vector_store %arg11[%parallel_loop3A_499, %parallel_loop3A_500], %parallel_loop3A_503 {strides = array<i32>} : memref<128x64xf32, #tpu.memory_space<vmem>>, vector<1x16xf32>,
        %parallel_loop3A_504 = arith.index_cast %parallel_loop3A_481 : i32 to index
        %parallel_loop3A_505 = arith.constant 32 : index
        %parallel_loop3A_506 = tpu.vector_load %arg11[%parallel_loop3A_504, %parallel_loop3A_505] {strides = array<i32>} : memref<128x64xf32, #tpu.memory_space<vmem>>, vector<1x16xf32>,
        %parallel_loop3A_507 = vector.shape_cast %parallel_loop3A_506 : vector<1x16xf32> to vector<16xf32>
        %parallel_loop3A_508 = vector.broadcast %parallel_loop3A_477 : f32 to vector<16xf32>
        %parallel_loop3A_509 = arith.mulf %parallel_loop3A_507, %parallel_loop3A_508 : vector<16xf32>
        %parallel_loop3A_510 = arith.index_cast %parallel_loop3A_481 : i32 to index
        %parallel_loop3A_511 = arith.constant 32 : index
        %parallel_loop3A_512 = tpu.vector_load %arg11[%parallel_loop3A_510, %parallel_loop3A_511] {strides = array<i32>} : memref<128x64xf32, #tpu.memory_space<vmem>>, vector<1x16xf32>,
        %parallel_loop3A_513 = vector.shape_cast %parallel_loop3A_512 : vector<1x16xf32> to vector<16xf32>
        %parallel_loop3A_514 = vector.shape_cast %parallel_loop3A_509 : vector<16xf32> to vector<1x16xf32>
        tpu.vector_store %arg11[%parallel_loop3A_510, %parallel_loop3A_511], %parallel_loop3A_514 {strides = array<i32>} : memref<128x64xf32, #tpu.memory_space<vmem>>, vector<1x16xf32>,
        %parallel_loop3A_515 = arith.index_cast %parallel_loop3A_481 : i32 to index
        %parallel_loop3A_516 = arith.constant 48 : index
        %parallel_loop3A_517 = tpu.vector_load %arg11[%parallel_loop3A_515, %parallel_loop3A_516] {strides = array<i32>} : memref<128x64xf32, #tpu.memory_space<vmem>>, vector<1x16xf32>,
        %parallel_loop3A_518 = vector.shape_cast %parallel_loop3A_517 : vector<1x16xf32> to vector<16xf32>
        %parallel_loop3A_519 = vector.broadcast %parallel_loop3A_477 : f32 to vector<16xf32>
        %parallel_loop3A_520 = arith.mulf %parallel_loop3A_518, %parallel_loop3A_519 : vector<16xf32>
        %parallel_loop3A_521 = arith.index_cast %parallel_loop3A_481 : i32 to index
        %parallel_loop3A_522 = arith.constant 48 : index
        %parallel_loop3A_523 = tpu.vector_load %arg11[%parallel_loop3A_521, %parallel_loop3A_522] {strides = array<i32>} : memref<128x64xf32, #tpu.memory_space<vmem>>, vector<1x16xf32>,
        %parallel_loop3A_524 = vector.shape_cast %parallel_loop3A_523 : vector<1x16xf32> to vector<16xf32>
        %parallel_loop3A_525 = vector.shape_cast %parallel_loop3A_520 : vector<16xf32> to vector<1x16xf32>
        tpu.vector_store %arg11[%parallel_loop3A_521, %parallel_loop3A_522], %parallel_loop3A_525 {strides = array<i32>} : memref<128x64xf32, #tpu.memory_space<vmem>>, vector<1x16xf32>,
        %parallel_loop3A_526 = vector.extract_strided_slice %parallel_loop3A_125 {offsets = [8], sizes = [1], strides = [1]} : vector<16xf32> to vector<1xf32>
        %parallel_loop3A_527 = vector.extract %parallel_loop3A_526[0] : f32 from vector<1xf32>
        %parallel_loop3A_528 = arith.constant 16 : i32
        %parallel_loop3A_529 = arith.muli %parallel_loop3A_119, %parallel_loop3A_528 : i32
        %parallel_loop3A_530 = arith.constant 8 : i32
        %parallel_loop3A_531 = arith.addi %parallel_loop3A_529, %parallel_loop3A_530 : i32
        %parallel_loop3A_532 = arith.index_cast %parallel_loop3A_531 : i32 to index
        %parallel_loop3A_533 = arith.constant 0 : index
        %parallel_loop3A_534 = tpu.vector_load %arg11[%parallel_loop3A_532, %parallel_loop3A_533] {strides = array<i32>} : memref<128x64xf32, #tpu.memory_space<vmem>>, vector<1x16xf32>,
        %parallel_loop3A_535 = vector.shape_cast %parallel_loop3A_534 : vector<1x16xf32> to vector<16xf32>
        %parallel_loop3A_536 = vector.broadcast %parallel_loop3A_527 : f32 to vector<16xf32>
        %parallel_loop3A_537 = arith.mulf %parallel_loop3A_535, %parallel_loop3A_536 : vector<16xf32>
        %parallel_loop3A_538 = arith.index_cast %parallel_loop3A_531 : i32 to index
        %parallel_loop3A_539 = arith.constant 0 : index
        %parallel_loop3A_540 = tpu.vector_load %arg11[%parallel_loop3A_538, %parallel_loop3A_539] {strides = array<i32>} : memref<128x64xf32, #tpu.memory_space<vmem>>, vector<1x16xf32>,
        %parallel_loop3A_541 = vector.shape_cast %parallel_loop3A_540 : vector<1x16xf32> to vector<16xf32>
        %parallel_loop3A_542 = vector.shape_cast %parallel_loop3A_537 : vector<16xf32> to vector<1x16xf32>
        tpu.vector_store %arg11[%parallel_loop3A_538, %parallel_loop3A_539], %parallel_loop3A_542 {strides = array<i32>} : memref<128x64xf32, #tpu.memory_space<vmem>>, vector<1x16xf32>,
        %parallel_loop3A_543 = arith.index_cast %parallel_loop3A_531 : i32 to index
        %parallel_loop3A_544 = arith.constant 16 : index
        %parallel_loop3A_545 = tpu.vector_load %arg11[%parallel_loop3A_543, %parallel_loop3A_544] {strides = array<i32>} : memref<128x64xf32, #tpu.memory_space<vmem>>, vector<1x16xf32>,
        %parallel_loop3A_546 = vector.shape_cast %parallel_loop3A_545 : vector<1x16xf32> to vector<16xf32>
        %parallel_loop3A_547 = vector.broadcast %parallel_loop3A_527 : f32 to vector<16xf32>
        %parallel_loop3A_548 = arith.mulf %parallel_loop3A_546, %parallel_loop3A_547 : vector<16xf32>
        %parallel_loop3A_549 = arith.index_cast %parallel_loop3A_531 : i32 to index
        %parallel_loop3A_550 = arith.constant 16 : index
        %parallel_loop3A_551 = tpu.vector_load %arg11[%parallel_loop3A_549, %parallel_loop3A_550] {strides = array<i32>} : memref<128x64xf32, #tpu.memory_space<vmem>>, vector<1x16xf32>,
        %parallel_loop3A_552 = vector.shape_cast %parallel_loop3A_551 : vector<1x16xf32> to vector<16xf32>
        %parallel_loop3A_553 = vector.shape_cast %parallel_loop3A_548 : vector<16xf32> to vector<1x16xf32>
        tpu.vector_store %arg11[%parallel_loop3A_549, %parallel_loop3A_550], %parallel_loop3A_553 {strides = array<i32>} : memref<128x64xf32, #tpu.memory_space<vmem>>, vector<1x16xf32>,
        %parallel_loop3A_554 = arith.index_cast %parallel_loop3A_531 : i32 to index
        %parallel_loop3A_555 = arith.constant 32 : index
        %parallel_loop3A_556 = tpu.vector_load %arg11[%parallel_loop3A_554, %parallel_loop3A_555] {strides = array<i32>} : memref<128x64xf32, #tpu.memory_space<vmem>>, vector<1x16xf32>,
        %parallel_loop3A_557 = vector.shape_cast %parallel_loop3A_556 : vector<1x16xf32> to vector<16xf32>
        %parallel_loop3A_558 = vector.broadcast %parallel_loop3A_527 : f32 to vector<16xf32>
        %parallel_loop3A_559 = arith.mulf %parallel_loop3A_557, %parallel_loop3A_558 : vector<16xf32>
        %parallel_loop3A_560 = arith.index_cast %parallel_loop3A_531 : i32 to index
        %parallel_loop3A_561 = arith.constant 32 : index
        %parallel_loop3A_562 = tpu.vector_load %arg11[%parallel_loop3A_560, %parallel_loop3A_561] {strides = array<i32>} : memref<128x64xf32, #tpu.memory_space<vmem>>, vector<1x16xf32>,
        %parallel_loop3A_563 = vector.shape_cast %parallel_loop3A_562 : vector<1x16xf32> to vector<16xf32>
        %parallel_loop3A_564 = vector.shape_cast %parallel_loop3A_559 : vector<16xf32> to vector<1x16xf32>
        tpu.vector_store %arg11[%parallel_loop3A_560, %parallel_loop3A_561], %parallel_loop3A_564 {strides = array<i32>} : memref<128x64xf32, #tpu.memory_space<vmem>>, vector<1x16xf32>,
        %parallel_loop3A_565 = arith.index_cast %parallel_loop3A_531 : i32 to index
        %parallel_loop3A_566 = arith.constant 48 : index
        %parallel_loop3A_567 = tpu.vector_load %arg11[%parallel_loop3A_565, %parallel_loop3A_566] {strides = array<i32>} : memref<128x64xf32, #tpu.memory_space<vmem>>, vector<1x16xf32>,
        %parallel_loop3A_568 = vector.shape_cast %parallel_loop3A_567 : vector<1x16xf32> to vector<16xf32>
        %parallel_loop3A_569 = vector.broadcast %parallel_loop3A_527 : f32 to vector<16xf32>
        %parallel_loop3A_570 = arith.mulf %parallel_loop3A_568, %parallel_loop3A_569 : vector<16xf32>
        %parallel_loop3A_571 = arith.index_cast %parallel_loop3A_531 : i32 to index
        %parallel_loop3A_572 = arith.constant 48 : index
        %parallel_loop3A_573 = tpu.vector_load %arg11[%parallel_loop3A_571, %parallel_loop3A_572] {strides = array<i32>} : memref<128x64xf32, #tpu.memory_space<vmem>>, vector<1x16xf32>,
        %parallel_loop3A_574 = vector.shape_cast %parallel_loop3A_573 : vector<1x16xf32> to vector<16xf32>
        %parallel_loop3A_575 = vector.shape_cast %parallel_loop3A_570 : vector<16xf32> to vector<1x16xf32>
        tpu.vector_store %arg11[%parallel_loop3A_571, %parallel_loop3A_572], %parallel_loop3A_575 {strides = array<i32>} : memref<128x64xf32, #tpu.memory_space<vmem>>, vector<1x16xf32>,
        %parallel_loop3A_576 = vector.extract_strided_slice %parallel_loop3A_125 {offsets = [9], sizes = [1], strides = [1]} : vector<16xf32> to vector<1xf32>
        %parallel_loop3A_577 = vector.extract %parallel_loop3A_576[0] : f32 from vector<1xf32>
        %parallel_loop3A_578 = arith.constant 16 : i32
        %parallel_loop3A_579 = arith.muli %parallel_loop3A_119, %parallel_loop3A_578 : i32
        %parallel_loop3A_580 = arith.constant 9 : i32
        %parallel_loop3A_581 = arith.addi %parallel_loop3A_579, %parallel_loop3A_580 : i32
        %parallel_loop3A_582 = arith.index_cast %parallel_loop3A_581 : i32 to index
        %parallel_loop3A_583 = arith.constant 0 : index
        %parallel_loop3A_584 = tpu.vector_load %arg11[%parallel_loop3A_582, %parallel_loop3A_583] {strides = array<i32>} : memref<128x64xf32, #tpu.memory_space<vmem>>, vector<1x16xf32>,
        %parallel_loop3A_585 = vector.shape_cast %parallel_loop3A_584 : vector<1x16xf32> to vector<16xf32>
        %parallel_loop3A_586 = vector.broadcast %parallel_loop3A_577 : f32 to vector<16xf32>
        %parallel_loop3A_587 = arith.mulf %parallel_loop3A_585, %parallel_loop3A_586 : vector<16xf32>
        %parallel_loop3A_588 = arith.index_cast %parallel_loop3A_581 : i32 to index
        %parallel_loop3A_589 = arith.constant 0 : index
        %parallel_loop3A_590 = tpu.vector_load %arg11[%parallel_loop3A_588, %parallel_loop3A_589] {strides = array<i32>} : memref<128x64xf32, #tpu.memory_space<vmem>>, vector<1x16xf32>,
        %parallel_loop3A_591 = vector.shape_cast %parallel_loop3A_590 : vector<1x16xf32> to vector<16xf32>
        %parallel_loop3A_592 = vector.shape_cast %parallel_loop3A_587 : vector<16xf32> to vector<1x16xf32>
        tpu.vector_store %arg11[%parallel_loop3A_588, %parallel_loop3A_589], %parallel_loop3A_592 {strides = array<i32>} : memref<128x64xf32, #tpu.memory_space<vmem>>, vector<1x16xf32>,
        %parallel_loop3A_593 = arith.index_cast %parallel_loop3A_581 : i32 to index
        %parallel_loop3A_594 = arith.constant 16 : index
        %parallel_loop3A_595 = tpu.vector_load %arg11[%parallel_loop3A_593, %parallel_loop3A_594] {strides = array<i32>} : memref<128x64xf32, #tpu.memory_space<vmem>>, vector<1x16xf32>,
        %parallel_loop3A_596 = vector.shape_cast %parallel_loop3A_595 : vector<1x16xf32> to vector<16xf32>
        %parallel_loop3A_597 = vector.broadcast %parallel_loop3A_577 : f32 to vector<16xf32>
        %parallel_loop3A_598 = arith.mulf %parallel_loop3A_596, %parallel_loop3A_597 : vector<16xf32>
        %parallel_loop3A_599 = arith.index_cast %parallel_loop3A_581 : i32 to index
        %parallel_loop3A_600 = arith.constant 16 : index
        %parallel_loop3A_601 = tpu.vector_load %arg11[%parallel_loop3A_599, %parallel_loop3A_600] {strides = array<i32>} : memref<128x64xf32, #tpu.memory_space<vmem>>, vector<1x16xf32>,
        %parallel_loop3A_602 = vector.shape_cast %parallel_loop3A_601 : vector<1x16xf32> to vector<16xf32>
        %parallel_loop3A_603 = vector.shape_cast %parallel_loop3A_598 : vector<16xf32> to vector<1x16xf32>
        tpu.vector_store %arg11[%parallel_loop3A_599, %parallel_loop3A_600], %parallel_loop3A_603 {strides = array<i32>} : memref<128x64xf32, #tpu.memory_space<vmem>>, vector<1x16xf32>,
        %parallel_loop3A_604 = arith.index_cast %parallel_loop3A_581 : i32 to index
        %parallel_loop3A_605 = arith.constant 32 : index
        %parallel_loop3A_606 = tpu.vector_load %arg11[%parallel_loop3A_604, %parallel_loop3A_605] {strides = array<i32>} : memref<128x64xf32, #tpu.memory_space<vmem>>, vector<1x16xf32>,
        %parallel_loop3A_607 = vector.shape_cast %parallel_loop3A_606 : vector<1x16xf32> to vector<16xf32>
        %parallel_loop3A_608 = vector.broadcast %parallel_loop3A_577 : f32 to vector<16xf32>
        %parallel_loop3A_609 = arith.mulf %parallel_loop3A_607, %parallel_loop3A_608 : vector<16xf32>
        %parallel_loop3A_610 = arith.index_cast %parallel_loop3A_581 : i32 to index
        %parallel_loop3A_611 = arith.constant 32 : index
        %parallel_loop3A_612 = tpu.vector_load %arg11[%parallel_loop3A_610, %parallel_loop3A_611] {strides = array<i32>} : memref<128x64xf32, #tpu.memory_space<vmem>>, vector<1x16xf32>,
        %parallel_loop3A_613 = vector.shape_cast %parallel_loop3A_612 : vector<1x16xf32> to vector<16xf32>
        %parallel_loop3A_614 = vector.shape_cast %parallel_loop3A_609 : vector<16xf32> to vector<1x16xf32>
        tpu.vector_store %arg11[%parallel_loop3A_610, %parallel_loop3A_611], %parallel_loop3A_614 {strides = array<i32>} : memref<128x64xf32, #tpu.memory_space<vmem>>, vector<1x16xf32>,
        %parallel_loop3A_615 = arith.index_cast %parallel_loop3A_581 : i32 to index
        %parallel_loop3A_616 = arith.constant 48 : index
        %parallel_loop3A_617 = tpu.vector_load %arg11[%parallel_loop3A_615, %parallel_loop3A_616] {strides = array<i32>} : memref<128x64xf32, #tpu.memory_space<vmem>>, vector<1x16xf32>,
        %parallel_loop3A_618 = vector.shape_cast %parallel_loop3A_617 : vector<1x16xf32> to vector<16xf32>
        %parallel_loop3A_619 = vector.broadcast %parallel_loop3A_577 : f32 to vector<16xf32>
        %parallel_loop3A_620 = arith.mulf %parallel_loop3A_618, %parallel_loop3A_619 : vector<16xf32>
        %parallel_loop3A_621 = arith.index_cast %parallel_loop3A_581 : i32 to index
        %parallel_loop3A_622 = arith.constant 48 : index
        %parallel_loop3A_623 = tpu.vector_load %arg11[%parallel_loop3A_621, %parallel_loop3A_622] {strides = array<i32>} : memref<128x64xf32, #tpu.memory_space<vmem>>, vector<1x16xf32>,
        %parallel_loop3A_624 = vector.shape_cast %parallel_loop3A_623 : vector<1x16xf32> to vector<16xf32>
        %parallel_loop3A_625 = vector.shape_cast %parallel_loop3A_620 : vector<16xf32> to vector<1x16xf32>
        tpu.vector_store %arg11[%parallel_loop3A_621, %parallel_loop3A_622], %parallel_loop3A_625 {strides = array<i32>} : memref<128x64xf32, #tpu.memory_space<vmem>>, vector<1x16xf32>,
        %parallel_loop3A_626 = vector.extract_strided_slice %parallel_loop3A_125 {offsets = [10], sizes = [1], strides = [1]} : vector<16xf32> to vector<1xf32>
        %parallel_loop3A_627 = vector.extract %parallel_loop3A_626[0] : f32 from vector<1xf32>
        %parallel_loop3A_628 = arith.constant 16 : i32
        %parallel_loop3A_629 = arith.muli %parallel_loop3A_119, %parallel_loop3A_628 : i32
        %parallel_loop3A_630 = arith.constant 10 : i32
        %parallel_loop3A_631 = arith.addi %parallel_loop3A_629, %parallel_loop3A_630 : i32
        %parallel_loop3A_632 = arith.index_cast %parallel_loop3A_631 : i32 to index
        %parallel_loop3A_633 = arith.constant 0 : index
        %parallel_loop3A_634 = tpu.vector_load %arg11[%parallel_loop3A_632, %parallel_loop3A_633] {strides = array<i32>} : memref<128x64xf32, #tpu.memory_space<vmem>>, vector<1x16xf32>,
        %parallel_loop3A_635 = vector.shape_cast %parallel_loop3A_634 : vector<1x16xf32> to vector<16xf32>
        %parallel_loop3A_636 = vector.broadcast %parallel_loop3A_627 : f32 to vector<16xf32>
        %parallel_loop3A_637 = arith.mulf %parallel_loop3A_635, %parallel_loop3A_636 : vector<16xf32>
        %parallel_loop3A_638 = arith.index_cast %parallel_loop3A_631 : i32 to index
        %parallel_loop3A_639 = arith.constant 0 : index
        %parallel_loop3A_640 = tpu.vector_load %arg11[%parallel_loop3A_638, %parallel_loop3A_639] {strides = array<i32>} : memref<128x64xf32, #tpu.memory_space<vmem>>, vector<1x16xf32>,
        %parallel_loop3A_641 = vector.shape_cast %parallel_loop3A_640 : vector<1x16xf32> to vector<16xf32>
        %parallel_loop3A_642 = vector.shape_cast %parallel_loop3A_637 : vector<16xf32> to vector<1x16xf32>
        tpu.vector_store %arg11[%parallel_loop3A_638, %parallel_loop3A_639], %parallel_loop3A_642 {strides = array<i32>} : memref<128x64xf32, #tpu.memory_space<vmem>>, vector<1x16xf32>,
        %parallel_loop3A_643 = arith.index_cast %parallel_loop3A_631 : i32 to index
        %parallel_loop3A_644 = arith.constant 16 : index
        %parallel_loop3A_645 = tpu.vector_load %arg11[%parallel_loop3A_643, %parallel_loop3A_644] {strides = array<i32>} : memref<128x64xf32, #tpu.memory_space<vmem>>, vector<1x16xf32>,
        %parallel_loop3A_646 = vector.shape_cast %parallel_loop3A_645 : vector<1x16xf32> to vector<16xf32>
        %parallel_loop3A_647 = vector.broadcast %parallel_loop3A_627 : f32 to vector<16xf32>
        %parallel_loop3A_648 = arith.mulf %parallel_loop3A_646, %parallel_loop3A_647 : vector<16xf32>
        %parallel_loop3A_649 = arith.index_cast %parallel_loop3A_631 : i32 to index
        %parallel_loop3A_650 = arith.constant 16 : index
        %parallel_loop3A_651 = tpu.vector_load %arg11[%parallel_loop3A_649, %parallel_loop3A_650] {strides = array<i32>} : memref<128x64xf32, #tpu.memory_space<vmem>>, vector<1x16xf32>,
        %parallel_loop3A_652 = vector.shape_cast %parallel_loop3A_651 : vector<1x16xf32> to vector<16xf32>
        %parallel_loop3A_653 = vector.shape_cast %parallel_loop3A_648 : vector<16xf32> to vector<1x16xf32>
        tpu.vector_store %arg11[%parallel_loop3A_649, %parallel_loop3A_650], %parallel_loop3A_653 {strides = array<i32>} : memref<128x64xf32, #tpu.memory_space<vmem>>, vector<1x16xf32>,
        %parallel_loop3A_654 = arith.index_cast %parallel_loop3A_631 : i32 to index
        %parallel_loop3A_655 = arith.constant 32 : index
        %parallel_loop3A_656 = tpu.vector_load %arg11[%parallel_loop3A_654, %parallel_loop3A_655] {strides = array<i32>} : memref<128x64xf32, #tpu.memory_space<vmem>>, vector<1x16xf32>,
        %parallel_loop3A_657 = vector.shape_cast %parallel_loop3A_656 : vector<1x16xf32> to vector<16xf32>
        %parallel_loop3A_658 = vector.broadcast %parallel_loop3A_627 : f32 to vector<16xf32>
        %parallel_loop3A_659 = arith.mulf %parallel_loop3A_657, %parallel_loop3A_658 : vector<16xf32>
        %parallel_loop3A_660 = arith.index_cast %parallel_loop3A_631 : i32 to index
        %parallel_loop3A_661 = arith.constant 32 : index
        %parallel_loop3A_662 = tpu.vector_load %arg11[%parallel_loop3A_660, %parallel_loop3A_661] {strides = array<i32>} : memref<128x64xf32, #tpu.memory_space<vmem>>, vector<1x16xf32>,
        %parallel_loop3A_663 = vector.shape_cast %parallel_loop3A_662 : vector<1x16xf32> to vector<16xf32>
        %parallel_loop3A_664 = vector.shape_cast %parallel_loop3A_659 : vector<16xf32> to vector<1x16xf32>
        tpu.vector_store %arg11[%parallel_loop3A_660, %parallel_loop3A_661], %parallel_loop3A_664 {strides = array<i32>} : memref<128x64xf32, #tpu.memory_space<vmem>>, vector<1x16xf32>,
        %parallel_loop3A_665 = arith.index_cast %parallel_loop3A_631 : i32 to index
        %parallel_loop3A_666 = arith.constant 48 : index
        %parallel_loop3A_667 = tpu.vector_load %arg11[%parallel_loop3A_665, %parallel_loop3A_666] {strides = array<i32>} : memref<128x64xf32, #tpu.memory_space<vmem>>, vector<1x16xf32>,
        %parallel_loop3A_668 = vector.shape_cast %parallel_loop3A_667 : vector<1x16xf32> to vector<16xf32>
        %parallel_loop3A_669 = vector.broadcast %parallel_loop3A_627 : f32 to vector<16xf32>
        %parallel_loop3A_670 = arith.mulf %parallel_loop3A_668, %parallel_loop3A_669 : vector<16xf32>
        %parallel_loop3A_671 = arith.index_cast %parallel_loop3A_631 : i32 to index
        %parallel_loop3A_672 = arith.constant 48 : index
        %parallel_loop3A_673 = tpu.vector_load %arg11[%parallel_loop3A_671, %parallel_loop3A_672] {strides = array<i32>} : memref<128x64xf32, #tpu.memory_space<vmem>>, vector<1x16xf32>,
        %parallel_loop3A_674 = vector.shape_cast %parallel_loop3A_673 : vector<1x16xf32> to vector<16xf32>
        %parallel_loop3A_675 = vector.shape_cast %parallel_loop3A_670 : vector<16xf32> to vector<1x16xf32>
        tpu.vector_store %arg11[%parallel_loop3A_671, %parallel_loop3A_672], %parallel_loop3A_675 {strides = array<i32>} : memref<128x64xf32, #tpu.memory_space<vmem>>, vector<1x16xf32>,
        %parallel_loop3A_676 = vector.extract_strided_slice %parallel_loop3A_125 {offsets = [11], sizes = [1], strides = [1]} : vector<16xf32> to vector<1xf32>
        %parallel_loop3A_677 = vector.extract %parallel_loop3A_676[0] : f32 from vector<1xf32>
        %parallel_loop3A_678 = arith.constant 16 : i32
        %parallel_loop3A_679 = arith.muli %parallel_loop3A_119, %parallel_loop3A_678 : i32
        %parallel_loop3A_680 = arith.constant 11 : i32
        %parallel_loop3A_681 = arith.addi %parallel_loop3A_679, %parallel_loop3A_680 : i32
        %parallel_loop3A_682 = arith.index_cast %parallel_loop3A_681 : i32 to index
        %parallel_loop3A_683 = arith.constant 0 : index
        %parallel_loop3A_684 = tpu.vector_load %arg11[%parallel_loop3A_682, %parallel_loop3A_683] {strides = array<i32>} : memref<128x64xf32, #tpu.memory_space<vmem>>, vector<1x16xf32>,
        %parallel_loop3A_685 = vector.shape_cast %parallel_loop3A_684 : vector<1x16xf32> to vector<16xf32>
        %parallel_loop3A_686 = vector.broadcast %parallel_loop3A_677 : f32 to vector<16xf32>
        %parallel_loop3A_687 = arith.mulf %parallel_loop3A_685, %parallel_loop3A_686 : vector<16xf32>
        %parallel_loop3A_688 = arith.index_cast %parallel_loop3A_681 : i32 to index
        %parallel_loop3A_689 = arith.constant 0 : index
        %parallel_loop3A_690 = tpu.vector_load %arg11[%parallel_loop3A_688, %parallel_loop3A_689] {strides = array<i32>} : memref<128x64xf32, #tpu.memory_space<vmem>>, vector<1x16xf32>,
        %parallel_loop3A_691 = vector.shape_cast %parallel_loop3A_690 : vector<1x16xf32> to vector<16xf32>
        %parallel_loop3A_692 = vector.shape_cast %parallel_loop3A_687 : vector<16xf32> to vector<1x16xf32>
        tpu.vector_store %arg11[%parallel_loop3A_688, %parallel_loop3A_689], %parallel_loop3A_692 {strides = array<i32>} : memref<128x64xf32, #tpu.memory_space<vmem>>, vector<1x16xf32>,
        %parallel_loop3A_693 = arith.index_cast %parallel_loop3A_681 : i32 to index
        %parallel_loop3A_694 = arith.constant 16 : index
        %parallel_loop3A_695 = tpu.vector_load %arg11[%parallel_loop3A_693, %parallel_loop3A_694] {strides = array<i32>} : memref<128x64xf32, #tpu.memory_space<vmem>>, vector<1x16xf32>,
        %parallel_loop3A_696 = vector.shape_cast %parallel_loop3A_695 : vector<1x16xf32> to vector<16xf32>
        %parallel_loop3A_697 = vector.broadcast %parallel_loop3A_677 : f32 to vector<16xf32>
        %parallel_loop3A_698 = arith.mulf %parallel_loop3A_696, %parallel_loop3A_697 : vector<16xf32>
        %parallel_loop3A_699 = arith.index_cast %parallel_loop3A_681 : i32 to index
        %parallel_loop3A_700 = arith.constant 16 : index
        %parallel_loop3A_701 = tpu.vector_load %arg11[%parallel_loop3A_699, %parallel_loop3A_700] {strides = array<i32>} : memref<128x64xf32, #tpu.memory_space<vmem>>, vector<1x16xf32>,
        %parallel_loop3A_702 = vector.shape_cast %parallel_loop3A_701 : vector<1x16xf32> to vector<16xf32>
        %parallel_loop3A_703 = vector.shape_cast %parallel_loop3A_698 : vector<16xf32> to vector<1x16xf32>
        tpu.vector_store %arg11[%parallel_loop3A_699, %parallel_loop3A_700], %parallel_loop3A_703 {strides = array<i32>} : memref<128x64xf32, #tpu.memory_space<vmem>>, vector<1x16xf32>,
        %parallel_loop3A_704 = arith.index_cast %parallel_loop3A_681 : i32 to index
        %parallel_loop3A_705 = arith.constant 32 : index
        %parallel_loop3A_706 = tpu.vector_load %arg11[%parallel_loop3A_704, %parallel_loop3A_705] {strides = array<i32>} : memref<128x64xf32, #tpu.memory_space<vmem>>, vector<1x16xf32>,
        %parallel_loop3A_707 = vector.shape_cast %parallel_loop3A_706 : vector<1x16xf32> to vector<16xf32>
        %parallel_loop3A_708 = vector.broadcast %parallel_loop3A_677 : f32 to vector<16xf32>
        %parallel_loop3A_709 = arith.mulf %parallel_loop3A_707, %parallel_loop3A_708 : vector<16xf32>
        %parallel_loop3A_710 = arith.index_cast %parallel_loop3A_681 : i32 to index
        %parallel_loop3A_711 = arith.constant 32 : index
        %parallel_loop3A_712 = tpu.vector_load %arg11[%parallel_loop3A_710, %parallel_loop3A_711] {strides = array<i32>} : memref<128x64xf32, #tpu.memory_space<vmem>>, vector<1x16xf32>,
        %parallel_loop3A_713 = vector.shape_cast %parallel_loop3A_712 : vector<1x16xf32> to vector<16xf32>
        %parallel_loop3A_714 = vector.shape_cast %parallel_loop3A_709 : vector<16xf32> to vector<1x16xf32>
        tpu.vector_store %arg11[%parallel_loop3A_710, %parallel_loop3A_711], %parallel_loop3A_714 {strides = array<i32>} : memref<128x64xf32, #tpu.memory_space<vmem>>, vector<1x16xf32>,
        %parallel_loop3A_715 = arith.index_cast %parallel_loop3A_681 : i32 to index
        %parallel_loop3A_716 = arith.constant 48 : index
        %parallel_loop3A_717 = tpu.vector_load %arg11[%parallel_loop3A_715, %parallel_loop3A_716] {strides = array<i32>} : memref<128x64xf32, #tpu.memory_space<vmem>>, vector<1x16xf32>,
        %parallel_loop3A_718 = vector.shape_cast %parallel_loop3A_717 : vector<1x16xf32> to vector<16xf32>
        %parallel_loop3A_719 = vector.broadcast %parallel_loop3A_677 : f32 to vector<16xf32>
        %parallel_loop3A_720 = arith.mulf %parallel_loop3A_718, %parallel_loop3A_719 : vector<16xf32>
        %parallel_loop3A_721 = arith.index_cast %parallel_loop3A_681 : i32 to index
        %parallel_loop3A_722 = arith.constant 48 : index
        %parallel_loop3A_723 = tpu.vector_load %arg11[%parallel_loop3A_721, %parallel_loop3A_722] {strides = array<i32>} : memref<128x64xf32, #tpu.memory_space<vmem>>, vector<1x16xf32>,
        %parallel_loop3A_724 = vector.shape_cast %parallel_loop3A_723 : vector<1x16xf32> to vector<16xf32>
        %parallel_loop3A_725 = vector.shape_cast %parallel_loop3A_720 : vector<16xf32> to vector<1x16xf32>
        tpu.vector_store %arg11[%parallel_loop3A_721, %parallel_loop3A_722], %parallel_loop3A_725 {strides = array<i32>} : memref<128x64xf32, #tpu.memory_space<vmem>>, vector<1x16xf32>,
        %parallel_loop3A_726 = vector.extract_strided_slice %parallel_loop3A_125 {offsets = [12], sizes = [1], strides = [1]} : vector<16xf32> to vector<1xf32>
        %parallel_loop3A_727 = vector.extract %parallel_loop3A_726[0] : f32 from vector<1xf32>
        %parallel_loop3A_728 = arith.constant 16 : i32
        %parallel_loop3A_729 = arith.muli %parallel_loop3A_119, %parallel_loop3A_728 : i32
        %parallel_loop3A_730 = arith.constant 12 : i32
        %parallel_loop3A_731 = arith.addi %parallel_loop3A_729, %parallel_loop3A_730 : i32
        %parallel_loop3A_732 = arith.index_cast %parallel_loop3A_731 : i32 to index
        %parallel_loop3A_733 = arith.constant 0 : index
        %parallel_loop3A_734 = tpu.vector_load %arg11[%parallel_loop3A_732, %parallel_loop3A_733] {strides = array<i32>} : memref<128x64xf32, #tpu.memory_space<vmem>>, vector<1x16xf32>,
        %parallel_loop3A_735 = vector.shape_cast %parallel_loop3A_734 : vector<1x16xf32> to vector<16xf32>
        %parallel_loop3A_736 = vector.broadcast %parallel_loop3A_727 : f32 to vector<16xf32>
        %parallel_loop3A_737 = arith.mulf %parallel_loop3A_735, %parallel_loop3A_736 : vector<16xf32>
        %parallel_loop3A_738 = arith.index_cast %parallel_loop3A_731 : i32 to index
        %parallel_loop3A_739 = arith.constant 0 : index
        %parallel_loop3A_740 = tpu.vector_load %arg11[%parallel_loop3A_738, %parallel_loop3A_739] {strides = array<i32>} : memref<128x64xf32, #tpu.memory_space<vmem>>, vector<1x16xf32>,
        %parallel_loop3A_741 = vector.shape_cast %parallel_loop3A_740 : vector<1x16xf32> to vector<16xf32>
        %parallel_loop3A_742 = vector.shape_cast %parallel_loop3A_737 : vector<16xf32> to vector<1x16xf32>
        tpu.vector_store %arg11[%parallel_loop3A_738, %parallel_loop3A_739], %parallel_loop3A_742 {strides = array<i32>} : memref<128x64xf32, #tpu.memory_space<vmem>>, vector<1x16xf32>,
        %parallel_loop3A_743 = arith.index_cast %parallel_loop3A_731 : i32 to index
        %parallel_loop3A_744 = arith.constant 16 : index
        %parallel_loop3A_745 = tpu.vector_load %arg11[%parallel_loop3A_743, %parallel_loop3A_744] {strides = array<i32>} : memref<128x64xf32, #tpu.memory_space<vmem>>, vector<1x16xf32>,
        %parallel_loop3A_746 = vector.shape_cast %parallel_loop3A_745 : vector<1x16xf32> to vector<16xf32>
        %parallel_loop3A_747 = vector.broadcast %parallel_loop3A_727 : f32 to vector<16xf32>
        %parallel_loop3A_748 = arith.mulf %parallel_loop3A_746, %parallel_loop3A_747 : vector<16xf32>
        %parallel_loop3A_749 = arith.index_cast %parallel_loop3A_731 : i32 to index
        %parallel_loop3A_750 = arith.constant 16 : index
        %parallel_loop3A_751 = tpu.vector_load %arg11[%parallel_loop3A_749, %parallel_loop3A_750] {strides = array<i32>} : memref<128x64xf32, #tpu.memory_space<vmem>>, vector<1x16xf32>,
        %parallel_loop3A_752 = vector.shape_cast %parallel_loop3A_751 : vector<1x16xf32> to vector<16xf32>
        %parallel_loop3A_753 = vector.shape_cast %parallel_loop3A_748 : vector<16xf32> to vector<1x16xf32>
        tpu.vector_store %arg11[%parallel_loop3A_749, %parallel_loop3A_750], %parallel_loop3A_753 {strides = array<i32>} : memref<128x64xf32, #tpu.memory_space<vmem>>, vector<1x16xf32>,
        %parallel_loop3A_754 = arith.index_cast %parallel_loop3A_731 : i32 to index
        %parallel_loop3A_755 = arith.constant 32 : index
        %parallel_loop3A_756 = tpu.vector_load %arg11[%parallel_loop3A_754, %parallel_loop3A_755] {strides = array<i32>} : memref<128x64xf32, #tpu.memory_space<vmem>>, vector<1x16xf32>,
        %parallel_loop3A_757 = vector.shape_cast %parallel_loop3A_756 : vector<1x16xf32> to vector<16xf32>
        %parallel_loop3A_758 = vector.broadcast %parallel_loop3A_727 : f32 to vector<16xf32>
        %parallel_loop3A_759 = arith.mulf %parallel_loop3A_757, %parallel_loop3A_758 : vector<16xf32>
        %parallel_loop3A_760 = arith.index_cast %parallel_loop3A_731 : i32 to index
        %parallel_loop3A_761 = arith.constant 32 : index
        %parallel_loop3A_762 = tpu.vector_load %arg11[%parallel_loop3A_760, %parallel_loop3A_761] {strides = array<i32>} : memref<128x64xf32, #tpu.memory_space<vmem>>, vector<1x16xf32>,
        %parallel_loop3A_763 = vector.shape_cast %parallel_loop3A_762 : vector<1x16xf32> to vector<16xf32>
        %parallel_loop3A_764 = vector.shape_cast %parallel_loop3A_759 : vector<16xf32> to vector<1x16xf32>
        tpu.vector_store %arg11[%parallel_loop3A_760, %parallel_loop3A_761], %parallel_loop3A_764 {strides = array<i32>} : memref<128x64xf32, #tpu.memory_space<vmem>>, vector<1x16xf32>,
        %parallel_loop3A_765 = arith.index_cast %parallel_loop3A_731 : i32 to index
        %parallel_loop3A_766 = arith.constant 48 : index
        %parallel_loop3A_767 = tpu.vector_load %arg11[%parallel_loop3A_765, %parallel_loop3A_766] {strides = array<i32>} : memref<128x64xf32, #tpu.memory_space<vmem>>, vector<1x16xf32>,
        %parallel_loop3A_768 = vector.shape_cast %parallel_loop3A_767 : vector<1x16xf32> to vector<16xf32>
        %parallel_loop3A_769 = vector.broadcast %parallel_loop3A_727 : f32 to vector<16xf32>
        %parallel_loop3A_770 = arith.mulf %parallel_loop3A_768, %parallel_loop3A_769 : vector<16xf32>
        %parallel_loop3A_771 = arith.index_cast %parallel_loop3A_731 : i32 to index
        %parallel_loop3A_772 = arith.constant 48 : index
        %parallel_loop3A_773 = tpu.vector_load %arg11[%parallel_loop3A_771, %parallel_loop3A_772] {strides = array<i32>} : memref<128x64xf32, #tpu.memory_space<vmem>>, vector<1x16xf32>,
        %parallel_loop3A_774 = vector.shape_cast %parallel_loop3A_773 : vector<1x16xf32> to vector<16xf32>
        %parallel_loop3A_775 = vector.shape_cast %parallel_loop3A_770 : vector<16xf32> to vector<1x16xf32>
        tpu.vector_store %arg11[%parallel_loop3A_771, %parallel_loop3A_772], %parallel_loop3A_775 {strides = array<i32>} : memref<128x64xf32, #tpu.memory_space<vmem>>, vector<1x16xf32>,
        %parallel_loop3A_776 = vector.extract_strided_slice %parallel_loop3A_125 {offsets = [13], sizes = [1], strides = [1]} : vector<16xf32> to vector<1xf32>
        %parallel_loop3A_777 = vector.extract %parallel_loop3A_776[0] : f32 from vector<1xf32>
        %parallel_loop3A_778 = arith.constant 16 : i32
        %parallel_loop3A_779 = arith.muli %parallel_loop3A_119, %parallel_loop3A_778 : i32
        %parallel_loop3A_780 = arith.constant 13 : i32
        %parallel_loop3A_781 = arith.addi %parallel_loop3A_779, %parallel_loop3A_780 : i32
        %parallel_loop3A_782 = arith.index_cast %parallel_loop3A_781 : i32 to index
        %parallel_loop3A_783 = arith.constant 0 : index
        %parallel_loop3A_784 = tpu.vector_load %arg11[%parallel_loop3A_782, %parallel_loop3A_783] {strides = array<i32>} : memref<128x64xf32, #tpu.memory_space<vmem>>, vector<1x16xf32>,
        %parallel_loop3A_785 = vector.shape_cast %parallel_loop3A_784 : vector<1x16xf32> to vector<16xf32>
        %parallel_loop3A_786 = vector.broadcast %parallel_loop3A_777 : f32 to vector<16xf32>
        %parallel_loop3A_787 = arith.mulf %parallel_loop3A_785, %parallel_loop3A_786 : vector<16xf32>
        %parallel_loop3A_788 = arith.index_cast %parallel_loop3A_781 : i32 to index
        %parallel_loop3A_789 = arith.constant 0 : index
        %parallel_loop3A_790 = tpu.vector_load %arg11[%parallel_loop3A_788, %parallel_loop3A_789] {strides = array<i32>} : memref<128x64xf32, #tpu.memory_space<vmem>>, vector<1x16xf32>,
        %parallel_loop3A_791 = vector.shape_cast %parallel_loop3A_790 : vector<1x16xf32> to vector<16xf32>
        %parallel_loop3A_792 = vector.shape_cast %parallel_loop3A_787 : vector<16xf32> to vector<1x16xf32>
        tpu.vector_store %arg11[%parallel_loop3A_788, %parallel_loop3A_789], %parallel_loop3A_792 {strides = array<i32>} : memref<128x64xf32, #tpu.memory_space<vmem>>, vector<1x16xf32>,
        %parallel_loop3A_793 = arith.index_cast %parallel_loop3A_781 : i32 to index
        %parallel_loop3A_794 = arith.constant 16 : index
        %parallel_loop3A_795 = tpu.vector_load %arg11[%parallel_loop3A_793, %parallel_loop3A_794] {strides = array<i32>} : memref<128x64xf32, #tpu.memory_space<vmem>>, vector<1x16xf32>,
        %parallel_loop3A_796 = vector.shape_cast %parallel_loop3A_795 : vector<1x16xf32> to vector<16xf32>
        %parallel_loop3A_797 = vector.broadcast %parallel_loop3A_777 : f32 to vector<16xf32>
        %parallel_loop3A_798 = arith.mulf %parallel_loop3A_796, %parallel_loop3A_797 : vector<16xf32>
        %parallel_loop3A_799 = arith.index_cast %parallel_loop3A_781 : i32 to index
        %parallel_loop3A_800 = arith.constant 16 : index
        %parallel_loop3A_801 = tpu.vector_load %arg11[%parallel_loop3A_799, %parallel_loop3A_800] {strides = array<i32>} : memref<128x64xf32, #tpu.memory_space<vmem>>, vector<1x16xf32>,
        %parallel_loop3A_802 = vector.shape_cast %parallel_loop3A_801 : vector<1x16xf32> to vector<16xf32>
        %parallel_loop3A_803 = vector.shape_cast %parallel_loop3A_798 : vector<16xf32> to vector<1x16xf32>
        tpu.vector_store %arg11[%parallel_loop3A_799, %parallel_loop3A_800], %parallel_loop3A_803 {strides = array<i32>} : memref<128x64xf32, #tpu.memory_space<vmem>>, vector<1x16xf32>,
        %parallel_loop3A_804 = arith.index_cast %parallel_loop3A_781 : i32 to index
        %parallel_loop3A_805 = arith.constant 32 : index
        %parallel_loop3A_806 = tpu.vector_load %arg11[%parallel_loop3A_804, %parallel_loop3A_805] {strides = array<i32>} : memref<128x64xf32, #tpu.memory_space<vmem>>, vector<1x16xf32>,
        %parallel_loop3A_807 = vector.shape_cast %parallel_loop3A_806 : vector<1x16xf32> to vector<16xf32>
        %parallel_loop3A_808 = vector.broadcast %parallel_loop3A_777 : f32 to vector<16xf32>
        %parallel_loop3A_809 = arith.mulf %parallel_loop3A_807, %parallel_loop3A_808 : vector<16xf32>
        %parallel_loop3A_810 = arith.index_cast %parallel_loop3A_781 : i32 to index
        %parallel_loop3A_811 = arith.constant 32 : index
        %parallel_loop3A_812 = tpu.vector_load %arg11[%parallel_loop3A_810, %parallel_loop3A_811] {strides = array<i32>} : memref<128x64xf32, #tpu.memory_space<vmem>>, vector<1x16xf32>,
        %parallel_loop3A_813 = vector.shape_cast %parallel_loop3A_812 : vector<1x16xf32> to vector<16xf32>
        %parallel_loop3A_814 = vector.shape_cast %parallel_loop3A_809 : vector<16xf32> to vector<1x16xf32>
        tpu.vector_store %arg11[%parallel_loop3A_810, %parallel_loop3A_811], %parallel_loop3A_814 {strides = array<i32>} : memref<128x64xf32, #tpu.memory_space<vmem>>, vector<1x16xf32>,
        %parallel_loop3A_815 = arith.index_cast %parallel_loop3A_781 : i32 to index
        %parallel_loop3A_816 = arith.constant 48 : index
        %parallel_loop3A_817 = tpu.vector_load %arg11[%parallel_loop3A_815, %parallel_loop3A_816] {strides = array<i32>} : memref<128x64xf32, #tpu.memory_space<vmem>>, vector<1x16xf32>,
        %parallel_loop3A_818 = vector.shape_cast %parallel_loop3A_817 : vector<1x16xf32> to vector<16xf32>
        %parallel_loop3A_819 = vector.broadcast %parallel_loop3A_777 : f32 to vector<16xf32>
        %parallel_loop3A_820 = arith.mulf %parallel_loop3A_818, %parallel_loop3A_819 : vector<16xf32>
        %parallel_loop3A_821 = arith.index_cast %parallel_loop3A_781 : i32 to index
        %parallel_loop3A_822 = arith.constant 48 : index
        %parallel_loop3A_823 = tpu.vector_load %arg11[%parallel_loop3A_821, %parallel_loop3A_822] {strides = array<i32>} : memref<128x64xf32, #tpu.memory_space<vmem>>, vector<1x16xf32>,
        %parallel_loop3A_824 = vector.shape_cast %parallel_loop3A_823 : vector<1x16xf32> to vector<16xf32>
        %parallel_loop3A_825 = vector.shape_cast %parallel_loop3A_820 : vector<16xf32> to vector<1x16xf32>
        tpu.vector_store %arg11[%parallel_loop3A_821, %parallel_loop3A_822], %parallel_loop3A_825 {strides = array<i32>} : memref<128x64xf32, #tpu.memory_space<vmem>>, vector<1x16xf32>,
        %parallel_loop3A_826 = vector.extract_strided_slice %parallel_loop3A_125 {offsets = [14], sizes = [1], strides = [1]} : vector<16xf32> to vector<1xf32>
        %parallel_loop3A_827 = vector.extract %parallel_loop3A_826[0] : f32 from vector<1xf32>
        %parallel_loop3A_828 = arith.constant 16 : i32
        %parallel_loop3A_829 = arith.muli %parallel_loop3A_119, %parallel_loop3A_828 : i32
        %parallel_loop3A_830 = arith.constant 14 : i32
        %parallel_loop3A_831 = arith.addi %parallel_loop3A_829, %parallel_loop3A_830 : i32
        %parallel_loop3A_832 = arith.index_cast %parallel_loop3A_831 : i32 to index
        %parallel_loop3A_833 = arith.constant 0 : index
        %parallel_loop3A_834 = tpu.vector_load %arg11[%parallel_loop3A_832, %parallel_loop3A_833] {strides = array<i32>} : memref<128x64xf32, #tpu.memory_space<vmem>>, vector<1x16xf32>,
        %parallel_loop3A_835 = vector.shape_cast %parallel_loop3A_834 : vector<1x16xf32> to vector<16xf32>
        %parallel_loop3A_836 = vector.broadcast %parallel_loop3A_827 : f32 to vector<16xf32>
        %parallel_loop3A_837 = arith.mulf %parallel_loop3A_835, %parallel_loop3A_836 : vector<16xf32>
        %parallel_loop3A_838 = arith.index_cast %parallel_loop3A_831 : i32 to index
        %parallel_loop3A_839 = arith.constant 0 : index
        %parallel_loop3A_840 = tpu.vector_load %arg11[%parallel_loop3A_838, %parallel_loop3A_839] {strides = array<i32>} : memref<128x64xf32, #tpu.memory_space<vmem>>, vector<1x16xf32>,
        %parallel_loop3A_841 = vector.shape_cast %parallel_loop3A_840 : vector<1x16xf32> to vector<16xf32>
        %parallel_loop3A_842 = vector.shape_cast %parallel_loop3A_837 : vector<16xf32> to vector<1x16xf32>
        tpu.vector_store %arg11[%parallel_loop3A_838, %parallel_loop3A_839], %parallel_loop3A_842 {strides = array<i32>} : memref<128x64xf32, #tpu.memory_space<vmem>>, vector<1x16xf32>,
        %parallel_loop3A_843 = arith.index_cast %parallel_loop3A_831 : i32 to index
        %parallel_loop3A_844 = arith.constant 16 : index
        %parallel_loop3A_845 = tpu.vector_load %arg11[%parallel_loop3A_843, %parallel_loop3A_844] {strides = array<i32>} : memref<128x64xf32, #tpu.memory_space<vmem>>, vector<1x16xf32>,
        %parallel_loop3A_846 = vector.shape_cast %parallel_loop3A_845 : vector<1x16xf32> to vector<16xf32>
        %parallel_loop3A_847 = vector.broadcast %parallel_loop3A_827 : f32 to vector<16xf32>
        %parallel_loop3A_848 = arith.mulf %parallel_loop3A_846, %parallel_loop3A_847 : vector<16xf32>
        %parallel_loop3A_849 = arith.index_cast %parallel_loop3A_831 : i32 to index
        %parallel_loop3A_850 = arith.constant 16 : index
        %parallel_loop3A_851 = tpu.vector_load %arg11[%parallel_loop3A_849, %parallel_loop3A_850] {strides = array<i32>} : memref<128x64xf32, #tpu.memory_space<vmem>>, vector<1x16xf32>,
        %parallel_loop3A_852 = vector.shape_cast %parallel_loop3A_851 : vector<1x16xf32> to vector<16xf32>
        %parallel_loop3A_853 = vector.shape_cast %parallel_loop3A_848 : vector<16xf32> to vector<1x16xf32>
        tpu.vector_store %arg11[%parallel_loop3A_849, %parallel_loop3A_850], %parallel_loop3A_853 {strides = array<i32>} : memref<128x64xf32, #tpu.memory_space<vmem>>, vector<1x16xf32>,
        %parallel_loop3A_854 = arith.index_cast %parallel_loop3A_831 : i32 to index
        %parallel_loop3A_855 = arith.constant 32 : index
        %parallel_loop3A_856 = tpu.vector_load %arg11[%parallel_loop3A_854, %parallel_loop3A_855] {strides = array<i32>} : memref<128x64xf32, #tpu.memory_space<vmem>>, vector<1x16xf32>,
        %parallel_loop3A_857 = vector.shape_cast %parallel_loop3A_856 : vector<1x16xf32> to vector<16xf32>
        %parallel_loop3A_858 = vector.broadcast %parallel_loop3A_827 : f32 to vector<16xf32>
        %parallel_loop3A_859 = arith.mulf %parallel_loop3A_857, %parallel_loop3A_858 : vector<16xf32>
        %parallel_loop3A_860 = arith.index_cast %parallel_loop3A_831 : i32 to index
        %parallel_loop3A_861 = arith.constant 32 : index
        %parallel_loop3A_862 = tpu.vector_load %arg11[%parallel_loop3A_860, %parallel_loop3A_861] {strides = array<i32>} : memref<128x64xf32, #tpu.memory_space<vmem>>, vector<1x16xf32>,
        %parallel_loop3A_863 = vector.shape_cast %parallel_loop3A_862 : vector<1x16xf32> to vector<16xf32>
        %parallel_loop3A_864 = vector.shape_cast %parallel_loop3A_859 : vector<16xf32> to vector<1x16xf32>
        tpu.vector_store %arg11[%parallel_loop3A_860, %parallel_loop3A_861], %parallel_loop3A_864 {strides = array<i32>} : memref<128x64xf32, #tpu.memory_space<vmem>>, vector<1x16xf32>,
        %parallel_loop3A_865 = arith.index_cast %parallel_loop3A_831 : i32 to index
        %parallel_loop3A_866 = arith.constant 48 : index
        %parallel_loop3A_867 = tpu.vector_load %arg11[%parallel_loop3A_865, %parallel_loop3A_866] {strides = array<i32>} : memref<128x64xf32, #tpu.memory_space<vmem>>, vector<1x16xf32>,
        %parallel_loop3A_868 = vector.shape_cast %parallel_loop3A_867 : vector<1x16xf32> to vector<16xf32>
        %parallel_loop3A_869 = vector.broadcast %parallel_loop3A_827 : f32 to vector<16xf32>
        %parallel_loop3A_870 = arith.mulf %parallel_loop3A_868, %parallel_loop3A_869 : vector<16xf32>
        %parallel_loop3A_871 = arith.index_cast %parallel_loop3A_831 : i32 to index
        %parallel_loop3A_872 = arith.constant 48 : index
        %parallel_loop3A_873 = tpu.vector_load %arg11[%parallel_loop3A_871, %parallel_loop3A_872] {strides = array<i32>} : memref<128x64xf32, #tpu.memory_space<vmem>>, vector<1x16xf32>,
        %parallel_loop3A_874 = vector.shape_cast %parallel_loop3A_873 : vector<1x16xf32> to vector<16xf32>
        %parallel_loop3A_875 = vector.shape_cast %parallel_loop3A_870 : vector<16xf32> to vector<1x16xf32>
        tpu.vector_store %arg11[%parallel_loop3A_871, %parallel_loop3A_872], %parallel_loop3A_875 {strides = array<i32>} : memref<128x64xf32, #tpu.memory_space<vmem>>, vector<1x16xf32>,
        %parallel_loop3A_876 = vector.extract_strided_slice %parallel_loop3A_125 {offsets = [15], sizes = [1], strides = [1]} : vector<16xf32> to vector<1xf32>
        %parallel_loop3A_877 = vector.extract %parallel_loop3A_876[0] : f32 from vector<1xf32>
        %parallel_loop3A_878 = arith.constant 16 : i32
        %parallel_loop3A_879 = arith.muli %parallel_loop3A_119, %parallel_loop3A_878 : i32
        %parallel_loop3A_880 = arith.constant 15 : i32
        %parallel_loop3A_881 = arith.addi %parallel_loop3A_879, %parallel_loop3A_880 : i32
        %parallel_loop3A_882 = arith.index_cast %parallel_loop3A_881 : i32 to index
        %parallel_loop3A_883 = arith.constant 0 : index
        %parallel_loop3A_884 = tpu.vector_load %arg11[%parallel_loop3A_882, %parallel_loop3A_883] {strides = array<i32>} : memref<128x64xf32, #tpu.memory_space<vmem>>, vector<1x16xf32>,
        %parallel_loop3A_885 = vector.shape_cast %parallel_loop3A_884 : vector<1x16xf32> to vector<16xf32>
        %parallel_loop3A_886 = vector.broadcast %parallel_loop3A_877 : f32 to vector<16xf32>
        %parallel_loop3A_887 = arith.mulf %parallel_loop3A_885, %parallel_loop3A_886 : vector<16xf32>
        %parallel_loop3A_888 = arith.index_cast %parallel_loop3A_881 : i32 to index
        %parallel_loop3A_889 = arith.constant 0 : index
        %parallel_loop3A_890 = tpu.vector_load %arg11[%parallel_loop3A_888, %parallel_loop3A_889] {strides = array<i32>} : memref<128x64xf32, #tpu.memory_space<vmem>>, vector<1x16xf32>,
        %parallel_loop3A_891 = vector.shape_cast %parallel_loop3A_890 : vector<1x16xf32> to vector<16xf32>
        %parallel_loop3A_892 = vector.shape_cast %parallel_loop3A_887 : vector<16xf32> to vector<1x16xf32>
        tpu.vector_store %arg11[%parallel_loop3A_888, %parallel_loop3A_889], %parallel_loop3A_892 {strides = array<i32>} : memref<128x64xf32, #tpu.memory_space<vmem>>, vector<1x16xf32>,
        %parallel_loop3A_893 = arith.index_cast %parallel_loop3A_881 : i32 to index
        %parallel_loop3A_894 = arith.constant 16 : index
        %parallel_loop3A_895 = tpu.vector_load %arg11[%parallel_loop3A_893, %parallel_loop3A_894] {strides = array<i32>} : memref<128x64xf32, #tpu.memory_space<vmem>>, vector<1x16xf32>,
        %parallel_loop3A_896 = vector.shape_cast %parallel_loop3A_895 : vector<1x16xf32> to vector<16xf32>
        %parallel_loop3A_897 = vector.broadcast %parallel_loop3A_877 : f32 to vector<16xf32>
        %parallel_loop3A_898 = arith.mulf %parallel_loop3A_896, %parallel_loop3A_897 : vector<16xf32>
        %parallel_loop3A_899 = arith.index_cast %parallel_loop3A_881 : i32 to index
        %parallel_loop3A_900 = arith.constant 16 : index
        %parallel_loop3A_901 = tpu.vector_load %arg11[%parallel_loop3A_899, %parallel_loop3A_900] {strides = array<i32>} : memref<128x64xf32, #tpu.memory_space<vmem>>, vector<1x16xf32>,
        %parallel_loop3A_902 = vector.shape_cast %parallel_loop3A_901 : vector<1x16xf32> to vector<16xf32>
        %parallel_loop3A_903 = vector.shape_cast %parallel_loop3A_898 : vector<16xf32> to vector<1x16xf32>
        tpu.vector_store %arg11[%parallel_loop3A_899, %parallel_loop3A_900], %parallel_loop3A_903 {strides = array<i32>} : memref<128x64xf32, #tpu.memory_space<vmem>>, vector<1x16xf32>,
        %parallel_loop3A_904 = arith.index_cast %parallel_loop3A_881 : i32 to index
        %parallel_loop3A_905 = arith.constant 32 : index
        %parallel_loop3A_906 = tpu.vector_load %arg11[%parallel_loop3A_904, %parallel_loop3A_905] {strides = array<i32>} : memref<128x64xf32, #tpu.memory_space<vmem>>, vector<1x16xf32>,
        %parallel_loop3A_907 = vector.shape_cast %parallel_loop3A_906 : vector<1x16xf32> to vector<16xf32>
        %parallel_loop3A_908 = vector.broadcast %parallel_loop3A_877 : f32 to vector<16xf32>
        %parallel_loop3A_909 = arith.mulf %parallel_loop3A_907, %parallel_loop3A_908 : vector<16xf32>
        %parallel_loop3A_910 = arith.index_cast %parallel_loop3A_881 : i32 to index
        %parallel_loop3A_911 = arith.constant 32 : index
        %parallel_loop3A_912 = tpu.vector_load %arg11[%parallel_loop3A_910, %parallel_loop3A_911] {strides = array<i32>} : memref<128x64xf32, #tpu.memory_space<vmem>>, vector<1x16xf32>,
        %parallel_loop3A_913 = vector.shape_cast %parallel_loop3A_912 : vector<1x16xf32> to vector<16xf32>
        %parallel_loop3A_914 = vector.shape_cast %parallel_loop3A_909 : vector<16xf32> to vector<1x16xf32>
        tpu.vector_store %arg11[%parallel_loop3A_910, %parallel_loop3A_911], %parallel_loop3A_914 {strides = array<i32>} : memref<128x64xf32, #tpu.memory_space<vmem>>, vector<1x16xf32>,
        %parallel_loop3A_915 = arith.index_cast %parallel_loop3A_881 : i32 to index
        %parallel_loop3A_916 = arith.constant 48 : index
        %parallel_loop3A_917 = tpu.vector_load %arg11[%parallel_loop3A_915, %parallel_loop3A_916] {strides = array<i32>} : memref<128x64xf32, #tpu.memory_space<vmem>>, vector<1x16xf32>,
        %parallel_loop3A_918 = vector.shape_cast %parallel_loop3A_917 : vector<1x16xf32> to vector<16xf32>
        %parallel_loop3A_919 = vector.broadcast %parallel_loop3A_877 : f32 to vector<16xf32>
        %parallel_loop3A_920 = arith.mulf %parallel_loop3A_918, %parallel_loop3A_919 : vector<16xf32>
        %parallel_loop3A_921 = arith.index_cast %parallel_loop3A_881 : i32 to index
        %parallel_loop3A_922 = arith.constant 48 : index
        %parallel_loop3A_923 = tpu.vector_load %arg11[%parallel_loop3A_921, %parallel_loop3A_922] {strides = array<i32>} : memref<128x64xf32, #tpu.memory_space<vmem>>, vector<1x16xf32>,
        %parallel_loop3A_924 = vector.shape_cast %parallel_loop3A_923 : vector<1x16xf32> to vector<16xf32>
        %parallel_loop3A_925 = vector.shape_cast %parallel_loop3A_920 : vector<16xf32> to vector<1x16xf32>
        tpu.vector_store %arg11[%parallel_loop3A_921, %parallel_loop3A_922], %parallel_loop3A_925 {strides = array<i32>} : memref<128x64xf32, #tpu.memory_space<vmem>>, vector<1x16xf32>,
      } {sc.loop_unroll_factor = 2 : i64, sc.parallel_access}
      "tpu.region"() ({
        %run_scoped3A = tpu.sem_alloc : memref<!tpu.dma_semaphore, #tpu.memory_space<semaphore_mem>>
        %dma_start3A_119 = arith.constant 0 : i32
        %dma_start3A_120 = tpu.memref_slice %arg8[%add3A_103, %dma_start3A_119] : memref<40x128xi32, #tpu.memory_space<vmem>> -> memref<1x128xi32, #tpu.memory_space<vmem>>
        %dma_start3A_121 = tpu.memref_squeeze %dma_start3A_120 : memref<1x128xi32, #tpu.memory_space<vmem>> -> memref<128xi32, #tpu.memory_space<vmem>>
        %dma_start3A_122 = arith.constant 0 : i32
        %dma_start3A_123 = arith.constant 0 : i32
        %dma_start3A_124 = tpu.memref_slice %arg13[%dma_start3A_122, %dma_start3A_123] : memref<10240x64xf32, #tpu.memory_space<vmem_shared>> -> memref<10240x64xf32, #tpu.memory_space<vmem_shared>>
        tpu.enqueue_indirect_dma source(%arg11 : memref<128x64xf32, #tpu.memory_space<vmem>>) target(%dma_start3A_124 : memref<10240x64xf32, #tpu.memory_space<vmem_shared>>) offsets(%dma_start3A_121 : memref<128xi32, #tpu.memory_space<vmem>>) semaphore(%run_scoped3A : memref<!tpu.dma_semaphore, #tpu.memory_space<semaphore_mem>>) {add = true}
        %dma_wait3A_125 = arith.constant 0 : i32
        %dma_wait3A_126 = tpu.memref_slice %arg8[%add3A_103, %dma_wait3A_125] : memref<40x128xi32, #tpu.memory_space<vmem>> -> memref<1x128xi32, #tpu.memory_space<vmem>>
        %dma_wait3A_127 = tpu.memref_squeeze %dma_wait3A_126 : memref<1x128xi32, #tpu.memory_space<vmem>> -> memref<128xi32, #tpu.memory_space<vmem>>
        %dma_wait3A_128 = arith.constant 0 : i32
        %dma_wait3A_129 = arith.constant 0 : i32
        %dma_wait3A_130 = tpu.memref_slice %arg13[%dma_wait3A_128, %dma_wait3A_129] : memref<10240x64xf32, #tpu.memory_space<vmem_shared>> -> memref<10240x64xf32, #tpu.memory_space<vmem_shared>>
        tpu.wait_indirect_dma semaphore(%run_scoped3A : memref<!tpu.dma_semaphore, #tpu.memory_space<semaphore_mem>>) src(%arg11 : memref<128x64xf32, #tpu.memory_space<vmem>>) dst(%dma_wait3A_130 : memref<10240x64xf32, #tpu.memory_space<vmem_shared>>)
        tpu.yield
      }) : () -> ()
      %add3A_113 = arith.constant 2 : i32
      %add3A_114 = arith.addi %add3A_103, %add3A_113 : i32
      %lt3A_115 = arith.cmpi slt, %add3A_114, %select_n3A : i32
      %convert_element_type3A_116 = arith.extui %lt3A_115 : i1 to i32
      %cond3A_117 = arith.constant 0 : i32
      %cond3A_118 = arith.cmpi ne, %convert_element_type3A_116, %cond3A_117 : i32
      scf.if %cond3A_118 {
        %add3A_119 = arith.constant 2 : i32
        %add3A_120 = arith.addi %add3A_103, %add3A_119 : i32
        %dma_start3A_121 = arith.constant 0 : i32
        %dma_start3A_122 = tpu.memref_slice %arg7[%add3A_120, %dma_start3A_121] : memref<40x128xi32, #tpu.memory_space<vmem>> -> memref<1x128xi32, #tpu.memory_space<vmem>>
        %dma_start3A_123 = tpu.memref_squeeze %dma_start3A_122 : memref<1x128xi32, #tpu.memory_space<vmem>> -> memref<128xi32, #tpu.memory_space<vmem>>
        %dma_start3A_124 = arith.constant 0 : i32
        %dma_start3A_125 = arith.constant 0 : i32
        %dma_start3A_126 = tpu.memref_slice %arg12[%dma_start3A_124, %dma_start3A_125] : memref<10000x64xf32, #tpu.memory_space<vmem_shared>> -> memref<10000x64xf32, #tpu.memory_space<vmem_shared>>
        tpu.enqueue_indirect_dma source(%dma_start3A_126 : memref<10000x64xf32, #tpu.memory_space<vmem_shared>>) target(%arg11 : memref<128x64xf32, #tpu.memory_space<vmem>>) offsets(%dma_start3A_123 : memref<128xi32, #tpu.memory_space<vmem>>) semaphore(%arg15 : memref<!tpu.dma_semaphore, #tpu.memory_space<semaphore_mem>>)
      } else {
      }
    }
    %while3A_72 = arith.constant 1 : i32
    scf.for %while3A_81 = %while3A_70 to %while3A_66 step %while3A_72  : i32 {
      %mul3A_82 = arith.constant 2 : i32
      %mul3A_83 = arith.muli %mul3A_82, %while3A_81 : i32
      %add3A_84 = arith.constant 0 : i32
      %add3A_85 = arith.addi %mul3A_83, %add3A_84 : i32
      %dma_wait3A_86 = arith.constant 0 : i32
      %dma_wait3A_87 = tpu.memref_slice %arg7[%add3A_85, %dma_wait3A_86] : memref<40x128xi32, #tpu.memory_space<vmem>> -> memref<1x128xi32, #tpu.memory_space<vmem>>
      %dma_wait3A_88 = tpu.memref_squeeze %dma_wait3A_87 : memref<1x128xi32, #tpu.memory_space<vmem>> -> memref<128xi32, #tpu.memory_space<vmem>>
      %dma_wait3A_89 = arith.constant 0 : i32
      %dma_wait3A_90 = arith.constant 0 : i32
      %dma_wait3A_91 = tpu.memref_slice %arg12[%dma_wait3A_89, %dma_wait3A_90] : memref<10000x64xf32, #tpu.memory_space<vmem_shared>> -> memref<10000x64xf32, #tpu.memory_space<vmem_shared>>
      tpu.wait_indirect_dma semaphore(%arg14 : memref<!tpu.dma_semaphore, #tpu.memory_space<semaphore_mem>>) src(%dma_wait3A_91 : memref<10000x64xf32, #tpu.memory_space<vmem_shared>>) dst(%arg10 : memref<128x64xf32, #tpu.memory_space<vmem>>)
      %parallel_loop3A = arith.constant 0 : i32
      %parallel_loop3A_92 = arith.constant 8 : i32
      %parallel_loop3A_93 = arith.constant 1 : i32
      scf.for %parallel_loop3A_119 = %parallel_loop3A to %parallel_loop3A_92 step %parallel_loop3A_93  : i32 {
        %parallel_loop3A_120 = arith.constant 16 : i32
        %parallel_loop3A_121 = arith.muli %parallel_loop3A_119, %parallel_loop3A_120 : i32
        %parallel_loop3A_122 = arith.index_cast %add3A_85 : i32 to index
        %parallel_loop3A_123 = arith.index_cast %parallel_loop3A_121 : i32 to index
        %parallel_loop3A_124 = tpu.vector_load %arg9[%parallel_loop3A_122, %parallel_loop3A_123] {strides = array<i32>} : memref<40x128xf32, #tpu.memory_space<vmem>>, vector<1x16xf32>,
        %parallel_loop3A_125 = vector.shape_cast %parallel_loop3A_124 : vector<1x16xf32> to vector<16xf32>
        %parallel_loop3A_126 = vector.extract_strided_slice %parallel_loop3A_125 {offsets = [0], sizes = [1], strides = [1]} : vector<16xf32> to vector<1xf32>
        %parallel_loop3A_127 = vector.extract %parallel_loop3A_126[0] : f32 from vector<1xf32>
        %parallel_loop3A_128 = arith.constant 16 : i32
        %parallel_loop3A_129 = arith.muli %parallel_loop3A_119, %parallel_loop3A_128 : i32
        %parallel_loop3A_130 = arith.constant 0 : i32
        %parallel_loop3A_131 = arith.addi %parallel_loop3A_129, %parallel_loop3A_130 : i32
        %parallel_loop3A_132 = arith.index_cast %parallel_loop3A_131 : i32 to index
        %parallel_loop3A_133 = arith.constant 0 : index
        %parallel_loop3A_134 = tpu.vector_load %arg10[%parallel_loop3A_132, %parallel_loop3A_133] {strides = array<i32>} : memref<128x64xf32, #tpu.memory_space<vmem>>, vector<1x16xf32>,
        %parallel_loop3A_135 = vector.shape_cast %parallel_loop3A_134 : vector<1x16xf32> to vector<16xf32>
        %parallel_loop3A_136 = vector.broadcast %parallel_loop3A_127 : f32 to vector<16xf32>
        %parallel_loop3A_137 = arith.mulf %parallel_loop3A_135, %parallel_loop3A_136 : vector<16xf32>
        %parallel_loop3A_138 = arith.index_cast %parallel_loop3A_131 : i32 to index
        %parallel_loop3A_139 = arith.constant 0 : index
        %parallel_loop3A_140 = tpu.vector_load %arg10[%parallel_loop3A_138, %parallel_loop3A_139] {strides = array<i32>} : memref<128x64xf32, #tpu.memory_space<vmem>>, vector<1x16xf32>,
        %parallel_loop3A_141 = vector.shape_cast %parallel_loop3A_140 : vector<1x16xf32> to vector<16xf32>
        %parallel_loop3A_142 = vector.shape_cast %parallel_loop3A_137 : vector<16xf32> to vector<1x16xf32>
        tpu.vector_store %arg10[%parallel_loop3A_138, %parallel_loop3A_139], %parallel_loop3A_142 {strides = array<i32>} : memref<128x64xf32, #tpu.memory_space<vmem>>, vector<1x16xf32>,
        %parallel_loop3A_143 = arith.index_cast %parallel_loop3A_131 : i32 to index
        %parallel_loop3A_144 = arith.constant 16 : index
        %parallel_loop3A_145 = tpu.vector_load %arg10[%parallel_loop3A_143, %parallel_loop3A_144] {strides = array<i32>} : memref<128x64xf32, #tpu.memory_space<vmem>>, vector<1x16xf32>,
        %parallel_loop3A_146 = vector.shape_cast %parallel_loop3A_145 : vector<1x16xf32> to vector<16xf32>
        %parallel_loop3A_147 = vector.broadcast %parallel_loop3A_127 : f32 to vector<16xf32>
        %parallel_loop3A_148 = arith.mulf %parallel_loop3A_146, %parallel_loop3A_147 : vector<16xf32>
        %parallel_loop3A_149 = arith.index_cast %parallel_loop3A_131 : i32 to index
        %parallel_loop3A_150 = arith.constant 16 : index
        %parallel_loop3A_151 = tpu.vector_load %arg10[%parallel_loop3A_149, %parallel_loop3A_150] {strides = array<i32>} : memref<128x64xf32, #tpu.memory_space<vmem>>, vector<1x16xf32>,
        %parallel_loop3A_152 = vector.shape_cast %parallel_loop3A_151 : vector<1x16xf32> to vector<16xf32>
        %parallel_loop3A_153 = vector.shape_cast %parallel_loop3A_148 : vector<16xf32> to vector<1x16xf32>
        tpu.vector_store %arg10[%parallel_loop3A_149, %parallel_loop3A_150], %parallel_loop3A_153 {strides = array<i32>} : memref<128x64xf32, #tpu.memory_space<vmem>>, vector<1x16xf32>,
        %parallel_loop3A_154 = arith.index_cast %parallel_loop3A_131 : i32 to index
        %parallel_loop3A_155 = arith.constant 32 : index
        %parallel_loop3A_156 = tpu.vector_load %arg10[%parallel_loop3A_154, %parallel_loop3A_155] {strides = array<i32>} : memref<128x64xf32, #tpu.memory_space<vmem>>, vector<1x16xf32>,
        %parallel_loop3A_157 = vector.shape_cast %parallel_loop3A_156 : vector<1x16xf32> to vector<16xf32>
        %parallel_loop3A_158 = vector.broadcast %parallel_loop3A_127 : f32 to vector<16xf32>
        %parallel_loop3A_159 = arith.mulf %parallel_loop3A_157, %parallel_loop3A_158 : vector<16xf32>
        %parallel_loop3A_160 = arith.index_cast %parallel_loop3A_131 : i32 to index
        %parallel_loop3A_161 = arith.constant 32 : index
        %parallel_loop3A_162 = tpu.vector_load %arg10[%parallel_loop3A_160, %parallel_loop3A_161] {strides = array<i32>} : memref<128x64xf32, #tpu.memory_space<vmem>>, vector<1x16xf32>,
        %parallel_loop3A_163 = vector.shape_cast %parallel_loop3A_162 : vector<1x16xf32> to vector<16xf32>
        %parallel_loop3A_164 = vector.shape_cast %parallel_loop3A_159 : vector<16xf32> to vector<1x16xf32>
        tpu.vector_store %arg10[%parallel_loop3A_160, %parallel_loop3A_161], %parallel_loop3A_164 {strides = array<i32>} : memref<128x64xf32, #tpu.memory_space<vmem>>, vector<1x16xf32>,
        %parallel_loop3A_165 = arith.index_cast %parallel_loop3A_131 : i32 to index
        %parallel_loop3A_166 = arith.constant 48 : index
        %parallel_loop3A_167 = tpu.vector_load %arg10[%parallel_loop3A_165, %parallel_loop3A_166] {strides = array<i32>} : memref<128x64xf32, #tpu.memory_space<vmem>>, vector<1x16xf32>,
        %parallel_loop3A_168 = vector.shape_cast %parallel_loop3A_167 : vector<1x16xf32> to vector<16xf32>
        %parallel_loop3A_169 = vector.broadcast %parallel_loop3A_127 : f32 to vector<16xf32>
        %parallel_loop3A_170 = arith.mulf %parallel_loop3A_168, %parallel_loop3A_169 : vector<16xf32>
        %parallel_loop3A_171 = arith.index_cast %parallel_loop3A_131 : i32 to index
        %parallel_loop3A_172 = arith.constant 48 : index
        %parallel_loop3A_173 = tpu.vector_load %arg10[%parallel_loop3A_171, %parallel_loop3A_172] {strides = array<i32>} : memref<128x64xf32, #tpu.memory_space<vmem>>, vector<1x16xf32>,
        %parallel_loop3A_174 = vector.shape_cast %parallel_loop3A_173 : vector<1x16xf32> to vector<16xf32>
        %parallel_loop3A_175 = vector.shape_cast %parallel_loop3A_170 : vector<16xf32> to vector<1x16xf32>
        tpu.vector_store %arg10[%parallel_loop3A_171, %parallel_loop3A_172], %parallel_loop3A_175 {strides = array<i32>} : memref<128x64xf32, #tpu.memory_space<vmem>>, vector<1x16xf32>,
        %parallel_loop3A_176 = vector.extract_strided_slice %parallel_loop3A_125 {offsets = [1], sizes = [1], strides = [1]} : vector<16xf32> to vector<1xf32>
        %parallel_loop3A_177 = vector.extract %parallel_loop3A_176[0] : f32 from vector<1xf32>
        %parallel_loop3A_178 = arith.constant 16 : i32
        %parallel_loop3A_179 = arith.muli %parallel_loop3A_119, %parallel_loop3A_178 : i32
        %parallel_loop3A_180 = arith.constant 1 : i32
        %parallel_loop3A_181 = arith.addi %parallel_loop3A_179, %parallel_loop3A_180 : i32
        %parallel_loop3A_182 = arith.index_cast %parallel_loop3A_181 : i32 to index
        %parallel_loop3A_183 = arith.constant 0 : index
        %parallel_loop3A_184 = tpu.vector_load %arg10[%parallel_loop3A_182, %parallel_loop3A_183] {strides = array<i32>} : memref<128x64xf32, #tpu.memory_space<vmem>>, vector<1x16xf32>,
        %parallel_loop3A_185 = vector.shape_cast %parallel_loop3A_184 : vector<1x16xf32> to vector<16xf32>
        %parallel_loop3A_186 = vector.broadcast %parallel_loop3A_177 : f32 to vector<16xf32>
        %parallel_loop3A_187 = arith.mulf %parallel_loop3A_185, %parallel_loop3A_186 : vector<16xf32>
        %parallel_loop3A_188 = arith.index_cast %parallel_loop3A_181 : i32 to index
        %parallel_loop3A_189 = arith.constant 0 : index
        %parallel_loop3A_190 = tpu.vector_load %arg10[%parallel_loop3A_188, %parallel_loop3A_189] {strides = array<i32>} : memref<128x64xf32, #tpu.memory_space<vmem>>, vector<1x16xf32>,
        %parallel_loop3A_191 = vector.shape_cast %parallel_loop3A_190 : vector<1x16xf32> to vector<16xf32>
        %parallel_loop3A_192 = vector.shape_cast %parallel_loop3A_187 : vector<16xf32> to vector<1x16xf32>
        tpu.vector_store %arg10[%parallel_loop3A_188, %parallel_loop3A_189], %parallel_loop3A_192 {strides = array<i32>} : memref<128x64xf32, #tpu.memory_space<vmem>>, vector<1x16xf32>,
        %parallel_loop3A_193 = arith.index_cast %parallel_loop3A_181 : i32 to index
        %parallel_loop3A_194 = arith.constant 16 : index
        %parallel_loop3A_195 = tpu.vector_load %arg10[%parallel_loop3A_193, %parallel_loop3A_194] {strides = array<i32>} : memref<128x64xf32, #tpu.memory_space<vmem>>, vector<1x16xf32>,
        %parallel_loop3A_196 = vector.shape_cast %parallel_loop3A_195 : vector<1x16xf32> to vector<16xf32>
        %parallel_loop3A_197 = vector.broadcast %parallel_loop3A_177 : f32 to vector<16xf32>
        %parallel_loop3A_198 = arith.mulf %parallel_loop3A_196, %parallel_loop3A_197 : vector<16xf32>
        %parallel_loop3A_199 = arith.index_cast %parallel_loop3A_181 : i32 to index
        %parallel_loop3A_200 = arith.constant 16 : index
        %parallel_loop3A_201 = tpu.vector_load %arg10[%parallel_loop3A_199, %parallel_loop3A_200] {strides = array<i32>} : memref<128x64xf32, #tpu.memory_space<vmem>>, vector<1x16xf32>,
        %parallel_loop3A_202 = vector.shape_cast %parallel_loop3A_201 : vector<1x16xf32> to vector<16xf32>
        %parallel_loop3A_203 = vector.shape_cast %parallel_loop3A_198 : vector<16xf32> to vector<1x16xf32>
        tpu.vector_store %arg10[%parallel_loop3A_199, %parallel_loop3A_200], %parallel_loop3A_203 {strides = array<i32>} : memref<128x64xf32, #tpu.memory_space<vmem>>, vector<1x16xf32>,
        %parallel_loop3A_204 = arith.index_cast %parallel_loop3A_181 : i32 to index
        %parallel_loop3A_205 = arith.constant 32 : index
        %parallel_loop3A_206 = tpu.vector_load %arg10[%parallel_loop3A_204, %parallel_loop3A_205] {strides = array<i32>} : memref<128x64xf32, #tpu.memory_space<vmem>>, vector<1x16xf32>,
        %parallel_loop3A_207 = vector.shape_cast %parallel_loop3A_206 : vector<1x16xf32> to vector<16xf32>
        %parallel_loop3A_208 = vector.broadcast %parallel_loop3A_177 : f32 to vector<16xf32>
        %parallel_loop3A_209 = arith.mulf %parallel_loop3A_207, %parallel_loop3A_208 : vector<16xf32>
        %parallel_loop3A_210 = arith.index_cast %parallel_loop3A_181 : i32 to index
        %parallel_loop3A_211 = arith.constant 32 : index
        %parallel_loop3A_212 = tpu.vector_load %arg10[%parallel_loop3A_210, %parallel_loop3A_211] {strides = array<i32>} : memref<128x64xf32, #tpu.memory_space<vmem>>, vector<1x16xf32>,
        %parallel_loop3A_213 = vector.shape_cast %parallel_loop3A_212 : vector<1x16xf32> to vector<16xf32>
        %parallel_loop3A_214 = vector.shape_cast %parallel_loop3A_209 : vector<16xf32> to vector<1x16xf32>
        tpu.vector_store %arg10[%parallel_loop3A_210, %parallel_loop3A_211], %parallel_loop3A_214 {strides = array<i32>} : memref<128x64xf32, #tpu.memory_space<vmem>>, vector<1x16xf32>,
        %parallel_loop3A_215 = arith.index_cast %parallel_loop3A_181 : i32 to index
        %parallel_loop3A_216 = arith.constant 48 : index
        %parallel_loop3A_217 = tpu.vector_load %arg10[%parallel_loop3A_215, %parallel_loop3A_216] {strides = array<i32>} : memref<128x64xf32, #tpu.memory_space<vmem>>, vector<1x16xf32>,
        %parallel_loop3A_218 = vector.shape_cast %parallel_loop3A_217 : vector<1x16xf32> to vector<16xf32>
        %parallel_loop3A_219 = vector.broadcast %parallel_loop3A_177 : f32 to vector<16xf32>
        %parallel_loop3A_220 = arith.mulf %parallel_loop3A_218, %parallel_loop3A_219 : vector<16xf32>
        %parallel_loop3A_221 = arith.index_cast %parallel_loop3A_181 : i32 to index
        %parallel_loop3A_222 = arith.constant 48 : index
        %parallel_loop3A_223 = tpu.vector_load %arg10[%parallel_loop3A_221, %parallel_loop3A_222] {strides = array<i32>} : memref<128x64xf32, #tpu.memory_space<vmem>>, vector<1x16xf32>,
        %parallel_loop3A_224 = vector.shape_cast %parallel_loop3A_223 : vector<1x16xf32> to vector<16xf32>
        %parallel_loop3A_225 = vector.shape_cast %parallel_loop3A_220 : vector<16xf32> to vector<1x16xf32>
        tpu.vector_store %arg10[%parallel_loop3A_221, %parallel_loop3A_222], %parallel_loop3A_225 {strides = array<i32>} : memref<128x64xf32, #tpu.memory_space<vmem>>, vector<1x16xf32>,
        %parallel_loop3A_226 = vector.extract_strided_slice %parallel_loop3A_125 {offsets = [2], sizes = [1], strides = [1]} : vector<16xf32> to vector<1xf32>
        %parallel_loop3A_227 = vector.extract %parallel_loop3A_226[0] : f32 from vector<1xf32>
        %parallel_loop3A_228 = arith.constant 16 : i32
        %parallel_loop3A_229 = arith.muli %parallel_loop3A_119, %parallel_loop3A_228 : i32
        %parallel_loop3A_230 = arith.constant 2 : i32
        %parallel_loop3A_231 = arith.addi %parallel_loop3A_229, %parallel_loop3A_230 : i32
        %parallel_loop3A_232 = arith.index_cast %parallel_loop3A_231 : i32 to index
        %parallel_loop3A_233 = arith.constant 0 : index
        %parallel_loop3A_234 = tpu.vector_load %arg10[%parallel_loop3A_232, %parallel_loop3A_233] {strides = array<i32>} : memref<128x64xf32, #tpu.memory_space<vmem>>, vector<1x16xf32>,
        %parallel_loop3A_235 = vector.shape_cast %parallel_loop3A_234 : vector<1x16xf32> to vector<16xf32>
        %parallel_loop3A_236 = vector.broadcast %parallel_loop3A_227 : f32 to vector<16xf32>
        %parallel_loop3A_237 = arith.mulf %parallel_loop3A_235, %parallel_loop3A_236 : vector<16xf32>
        %parallel_loop3A_238 = arith.index_cast %parallel_loop3A_231 : i32 to index
        %parallel_loop3A_239 = arith.constant 0 : index
        %parallel_loop3A_240 = tpu.vector_load %arg10[%parallel_loop3A_238, %parallel_loop3A_239] {strides = array<i32>} : memref<128x64xf32, #tpu.memory_space<vmem>>, vector<1x16xf32>,
        %parallel_loop3A_241 = vector.shape_cast %parallel_loop3A_240 : vector<1x16xf32> to vector<16xf32>
        %parallel_loop3A_242 = vector.shape_cast %parallel_loop3A_237 : vector<16xf32> to vector<1x16xf32>
        tpu.vector_store %arg10[%parallel_loop3A_238, %parallel_loop3A_239], %parallel_loop3A_242 {strides = array<i32>} : memref<128x64xf32, #tpu.memory_space<vmem>>, vector<1x16xf32>,
        %parallel_loop3A_243 = arith.index_cast %parallel_loop3A_231 : i32 to index
        %parallel_loop3A_244 = arith.constant 16 : index
        %parallel_loop3A_245 = tpu.vector_load %arg10[%parallel_loop3A_243, %parallel_loop3A_244] {strides = array<i32>} : memref<128x64xf32, #tpu.memory_space<vmem>>, vector<1x16xf32>,
        %parallel_loop3A_246 = vector.shape_cast %parallel_loop3A_245 : vector<1x16xf32> to vector<16xf32>
        %parallel_loop3A_247 = vector.broadcast %parallel_loop3A_227 : f32 to vector<16xf32>
        %parallel_loop3A_248 = arith.mulf %parallel_loop3A_246, %parallel_loop3A_247 : vector<16xf32>
        %parallel_loop3A_249 = arith.index_cast %parallel_loop3A_231 : i32 to index
        %parallel_loop3A_250 = arith.constant 16 : index
        %parallel_loop3A_251 = tpu.vector_load %arg10[%parallel_loop3A_249, %parallel_loop3A_250] {strides = array<i32>} : memref<128x64xf32, #tpu.memory_space<vmem>>, vector<1x16xf32>,
        %parallel_loop3A_252 = vector.shape_cast %parallel_loop3A_251 : vector<1x16xf32> to vector<16xf32>
        %parallel_loop3A_253 = vector.shape_cast %parallel_loop3A_248 : vector<16xf32> to vector<1x16xf32>
        tpu.vector_store %arg10[%parallel_loop3A_249, %parallel_loop3A_250], %parallel_loop3A_253 {strides = array<i32>} : memref<128x64xf32, #tpu.memory_space<vmem>>, vector<1x16xf32>,
        %parallel_loop3A_254 = arith.index_cast %parallel_loop3A_231 : i32 to index
        %parallel_loop3A_255 = arith.constant 32 : index
        %parallel_loop3A_256 = tpu.vector_load %arg10[%parallel_loop3A_254, %parallel_loop3A_255] {strides = array<i32>} : memref<128x64xf32, #tpu.memory_space<vmem>>, vector<1x16xf32>,
        %parallel_loop3A_257 = vector.shape_cast %parallel_loop3A_256 : vector<1x16xf32> to vector<16xf32>
        %parallel_loop3A_258 = vector.broadcast %parallel_loop3A_227 : f32 to vector<16xf32>
        %parallel_loop3A_259 = arith.mulf %parallel_loop3A_257, %parallel_loop3A_258 : vector<16xf32>
        %parallel_loop3A_260 = arith.index_cast %parallel_loop3A_231 : i32 to index
        %parallel_loop3A_261 = arith.constant 32 : index
        %parallel_loop3A_262 = tpu.vector_load %arg10[%parallel_loop3A_260, %parallel_loop3A_261] {strides = array<i32>} : memref<128x64xf32, #tpu.memory_space<vmem>>, vector<1x16xf32>,
        %parallel_loop3A_263 = vector.shape_cast %parallel_loop3A_262 : vector<1x16xf32> to vector<16xf32>
        %parallel_loop3A_264 = vector.shape_cast %parallel_loop3A_259 : vector<16xf32> to vector<1x16xf32>
        tpu.vector_store %arg10[%parallel_loop3A_260, %parallel_loop3A_261], %parallel_loop3A_264 {strides = array<i32>} : memref<128x64xf32, #tpu.memory_space<vmem>>, vector<1x16xf32>,
        %parallel_loop3A_265 = arith.index_cast %parallel_loop3A_231 : i32 to index
        %parallel_loop3A_266 = arith.constant 48 : index
        %parallel_loop3A_267 = tpu.vector_load %arg10[%parallel_loop3A_265, %parallel_loop3A_266] {strides = array<i32>} : memref<128x64xf32, #tpu.memory_space<vmem>>, vector<1x16xf32>,
        %parallel_loop3A_268 = vector.shape_cast %parallel_loop3A_267 : vector<1x16xf32> to vector<16xf32>
        %parallel_loop3A_269 = vector.broadcast %parallel_loop3A_227 : f32 to vector<16xf32>
        %parallel_loop3A_270 = arith.mulf %parallel_loop3A_268, %parallel_loop3A_269 : vector<16xf32>
        %parallel_loop3A_271 = arith.index_cast %parallel_loop3A_231 : i32 to index
        %parallel_loop3A_272 = arith.constant 48 : index
        %parallel_loop3A_273 = tpu.vector_load %arg10[%parallel_loop3A_271, %parallel_loop3A_272] {strides = array<i32>} : memref<128x64xf32, #tpu.memory_space<vmem>>, vector<1x16xf32>,
        %parallel_loop3A_274 = vector.shape_cast %parallel_loop3A_273 : vector<1x16xf32> to vector<16xf32>
        %parallel_loop3A_275 = vector.shape_cast %parallel_loop3A_270 : vector<16xf32> to vector<1x16xf32>
        tpu.vector_store %arg10[%parallel_loop3A_271, %parallel_loop3A_272], %parallel_loop3A_275 {strides = array<i32>} : memref<128x64xf32, #tpu.memory_space<vmem>>, vector<1x16xf32>,
        %parallel_loop3A_276 = vector.extract_strided_slice %parallel_loop3A_125 {offsets = [3], sizes = [1], strides = [1]} : vector<16xf32> to vector<1xf32>
        %parallel_loop3A_277 = vector.extract %parallel_loop3A_276[0] : f32 from vector<1xf32>
        %parallel_loop3A_278 = arith.constant 16 : i32
        %parallel_loop3A_279 = arith.muli %parallel_loop3A_119, %parallel_loop3A_278 : i32
        %parallel_loop3A_280 = arith.constant 3 : i32
        %parallel_loop3A_281 = arith.addi %parallel_loop3A_279, %parallel_loop3A_280 : i32
        %parallel_loop3A_282 = arith.index_cast %parallel_loop3A_281 : i32 to index
        %parallel_loop3A_283 = arith.constant 0 : index
        %parallel_loop3A_284 = tpu.vector_load %arg10[%parallel_loop3A_282, %parallel_loop3A_283] {strides = array<i32>} : memref<128x64xf32, #tpu.memory_space<vmem>>, vector<1x16xf32>,
        %parallel_loop3A_285 = vector.shape_cast %parallel_loop3A_284 : vector<1x16xf32> to vector<16xf32>
        %parallel_loop3A_286 = vector.broadcast %parallel_loop3A_277 : f32 to vector<16xf32>
        %parallel_loop3A_287 = arith.mulf %parallel_loop3A_285, %parallel_loop3A_286 : vector<16xf32>
        %parallel_loop3A_288 = arith.index_cast %parallel_loop3A_281 : i32 to index
        %parallel_loop3A_289 = arith.constant 0 : index
        %parallel_loop3A_290 = tpu.vector_load %arg10[%parallel_loop3A_288, %parallel_loop3A_289] {strides = array<i32>} : memref<128x64xf32, #tpu.memory_space<vmem>>, vector<1x16xf32>,
        %parallel_loop3A_291 = vector.shape_cast %parallel_loop3A_290 : vector<1x16xf32> to vector<16xf32>
        %parallel_loop3A_292 = vector.shape_cast %parallel_loop3A_287 : vector<16xf32> to vector<1x16xf32>
        tpu.vector_store %arg10[%parallel_loop3A_288, %parallel_loop3A_289], %parallel_loop3A_292 {strides = array<i32>} : memref<128x64xf32, #tpu.memory_space<vmem>>, vector<1x16xf32>,
        %parallel_loop3A_293 = arith.index_cast %parallel_loop3A_281 : i32 to index
        %parallel_loop3A_294 = arith.constant 16 : index
        %parallel_loop3A_295 = tpu.vector_load %arg10[%parallel_loop3A_293, %parallel_loop3A_294] {strides = array<i32>} : memref<128x64xf32, #tpu.memory_space<vmem>>, vector<1x16xf32>,
        %parallel_loop3A_296 = vector.shape_cast %parallel_loop3A_295 : vector<1x16xf32> to vector<16xf32>
        %parallel_loop3A_297 = vector.broadcast %parallel_loop3A_277 : f32 to vector<16xf32>
        %parallel_loop3A_298 = arith.mulf %parallel_loop3A_296, %parallel_loop3A_297 : vector<16xf32>
        %parallel_loop3A_299 = arith.index_cast %parallel_loop3A_281 : i32 to index
        %parallel_loop3A_300 = arith.constant 16 : index
        %parallel_loop3A_301 = tpu.vector_load %arg10[%parallel_loop3A_299, %parallel_loop3A_300] {strides = array<i32>} : memref<128x64xf32, #tpu.memory_space<vmem>>, vector<1x16xf32>,
        %parallel_loop3A_302 = vector.shape_cast %parallel_loop3A_301 : vector<1x16xf32> to vector<16xf32>
        %parallel_loop3A_303 = vector.shape_cast %parallel_loop3A_298 : vector<16xf32> to vector<1x16xf32>
        tpu.vector_store %arg10[%parallel_loop3A_299, %parallel_loop3A_300], %parallel_loop3A_303 {strides = array<i32>} : memref<128x64xf32, #tpu.memory_space<vmem>>, vector<1x16xf32>,
        %parallel_loop3A_304 = arith.index_cast %parallel_loop3A_281 : i32 to index
        %parallel_loop3A_305 = arith.constant 32 : index
        %parallel_loop3A_306 = tpu.vector_load %arg10[%parallel_loop3A_304, %parallel_loop3A_305] {strides = array<i32>} : memref<128x64xf32, #tpu.memory_space<vmem>>, vector<1x16xf32>,
        %parallel_loop3A_307 = vector.shape_cast %parallel_loop3A_306 : vector<1x16xf32> to vector<16xf32>
        %parallel_loop3A_308 = vector.broadcast %parallel_loop3A_277 : f32 to vector<16xf32>
        %parallel_loop3A_309 = arith.mulf %parallel_loop3A_307, %parallel_loop3A_308 : vector<16xf32>
        %parallel_loop3A_310 = arith.index_cast %parallel_loop3A_281 : i32 to index
        %parallel_loop3A_311 = arith.constant 32 : index
        %parallel_loop3A_312 = tpu.vector_load %arg10[%parallel_loop3A_310, %parallel_loop3A_311] {strides = array<i32>} : memref<128x64xf32, #tpu.memory_space<vmem>>, vector<1x16xf32>,
        %parallel_loop3A_313 = vector.shape_cast %parallel_loop3A_312 : vector<1x16xf32> to vector<16xf32>
        %parallel_loop3A_314 = vector.shape_cast %parallel_loop3A_309 : vector<16xf32> to vector<1x16xf32>
        tpu.vector_store %arg10[%parallel_loop3A_310, %parallel_loop3A_311], %parallel_loop3A_314 {strides = array<i32>} : memref<128x64xf32, #tpu.memory_space<vmem>>, vector<1x16xf32>,
        %parallel_loop3A_315 = arith.index_cast %parallel_loop3A_281 : i32 to index
        %parallel_loop3A_316 = arith.constant 48 : index
        %parallel_loop3A_317 = tpu.vector_load %arg10[%parallel_loop3A_315, %parallel_loop3A_316] {strides = array<i32>} : memref<128x64xf32, #tpu.memory_space<vmem>>, vector<1x16xf32>,
        %parallel_loop3A_318 = vector.shape_cast %parallel_loop3A_317 : vector<1x16xf32> to vector<16xf32>
        %parallel_loop3A_319 = vector.broadcast %parallel_loop3A_277 : f32 to vector<16xf32>
        %parallel_loop3A_320 = arith.mulf %parallel_loop3A_318, %parallel_loop3A_319 : vector<16xf32>
        %parallel_loop3A_321 = arith.index_cast %parallel_loop3A_281 : i32 to index
        %parallel_loop3A_322 = arith.constant 48 : index
        %parallel_loop3A_323 = tpu.vector_load %arg10[%parallel_loop3A_321, %parallel_loop3A_322] {strides = array<i32>} : memref<128x64xf32, #tpu.memory_space<vmem>>, vector<1x16xf32>,
        %parallel_loop3A_324 = vector.shape_cast %parallel_loop3A_323 : vector<1x16xf32> to vector<16xf32>
        %parallel_loop3A_325 = vector.shape_cast %parallel_loop3A_320 : vector<16xf32> to vector<1x16xf32>
        tpu.vector_store %arg10[%parallel_loop3A_321, %parallel_loop3A_322], %parallel_loop3A_325 {strides = array<i32>} : memref<128x64xf32, #tpu.memory_space<vmem>>, vector<1x16xf32>,
        %parallel_loop3A_326 = vector.extract_strided_slice %parallel_loop3A_125 {offsets = [4], sizes = [1], strides = [1]} : vector<16xf32> to vector<1xf32>
        %parallel_loop3A_327 = vector.extract %parallel_loop3A_326[0] : f32 from vector<1xf32>
        %parallel_loop3A_328 = arith.constant 16 : i32
        %parallel_loop3A_329 = arith.muli %parallel_loop3A_119, %parallel_loop3A_328 : i32
        %parallel_loop3A_330 = arith.constant 4 : i32
        %parallel_loop3A_331 = arith.addi %parallel_loop3A_329, %parallel_loop3A_330 : i32
        %parallel_loop3A_332 = arith.index_cast %parallel_loop3A_331 : i32 to index
        %parallel_loop3A_333 = arith.constant 0 : index
        %parallel_loop3A_334 = tpu.vector_load %arg10[%parallel_loop3A_332, %parallel_loop3A_333] {strides = array<i32>} : memref<128x64xf32, #tpu.memory_space<vmem>>, vector<1x16xf32>,
        %parallel_loop3A_335 = vector.shape_cast %parallel_loop3A_334 : vector<1x16xf32> to vector<16xf32>
        %parallel_loop3A_336 = vector.broadcast %parallel_loop3A_327 : f32 to vector<16xf32>
        %parallel_loop3A_337 = arith.mulf %parallel_loop3A_335, %parallel_loop3A_336 : vector<16xf32>
        %parallel_loop3A_338 = arith.index_cast %parallel_loop3A_331 : i32 to index
        %parallel_loop3A_339 = arith.constant 0 : index
        %parallel_loop3A_340 = tpu.vector_load %arg10[%parallel_loop3A_338, %parallel_loop3A_339] {strides = array<i32>} : memref<128x64xf32, #tpu.memory_space<vmem>>, vector<1x16xf32>,
        %parallel_loop3A_341 = vector.shape_cast %parallel_loop3A_340 : vector<1x16xf32> to vector<16xf32>
        %parallel_loop3A_342 = vector.shape_cast %parallel_loop3A_337 : vector<16xf32> to vector<1x16xf32>
        tpu.vector_store %arg10[%parallel_loop3A_338, %parallel_loop3A_339], %parallel_loop3A_342 {strides = array<i32>} : memref<128x64xf32, #tpu.memory_space<vmem>>, vector<1x16xf32>,
        %parallel_loop3A_343 = arith.index_cast %parallel_loop3A_331 : i32 to index
        %parallel_loop3A_344 = arith.constant 16 : index
        %parallel_loop3A_345 = tpu.vector_load %arg10[%parallel_loop3A_343, %parallel_loop3A_344] {strides = array<i32>} : memref<128x64xf32, #tpu.memory_space<vmem>>, vector<1x16xf32>,
        %parallel_loop3A_346 = vector.shape_cast %parallel_loop3A_345 : vector<1x16xf32> to vector<16xf32>
        %parallel_loop3A_347 = vector.broadcast %parallel_loop3A_327 : f32 to vector<16xf32>
        %parallel_loop3A_348 = arith.mulf %parallel_loop3A_346, %parallel_loop3A_347 : vector<16xf32>
        %parallel_loop3A_349 = arith.index_cast %parallel_loop3A_331 : i32 to index
        %parallel_loop3A_350 = arith.constant 16 : index
        %parallel_loop3A_351 = tpu.vector_load %arg10[%parallel_loop3A_349, %parallel_loop3A_350] {strides = array<i32>} : memref<128x64xf32, #tpu.memory_space<vmem>>, vector<1x16xf32>,
        %parallel_loop3A_352 = vector.shape_cast %parallel_loop3A_351 : vector<1x16xf32> to vector<16xf32>
        %parallel_loop3A_353 = vector.shape_cast %parallel_loop3A_348 : vector<16xf32> to vector<1x16xf32>
        tpu.vector_store %arg10[%parallel_loop3A_349, %parallel_loop3A_350], %parallel_loop3A_353 {strides = array<i32>} : memref<128x64xf32, #tpu.memory_space<vmem>>, vector<1x16xf32>,
        %parallel_loop3A_354 = arith.index_cast %parallel_loop3A_331 : i32 to index
        %parallel_loop3A_355 = arith.constant 32 : index
        %parallel_loop3A_356 = tpu.vector_load %arg10[%parallel_loop3A_354, %parallel_loop3A_355] {strides = array<i32>} : memref<128x64xf32, #tpu.memory_space<vmem>>, vector<1x16xf32>,
        %parallel_loop3A_357 = vector.shape_cast %parallel_loop3A_356 : vector<1x16xf32> to vector<16xf32>
        %parallel_loop3A_358 = vector.broadcast %parallel_loop3A_327 : f32 to vector<16xf32>
        %parallel_loop3A_359 = arith.mulf %parallel_loop3A_357, %parallel_loop3A_358 : vector<16xf32>
        %parallel_loop3A_360 = arith.index_cast %parallel_loop3A_331 : i32 to index
        %parallel_loop3A_361 = arith.constant 32 : index
        %parallel_loop3A_362 = tpu.vector_load %arg10[%parallel_loop3A_360, %parallel_loop3A_361] {strides = array<i32>} : memref<128x64xf32, #tpu.memory_space<vmem>>, vector<1x16xf32>,
        %parallel_loop3A_363 = vector.shape_cast %parallel_loop3A_362 : vector<1x16xf32> to vector<16xf32>
        %parallel_loop3A_364 = vector.shape_cast %parallel_loop3A_359 : vector<16xf32> to vector<1x16xf32>
        tpu.vector_store %arg10[%parallel_loop3A_360, %parallel_loop3A_361], %parallel_loop3A_364 {strides = array<i32>} : memref<128x64xf32, #tpu.memory_space<vmem>>, vector<1x16xf32>,
        %parallel_loop3A_365 = arith.index_cast %parallel_loop3A_331 : i32 to index
        %parallel_loop3A_366 = arith.constant 48 : index
        %parallel_loop3A_367 = tpu.vector_load %arg10[%parallel_loop3A_365, %parallel_loop3A_366] {strides = array<i32>} : memref<128x64xf32, #tpu.memory_space<vmem>>, vector<1x16xf32>,
        %parallel_loop3A_368 = vector.shape_cast %parallel_loop3A_367 : vector<1x16xf32> to vector<16xf32>
        %parallel_loop3A_369 = vector.broadcast %parallel_loop3A_327 : f32 to vector<16xf32>
        %parallel_loop3A_370 = arith.mulf %parallel_loop3A_368, %parallel_loop3A_369 : vector<16xf32>
        %parallel_loop3A_371 = arith.index_cast %parallel_loop3A_331 : i32 to index
        %parallel_loop3A_372 = arith.constant 48 : index
        %parallel_loop3A_373 = tpu.vector_load %arg10[%parallel_loop3A_371, %parallel_loop3A_372] {strides = array<i32>} : memref<128x64xf32, #tpu.memory_space<vmem>>, vector<1x16xf32>,
        %parallel_loop3A_374 = vector.shape_cast %parallel_loop3A_373 : vector<1x16xf32> to vector<16xf32>
        %parallel_loop3A_375 = vector.shape_cast %parallel_loop3A_370 : vector<16xf32> to vector<1x16xf32>
        tpu.vector_store %arg10[%parallel_loop3A_371, %parallel_loop3A_372], %parallel_loop3A_375 {strides = array<i32>} : memref<128x64xf32, #tpu.memory_space<vmem>>, vector<1x16xf32>,
        %parallel_loop3A_376 = vector.extract_strided_slice %parallel_loop3A_125 {offsets = [5], sizes = [1], strides = [1]} : vector<16xf32> to vector<1xf32>
        %parallel_loop3A_377 = vector.extract %parallel_loop3A_376[0] : f32 from vector<1xf32>
        %parallel_loop3A_378 = arith.constant 16 : i32
        %parallel_loop3A_379 = arith.muli %parallel_loop3A_119, %parallel_loop3A_378 : i32
        %parallel_loop3A_380 = arith.constant 5 : i32
        %parallel_loop3A_381 = arith.addi %parallel_loop3A_379, %parallel_loop3A_380 : i32
        %parallel_loop3A_382 = arith.index_cast %parallel_loop3A_381 : i32 to index
        %parallel_loop3A_383 = arith.constant 0 : index
        %parallel_loop3A_384 = tpu.vector_load %arg10[%parallel_loop3A_382, %parallel_loop3A_383] {strides = array<i32>} : memref<128x64xf32, #tpu.memory_space<vmem>>, vector<1x16xf32>,
        %parallel_loop3A_385 = vector.shape_cast %parallel_loop3A_384 : vector<1x16xf32> to vector<16xf32>
        %parallel_loop3A_386 = vector.broadcast %parallel_loop3A_377 : f32 to vector<16xf32>
        %parallel_loop3A_387 = arith.mulf %parallel_loop3A_385, %parallel_loop3A_386 : vector<16xf32>
        %parallel_loop3A_388 = arith.index_cast %parallel_loop3A_381 : i32 to index
        %parallel_loop3A_389 = arith.constant 0 : index
        %parallel_loop3A_390 = tpu.vector_load %arg10[%parallel_loop3A_388, %parallel_loop3A_389] {strides = array<i32>} : memref<128x64xf32, #tpu.memory_space<vmem>>, vector<1x16xf32>,
        %parallel_loop3A_391 = vector.shape_cast %parallel_loop3A_390 : vector<1x16xf32> to vector<16xf32>
        %parallel_loop3A_392 = vector.shape_cast %parallel_loop3A_387 : vector<16xf32> to vector<1x16xf32>
        tpu.vector_store %arg10[%parallel_loop3A_388, %parallel_loop3A_389], %parallel_loop3A_392 {strides = array<i32>} : memref<128x64xf32, #tpu.memory_space<vmem>>, vector<1x16xf32>,
        %parallel_loop3A_393 = arith.index_cast %parallel_loop3A_381 : i32 to index
        %parallel_loop3A_394 = arith.constant 16 : index
        %parallel_loop3A_395 = tpu.vector_load %arg10[%parallel_loop3A_393, %parallel_loop3A_394] {strides = array<i32>} : memref<128x64xf32, #tpu.memory_space<vmem>>, vector<1x16xf32>,
        %parallel_loop3A_396 = vector.shape_cast %parallel_loop3A_395 : vector<1x16xf32> to vector<16xf32>
        %parallel_loop3A_397 = vector.broadcast %parallel_loop3A_377 : f32 to vector<16xf32>
        %parallel_loop3A_398 = arith.mulf %parallel_loop3A_396, %parallel_loop3A_397 : vector<16xf32>
        %parallel_loop3A_399 = arith.index_cast %parallel_loop3A_381 : i32 to index
        %parallel_loop3A_400 = arith.constant 16 : index
        %parallel_loop3A_401 = tpu.vector_load %arg10[%parallel_loop3A_399, %parallel_loop3A_400] {strides = array<i32>} : memref<128x64xf32, #tpu.memory_space<vmem>>, vector<1x16xf32>,
        %parallel_loop3A_402 = vector.shape_cast %parallel_loop3A_401 : vector<1x16xf32> to vector<16xf32>
        %parallel_loop3A_403 = vector.shape_cast %parallel_loop3A_398 : vector<16xf32> to vector<1x16xf32>
        tpu.vector_store %arg10[%parallel_loop3A_399, %parallel_loop3A_400], %parallel_loop3A_403 {strides = array<i32>} : memref<128x64xf32, #tpu.memory_space<vmem>>, vector<1x16xf32>,
        %parallel_loop3A_404 = arith.index_cast %parallel_loop3A_381 : i32 to index
        %parallel_loop3A_405 = arith.constant 32 : index
        %parallel_loop3A_406 = tpu.vector_load %arg10[%parallel_loop3A_404, %parallel_loop3A_405] {strides = array<i32>} : memref<128x64xf32, #tpu.memory_space<vmem>>, vector<1x16xf32>,
        %parallel_loop3A_407 = vector.shape_cast %parallel_loop3A_406 : vector<1x16xf32> to vector<16xf32>
        %parallel_loop3A_408 = vector.broadcast %parallel_loop3A_377 : f32 to vector<16xf32>
        %parallel_loop3A_409 = arith.mulf %parallel_loop3A_407, %parallel_loop3A_408 : vector<16xf32>
        %parallel_loop3A_410 = arith.index_cast %parallel_loop3A_381 : i32 to index
        %parallel_loop3A_411 = arith.constant 32 : index
        %parallel_loop3A_412 = tpu.vector_load %arg10[%parallel_loop3A_410, %parallel_loop3A_411] {strides = array<i32>} : memref<128x64xf32, #tpu.memory_space<vmem>>, vector<1x16xf32>,
        %parallel_loop3A_413 = vector.shape_cast %parallel_loop3A_412 : vector<1x16xf32> to vector<16xf32>
        %parallel_loop3A_414 = vector.shape_cast %parallel_loop3A_409 : vector<16xf32> to vector<1x16xf32>
        tpu.vector_store %arg10[%parallel_loop3A_410, %parallel_loop3A_411], %parallel_loop3A_414 {strides = array<i32>} : memref<128x64xf32, #tpu.memory_space<vmem>>, vector<1x16xf32>,
        %parallel_loop3A_415 = arith.index_cast %parallel_loop3A_381 : i32 to index
        %parallel_loop3A_416 = arith.constant 48 : index
        %parallel_loop3A_417 = tpu.vector_load %arg10[%parallel_loop3A_415, %parallel_loop3A_416] {strides = array<i32>} : memref<128x64xf32, #tpu.memory_space<vmem>>, vector<1x16xf32>,
        %parallel_loop3A_418 = vector.shape_cast %parallel_loop3A_417 : vector<1x16xf32> to vector<16xf32>
        %parallel_loop3A_419 = vector.broadcast %parallel_loop3A_377 : f32 to vector<16xf32>
        %parallel_loop3A_420 = arith.mulf %parallel_loop3A_418, %parallel_loop3A_419 : vector<16xf32>
        %parallel_loop3A_421 = arith.index_cast %parallel_loop3A_381 : i32 to index
        %parallel_loop3A_422 = arith.constant 48 : index
        %parallel_loop3A_423 = tpu.vector_load %arg10[%parallel_loop3A_421, %parallel_loop3A_422] {strides = array<i32>} : memref<128x64xf32, #tpu.memory_space<vmem>>, vector<1x16xf32>,
        %parallel_loop3A_424 = vector.shape_cast %parallel_loop3A_423 : vector<1x16xf32> to vector<16xf32>
        %parallel_loop3A_425 = vector.shape_cast %parallel_loop3A_420 : vector<16xf32> to vector<1x16xf32>
        tpu.vector_store %arg10[%parallel_loop3A_421, %parallel_loop3A_422], %parallel_loop3A_425 {strides = array<i32>} : memref<128x64xf32, #tpu.memory_space<vmem>>, vector<1x16xf32>,
        %parallel_loop3A_426 = vector.extract_strided_slice %parallel_loop3A_125 {offsets = [6], sizes = [1], strides = [1]} : vector<16xf32> to vector<1xf32>
        %parallel_loop3A_427 = vector.extract %parallel_loop3A_426[0] : f32 from vector<1xf32>
        %parallel_loop3A_428 = arith.constant 16 : i32
        %parallel_loop3A_429 = arith.muli %parallel_loop3A_119, %parallel_loop3A_428 : i32
        %parallel_loop3A_430 = arith.constant 6 : i32
        %parallel_loop3A_431 = arith.addi %parallel_loop3A_429, %parallel_loop3A_430 : i32
        %parallel_loop3A_432 = arith.index_cast %parallel_loop3A_431 : i32 to index
        %parallel_loop3A_433 = arith.constant 0 : index
        %parallel_loop3A_434 = tpu.vector_load %arg10[%parallel_loop3A_432, %parallel_loop3A_433] {strides = array<i32>} : memref<128x64xf32, #tpu.memory_space<vmem>>, vector<1x16xf32>,
        %parallel_loop3A_435 = vector.shape_cast %parallel_loop3A_434 : vector<1x16xf32> to vector<16xf32>
        %parallel_loop3A_436 = vector.broadcast %parallel_loop3A_427 : f32 to vector<16xf32>
        %parallel_loop3A_437 = arith.mulf %parallel_loop3A_435, %parallel_loop3A_436 : vector<16xf32>
        %parallel_loop3A_438 = arith.index_cast %parallel_loop3A_431 : i32 to index
        %parallel_loop3A_439 = arith.constant 0 : index
        %parallel_loop3A_440 = tpu.vector_load %arg10[%parallel_loop3A_438, %parallel_loop3A_439] {strides = array<i32>} : memref<128x64xf32, #tpu.memory_space<vmem>>, vector<1x16xf32>,
        %parallel_loop3A_441 = vector.shape_cast %parallel_loop3A_440 : vector<1x16xf32> to vector<16xf32>
        %parallel_loop3A_442 = vector.shape_cast %parallel_loop3A_437 : vector<16xf32> to vector<1x16xf32>
        tpu.vector_store %arg10[%parallel_loop3A_438, %parallel_loop3A_439], %parallel_loop3A_442 {strides = array<i32>} : memref<128x64xf32, #tpu.memory_space<vmem>>, vector<1x16xf32>,
        %parallel_loop3A_443 = arith.index_cast %parallel_loop3A_431 : i32 to index
        %parallel_loop3A_444 = arith.constant 16 : index
        %parallel_loop3A_445 = tpu.vector_load %arg10[%parallel_loop3A_443, %parallel_loop3A_444] {strides = array<i32>} : memref<128x64xf32, #tpu.memory_space<vmem>>, vector<1x16xf32>,
        %parallel_loop3A_446 = vector.shape_cast %parallel_loop3A_445 : vector<1x16xf32> to vector<16xf32>
        %parallel_loop3A_447 = vector.broadcast %parallel_loop3A_427 : f32 to vector<16xf32>
        %parallel_loop3A_448 = arith.mulf %parallel_loop3A_446, %parallel_loop3A_447 : vector<16xf32>
        %parallel_loop3A_449 = arith.index_cast %parallel_loop3A_431 : i32 to index
        %parallel_loop3A_450 = arith.constant 16 : index
        %parallel_loop3A_451 = tpu.vector_load %arg10[%parallel_loop3A_449, %parallel_loop3A_450] {strides = array<i32>} : memref<128x64xf32, #tpu.memory_space<vmem>>, vector<1x16xf32>,
        %parallel_loop3A_452 = vector.shape_cast %parallel_loop3A_451 : vector<1x16xf32> to vector<16xf32>
        %parallel_loop3A_453 = vector.shape_cast %parallel_loop3A_448 : vector<16xf32> to vector<1x16xf32>
        tpu.vector_store %arg10[%parallel_loop3A_449, %parallel_loop3A_450], %parallel_loop3A_453 {strides = array<i32>} : memref<128x64xf32, #tpu.memory_space<vmem>>, vector<1x16xf32>,
        %parallel_loop3A_454 = arith.index_cast %parallel_loop3A_431 : i32 to index
        %parallel_loop3A_455 = arith.constant 32 : index
        %parallel_loop3A_456 = tpu.vector_load %arg10[%parallel_loop3A_454, %parallel_loop3A_455] {strides = array<i32>} : memref<128x64xf32, #tpu.memory_space<vmem>>, vector<1x16xf32>,
        %parallel_loop3A_457 = vector.shape_cast %parallel_loop3A_456 : vector<1x16xf32> to vector<16xf32>
        %parallel_loop3A_458 = vector.broadcast %parallel_loop3A_427 : f32 to vector<16xf32>
        %parallel_loop3A_459 = arith.mulf %parallel_loop3A_457, %parallel_loop3A_458 : vector<16xf32>
        %parallel_loop3A_460 = arith.index_cast %parallel_loop3A_431 : i32 to index
        %parallel_loop3A_461 = arith.constant 32 : index
        %parallel_loop3A_462 = tpu.vector_load %arg10[%parallel_loop3A_460, %parallel_loop3A_461] {strides = array<i32>} : memref<128x64xf32, #tpu.memory_space<vmem>>, vector<1x16xf32>,
        %parallel_loop3A_463 = vector.shape_cast %parallel_loop3A_462 : vector<1x16xf32> to vector<16xf32>
        %parallel_loop3A_464 = vector.shape_cast %parallel_loop3A_459 : vector<16xf32> to vector<1x16xf32>
        tpu.vector_store %arg10[%parallel_loop3A_460, %parallel_loop3A_461], %parallel_loop3A_464 {strides = array<i32>} : memref<128x64xf32, #tpu.memory_space<vmem>>, vector<1x16xf32>,
        %parallel_loop3A_465 = arith.index_cast %parallel_loop3A_431 : i32 to index
        %parallel_loop3A_466 = arith.constant 48 : index
        %parallel_loop3A_467 = tpu.vector_load %arg10[%parallel_loop3A_465, %parallel_loop3A_466] {strides = array<i32>} : memref<128x64xf32, #tpu.memory_space<vmem>>, vector<1x16xf32>,
        %parallel_loop3A_468 = vector.shape_cast %parallel_loop3A_467 : vector<1x16xf32> to vector<16xf32>
        %parallel_loop3A_469 = vector.broadcast %parallel_loop3A_427 : f32 to vector<16xf32>
        %parallel_loop3A_470 = arith.mulf %parallel_loop3A_468, %parallel_loop3A_469 : vector<16xf32>
        %parallel_loop3A_471 = arith.index_cast %parallel_loop3A_431 : i32 to index
        %parallel_loop3A_472 = arith.constant 48 : index
        %parallel_loop3A_473 = tpu.vector_load %arg10[%parallel_loop3A_471, %parallel_loop3A_472] {strides = array<i32>} : memref<128x64xf32, #tpu.memory_space<vmem>>, vector<1x16xf32>,
        %parallel_loop3A_474 = vector.shape_cast %parallel_loop3A_473 : vector<1x16xf32> to vector<16xf32>
        %parallel_loop3A_475 = vector.shape_cast %parallel_loop3A_470 : vector<16xf32> to vector<1x16xf32>
        tpu.vector_store %arg10[%parallel_loop3A_471, %parallel_loop3A_472], %parallel_loop3A_475 {strides = array<i32>} : memref<128x64xf32, #tpu.memory_space<vmem>>, vector<1x16xf32>,
        %parallel_loop3A_476 = vector.extract_strided_slice %parallel_loop3A_125 {offsets = [7], sizes = [1], strides = [1]} : vector<16xf32> to vector<1xf32>
        %parallel_loop3A_477 = vector.extract %parallel_loop3A_476[0] : f32 from vector<1xf32>
        %parallel_loop3A_478 = arith.constant 16 : i32
        %parallel_loop3A_479 = arith.muli %parallel_loop3A_119, %parallel_loop3A_478 : i32
        %parallel_loop3A_480 = arith.constant 7 : i32
        %parallel_loop3A_481 = arith.addi %parallel_loop3A_479, %parallel_loop3A_480 : i32
        %parallel_loop3A_482 = arith.index_cast %parallel_loop3A_481 : i32 to index
        %parallel_loop3A_483 = arith.constant 0 : index
        %parallel_loop3A_484 = tpu.vector_load %arg10[%parallel_loop3A_482, %parallel_loop3A_483] {strides = array<i32>} : memref<128x64xf32, #tpu.memory_space<vmem>>, vector<1x16xf32>,
        %parallel_loop3A_485 = vector.shape_cast %parallel_loop3A_484 : vector<1x16xf32> to vector<16xf32>
        %parallel_loop3A_486 = vector.broadcast %parallel_loop3A_477 : f32 to vector<16xf32>
        %parallel_loop3A_487 = arith.mulf %parallel_loop3A_485, %parallel_loop3A_486 : vector<16xf32>
        %parallel_loop3A_488 = arith.index_cast %parallel_loop3A_481 : i32 to index
        %parallel_loop3A_489 = arith.constant 0 : index
        %parallel_loop3A_490 = tpu.vector_load %arg10[%parallel_loop3A_488, %parallel_loop3A_489] {strides = array<i32>} : memref<128x64xf32, #tpu.memory_space<vmem>>, vector<1x16xf32>,
        %parallel_loop3A_491 = vector.shape_cast %parallel_loop3A_490 : vector<1x16xf32> to vector<16xf32>
        %parallel_loop3A_492 = vector.shape_cast %parallel_loop3A_487 : vector<16xf32> to vector<1x16xf32>
        tpu.vector_store %arg10[%parallel_loop3A_488, %parallel_loop3A_489], %parallel_loop3A_492 {strides = array<i32>} : memref<128x64xf32, #tpu.memory_space<vmem>>, vector<1x16xf32>,
        %parallel_loop3A_493 = arith.index_cast %parallel_loop3A_481 : i32 to index
        %parallel_loop3A_494 = arith.constant 16 : index
        %parallel_loop3A_495 = tpu.vector_load %arg10[%parallel_loop3A_493, %parallel_loop3A_494] {strides = array<i32>} : memref<128x64xf32, #tpu.memory_space<vmem>>, vector<1x16xf32>,
        %parallel_loop3A_496 = vector.shape_cast %parallel_loop3A_495 : vector<1x16xf32> to vector<16xf32>
        %parallel_loop3A_497 = vector.broadcast %parallel_loop3A_477 : f32 to vector<16xf32>
        %parallel_loop3A_498 = arith.mulf %parallel_loop3A_496, %parallel_loop3A_497 : vector<16xf32>
        %parallel_loop3A_499 = arith.index_cast %parallel_loop3A_481 : i32 to index
        %parallel_loop3A_500 = arith.constant 16 : index
        %parallel_loop3A_501 = tpu.vector_load %arg10[%parallel_loop3A_499, %parallel_loop3A_500] {strides = array<i32>} : memref<128x64xf32, #tpu.memory_space<vmem>>, vector<1x16xf32>,
        %parallel_loop3A_502 = vector.shape_cast %parallel_loop3A_501 : vector<1x16xf32> to vector<16xf32>
        %parallel_loop3A_503 = vector.shape_cast %parallel_loop3A_498 : vector<16xf32> to vector<1x16xf32>
        tpu.vector_store %arg10[%parallel_loop3A_499, %parallel_loop3A_500], %parallel_loop3A_503 {strides = array<i32>} : memref<128x64xf32, #tpu.memory_space<vmem>>, vector<1x16xf32>,
        %parallel_loop3A_504 = arith.index_cast %parallel_loop3A_481 : i32 to index
        %parallel_loop3A_505 = arith.constant 32 : index
        %parallel_loop3A_506 = tpu.vector_load %arg10[%parallel_loop3A_504, %parallel_loop3A_505] {strides = array<i32>} : memref<128x64xf32, #tpu.memory_space<vmem>>, vector<1x16xf32>,
        %parallel_loop3A_507 = vector.shape_cast %parallel_loop3A_506 : vector<1x16xf32> to vector<16xf32>
        %parallel_loop3A_508 = vector.broadcast %parallel_loop3A_477 : f32 to vector<16xf32>
        %parallel_loop3A_509 = arith.mulf %parallel_loop3A_507, %parallel_loop3A_508 : vector<16xf32>
        %parallel_loop3A_510 = arith.index_cast %parallel_loop3A_481 : i32 to index
        %parallel_loop3A_511 = arith.constant 32 : index
        %parallel_loop3A_512 = tpu.vector_load %arg10[%parallel_loop3A_510, %parallel_loop3A_511] {strides = array<i32>} : memref<128x64xf32, #tpu.memory_space<vmem>>, vector<1x16xf32>,
        %parallel_loop3A_513 = vector.shape_cast %parallel_loop3A_512 : vector<1x16xf32> to vector<16xf32>
        %parallel_loop3A_514 = vector.shape_cast %parallel_loop3A_509 : vector<16xf32> to vector<1x16xf32>
        tpu.vector_store %arg10[%parallel_loop3A_510, %parallel_loop3A_511], %parallel_loop3A_514 {strides = array<i32>} : memref<128x64xf32, #tpu.memory_space<vmem>>, vector<1x16xf32>,
        %parallel_loop3A_515 = arith.index_cast %parallel_loop3A_481 : i32 to index
        %parallel_loop3A_516 = arith.constant 48 : index
        %parallel_loop3A_517 = tpu.vector_load %arg10[%parallel_loop3A_515, %parallel_loop3A_516] {strides = array<i32>} : memref<128x64xf32, #tpu.memory_space<vmem>>, vector<1x16xf32>,
        %parallel_loop3A_518 = vector.shape_cast %parallel_loop3A_517 : vector<1x16xf32> to vector<16xf32>
        %parallel_loop3A_519 = vector.broadcast %parallel_loop3A_477 : f32 to vector<16xf32>
        %parallel_loop3A_520 = arith.mulf %parallel_loop3A_518, %parallel_loop3A_519 : vector<16xf32>
        %parallel_loop3A_521 = arith.index_cast %parallel_loop3A_481 : i32 to index
        %parallel_loop3A_522 = arith.constant 48 : index
        %parallel_loop3A_523 = tpu.vector_load %arg10[%parallel_loop3A_521, %parallel_loop3A_522] {strides = array<i32>} : memref<128x64xf32, #tpu.memory_space<vmem>>, vector<1x16xf32>,
        %parallel_loop3A_524 = vector.shape_cast %parallel_loop3A_523 : vector<1x16xf32> to vector<16xf32>
        %parallel_loop3A_525 = vector.shape_cast %parallel_loop3A_520 : vector<16xf32> to vector<1x16xf32>
        tpu.vector_store %arg10[%parallel_loop3A_521, %parallel_loop3A_522], %parallel_loop3A_525 {strides = array<i32>} : memref<128x64xf32, #tpu.memory_space<vmem>>, vector<1x16xf32>,
        %parallel_loop3A_526 = vector.extract_strided_slice %parallel_loop3A_125 {offsets = [8], sizes = [1], strides = [1]} : vector<16xf32> to vector<1xf32>
        %parallel_loop3A_527 = vector.extract %parallel_loop3A_526[0] : f32 from vector<1xf32>
        %parallel_loop3A_528 = arith.constant 16 : i32
        %parallel_loop3A_529 = arith.muli %parallel_loop3A_119, %parallel_loop3A_528 : i32
        %parallel_loop3A_530 = arith.constant 8 : i32
        %parallel_loop3A_531 = arith.addi %parallel_loop3A_529, %parallel_loop3A_530 : i32
        %parallel_loop3A_532 = arith.index_cast %parallel_loop3A_531 : i32 to index
        %parallel_loop3A_533 = arith.constant 0 : index
        %parallel_loop3A_534 = tpu.vector_load %arg10[%parallel_loop3A_532, %parallel_loop3A_533] {strides = array<i32>} : memref<128x64xf32, #tpu.memory_space<vmem>>, vector<1x16xf32>,
        %parallel_loop3A_535 = vector.shape_cast %parallel_loop3A_534 : vector<1x16xf32> to vector<16xf32>
        %parallel_loop3A_536 = vector.broadcast %parallel_loop3A_527 : f32 to vector<16xf32>
        %parallel_loop3A_537 = arith.mulf %parallel_loop3A_535, %parallel_loop3A_536 : vector<16xf32>
        %parallel_loop3A_538 = arith.index_cast %parallel_loop3A_531 : i32 to index
        %parallel_loop3A_539 = arith.constant 0 : index
        %parallel_loop3A_540 = tpu.vector_load %arg10[%parallel_loop3A_538, %parallel_loop3A_539] {strides = array<i32>} : memref<128x64xf32, #tpu.memory_space<vmem>>, vector<1x16xf32>,
        %parallel_loop3A_541 = vector.shape_cast %parallel_loop3A_540 : vector<1x16xf32> to vector<16xf32>
        %parallel_loop3A_542 = vector.shape_cast %parallel_loop3A_537 : vector<16xf32> to vector<1x16xf32>
        tpu.vector_store %arg10[%parallel_loop3A_538, %parallel_loop3A_539], %parallel_loop3A_542 {strides = array<i32>} : memref<128x64xf32, #tpu.memory_space<vmem>>, vector<1x16xf32>,
        %parallel_loop3A_543 = arith.index_cast %parallel_loop3A_531 : i32 to index
        %parallel_loop3A_544 = arith.constant 16 : index
        %parallel_loop3A_545 = tpu.vector_load %arg10[%parallel_loop3A_543, %parallel_loop3A_544] {strides = array<i32>} : memref<128x64xf32, #tpu.memory_space<vmem>>, vector<1x16xf32>,
        %parallel_loop3A_546 = vector.shape_cast %parallel_loop3A_545 : vector<1x16xf32> to vector<16xf32>
        %parallel_loop3A_547 = vector.broadcast %parallel_loop3A_527 : f32 to vector<16xf32>
        %parallel_loop3A_548 = arith.mulf %parallel_loop3A_546, %parallel_loop3A_547 : vector<16xf32>
        %parallel_loop3A_549 = arith.index_cast %parallel_loop3A_531 : i32 to index
        %parallel_loop3A_550 = arith.constant 16 : index
        %parallel_loop3A_551 = tpu.vector_load %arg10[%parallel_loop3A_549, %parallel_loop3A_550] {strides = array<i32>} : memref<128x64xf32, #tpu.memory_space<vmem>>, vector<1x16xf32>,
        %parallel_loop3A_552 = vector.shape_cast %parallel_loop3A_551 : vector<1x16xf32> to vector<16xf32>
        %parallel_loop3A_553 = vector.shape_cast %parallel_loop3A_548 : vector<16xf32> to vector<1x16xf32>
        tpu.vector_store %arg10[%parallel_loop3A_549, %parallel_loop3A_550], %parallel_loop3A_553 {strides = array<i32>} : memref<128x64xf32, #tpu.memory_space<vmem>>, vector<1x16xf32>,
        %parallel_loop3A_554 = arith.index_cast %parallel_loop3A_531 : i32 to index
        %parallel_loop3A_555 = arith.constant 32 : index
        %parallel_loop3A_556 = tpu.vector_load %arg10[%parallel_loop3A_554, %parallel_loop3A_555] {strides = array<i32>} : memref<128x64xf32, #tpu.memory_space<vmem>>, vector<1x16xf32>,
        %parallel_loop3A_557 = vector.shape_cast %parallel_loop3A_556 : vector<1x16xf32> to vector<16xf32>
        %parallel_loop3A_558 = vector.broadcast %parallel_loop3A_527 : f32 to vector<16xf32>
        %parallel_loop3A_559 = arith.mulf %parallel_loop3A_557, %parallel_loop3A_558 : vector<16xf32>
        %parallel_loop3A_560 = arith.index_cast %parallel_loop3A_531 : i32 to index
        %parallel_loop3A_561 = arith.constant 32 : index
        %parallel_loop3A_562 = tpu.vector_load %arg10[%parallel_loop3A_560, %parallel_loop3A_561] {strides = array<i32>} : memref<128x64xf32, #tpu.memory_space<vmem>>, vector<1x16xf32>,
        %parallel_loop3A_563 = vector.shape_cast %parallel_loop3A_562 : vector<1x16xf32> to vector<16xf32>
        %parallel_loop3A_564 = vector.shape_cast %parallel_loop3A_559 : vector<16xf32> to vector<1x16xf32>
        tpu.vector_store %arg10[%parallel_loop3A_560, %parallel_loop3A_561], %parallel_loop3A_564 {strides = array<i32>} : memref<128x64xf32, #tpu.memory_space<vmem>>, vector<1x16xf32>,
        %parallel_loop3A_565 = arith.index_cast %parallel_loop3A_531 : i32 to index
        %parallel_loop3A_566 = arith.constant 48 : index
        %parallel_loop3A_567 = tpu.vector_load %arg10[%parallel_loop3A_565, %parallel_loop3A_566] {strides = array<i32>} : memref<128x64xf32, #tpu.memory_space<vmem>>, vector<1x16xf32>,
        %parallel_loop3A_568 = vector.shape_cast %parallel_loop3A_567 : vector<1x16xf32> to vector<16xf32>
        %parallel_loop3A_569 = vector.broadcast %parallel_loop3A_527 : f32 to vector<16xf32>
        %parallel_loop3A_570 = arith.mulf %parallel_loop3A_568, %parallel_loop3A_569 : vector<16xf32>
        %parallel_loop3A_571 = arith.index_cast %parallel_loop3A_531 : i32 to index
        %parallel_loop3A_572 = arith.constant 48 : index
        %parallel_loop3A_573 = tpu.vector_load %arg10[%parallel_loop3A_571, %parallel_loop3A_572] {strides = array<i32>} : memref<128x64xf32, #tpu.memory_space<vmem>>, vector<1x16xf32>,
        %parallel_loop3A_574 = vector.shape_cast %parallel_loop3A_573 : vector<1x16xf32> to vector<16xf32>
        %parallel_loop3A_575 = vector.shape_cast %parallel_loop3A_570 : vector<16xf32> to vector<1x16xf32>
        tpu.vector_store %arg10[%parallel_loop3A_571, %parallel_loop3A_572], %parallel_loop3A_575 {strides = array<i32>} : memref<128x64xf32, #tpu.memory_space<vmem>>, vector<1x16xf32>,
        %parallel_loop3A_576 = vector.extract_strided_slice %parallel_loop3A_125 {offsets = [9], sizes = [1], strides = [1]} : vector<16xf32> to vector<1xf32>
        %parallel_loop3A_577 = vector.extract %parallel_loop3A_576[0] : f32 from vector<1xf32>
        %parallel_loop3A_578 = arith.constant 16 : i32
        %parallel_loop3A_579 = arith.muli %parallel_loop3A_119, %parallel_loop3A_578 : i32
        %parallel_loop3A_580 = arith.constant 9 : i32
        %parallel_loop3A_581 = arith.addi %parallel_loop3A_579, %parallel_loop3A_580 : i32
        %parallel_loop3A_582 = arith.index_cast %parallel_loop3A_581 : i32 to index
        %parallel_loop3A_583 = arith.constant 0 : index
        %parallel_loop3A_584 = tpu.vector_load %arg10[%parallel_loop3A_582, %parallel_loop3A_583] {strides = array<i32>} : memref<128x64xf32, #tpu.memory_space<vmem>>, vector<1x16xf32>,
        %parallel_loop3A_585 = vector.shape_cast %parallel_loop3A_584 : vector<1x16xf32> to vector<16xf32>
        %parallel_loop3A_586 = vector.broadcast %parallel_loop3A_577 : f32 to vector<16xf32>
        %parallel_loop3A_587 = arith.mulf %parallel_loop3A_585, %parallel_loop3A_586 : vector<16xf32>
        %parallel_loop3A_588 = arith.index_cast %parallel_loop3A_581 : i32 to index
        %parallel_loop3A_589 = arith.constant 0 : index
        %parallel_loop3A_590 = tpu.vector_load %arg10[%parallel_loop3A_588, %parallel_loop3A_589] {strides = array<i32>} : memref<128x64xf32, #tpu.memory_space<vmem>>, vector<1x16xf32>,
        %parallel_loop3A_591 = vector.shape_cast %parallel_loop3A_590 : vector<1x16xf32> to vector<16xf32>
        %parallel_loop3A_592 = vector.shape_cast %parallel_loop3A_587 : vector<16xf32> to vector<1x16xf32>
        tpu.vector_store %arg10[%parallel_loop3A_588, %parallel_loop3A_589], %parallel_loop3A_592 {strides = array<i32>} : memref<128x64xf32, #tpu.memory_space<vmem>>, vector<1x16xf32>,
        %parallel_loop3A_593 = arith.index_cast %parallel_loop3A_581 : i32 to index
        %parallel_loop3A_594 = arith.constant 16 : index
        %parallel_loop3A_595 = tpu.vector_load %arg10[%parallel_loop3A_593, %parallel_loop3A_594] {strides = array<i32>} : memref<128x64xf32, #tpu.memory_space<vmem>>, vector<1x16xf32>,
        %parallel_loop3A_596 = vector.shape_cast %parallel_loop3A_595 : vector<1x16xf32> to vector<16xf32>
        %parallel_loop3A_597 = vector.broadcast %parallel_loop3A_577 : f32 to vector<16xf32>
        %parallel_loop3A_598 = arith.mulf %parallel_loop3A_596, %parallel_loop3A_597 : vector<16xf32>
        %parallel_loop3A_599 = arith.index_cast %parallel_loop3A_581 : i32 to index
        %parallel_loop3A_600 = arith.constant 16 : index
        %parallel_loop3A_601 = tpu.vector_load %arg10[%parallel_loop3A_599, %parallel_loop3A_600] {strides = array<i32>} : memref<128x64xf32, #tpu.memory_space<vmem>>, vector<1x16xf32>,
        %parallel_loop3A_602 = vector.shape_cast %parallel_loop3A_601 : vector<1x16xf32> to vector<16xf32>
        %parallel_loop3A_603 = vector.shape_cast %parallel_loop3A_598 : vector<16xf32> to vector<1x16xf32>
        tpu.vector_store %arg10[%parallel_loop3A_599, %parallel_loop3A_600], %parallel_loop3A_603 {strides = array<i32>} : memref<128x64xf32, #tpu.memory_space<vmem>>, vector<1x16xf32>,
        %parallel_loop3A_604 = arith.index_cast %parallel_loop3A_581 : i32 to index
        %parallel_loop3A_605 = arith.constant 32 : index
        %parallel_loop3A_606 = tpu.vector_load %arg10[%parallel_loop3A_604, %parallel_loop3A_605] {strides = array<i32>} : memref<128x64xf32, #tpu.memory_space<vmem>>, vector<1x16xf32>,
        %parallel_loop3A_607 = vector.shape_cast %parallel_loop3A_606 : vector<1x16xf32> to vector<16xf32>
        %parallel_loop3A_608 = vector.broadcast %parallel_loop3A_577 : f32 to vector<16xf32>
        %parallel_loop3A_609 = arith.mulf %parallel_loop3A_607, %parallel_loop3A_608 : vector<16xf32>
        %parallel_loop3A_610 = arith.index_cast %parallel_loop3A_581 : i32 to index
        %parallel_loop3A_611 = arith.constant 32 : index
        %parallel_loop3A_612 = tpu.vector_load %arg10[%parallel_loop3A_610, %parallel_loop3A_611] {strides = array<i32>} : memref<128x64xf32, #tpu.memory_space<vmem>>, vector<1x16xf32>,
        %parallel_loop3A_613 = vector.shape_cast %parallel_loop3A_612 : vector<1x16xf32> to vector<16xf32>
        %parallel_loop3A_614 = vector.shape_cast %parallel_loop3A_609 : vector<16xf32> to vector<1x16xf32>
        tpu.vector_store %arg10[%parallel_loop3A_610, %parallel_loop3A_611], %parallel_loop3A_614 {strides = array<i32>} : memref<128x64xf32, #tpu.memory_space<vmem>>, vector<1x16xf32>,
        %parallel_loop3A_615 = arith.index_cast %parallel_loop3A_581 : i32 to index
        %parallel_loop3A_616 = arith.constant 48 : index
        %parallel_loop3A_617 = tpu.vector_load %arg10[%parallel_loop3A_615, %parallel_loop3A_616] {strides = array<i32>} : memref<128x64xf32, #tpu.memory_space<vmem>>, vector<1x16xf32>,
        %parallel_loop3A_618 = vector.shape_cast %parallel_loop3A_617 : vector<1x16xf32> to vector<16xf32>
        %parallel_loop3A_619 = vector.broadcast %parallel_loop3A_577 : f32 to vector<16xf32>
        %parallel_loop3A_620 = arith.mulf %parallel_loop3A_618, %parallel_loop3A_619 : vector<16xf32>
        %parallel_loop3A_621 = arith.index_cast %parallel_loop3A_581 : i32 to index
        %parallel_loop3A_622 = arith.constant 48 : index
        %parallel_loop3A_623 = tpu.vector_load %arg10[%parallel_loop3A_621, %parallel_loop3A_622] {strides = array<i32>} : memref<128x64xf32, #tpu.memory_space<vmem>>, vector<1x16xf32>,
        %parallel_loop3A_624 = vector.shape_cast %parallel_loop3A_623 : vector<1x16xf32> to vector<16xf32>
        %parallel_loop3A_625 = vector.shape_cast %parallel_loop3A_620 : vector<16xf32> to vector<1x16xf32>
        tpu.vector_store %arg10[%parallel_loop3A_621, %parallel_loop3A_622], %parallel_loop3A_625 {strides = array<i32>} : memref<128x64xf32, #tpu.memory_space<vmem>>, vector<1x16xf32>,
        %parallel_loop3A_626 = vector.extract_strided_slice %parallel_loop3A_125 {offsets = [10], sizes = [1], strides = [1]} : vector<16xf32> to vector<1xf32>
        %parallel_loop3A_627 = vector.extract %parallel_loop3A_626[0] : f32 from vector<1xf32>
        %parallel_loop3A_628 = arith.constant 16 : i32
        %parallel_loop3A_629 = arith.muli %parallel_loop3A_119, %parallel_loop3A_628 : i32
        %parallel_loop3A_630 = arith.constant 10 : i32
        %parallel_loop3A_631 = arith.addi %parallel_loop3A_629, %parallel_loop3A_630 : i32
        %parallel_loop3A_632 = arith.index_cast %parallel_loop3A_631 : i32 to index
        %parallel_loop3A_633 = arith.constant 0 : index
        %parallel_loop3A_634 = tpu.vector_load %arg10[%parallel_loop3A_632, %parallel_loop3A_633] {strides = array<i32>} : memref<128x64xf32, #tpu.memory_space<vmem>>, vector<1x16xf32>,
        %parallel_loop3A_635 = vector.shape_cast %parallel_loop3A_634 : vector<1x16xf32> to vector<16xf32>
        %parallel_loop3A_636 = vector.broadcast %parallel_loop3A_627 : f32 to vector<16xf32>
        %parallel_loop3A_637 = arith.mulf %parallel_loop3A_635, %parallel_loop3A_636 : vector<16xf32>
        %parallel_loop3A_638 = arith.index_cast %parallel_loop3A_631 : i32 to index
        %parallel_loop3A_639 = arith.constant 0 : index
        %parallel_loop3A_640 = tpu.vector_load %arg10[%parallel_loop3A_638, %parallel_loop3A_639] {strides = array<i32>} : memref<128x64xf32, #tpu.memory_space<vmem>>, vector<1x16xf32>,
        %parallel_loop3A_641 = vector.shape_cast %parallel_loop3A_640 : vector<1x16xf32> to vector<16xf32>
        %parallel_loop3A_642 = vector.shape_cast %parallel_loop3A_637 : vector<16xf32> to vector<1x16xf32>
        tpu.vector_store %arg10[%parallel_loop3A_638, %parallel_loop3A_639], %parallel_loop3A_642 {strides = array<i32>} : memref<128x64xf32, #tpu.memory_space<vmem>>, vector<1x16xf32>,
        %parallel_loop3A_643 = arith.index_cast %parallel_loop3A_631 : i32 to index
        %parallel_loop3A_644 = arith.constant 16 : index
        %parallel_loop3A_645 = tpu.vector_load %arg10[%parallel_loop3A_643, %parallel_loop3A_644] {strides = array<i32>} : memref<128x64xf32, #tpu.memory_space<vmem>>, vector<1x16xf32>,
        %parallel_loop3A_646 = vector.shape_cast %parallel_loop3A_645 : vector<1x16xf32> to vector<16xf32>
        %parallel_loop3A_647 = vector.broadcast %parallel_loop3A_627 : f32 to vector<16xf32>
        %parallel_loop3A_648 = arith.mulf %parallel_loop3A_646, %parallel_loop3A_647 : vector<16xf32>
        %parallel_loop3A_649 = arith.index_cast %parallel_loop3A_631 : i32 to index
        %parallel_loop3A_650 = arith.constant 16 : index
        %parallel_loop3A_651 = tpu.vector_load %arg10[%parallel_loop3A_649, %parallel_loop3A_650] {strides = array<i32>} : memref<128x64xf32, #tpu.memory_space<vmem>>, vector<1x16xf32>,
        %parallel_loop3A_652 = vector.shape_cast %parallel_loop3A_651 : vector<1x16xf32> to vector<16xf32>
        %parallel_loop3A_653 = vector.shape_cast %parallel_loop3A_648 : vector<16xf32> to vector<1x16xf32>
        tpu.vector_store %arg10[%parallel_loop3A_649, %parallel_loop3A_650], %parallel_loop3A_653 {strides = array<i32>} : memref<128x64xf32, #tpu.memory_space<vmem>>, vector<1x16xf32>,
        %parallel_loop3A_654 = arith.index_cast %parallel_loop3A_631 : i32 to index
        %parallel_loop3A_655 = arith.constant 32 : index
        %parallel_loop3A_656 = tpu.vector_load %arg10[%parallel_loop3A_654, %parallel_loop3A_655] {strides = array<i32>} : memref<128x64xf32, #tpu.memory_space<vmem>>, vector<1x16xf32>,
        %parallel_loop3A_657 = vector.shape_cast %parallel_loop3A_656 : vector<1x16xf32> to vector<16xf32>
        %parallel_loop3A_658 = vector.broadcast %parallel_loop3A_627 : f32 to vector<16xf32>
        %parallel_loop3A_659 = arith.mulf %parallel_loop3A_657, %parallel_loop3A_658 : vector<16xf32>
        %parallel_loop3A_660 = arith.index_cast %parallel_loop3A_631 : i32 to index
        %parallel_loop3A_661 = arith.constant 32 : index
        %parallel_loop3A_662 = tpu.vector_load %arg10[%parallel_loop3A_660, %parallel_loop3A_661] {strides = array<i32>} : memref<128x64xf32, #tpu.memory_space<vmem>>, vector<1x16xf32>,
        %parallel_loop3A_663 = vector.shape_cast %parallel_loop3A_662 : vector<1x16xf32> to vector<16xf32>
        %parallel_loop3A_664 = vector.shape_cast %parallel_loop3A_659 : vector<16xf32> to vector<1x16xf32>
        tpu.vector_store %arg10[%parallel_loop3A_660, %parallel_loop3A_661], %parallel_loop3A_664 {strides = array<i32>} : memref<128x64xf32, #tpu.memory_space<vmem>>, vector<1x16xf32>,
        %parallel_loop3A_665 = arith.index_cast %parallel_loop3A_631 : i32 to index
        %parallel_loop3A_666 = arith.constant 48 : index
        %parallel_loop3A_667 = tpu.vector_load %arg10[%parallel_loop3A_665, %parallel_loop3A_666] {strides = array<i32>} : memref<128x64xf32, #tpu.memory_space<vmem>>, vector<1x16xf32>,
        %parallel_loop3A_668 = vector.shape_cast %parallel_loop3A_667 : vector<1x16xf32> to vector<16xf32>
        %parallel_loop3A_669 = vector.broadcast %parallel_loop3A_627 : f32 to vector<16xf32>
        %parallel_loop3A_670 = arith.mulf %parallel_loop3A_668, %parallel_loop3A_669 : vector<16xf32>
        %parallel_loop3A_671 = arith.index_cast %parallel_loop3A_631 : i32 to index
        %parallel_loop3A_672 = arith.constant 48 : index
        %parallel_loop3A_673 = tpu.vector_load %arg10[%parallel_loop3A_671, %parallel_loop3A_672] {strides = array<i32>} : memref<128x64xf32, #tpu.memory_space<vmem>>, vector<1x16xf32>,
        %parallel_loop3A_674 = vector.shape_cast %parallel_loop3A_673 : vector<1x16xf32> to vector<16xf32>
        %parallel_loop3A_675 = vector.shape_cast %parallel_loop3A_670 : vector<16xf32> to vector<1x16xf32>
        tpu.vector_store %arg10[%parallel_loop3A_671, %parallel_loop3A_672], %parallel_loop3A_675 {strides = array<i32>} : memref<128x64xf32, #tpu.memory_space<vmem>>, vector<1x16xf32>,
        %parallel_loop3A_676 = vector.extract_strided_slice %parallel_loop3A_125 {offsets = [11], sizes = [1], strides = [1]} : vector<16xf32> to vector<1xf32>
        %parallel_loop3A_677 = vector.extract %parallel_loop3A_676[0] : f32 from vector<1xf32>
        %parallel_loop3A_678 = arith.constant 16 : i32
        %parallel_loop3A_679 = arith.muli %parallel_loop3A_119, %parallel_loop3A_678 : i32
        %parallel_loop3A_680 = arith.constant 11 : i32
        %parallel_loop3A_681 = arith.addi %parallel_loop3A_679, %parallel_loop3A_680 : i32
        %parallel_loop3A_682 = arith.index_cast %parallel_loop3A_681 : i32 to index
        %parallel_loop3A_683 = arith.constant 0 : index
        %parallel_loop3A_684 = tpu.vector_load %arg10[%parallel_loop3A_682, %parallel_loop3A_683] {strides = array<i32>} : memref<128x64xf32, #tpu.memory_space<vmem>>, vector<1x16xf32>,
        %parallel_loop3A_685 = vector.shape_cast %parallel_loop3A_684 : vector<1x16xf32> to vector<16xf32>
        %parallel_loop3A_686 = vector.broadcast %parallel_loop3A_677 : f32 to vector<16xf32>
        %parallel_loop3A_687 = arith.mulf %parallel_loop3A_685, %parallel_loop3A_686 : vector<16xf32>
        %parallel_loop3A_688 = arith.index_cast %parallel_loop3A_681 : i32 to index
        %parallel_loop3A_689 = arith.constant 0 : index
        %parallel_loop3A_690 = tpu.vector_load %arg10[%parallel_loop3A_688, %parallel_loop3A_689] {strides = array<i32>} : memref<128x64xf32, #tpu.memory_space<vmem>>, vector<1x16xf32>,
        %parallel_loop3A_691 = vector.shape_cast %parallel_loop3A_690 : vector<1x16xf32> to vector<16xf32>
        %parallel_loop3A_692 = vector.shape_cast %parallel_loop3A_687 : vector<16xf32> to vector<1x16xf32>
        tpu.vector_store %arg10[%parallel_loop3A_688, %parallel_loop3A_689], %parallel_loop3A_692 {strides = array<i32>} : memref<128x64xf32, #tpu.memory_space<vmem>>, vector<1x16xf32>,
        %parallel_loop3A_693 = arith.index_cast %parallel_loop3A_681 : i32 to index
        %parallel_loop3A_694 = arith.constant 16 : index
        %parallel_loop3A_695 = tpu.vector_load %arg10[%parallel_loop3A_693, %parallel_loop3A_694] {strides = array<i32>} : memref<128x64xf32, #tpu.memory_space<vmem>>, vector<1x16xf32>,
        %parallel_loop3A_696 = vector.shape_cast %parallel_loop3A_695 : vector<1x16xf32> to vector<16xf32>
        %parallel_loop3A_697 = vector.broadcast %parallel_loop3A_677 : f32 to vector<16xf32>
        %parallel_loop3A_698 = arith.mulf %parallel_loop3A_696, %parallel_loop3A_697 : vector<16xf32>
        %parallel_loop3A_699 = arith.index_cast %parallel_loop3A_681 : i32 to index
        %parallel_loop3A_700 = arith.constant 16 : index
        %parallel_loop3A_701 = tpu.vector_load %arg10[%parallel_loop3A_699, %parallel_loop3A_700] {strides = array<i32>} : memref<128x64xf32, #tpu.memory_space<vmem>>, vector<1x16xf32>,
        %parallel_loop3A_702 = vector.shape_cast %parallel_loop3A_701 : vector<1x16xf32> to vector<16xf32>
        %parallel_loop3A_703 = vector.shape_cast %parallel_loop3A_698 : vector<16xf32> to vector<1x16xf32>
        tpu.vector_store %arg10[%parallel_loop3A_699, %parallel_loop3A_700], %parallel_loop3A_703 {strides = array<i32>} : memref<128x64xf32, #tpu.memory_space<vmem>>, vector<1x16xf32>,
        %parallel_loop3A_704 = arith.index_cast %parallel_loop3A_681 : i32 to index
        %parallel_loop3A_705 = arith.constant 32 : index
        %parallel_loop3A_706 = tpu.vector_load %arg10[%parallel_loop3A_704, %parallel_loop3A_705] {strides = array<i32>} : memref<128x64xf32, #tpu.memory_space<vmem>>, vector<1x16xf32>,
        %parallel_loop3A_707 = vector.shape_cast %parallel_loop3A_706 : vector<1x16xf32> to vector<16xf32>
        %parallel_loop3A_708 = vector.broadcast %parallel_loop3A_677 : f32 to vector<16xf32>
        %parallel_loop3A_709 = arith.mulf %parallel_loop3A_707, %parallel_loop3A_708 : vector<16xf32>
        %parallel_loop3A_710 = arith.index_cast %parallel_loop3A_681 : i32 to index
        %parallel_loop3A_711 = arith.constant 32 : index
        %parallel_loop3A_712 = tpu.vector_load %arg10[%parallel_loop3A_710, %parallel_loop3A_711] {strides = array<i32>} : memref<128x64xf32, #tpu.memory_space<vmem>>, vector<1x16xf32>,
        %parallel_loop3A_713 = vector.shape_cast %parallel_loop3A_712 : vector<1x16xf32> to vector<16xf32>
        %parallel_loop3A_714 = vector.shape_cast %parallel_loop3A_709 : vector<16xf32> to vector<1x16xf32>
        tpu.vector_store %arg10[%parallel_loop3A_710, %parallel_loop3A_711], %parallel_loop3A_714 {strides = array<i32>} : memref<128x64xf32, #tpu.memory_space<vmem>>, vector<1x16xf32>,
        %parallel_loop3A_715 = arith.index_cast %parallel_loop3A_681 : i32 to index
        %parallel_loop3A_716 = arith.constant 48 : index
        %parallel_loop3A_717 = tpu.vector_load %arg10[%parallel_loop3A_715, %parallel_loop3A_716] {strides = array<i32>} : memref<128x64xf32, #tpu.memory_space<vmem>>, vector<1x16xf32>,
        %parallel_loop3A_718 = vector.shape_cast %parallel_loop3A_717 : vector<1x16xf32> to vector<16xf32>
        %parallel_loop3A_719 = vector.broadcast %parallel_loop3A_677 : f32 to vector<16xf32>
        %parallel_loop3A_720 = arith.mulf %parallel_loop3A_718, %parallel_loop3A_719 : vector<16xf32>
        %parallel_loop3A_721 = arith.index_cast %parallel_loop3A_681 : i32 to index
        %parallel_loop3A_722 = arith.constant 48 : index
        %parallel_loop3A_723 = tpu.vector_load %arg10[%parallel_loop3A_721, %parallel_loop3A_722] {strides = array<i32>} : memref<128x64xf32, #tpu.memory_space<vmem>>, vector<1x16xf32>,
        %parallel_loop3A_724 = vector.shape_cast %parallel_loop3A_723 : vector<1x16xf32> to vector<16xf32>
        %parallel_loop3A_725 = vector.shape_cast %parallel_loop3A_720 : vector<16xf32> to vector<1x16xf32>
        tpu.vector_store %arg10[%parallel_loop3A_721, %parallel_loop3A_722], %parallel_loop3A_725 {strides = array<i32>} : memref<128x64xf32, #tpu.memory_space<vmem>>, vector<1x16xf32>,
        %parallel_loop3A_726 = vector.extract_strided_slice %parallel_loop3A_125 {offsets = [12], sizes = [1], strides = [1]} : vector<16xf32> to vector<1xf32>
        %parallel_loop3A_727 = vector.extract %parallel_loop3A_726[0] : f32 from vector<1xf32>
        %parallel_loop3A_728 = arith.constant 16 : i32
        %parallel_loop3A_729 = arith.muli %parallel_loop3A_119, %parallel_loop3A_728 : i32
        %parallel_loop3A_730 = arith.constant 12 : i32
        %parallel_loop3A_731 = arith.addi %parallel_loop3A_729, %parallel_loop3A_730 : i32
        %parallel_loop3A_732 = arith.index_cast %parallel_loop3A_731 : i32 to index
        %parallel_loop3A_733 = arith.constant 0 : index
        %parallel_loop3A_734 = tpu.vector_load %arg10[%parallel_loop3A_732, %parallel_loop3A_733] {strides = array<i32>} : memref<128x64xf32, #tpu.memory_space<vmem>>, vector<1x16xf32>,
        %parallel_loop3A_735 = vector.shape_cast %parallel_loop3A_734 : vector<1x16xf32> to vector<16xf32>
        %parallel_loop3A_736 = vector.broadcast %parallel_loop3A_727 : f32 to vector<16xf32>
        %parallel_loop3A_737 = arith.mulf %parallel_loop3A_735, %parallel_loop3A_736 : vector<16xf32>
        %parallel_loop3A_738 = arith.index_cast %parallel_loop3A_731 : i32 to index
        %parallel_loop3A_739 = arith.constant 0 : index
        %parallel_loop3A_740 = tpu.vector_load %arg10[%parallel_loop3A_738, %parallel_loop3A_739] {strides = array<i32>} : memref<128x64xf32, #tpu.memory_space<vmem>>, vector<1x16xf32>,
        %parallel_loop3A_741 = vector.shape_cast %parallel_loop3A_740 : vector<1x16xf32> to vector<16xf32>
        %parallel_loop3A_742 = vector.shape_cast %parallel_loop3A_737 : vector<16xf32> to vector<1x16xf32>
        tpu.vector_store %arg10[%parallel_loop3A_738, %parallel_loop3A_739], %parallel_loop3A_742 {strides = array<i32>} : memref<128x64xf32, #tpu.memory_space<vmem>>, vector<1x16xf32>,
        %parallel_loop3A_743 = arith.index_cast %parallel_loop3A_731 : i32 to index
        %parallel_loop3A_744 = arith.constant 16 : index
        %parallel_loop3A_745 = tpu.vector_load %arg10[%parallel_loop3A_743, %parallel_loop3A_744] {strides = array<i32>} : memref<128x64xf32, #tpu.memory_space<vmem>>, vector<1x16xf32>,
        %parallel_loop3A_746 = vector.shape_cast %parallel_loop3A_745 : vector<1x16xf32> to vector<16xf32>
        %parallel_loop3A_747 = vector.broadcast %parallel_loop3A_727 : f32 to vector<16xf32>
        %parallel_loop3A_748 = arith.mulf %parallel_loop3A_746, %parallel_loop3A_747 : vector<16xf32>
        %parallel_loop3A_749 = arith.index_cast %parallel_loop3A_731 : i32 to index
        %parallel_loop3A_750 = arith.constant 16 : index
        %parallel_loop3A_751 = tpu.vector_load %arg10[%parallel_loop3A_749, %parallel_loop3A_750] {strides = array<i32>} : memref<128x64xf32, #tpu.memory_space<vmem>>, vector<1x16xf32>,
        %parallel_loop3A_752 = vector.shape_cast %parallel_loop3A_751 : vector<1x16xf32> to vector<16xf32>
        %parallel_loop3A_753 = vector.shape_cast %parallel_loop3A_748 : vector<16xf32> to vector<1x16xf32>
        tpu.vector_store %arg10[%parallel_loop3A_749, %parallel_loop3A_750], %parallel_loop3A_753 {strides = array<i32>} : memref<128x64xf32, #tpu.memory_space<vmem>>, vector<1x16xf32>,
        %parallel_loop3A_754 = arith.index_cast %parallel_loop3A_731 : i32 to index
        %parallel_loop3A_755 = arith.constant 32 : index
        %parallel_loop3A_756 = tpu.vector_load %arg10[%parallel_loop3A_754, %parallel_loop3A_755] {strides = array<i32>} : memref<128x64xf32, #tpu.memory_space<vmem>>, vector<1x16xf32>,
        %parallel_loop3A_757 = vector.shape_cast %parallel_loop3A_756 : vector<1x16xf32> to vector<16xf32>
        %parallel_loop3A_758 = vector.broadcast %parallel_loop3A_727 : f32 to vector<16xf32>
        %parallel_loop3A_759 = arith.mulf %parallel_loop3A_757, %parallel_loop3A_758 : vector<16xf32>
        %parallel_loop3A_760 = arith.index_cast %parallel_loop3A_731 : i32 to index
        %parallel_loop3A_761 = arith.constant 32 : index
        %parallel_loop3A_762 = tpu.vector_load %arg10[%parallel_loop3A_760, %parallel_loop3A_761] {strides = array<i32>} : memref<128x64xf32, #tpu.memory_space<vmem>>, vector<1x16xf32>,
        %parallel_loop3A_763 = vector.shape_cast %parallel_loop3A_762 : vector<1x16xf32> to vector<16xf32>
        %parallel_loop3A_764 = vector.shape_cast %parallel_loop3A_759 : vector<16xf32> to vector<1x16xf32>
        tpu.vector_store %arg10[%parallel_loop3A_760, %parallel_loop3A_761], %parallel_loop3A_764 {strides = array<i32>} : memref<128x64xf32, #tpu.memory_space<vmem>>, vector<1x16xf32>,
        %parallel_loop3A_765 = arith.index_cast %parallel_loop3A_731 : i32 to index
        %parallel_loop3A_766 = arith.constant 48 : index
        %parallel_loop3A_767 = tpu.vector_load %arg10[%parallel_loop3A_765, %parallel_loop3A_766] {strides = array<i32>} : memref<128x64xf32, #tpu.memory_space<vmem>>, vector<1x16xf32>,
        %parallel_loop3A_768 = vector.shape_cast %parallel_loop3A_767 : vector<1x16xf32> to vector<16xf32>
        %parallel_loop3A_769 = vector.broadcast %parallel_loop3A_727 : f32 to vector<16xf32>
        %parallel_loop3A_770 = arith.mulf %parallel_loop3A_768, %parallel_loop3A_769 : vector<16xf32>
        %parallel_loop3A_771 = arith.index_cast %parallel_loop3A_731 : i32 to index
        %parallel_loop3A_772 = arith.constant 48 : index
        %parallel_loop3A_773 = tpu.vector_load %arg10[%parallel_loop3A_771, %parallel_loop3A_772] {strides = array<i32>} : memref<128x64xf32, #tpu.memory_space<vmem>>, vector<1x16xf32>,
        %parallel_loop3A_774 = vector.shape_cast %parallel_loop3A_773 : vector<1x16xf32> to vector<16xf32>
        %parallel_loop3A_775 = vector.shape_cast %parallel_loop3A_770 : vector<16xf32> to vector<1x16xf32>
        tpu.vector_store %arg10[%parallel_loop3A_771, %parallel_loop3A_772], %parallel_loop3A_775 {strides = array<i32>} : memref<128x64xf32, #tpu.memory_space<vmem>>, vector<1x16xf32>,
        %parallel_loop3A_776 = vector.extract_strided_slice %parallel_loop3A_125 {offsets = [13], sizes = [1], strides = [1]} : vector<16xf32> to vector<1xf32>
        %parallel_loop3A_777 = vector.extract %parallel_loop3A_776[0] : f32 from vector<1xf32>
        %parallel_loop3A_778 = arith.constant 16 : i32
        %parallel_loop3A_779 = arith.muli %parallel_loop3A_119, %parallel_loop3A_778 : i32
        %parallel_loop3A_780 = arith.constant 13 : i32
        %parallel_loop3A_781 = arith.addi %parallel_loop3A_779, %parallel_loop3A_780 : i32
        %parallel_loop3A_782 = arith.index_cast %parallel_loop3A_781 : i32 to index
        %parallel_loop3A_783 = arith.constant 0 : index
        %parallel_loop3A_784 = tpu.vector_load %arg10[%parallel_loop3A_782, %parallel_loop3A_783] {strides = array<i32>} : memref<128x64xf32, #tpu.memory_space<vmem>>, vector<1x16xf32>,
        %parallel_loop3A_785 = vector.shape_cast %parallel_loop3A_784 : vector<1x16xf32> to vector<16xf32>
        %parallel_loop3A_786 = vector.broadcast %parallel_loop3A_777 : f32 to vector<16xf32>
        %parallel_loop3A_787 = arith.mulf %parallel_loop3A_785, %parallel_loop3A_786 : vector<16xf32>
        %parallel_loop3A_788 = arith.index_cast %parallel_loop3A_781 : i32 to index
        %parallel_loop3A_789 = arith.constant 0 : index
        %parallel_loop3A_790 = tpu.vector_load %arg10[%parallel_loop3A_788, %parallel_loop3A_789] {strides = array<i32>} : memref<128x64xf32, #tpu.memory_space<vmem>>, vector<1x16xf32>,
        %parallel_loop3A_791 = vector.shape_cast %parallel_loop3A_790 : vector<1x16xf32> to vector<16xf32>
        %parallel_loop3A_792 = vector.shape_cast %parallel_loop3A_787 : vector<16xf32> to vector<1x16xf32>
        tpu.vector_store %arg10[%parallel_loop3A_788, %parallel_loop3A_789], %parallel_loop3A_792 {strides = array<i32>} : memref<128x64xf32, #tpu.memory_space<vmem>>, vector<1x16xf32>,
        %parallel_loop3A_793 = arith.index_cast %parallel_loop3A_781 : i32 to index
        %parallel_loop3A_794 = arith.constant 16 : index
        %parallel_loop3A_795 = tpu.vector_load %arg10[%parallel_loop3A_793, %parallel_loop3A_794] {strides = array<i32>} : memref<128x64xf32, #tpu.memory_space<vmem>>, vector<1x16xf32>,
        %parallel_loop3A_796 = vector.shape_cast %parallel_loop3A_795 : vector<1x16xf32> to vector<16xf32>
        %parallel_loop3A_797 = vector.broadcast %parallel_loop3A_777 : f32 to vector<16xf32>
        %parallel_loop3A_798 = arith.mulf %parallel_loop3A_796, %parallel_loop3A_797 : vector<16xf32>
        %parallel_loop3A_799 = arith.index_cast %parallel_loop3A_781 : i32 to index
        %parallel_loop3A_800 = arith.constant 16 : index
        %parallel_loop3A_801 = tpu.vector_load %arg10[%parallel_loop3A_799, %parallel_loop3A_800] {strides = array<i32>} : memref<128x64xf32, #tpu.memory_space<vmem>>, vector<1x16xf32>,
        %parallel_loop3A_802 = vector.shape_cast %parallel_loop3A_801 : vector<1x16xf32> to vector<16xf32>
        %parallel_loop3A_803 = vector.shape_cast %parallel_loop3A_798 : vector<16xf32> to vector<1x16xf32>
        tpu.vector_store %arg10[%parallel_loop3A_799, %parallel_loop3A_800], %parallel_loop3A_803 {strides = array<i32>} : memref<128x64xf32, #tpu.memory_space<vmem>>, vector<1x16xf32>,
        %parallel_loop3A_804 = arith.index_cast %parallel_loop3A_781 : i32 to index
        %parallel_loop3A_805 = arith.constant 32 : index
        %parallel_loop3A_806 = tpu.vector_load %arg10[%parallel_loop3A_804, %parallel_loop3A_805] {strides = array<i32>} : memref<128x64xf32, #tpu.memory_space<vmem>>, vector<1x16xf32>,
        %parallel_loop3A_807 = vector.shape_cast %parallel_loop3A_806 : vector<1x16xf32> to vector<16xf32>
        %parallel_loop3A_808 = vector.broadcast %parallel_loop3A_777 : f32 to vector<16xf32>
        %parallel_loop3A_809 = arith.mulf %parallel_loop3A_807, %parallel_loop3A_808 : vector<16xf32>
        %parallel_loop3A_810 = arith.index_cast %parallel_loop3A_781 : i32 to index
        %parallel_loop3A_811 = arith.constant 32 : index
        %parallel_loop3A_812 = tpu.vector_load %arg10[%parallel_loop3A_810, %parallel_loop3A_811] {strides = array<i32>} : memref<128x64xf32, #tpu.memory_space<vmem>>, vector<1x16xf32>,
        %parallel_loop3A_813 = vector.shape_cast %parallel_loop3A_812 : vector<1x16xf32> to vector<16xf32>
        %parallel_loop3A_814 = vector.shape_cast %parallel_loop3A_809 : vector<16xf32> to vector<1x16xf32>
        tpu.vector_store %arg10[%parallel_loop3A_810, %parallel_loop3A_811], %parallel_loop3A_814 {strides = array<i32>} : memref<128x64xf32, #tpu.memory_space<vmem>>, vector<1x16xf32>,
        %parallel_loop3A_815 = arith.index_cast %parallel_loop3A_781 : i32 to index
        %parallel_loop3A_816 = arith.constant 48 : index
        %parallel_loop3A_817 = tpu.vector_load %arg10[%parallel_loop3A_815, %parallel_loop3A_816] {strides = array<i32>} : memref<128x64xf32, #tpu.memory_space<vmem>>, vector<1x16xf32>,
        %parallel_loop3A_818 = vector.shape_cast %parallel_loop3A_817 : vector<1x16xf32> to vector<16xf32>
        %parallel_loop3A_819 = vector.broadcast %parallel_loop3A_777 : f32 to vector<16xf32>
        %parallel_loop3A_820 = arith.mulf %parallel_loop3A_818, %parallel_loop3A_819 : vector<16xf32>
        %parallel_loop3A_821 = arith.index_cast %parallel_loop3A_781 : i32 to index
        %parallel_loop3A_822 = arith.constant 48 : index
        %parallel_loop3A_823 = tpu.vector_load %arg10[%parallel_loop3A_821, %parallel_loop3A_822] {strides = array<i32>} : memref<128x64xf32, #tpu.memory_space<vmem>>, vector<1x16xf32>,
        %parallel_loop3A_824 = vector.shape_cast %parallel_loop3A_823 : vector<1x16xf32> to vector<16xf32>
        %parallel_loop3A_825 = vector.shape_cast %parallel_loop3A_820 : vector<16xf32> to vector<1x16xf32>
        tpu.vector_store %arg10[%parallel_loop3A_821, %parallel_loop3A_822], %parallel_loop3A_825 {strides = array<i32>} : memref<128x64xf32, #tpu.memory_space<vmem>>, vector<1x16xf32>,
        %parallel_loop3A_826 = vector.extract_strided_slice %parallel_loop3A_125 {offsets = [14], sizes = [1], strides = [1]} : vector<16xf32> to vector<1xf32>
        %parallel_loop3A_827 = vector.extract %parallel_loop3A_826[0] : f32 from vector<1xf32>
        %parallel_loop3A_828 = arith.constant 16 : i32
        %parallel_loop3A_829 = arith.muli %parallel_loop3A_119, %parallel_loop3A_828 : i32
        %parallel_loop3A_830 = arith.constant 14 : i32
        %parallel_loop3A_831 = arith.addi %parallel_loop3A_829, %parallel_loop3A_830 : i32
        %parallel_loop3A_832 = arith.index_cast %parallel_loop3A_831 : i32 to index
        %parallel_loop3A_833 = arith.constant 0 : index
        %parallel_loop3A_834 = tpu.vector_load %arg10[%parallel_loop3A_832, %parallel_loop3A_833] {strides = array<i32>} : memref<128x64xf32, #tpu.memory_space<vmem>>, vector<1x16xf32>,
        %parallel_loop3A_835 = vector.shape_cast %parallel_loop3A_834 : vector<1x16xf32> to vector<16xf32>
        %parallel_loop3A_836 = vector.broadcast %parallel_loop3A_827 : f32 to vector<16xf32>
        %parallel_loop3A_837 = arith.mulf %parallel_loop3A_835, %parallel_loop3A_836 : vector<16xf32>
        %parallel_loop3A_838 = arith.index_cast %parallel_loop3A_831 : i32 to index
        %parallel_loop3A_839 = arith.constant 0 : index
        %parallel_loop3A_840 = tpu.vector_load %arg10[%parallel_loop3A_838, %parallel_loop3A_839] {strides = array<i32>} : memref<128x64xf32, #tpu.memory_space<vmem>>, vector<1x16xf32>,
        %parallel_loop3A_841 = vector.shape_cast %parallel_loop3A_840 : vector<1x16xf32> to vector<16xf32>
        %parallel_loop3A_842 = vector.shape_cast %parallel_loop3A_837 : vector<16xf32> to vector<1x16xf32>
        tpu.vector_store %arg10[%parallel_loop3A_838, %parallel_loop3A_839], %parallel_loop3A_842 {strides = array<i32>} : memref<128x64xf32, #tpu.memory_space<vmem>>, vector<1x16xf32>,
        %parallel_loop3A_843 = arith.index_cast %parallel_loop3A_831 : i32 to index
        %parallel_loop3A_844 = arith.constant 16 : index
        %parallel_loop3A_845 = tpu.vector_load %arg10[%parallel_loop3A_843, %parallel_loop3A_844] {strides = array<i32>} : memref<128x64xf32, #tpu.memory_space<vmem>>, vector<1x16xf32>,
        %parallel_loop3A_846 = vector.shape_cast %parallel_loop3A_845 : vector<1x16xf32> to vector<16xf32>
        %parallel_loop3A_847 = vector.broadcast %parallel_loop3A_827 : f32 to vector<16xf32>
        %parallel_loop3A_848 = arith.mulf %parallel_loop3A_846, %parallel_loop3A_847 : vector<16xf32>
        %parallel_loop3A_849 = arith.index_cast %parallel_loop3A_831 : i32 to index
        %parallel_loop3A_850 = arith.constant 16 : index
        %parallel_loop3A_851 = tpu.vector_load %arg10[%parallel_loop3A_849, %parallel_loop3A_850] {strides = array<i32>} : memref<128x64xf32, #tpu.memory_space<vmem>>, vector<1x16xf32>,
        %parallel_loop3A_852 = vector.shape_cast %parallel_loop3A_851 : vector<1x16xf32> to vector<16xf32>
        %parallel_loop3A_853 = vector.shape_cast %parallel_loop3A_848 : vector<16xf32> to vector<1x16xf32>
        tpu.vector_store %arg10[%parallel_loop3A_849, %parallel_loop3A_850], %parallel_loop3A_853 {strides = array<i32>} : memref<128x64xf32, #tpu.memory_space<vmem>>, vector<1x16xf32>,
        %parallel_loop3A_854 = arith.index_cast %parallel_loop3A_831 : i32 to index
        %parallel_loop3A_855 = arith.constant 32 : index
        %parallel_loop3A_856 = tpu.vector_load %arg10[%parallel_loop3A_854, %parallel_loop3A_855] {strides = array<i32>} : memref<128x64xf32, #tpu.memory_space<vmem>>, vector<1x16xf32>,
        %parallel_loop3A_857 = vector.shape_cast %parallel_loop3A_856 : vector<1x16xf32> to vector<16xf32>
        %parallel_loop3A_858 = vector.broadcast %parallel_loop3A_827 : f32 to vector<16xf32>
        %parallel_loop3A_859 = arith.mulf %parallel_loop3A_857, %parallel_loop3A_858 : vector<16xf32>
        %parallel_loop3A_860 = arith.index_cast %parallel_loop3A_831 : i32 to index
        %parallel_loop3A_861 = arith.constant 32 : index
        %parallel_loop3A_862 = tpu.vector_load %arg10[%parallel_loop3A_860, %parallel_loop3A_861] {strides = array<i32>} : memref<128x64xf32, #tpu.memory_space<vmem>>, vector<1x16xf32>,
        %parallel_loop3A_863 = vector.shape_cast %parallel_loop3A_862 : vector<1x16xf32> to vector<16xf32>
        %parallel_loop3A_864 = vector.shape_cast %parallel_loop3A_859 : vector<16xf32> to vector<1x16xf32>
        tpu.vector_store %arg10[%parallel_loop3A_860, %parallel_loop3A_861], %parallel_loop3A_864 {strides = array<i32>} : memref<128x64xf32, #tpu.memory_space<vmem>>, vector<1x16xf32>,
        %parallel_loop3A_865 = arith.index_cast %parallel_loop3A_831 : i32 to index
        %parallel_loop3A_866 = arith.constant 48 : index
        %parallel_loop3A_867 = tpu.vector_load %arg10[%parallel_loop3A_865, %parallel_loop3A_866] {strides = array<i32>} : memref<128x64xf32, #tpu.memory_space<vmem>>, vector<1x16xf32>,
        %parallel_loop3A_868 = vector.shape_cast %parallel_loop3A_867 : vector<1x16xf32> to vector<16xf32>
        %parallel_loop3A_869 = vector.broadcast %parallel_loop3A_827 : f32 to vector<16xf32>
        %parallel_loop3A_870 = arith.mulf %parallel_loop3A_868, %parallel_loop3A_869 : vector<16xf32>
        %parallel_loop3A_871 = arith.index_cast %parallel_loop3A_831 : i32 to index
        %parallel_loop3A_872 = arith.constant 48 : index
        %parallel_loop3A_873 = tpu.vector_load %arg10[%parallel_loop3A_871, %parallel_loop3A_872] {strides = array<i32>} : memref<128x64xf32, #tpu.memory_space<vmem>>, vector<1x16xf32>,
        %parallel_loop3A_874 = vector.shape_cast %parallel_loop3A_873 : vector<1x16xf32> to vector<16xf32>
        %parallel_loop3A_875 = vector.shape_cast %parallel_loop3A_870 : vector<16xf32> to vector<1x16xf32>
        tpu.vector_store %arg10[%parallel_loop3A_871, %parallel_loop3A_872], %parallel_loop3A_875 {strides = array<i32>} : memref<128x64xf32, #tpu.memory_space<vmem>>, vector<1x16xf32>,
        %parallel_loop3A_876 = vector.extract_strided_slice %parallel_loop3A_125 {offsets = [15], sizes = [1], strides = [1]} : vector<16xf32> to vector<1xf32>
        %parallel_loop3A_877 = vector.extract %parallel_loop3A_876[0] : f32 from vector<1xf32>
        %parallel_loop3A_878 = arith.constant 16 : i32
        %parallel_loop3A_879 = arith.muli %parallel_loop3A_119, %parallel_loop3A_878 : i32
        %parallel_loop3A_880 = arith.constant 15 : i32
        %parallel_loop3A_881 = arith.addi %parallel_loop3A_879, %parallel_loop3A_880 : i32
        %parallel_loop3A_882 = arith.index_cast %parallel_loop3A_881 : i32 to index
        %parallel_loop3A_883 = arith.constant 0 : index
        %parallel_loop3A_884 = tpu.vector_load %arg10[%parallel_loop3A_882, %parallel_loop3A_883] {strides = array<i32>} : memref<128x64xf32, #tpu.memory_space<vmem>>, vector<1x16xf32>,
        %parallel_loop3A_885 = vector.shape_cast %parallel_loop3A_884 : vector<1x16xf32> to vector<16xf32>
        %parallel_loop3A_886 = vector.broadcast %parallel_loop3A_877 : f32 to vector<16xf32>
        %parallel_loop3A_887 = arith.mulf %parallel_loop3A_885, %parallel_loop3A_886 : vector<16xf32>
        %parallel_loop3A_888 = arith.index_cast %parallel_loop3A_881 : i32 to index
        %parallel_loop3A_889 = arith.constant 0 : index
        %parallel_loop3A_890 = tpu.vector_load %arg10[%parallel_loop3A_888, %parallel_loop3A_889] {strides = array<i32>} : memref<128x64xf32, #tpu.memory_space<vmem>>, vector<1x16xf32>,
        %parallel_loop3A_891 = vector.shape_cast %parallel_loop3A_890 : vector<1x16xf32> to vector<16xf32>
        %parallel_loop3A_892 = vector.shape_cast %parallel_loop3A_887 : vector<16xf32> to vector<1x16xf32>
        tpu.vector_store %arg10[%parallel_loop3A_888, %parallel_loop3A_889], %parallel_loop3A_892 {strides = array<i32>} : memref<128x64xf32, #tpu.memory_space<vmem>>, vector<1x16xf32>,
        %parallel_loop3A_893 = arith.index_cast %parallel_loop3A_881 : i32 to index
        %parallel_loop3A_894 = arith.constant 16 : index
        %parallel_loop3A_895 = tpu.vector_load %arg10[%parallel_loop3A_893, %parallel_loop3A_894] {strides = array<i32>} : memref<128x64xf32, #tpu.memory_space<vmem>>, vector<1x16xf32>,
        %parallel_loop3A_896 = vector.shape_cast %parallel_loop3A_895 : vector<1x16xf32> to vector<16xf32>
        %parallel_loop3A_897 = vector.broadcast %parallel_loop3A_877 : f32 to vector<16xf32>
        %parallel_loop3A_898 = arith.mulf %parallel_loop3A_896, %parallel_loop3A_897 : vector<16xf32>
        %parallel_loop3A_899 = arith.index_cast %parallel_loop3A_881 : i32 to index
        %parallel_loop3A_900 = arith.constant 16 : index
        %parallel_loop3A_901 = tpu.vector_load %arg10[%parallel_loop3A_899, %parallel_loop3A_900] {strides = array<i32>} : memref<128x64xf32, #tpu.memory_space<vmem>>, vector<1x16xf32>,
        %parallel_loop3A_902 = vector.shape_cast %parallel_loop3A_901 : vector<1x16xf32> to vector<16xf32>
        %parallel_loop3A_903 = vector.shape_cast %parallel_loop3A_898 : vector<16xf32> to vector<1x16xf32>
        tpu.vector_store %arg10[%parallel_loop3A_899, %parallel_loop3A_900], %parallel_loop3A_903 {strides = array<i32>} : memref<128x64xf32, #tpu.memory_space<vmem>>, vector<1x16xf32>,
        %parallel_loop3A_904 = arith.index_cast %parallel_loop3A_881 : i32 to index
        %parallel_loop3A_905 = arith.constant 32 : index
        %parallel_loop3A_906 = tpu.vector_load %arg10[%parallel_loop3A_904, %parallel_loop3A_905] {strides = array<i32>} : memref<128x64xf32, #tpu.memory_space<vmem>>, vector<1x16xf32>,
        %parallel_loop3A_907 = vector.shape_cast %parallel_loop3A_906 : vector<1x16xf32> to vector<16xf32>
        %parallel_loop3A_908 = vector.broadcast %parallel_loop3A_877 : f32 to vector<16xf32>
        %parallel_loop3A_909 = arith.mulf %parallel_loop3A_907, %parallel_loop3A_908 : vector<16xf32>
        %parallel_loop3A_910 = arith.index_cast %parallel_loop3A_881 : i32 to index
        %parallel_loop3A_911 = arith.constant 32 : index
        %parallel_loop3A_912 = tpu.vector_load %arg10[%parallel_loop3A_910, %parallel_loop3A_911] {strides = array<i32>} : memref<128x64xf32, #tpu.memory_space<vmem>>, vector<1x16xf32>,
        %parallel_loop3A_913 = vector.shape_cast %parallel_loop3A_912 : vector<1x16xf32> to vector<16xf32>
        %parallel_loop3A_914 = vector.shape_cast %parallel_loop3A_909 : vector<16xf32> to vector<1x16xf32>
        tpu.vector_store %arg10[%parallel_loop3A_910, %parallel_loop3A_911], %parallel_loop3A_914 {strides = array<i32>} : memref<128x64xf32, #tpu.memory_space<vmem>>, vector<1x16xf32>,
        %parallel_loop3A_915 = arith.index_cast %parallel_loop3A_881 : i32 to index
        %parallel_loop3A_916 = arith.constant 48 : index
        %parallel_loop3A_917 = tpu.vector_load %arg10[%parallel_loop3A_915, %parallel_loop3A_916] {strides = array<i32>} : memref<128x64xf32, #tpu.memory_space<vmem>>, vector<1x16xf32>,
        %parallel_loop3A_918 = vector.shape_cast %parallel_loop3A_917 : vector<1x16xf32> to vector<16xf32>
        %parallel_loop3A_919 = vector.broadcast %parallel_loop3A_877 : f32 to vector<16xf32>
        %parallel_loop3A_920 = arith.mulf %parallel_loop3A_918, %parallel_loop3A_919 : vector<16xf32>
        %parallel_loop3A_921 = arith.index_cast %parallel_loop3A_881 : i32 to index
        %parallel_loop3A_922 = arith.constant 48 : index
        %parallel_loop3A_923 = tpu.vector_load %arg10[%parallel_loop3A_921, %parallel_loop3A_922] {strides = array<i32>} : memref<128x64xf32, #tpu.memory_space<vmem>>, vector<1x16xf32>,
        %parallel_loop3A_924 = vector.shape_cast %parallel_loop3A_923 : vector<1x16xf32> to vector<16xf32>
        %parallel_loop3A_925 = vector.shape_cast %parallel_loop3A_920 : vector<16xf32> to vector<1x16xf32>
        tpu.vector_store %arg10[%parallel_loop3A_921, %parallel_loop3A_922], %parallel_loop3A_925 {strides = array<i32>} : memref<128x64xf32, #tpu.memory_space<vmem>>, vector<1x16xf32>,
      } {sc.loop_unroll_factor = 2 : i64, sc.parallel_access}
      "tpu.region"() ({
        %run_scoped3A = tpu.sem_alloc : memref<!tpu.dma_semaphore, #tpu.memory_space<semaphore_mem>>
        %dma_start3A_119 = arith.constant 0 : i32
        %dma_start3A_120 = tpu.memref_slice %arg8[%add3A_85, %dma_start3A_119] : memref<40x128xi32, #tpu.memory_space<vmem>> -> memref<1x128xi32, #tpu.memory_space<vmem>>
        %dma_start3A_121 = tpu.memref_squeeze %dma_start3A_120 : memref<1x128xi32, #tpu.memory_space<vmem>> -> memref<128xi32, #tpu.memory_space<vmem>>
        %dma_start3A_122 = arith.constant 0 : i32
        %dma_start3A_123 = arith.constant 0 : i32
        %dma_start3A_124 = tpu.memref_slice %arg13[%dma_start3A_122, %dma_start3A_123] : memref<10240x64xf32, #tpu.memory_space<vmem_shared>> -> memref<10240x64xf32, #tpu.memory_space<vmem_shared>>
        tpu.enqueue_indirect_dma source(%arg10 : memref<128x64xf32, #tpu.memory_space<vmem>>) target(%dma_start3A_124 : memref<10240x64xf32, #tpu.memory_space<vmem_shared>>) offsets(%dma_start3A_121 : memref<128xi32, #tpu.memory_space<vmem>>) semaphore(%run_scoped3A : memref<!tpu.dma_semaphore, #tpu.memory_space<semaphore_mem>>) {add = true}
        %dma_wait3A_125 = arith.constant 0 : i32
        %dma_wait3A_126 = tpu.memref_slice %arg8[%add3A_85, %dma_wait3A_125] : memref<40x128xi32, #tpu.memory_space<vmem>> -> memref<1x128xi32, #tpu.memory_space<vmem>>
        %dma_wait3A_127 = tpu.memref_squeeze %dma_wait3A_126 : memref<1x128xi32, #tpu.memory_space<vmem>> -> memref<128xi32, #tpu.memory_space<vmem>>
        %dma_wait3A_128 = arith.constant 0 : i32
        %dma_wait3A_129 = arith.constant 0 : i32
        %dma_wait3A_130 = tpu.memref_slice %arg13[%dma_wait3A_128, %dma_wait3A_129] : memref<10240x64xf32, #tpu.memory_space<vmem_shared>> -> memref<10240x64xf32, #tpu.memory_space<vmem_shared>>
        tpu.wait_indirect_dma semaphore(%run_scoped3A : memref<!tpu.dma_semaphore, #tpu.memory_space<semaphore_mem>>) src(%arg10 : memref<128x64xf32, #tpu.memory_space<vmem>>) dst(%dma_wait3A_130 : memref<10240x64xf32, #tpu.memory_space<vmem_shared>>)
        tpu.yield
      }) : () -> ()
      %add3A_94 = arith.constant 2 : i32
      %add3A_95 = arith.addi %add3A_85, %add3A_94 : i32
      %lt3A_96 = arith.cmpi slt, %add3A_95, %select_n3A : i32
      %convert_element_type3A_97 = arith.extui %lt3A_96 : i1 to i32
      %cond3A_98 = arith.constant 0 : i32
      %cond3A_99 = arith.cmpi ne, %convert_element_type3A_97, %cond3A_98 : i32
      scf.if %cond3A_99 {
        %add3A_119 = arith.constant 2 : i32
        %add3A_120 = arith.addi %add3A_85, %add3A_119 : i32
        %dma_start3A_121 = arith.constant 0 : i32
        %dma_start3A_122 = tpu.memref_slice %arg7[%add3A_120, %dma_start3A_121] : memref<40x128xi32, #tpu.memory_space<vmem>> -> memref<1x128xi32, #tpu.memory_space<vmem>>
        %dma_start3A_123 = tpu.memref_squeeze %dma_start3A_122 : memref<1x128xi32, #tpu.memory_space<vmem>> -> memref<128xi32, #tpu.memory_space<vmem>>
        %dma_start3A_124 = arith.constant 0 : i32
        %dma_start3A_125 = arith.constant 0 : i32
        %dma_start3A_126 = tpu.memref_slice %arg12[%dma_start3A_124, %dma_start3A_125] : memref<10000x64xf32, #tpu.memory_space<vmem_shared>> -> memref<10000x64xf32, #tpu.memory_space<vmem_shared>>
        tpu.enqueue_indirect_dma source(%dma_start3A_126 : memref<10000x64xf32, #tpu.memory_space<vmem_shared>>) target(%arg10 : memref<128x64xf32, #tpu.memory_space<vmem>>) offsets(%dma_start3A_123 : memref<128xi32, #tpu.memory_space<vmem>>) semaphore(%arg14 : memref<!tpu.dma_semaphore, #tpu.memory_space<semaphore_mem>>)
      } else {
      }
      %mul3A_100 = arith.constant 2 : i32
      %mul3A_101 = arith.muli %mul3A_100, %while3A_81 : i32
      %add3A_102 = arith.constant 1 : i32
      %add3A_103 = arith.addi %mul3A_101, %add3A_102 : i32
      %dma_wait3A_104 = arith.constant 0 : i32
      %dma_wait3A_105 = tpu.memref_slice %arg7[%add3A_103, %dma_wait3A_104] : memref<40x128xi32, #tpu.memory_space<vmem>> -> memref<1x128xi32, #tpu.memory_space<vmem>>
      %dma_wait3A_106 = tpu.memref_squeeze %dma_wait3A_105 : memref<1x128xi32, #tpu.memory_space<vmem>> -> memref<128xi32, #tpu.memory_space<vmem>>
      %dma_wait3A_107 = arith.constant 0 : i32
      %dma_wait3A_108 = arith.constant 0 : i32
      %dma_wait3A_109 = tpu.memref_slice %arg12[%dma_wait3A_107, %dma_wait3A_108] : memref<10000x64xf32, #tpu.memory_space<vmem_shared>> -> memref<10000x64xf32, #tpu.memory_space<vmem_shared>>
      tpu.wait_indirect_dma semaphore(%arg15 : memref<!tpu.dma_semaphore, #tpu.memory_space<semaphore_mem>>) src(%dma_wait3A_109 : memref<10000x64xf32, #tpu.memory_space<vmem_shared>>) dst(%arg11 : memref<128x64xf32, #tpu.memory_space<vmem>>)
      %parallel_loop3A_110 = arith.constant 0 : i32
      %parallel_loop3A_111 = arith.constant 8 : i32
      %parallel_loop3A_112 = arith.constant 1 : i32
      scf.for %parallel_loop3A_119 = %parallel_loop3A_110 to %parallel_loop3A_111 step %parallel_loop3A_112  : i32 {
        %parallel_loop3A_120 = arith.constant 16 : i32
        %parallel_loop3A_121 = arith.muli %parallel_loop3A_119, %parallel_loop3A_120 : i32
        %parallel_loop3A_122 = arith.index_cast %add3A_103 : i32 to index
        %parallel_loop3A_123 = arith.index_cast %parallel_loop3A_121 : i32 to index
        %parallel_loop3A_124 = tpu.vector_load %arg9[%parallel_loop3A_122, %parallel_loop3A_123] {strides = array<i32>} : memref<40x128xf32, #tpu.memory_space<vmem>>, vector<1x16xf32>,
        %parallel_loop3A_125 = vector.shape_cast %parallel_loop3A_124 : vector<1x16xf32> to vector<16xf32>
        %parallel_loop3A_126 = vector.extract_strided_slice %parallel_loop3A_125 {offsets = [0], sizes = [1], strides = [1]} : vector<16xf32> to vector<1xf32>
        %parallel_loop3A_127 = vector.extract %parallel_loop3A_126[0] : f32 from vector<1xf32>
        %parallel_loop3A_128 = arith.constant 16 : i32
        %parallel_loop3A_129 = arith.muli %parallel_loop3A_119, %parallel_loop3A_128 : i32
        %parallel_loop3A_130 = arith.constant 0 : i32
        %parallel_loop3A_131 = arith.addi %parallel_loop3A_129, %parallel_loop3A_130 : i32
        %parallel_loop3A_132 = arith.index_cast %parallel_loop3A_131 : i32 to index
        %parallel_loop3A_133 = arith.constant 0 : index
        %parallel_loop3A_134 = tpu.vector_load %arg11[%parallel_loop3A_132, %parallel_loop3A_133] {strides = array<i32>} : memref<128x64xf32, #tpu.memory_space<vmem>>, vector<1x16xf32>,
        %parallel_loop3A_135 = vector.shape_cast %parallel_loop3A_134 : vector<1x16xf32> to vector<16xf32>
        %parallel_loop3A_136 = vector.broadcast %parallel_loop3A_127 : f32 to vector<16xf32>
        %parallel_loop3A_137 = arith.mulf %parallel_loop3A_135, %parallel_loop3A_136 : vector<16xf32>
        %parallel_loop3A_138 = arith.index_cast %parallel_loop3A_131 : i32 to index
        %parallel_loop3A_139 = arith.constant 0 : index
        %parallel_loop3A_140 = tpu.vector_load %arg11[%parallel_loop3A_138, %parallel_loop3A_139] {strides = array<i32>} : memref<128x64xf32, #tpu.memory_space<vmem>>, vector<1x16xf32>,
        %parallel_loop3A_141 = vector.shape_cast %parallel_loop3A_140 : vector<1x16xf32> to vector<16xf32>
        %parallel_loop3A_142 = vector.shape_cast %parallel_loop3A_137 : vector<16xf32> to vector<1x16xf32>
        tpu.vector_store %arg11[%parallel_loop3A_138, %parallel_loop3A_139], %parallel_loop3A_142 {strides = array<i32>} : memref<128x64xf32, #tpu.memory_space<vmem>>, vector<1x16xf32>,
        %parallel_loop3A_143 = arith.index_cast %parallel_loop3A_131 : i32 to index
        %parallel_loop3A_144 = arith.constant 16 : index
        %parallel_loop3A_145 = tpu.vector_load %arg11[%parallel_loop3A_143, %parallel_loop3A_144] {strides = array<i32>} : memref<128x64xf32, #tpu.memory_space<vmem>>, vector<1x16xf32>,
        %parallel_loop3A_146 = vector.shape_cast %parallel_loop3A_145 : vector<1x16xf32> to vector<16xf32>
        %parallel_loop3A_147 = vector.broadcast %parallel_loop3A_127 : f32 to vector<16xf32>
        %parallel_loop3A_148 = arith.mulf %parallel_loop3A_146, %parallel_loop3A_147 : vector<16xf32>
        %parallel_loop3A_149 = arith.index_cast %parallel_loop3A_131 : i32 to index
        %parallel_loop3A_150 = arith.constant 16 : index
        %parallel_loop3A_151 = tpu.vector_load %arg11[%parallel_loop3A_149, %parallel_loop3A_150] {strides = array<i32>} : memref<128x64xf32, #tpu.memory_space<vmem>>, vector<1x16xf32>,
        %parallel_loop3A_152 = vector.shape_cast %parallel_loop3A_151 : vector<1x16xf32> to vector<16xf32>
        %parallel_loop3A_153 = vector.shape_cast %parallel_loop3A_148 : vector<16xf32> to vector<1x16xf32>
        tpu.vector_store %arg11[%parallel_loop3A_149, %parallel_loop3A_150], %parallel_loop3A_153 {strides = array<i32>} : memref<128x64xf32, #tpu.memory_space<vmem>>, vector<1x16xf32>,
        %parallel_loop3A_154 = arith.index_cast %parallel_loop3A_131 : i32 to index
        %parallel_loop3A_155 = arith.constant 32 : index
        %parallel_loop3A_156 = tpu.vector_load %arg11[%parallel_loop3A_154, %parallel_loop3A_155] {strides = array<i32>} : memref<128x64xf32, #tpu.memory_space<vmem>>, vector<1x16xf32>,
        %parallel_loop3A_157 = vector.shape_cast %parallel_loop3A_156 : vector<1x16xf32> to vector<16xf32>
        %parallel_loop3A_158 = vector.broadcast %parallel_loop3A_127 : f32 to vector<16xf32>
        %parallel_loop3A_159 = arith.mulf %parallel_loop3A_157, %parallel_loop3A_158 : vector<16xf32>
        %parallel_loop3A_160 = arith.index_cast %parallel_loop3A_131 : i32 to index
        %parallel_loop3A_161 = arith.constant 32 : index
        %parallel_loop3A_162 = tpu.vector_load %arg11[%parallel_loop3A_160, %parallel_loop3A_161] {strides = array<i32>} : memref<128x64xf32, #tpu.memory_space<vmem>>, vector<1x16xf32>,
        %parallel_loop3A_163 = vector.shape_cast %parallel_loop3A_162 : vector<1x16xf32> to vector<16xf32>
        %parallel_loop3A_164 = vector.shape_cast %parallel_loop3A_159 : vector<16xf32> to vector<1x16xf32>
        tpu.vector_store %arg11[%parallel_loop3A_160, %parallel_loop3A_161], %parallel_loop3A_164 {strides = array<i32>} : memref<128x64xf32, #tpu.memory_space<vmem>>, vector<1x16xf32>,
        %parallel_loop3A_165 = arith.index_cast %parallel_loop3A_131 : i32 to index
        %parallel_loop3A_166 = arith.constant 48 : index
        %parallel_loop3A_167 = tpu.vector_load %arg11[%parallel_loop3A_165, %parallel_loop3A_166] {strides = array<i32>} : memref<128x64xf32, #tpu.memory_space<vmem>>, vector<1x16xf32>,
        %parallel_loop3A_168 = vector.shape_cast %parallel_loop3A_167 : vector<1x16xf32> to vector<16xf32>
        %parallel_loop3A_169 = vector.broadcast %parallel_loop3A_127 : f32 to vector<16xf32>
        %parallel_loop3A_170 = arith.mulf %parallel_loop3A_168, %parallel_loop3A_169 : vector<16xf32>
        %parallel_loop3A_171 = arith.index_cast %parallel_loop3A_131 : i32 to index
        %parallel_loop3A_172 = arith.constant 48 : index
        %parallel_loop3A_173 = tpu.vector_load %arg11[%parallel_loop3A_171, %parallel_loop3A_172] {strides = array<i32>} : memref<128x64xf32, #tpu.memory_space<vmem>>, vector<1x16xf32>,
        %parallel_loop3A_174 = vector.shape_cast %parallel_loop3A_173 : vector<1x16xf32> to vector<16xf32>
        %parallel_loop3A_175 = vector.shape_cast %parallel_loop3A_170 : vector<16xf32> to vector<1x16xf32>
        tpu.vector_store %arg11[%parallel_loop3A_171, %parallel_loop3A_172], %parallel_loop3A_175 {strides = array<i32>} : memref<128x64xf32, #tpu.memory_space<vmem>>, vector<1x16xf32>,
        %parallel_loop3A_176 = vector.extract_strided_slice %parallel_loop3A_125 {offsets = [1], sizes = [1], strides = [1]} : vector<16xf32> to vector<1xf32>
        %parallel_loop3A_177 = vector.extract %parallel_loop3A_176[0] : f32 from vector<1xf32>
        %parallel_loop3A_178 = arith.constant 16 : i32
        %parallel_loop3A_179 = arith.muli %parallel_loop3A_119, %parallel_loop3A_178 : i32
        %parallel_loop3A_180 = arith.constant 1 : i32
        %parallel_loop3A_181 = arith.addi %parallel_loop3A_179, %parallel_loop3A_180 : i32
        %parallel_loop3A_182 = arith.index_cast %parallel_loop3A_181 : i32 to index
        %parallel_loop3A_183 = arith.constant 0 : index
        %parallel_loop3A_184 = tpu.vector_load %arg11[%parallel_loop3A_182, %parallel_loop3A_183] {strides = array<i32>} : memref<128x64xf32, #tpu.memory_space<vmem>>, vector<1x16xf32>,
        %parallel_loop3A_185 = vector.shape_cast %parallel_loop3A_184 : vector<1x16xf32> to vector<16xf32>
        %parallel_loop3A_186 = vector.broadcast %parallel_loop3A_177 : f32 to vector<16xf32>
        %parallel_loop3A_187 = arith.mulf %parallel_loop3A_185, %parallel_loop3A_186 : vector<16xf32>
        %parallel_loop3A_188 = arith.index_cast %parallel_loop3A_181 : i32 to index
        %parallel_loop3A_189 = arith.constant 0 : index
        %parallel_loop3A_190 = tpu.vector_load %arg11[%parallel_loop3A_188, %parallel_loop3A_189] {strides = array<i32>} : memref<128x64xf32, #tpu.memory_space<vmem>>, vector<1x16xf32>,
        %parallel_loop3A_191 = vector.shape_cast %parallel_loop3A_190 : vector<1x16xf32> to vector<16xf32>
        %parallel_loop3A_192 = vector.shape_cast %parallel_loop3A_187 : vector<16xf32> to vector<1x16xf32>
        tpu.vector_store %arg11[%parallel_loop3A_188, %parallel_loop3A_189], %parallel_loop3A_192 {strides = array<i32>} : memref<128x64xf32, #tpu.memory_space<vmem>>, vector<1x16xf32>,
        %parallel_loop3A_193 = arith.index_cast %parallel_loop3A_181 : i32 to index
        %parallel_loop3A_194 = arith.constant 16 : index
        %parallel_loop3A_195 = tpu.vector_load %arg11[%parallel_loop3A_193, %parallel_loop3A_194] {strides = array<i32>} : memref<128x64xf32, #tpu.memory_space<vmem>>, vector<1x16xf32>,
        %parallel_loop3A_196 = vector.shape_cast %parallel_loop3A_195 : vector<1x16xf32> to vector<16xf32>
        %parallel_loop3A_197 = vector.broadcast %parallel_loop3A_177 : f32 to vector<16xf32>
        %parallel_loop3A_198 = arith.mulf %parallel_loop3A_196, %parallel_loop3A_197 : vector<16xf32>
        %parallel_loop3A_199 = arith.index_cast %parallel_loop3A_181 : i32 to index
        %parallel_loop3A_200 = arith.constant 16 : index
        %parallel_loop3A_201 = tpu.vector_load %arg11[%parallel_loop3A_199, %parallel_loop3A_200] {strides = array<i32>} : memref<128x64xf32, #tpu.memory_space<vmem>>, vector<1x16xf32>,
        %parallel_loop3A_202 = vector.shape_cast %parallel_loop3A_201 : vector<1x16xf32> to vector<16xf32>
        %parallel_loop3A_203 = vector.shape_cast %parallel_loop3A_198 : vector<16xf32> to vector<1x16xf32>
        tpu.vector_store %arg11[%parallel_loop3A_199, %parallel_loop3A_200], %parallel_loop3A_203 {strides = array<i32>} : memref<128x64xf32, #tpu.memory_space<vmem>>, vector<1x16xf32>,
        %parallel_loop3A_204 = arith.index_cast %parallel_loop3A_181 : i32 to index
        %parallel_loop3A_205 = arith.constant 32 : index
        %parallel_loop3A_206 = tpu.vector_load %arg11[%parallel_loop3A_204, %parallel_loop3A_205] {strides = array<i32>} : memref<128x64xf32, #tpu.memory_space<vmem>>, vector<1x16xf32>,
        %parallel_loop3A_207 = vector.shape_cast %parallel_loop3A_206 : vector<1x16xf32> to vector<16xf32>
        %parallel_loop3A_208 = vector.broadcast %parallel_loop3A_177 : f32 to vector<16xf32>
        %parallel_loop3A_209 = arith.mulf %parallel_loop3A_207, %parallel_loop3A_208 : vector<16xf32>
        %parallel_loop3A_210 = arith.index_cast %parallel_loop3A_181 : i32 to index
        %parallel_loop3A_211 = arith.constant 32 : index
        %parallel_loop3A_212 = tpu.vector_load %arg11[%parallel_loop3A_210, %parallel_loop3A_211] {strides = array<i32>} : memref<128x64xf32, #tpu.memory_space<vmem>>, vector<1x16xf32>,
        %parallel_loop3A_213 = vector.shape_cast %parallel_loop3A_212 : vector<1x16xf32> to vector<16xf32>
        %parallel_loop3A_214 = vector.shape_cast %parallel_loop3A_209 : vector<16xf32> to vector<1x16xf32>
        tpu.vector_store %arg11[%parallel_loop3A_210, %parallel_loop3A_211], %parallel_loop3A_214 {strides = array<i32>} : memref<128x64xf32, #tpu.memory_space<vmem>>, vector<1x16xf32>,
        %parallel_loop3A_215 = arith.index_cast %parallel_loop3A_181 : i32 to index
        %parallel_loop3A_216 = arith.constant 48 : index
        %parallel_loop3A_217 = tpu.vector_load %arg11[%parallel_loop3A_215, %parallel_loop3A_216] {strides = array<i32>} : memref<128x64xf32, #tpu.memory_space<vmem>>, vector<1x16xf32>,
        %parallel_loop3A_218 = vector.shape_cast %parallel_loop3A_217 : vector<1x16xf32> to vector<16xf32>
        %parallel_loop3A_219 = vector.broadcast %parallel_loop3A_177 : f32 to vector<16xf32>
        %parallel_loop3A_220 = arith.mulf %parallel_loop3A_218, %parallel_loop3A_219 : vector<16xf32>
        %parallel_loop3A_221 = arith.index_cast %parallel_loop3A_181 : i32 to index
        %parallel_loop3A_222 = arith.constant 48 : index
        %parallel_loop3A_223 = tpu.vector_load %arg11[%parallel_loop3A_221, %parallel_loop3A_222] {strides = array<i32>} : memref<128x64xf32, #tpu.memory_space<vmem>>, vector<1x16xf32>,
        %parallel_loop3A_224 = vector.shape_cast %parallel_loop3A_223 : vector<1x16xf32> to vector<16xf32>
        %parallel_loop3A_225 = vector.shape_cast %parallel_loop3A_220 : vector<16xf32> to vector<1x16xf32>
        tpu.vector_store %arg11[%parallel_loop3A_221, %parallel_loop3A_222], %parallel_loop3A_225 {strides = array<i32>} : memref<128x64xf32, #tpu.memory_space<vmem>>, vector<1x16xf32>,
        %parallel_loop3A_226 = vector.extract_strided_slice %parallel_loop3A_125 {offsets = [2], sizes = [1], strides = [1]} : vector<16xf32> to vector<1xf32>
        %parallel_loop3A_227 = vector.extract %parallel_loop3A_226[0] : f32 from vector<1xf32>
        %parallel_loop3A_228 = arith.constant 16 : i32
        %parallel_loop3A_229 = arith.muli %parallel_loop3A_119, %parallel_loop3A_228 : i32
        %parallel_loop3A_230 = arith.constant 2 : i32
        %parallel_loop3A_231 = arith.addi %parallel_loop3A_229, %parallel_loop3A_230 : i32
        %parallel_loop3A_232 = arith.index_cast %parallel_loop3A_231 : i32 to index
        %parallel_loop3A_233 = arith.constant 0 : index
        %parallel_loop3A_234 = tpu.vector_load %arg11[%parallel_loop3A_232, %parallel_loop3A_233] {strides = array<i32>} : memref<128x64xf32, #tpu.memory_space<vmem>>, vector<1x16xf32>,
        %parallel_loop3A_235 = vector.shape_cast %parallel_loop3A_234 : vector<1x16xf32> to vector<16xf32>
        %parallel_loop3A_236 = vector.broadcast %parallel_loop3A_227 : f32 to vector<16xf32>
        %parallel_loop3A_237 = arith.mulf %parallel_loop3A_235, %parallel_loop3A_236 : vector<16xf32>
        %parallel_loop3A_238 = arith.index_cast %parallel_loop3A_231 : i32 to index
        %parallel_loop3A_239 = arith.constant 0 : index
        %parallel_loop3A_240 = tpu.vector_load %arg11[%parallel_loop3A_238, %parallel_loop3A_239] {strides = array<i32>} : memref<128x64xf32, #tpu.memory_space<vmem>>, vector<1x16xf32>,
        %parallel_loop3A_241 = vector.shape_cast %parallel_loop3A_240 : vector<1x16xf32> to vector<16xf32>
        %parallel_loop3A_242 = vector.shape_cast %parallel_loop3A_237 : vector<16xf32> to vector<1x16xf32>
        tpu.vector_store %arg11[%parallel_loop3A_238, %parallel_loop3A_239], %parallel_loop3A_242 {strides = array<i32>} : memref<128x64xf32, #tpu.memory_space<vmem>>, vector<1x16xf32>,
        %parallel_loop3A_243 = arith.index_cast %parallel_loop3A_231 : i32 to index
        %parallel_loop3A_244 = arith.constant 16 : index
        %parallel_loop3A_245 = tpu.vector_load %arg11[%parallel_loop3A_243, %parallel_loop3A_244] {strides = array<i32>} : memref<128x64xf32, #tpu.memory_space<vmem>>, vector<1x16xf32>,
        %parallel_loop3A_246 = vector.shape_cast %parallel_loop3A_245 : vector<1x16xf32> to vector<16xf32>
        %parallel_loop3A_247 = vector.broadcast %parallel_loop3A_227 : f32 to vector<16xf32>
        %parallel_loop3A_248 = arith.mulf %parallel_loop3A_246, %parallel_loop3A_247 : vector<16xf32>
        %parallel_loop3A_249 = arith.index_cast %parallel_loop3A_231 : i32 to index
        %parallel_loop3A_250 = arith.constant 16 : index
        %parallel_loop3A_251 = tpu.vector_load %arg11[%parallel_loop3A_249, %parallel_loop3A_250] {strides = array<i32>} : memref<128x64xf32, #tpu.memory_space<vmem>>, vector<1x16xf32>,
        %parallel_loop3A_252 = vector.shape_cast %parallel_loop3A_251 : vector<1x16xf32> to vector<16xf32>
        %parallel_loop3A_253 = vector.shape_cast %parallel_loop3A_248 : vector<16xf32> to vector<1x16xf32>
        tpu.vector_store %arg11[%parallel_loop3A_249, %parallel_loop3A_250], %parallel_loop3A_253 {strides = array<i32>} : memref<128x64xf32, #tpu.memory_space<vmem>>, vector<1x16xf32>,
        %parallel_loop3A_254 = arith.index_cast %parallel_loop3A_231 : i32 to index
        %parallel_loop3A_255 = arith.constant 32 : index
        %parallel_loop3A_256 = tpu.vector_load %arg11[%parallel_loop3A_254, %parallel_loop3A_255] {strides = array<i32>} : memref<128x64xf32, #tpu.memory_space<vmem>>, vector<1x16xf32>,
        %parallel_loop3A_257 = vector.shape_cast %parallel_loop3A_256 : vector<1x16xf32> to vector<16xf32>
        %parallel_loop3A_258 = vector.broadcast %parallel_loop3A_227 : f32 to vector<16xf32>
        %parallel_loop3A_259 = arith.mulf %parallel_loop3A_257, %parallel_loop3A_258 : vector<16xf32>
        %parallel_loop3A_260 = arith.index_cast %parallel_loop3A_231 : i32 to index
        %parallel_loop3A_261 = arith.constant 32 : index
        %parallel_loop3A_262 = tpu.vector_load %arg11[%parallel_loop3A_260, %parallel_loop3A_261] {strides = array<i32>} : memref<128x64xf32, #tpu.memory_space<vmem>>, vector<1x16xf32>,
        %parallel_loop3A_263 = vector.shape_cast %parallel_loop3A_262 : vector<1x16xf32> to vector<16xf32>
        %parallel_loop3A_264 = vector.shape_cast %parallel_loop3A_259 : vector<16xf32> to vector<1x16xf32>
        tpu.vector_store %arg11[%parallel_loop3A_260, %parallel_loop3A_261], %parallel_loop3A_264 {strides = array<i32>} : memref<128x64xf32, #tpu.memory_space<vmem>>, vector<1x16xf32>,
        %parallel_loop3A_265 = arith.index_cast %parallel_loop3A_231 : i32 to index
        %parallel_loop3A_266 = arith.constant 48 : index
        %parallel_loop3A_267 = tpu.vector_load %arg11[%parallel_loop3A_265, %parallel_loop3A_266] {strides = array<i32>} : memref<128x64xf32, #tpu.memory_space<vmem>>, vector<1x16xf32>,
        %parallel_loop3A_268 = vector.shape_cast %parallel_loop3A_267 : vector<1x16xf32> to vector<16xf32>
        %parallel_loop3A_269 = vector.broadcast %parallel_loop3A_227 : f32 to vector<16xf32>
        %parallel_loop3A_270 = arith.mulf %parallel_loop3A_268, %parallel_loop3A_269 : vector<16xf32>
        %parallel_loop3A_271 = arith.index_cast %parallel_loop3A_231 : i32 to index
        %parallel_loop3A_272 = arith.constant 48 : index
        %parallel_loop3A_273 = tpu.vector_load %arg11[%parallel_loop3A_271, %parallel_loop3A_272] {strides = array<i32>} : memref<128x64xf32, #tpu.memory_space<vmem>>, vector<1x16xf32>,
        %parallel_loop3A_274 = vector.shape_cast %parallel_loop3A_273 : vector<1x16xf32> to vector<16xf32>
        %parallel_loop3A_275 = vector.shape_cast %parallel_loop3A_270 : vector<16xf32> to vector<1x16xf32>
        tpu.vector_store %arg11[%parallel_loop3A_271, %parallel_loop3A_272], %parallel_loop3A_275 {strides = array<i32>} : memref<128x64xf32, #tpu.memory_space<vmem>>, vector<1x16xf32>,
        %parallel_loop3A_276 = vector.extract_strided_slice %parallel_loop3A_125 {offsets = [3], sizes = [1], strides = [1]} : vector<16xf32> to vector<1xf32>
        %parallel_loop3A_277 = vector.extract %parallel_loop3A_276[0] : f32 from vector<1xf32>
        %parallel_loop3A_278 = arith.constant 16 : i32
        %parallel_loop3A_279 = arith.muli %parallel_loop3A_119, %parallel_loop3A_278 : i32
        %parallel_loop3A_280 = arith.constant 3 : i32
        %parallel_loop3A_281 = arith.addi %parallel_loop3A_279, %parallel_loop3A_280 : i32
        %parallel_loop3A_282 = arith.index_cast %parallel_loop3A_281 : i32 to index
        %parallel_loop3A_283 = arith.constant 0 : index
        %parallel_loop3A_284 = tpu.vector_load %arg11[%parallel_loop3A_282, %parallel_loop3A_283] {strides = array<i32>} : memref<128x64xf32, #tpu.memory_space<vmem>>, vector<1x16xf32>,
        %parallel_loop3A_285 = vector.shape_cast %parallel_loop3A_284 : vector<1x16xf32> to vector<16xf32>
        %parallel_loop3A_286 = vector.broadcast %parallel_loop3A_277 : f32 to vector<16xf32>
        %parallel_loop3A_287 = arith.mulf %parallel_loop3A_285, %parallel_loop3A_286 : vector<16xf32>
        %parallel_loop3A_288 = arith.index_cast %parallel_loop3A_281 : i32 to index
        %parallel_loop3A_289 = arith.constant 0 : index
        %parallel_loop3A_290 = tpu.vector_load %arg11[%parallel_loop3A_288, %parallel_loop3A_289] {strides = array<i32>} : memref<128x64xf32, #tpu.memory_space<vmem>>, vector<1x16xf32>,
        %parallel_loop3A_291 = vector.shape_cast %parallel_loop3A_290 : vector<1x16xf32> to vector<16xf32>
        %parallel_loop3A_292 = vector.shape_cast %parallel_loop3A_287 : vector<16xf32> to vector<1x16xf32>
        tpu.vector_store %arg11[%parallel_loop3A_288, %parallel_loop3A_289], %parallel_loop3A_292 {strides = array<i32>} : memref<128x64xf32, #tpu.memory_space<vmem>>, vector<1x16xf32>,
        %parallel_loop3A_293 = arith.index_cast %parallel_loop3A_281 : i32 to index
        %parallel_loop3A_294 = arith.constant 16 : index
        %parallel_loop3A_295 = tpu.vector_load %arg11[%parallel_loop3A_293, %parallel_loop3A_294] {strides = array<i32>} : memref<128x64xf32, #tpu.memory_space<vmem>>, vector<1x16xf32>,
        %parallel_loop3A_296 = vector.shape_cast %parallel_loop3A_295 : vector<1x16xf32> to vector<16xf32>
        %parallel_loop3A_297 = vector.broadcast %parallel_loop3A_277 : f32 to vector<16xf32>
        %parallel_loop3A_298 = arith.mulf %parallel_loop3A_296, %parallel_loop3A_297 : vector<16xf32>
        %parallel_loop3A_299 = arith.index_cast %parallel_loop3A_281 : i32 to index
        %parallel_loop3A_300 = arith.constant 16 : index
        %parallel_loop3A_301 = tpu.vector_load %arg11[%parallel_loop3A_299, %parallel_loop3A_300] {strides = array<i32>} : memref<128x64xf32, #tpu.memory_space<vmem>>, vector<1x16xf32>,
        %parallel_loop3A_302 = vector.shape_cast %parallel_loop3A_301 : vector<1x16xf32> to vector<16xf32>
        %parallel_loop3A_303 = vector.shape_cast %parallel_loop3A_298 : vector<16xf32> to vector<1x16xf32>
        tpu.vector_store %arg11[%parallel_loop3A_299, %parallel_loop3A_300], %parallel_loop3A_303 {strides = array<i32>} : memref<128x64xf32, #tpu.memory_space<vmem>>, vector<1x16xf32>,
        %parallel_loop3A_304 = arith.index_cast %parallel_loop3A_281 : i32 to index
        %parallel_loop3A_305 = arith.constant 32 : index
        %parallel_loop3A_306 = tpu.vector_load %arg11[%parallel_loop3A_304, %parallel_loop3A_305] {strides = array<i32>} : memref<128x64xf32, #tpu.memory_space<vmem>>, vector<1x16xf32>,
        %parallel_loop3A_307 = vector.shape_cast %parallel_loop3A_306 : vector<1x16xf32> to vector<16xf32>
        %parallel_loop3A_308 = vector.broadcast %parallel_loop3A_277 : f32 to vector<16xf32>
        %parallel_loop3A_309 = arith.mulf %parallel_loop3A_307, %parallel_loop3A_308 : vector<16xf32>
        %parallel_loop3A_310 = arith.index_cast %parallel_loop3A_281 : i32 to index
        %parallel_loop3A_311 = arith.constant 32 : index
        %parallel_loop3A_312 = tpu.vector_load %arg11[%parallel_loop3A_310, %parallel_loop3A_311] {strides = array<i32>} : memref<128x64xf32, #tpu.memory_space<vmem>>, vector<1x16xf32>,
        %parallel_loop3A_313 = vector.shape_cast %parallel_loop3A_312 : vector<1x16xf32> to vector<16xf32>
        %parallel_loop3A_314 = vector.shape_cast %parallel_loop3A_309 : vector<16xf32> to vector<1x16xf32>
        tpu.vector_store %arg11[%parallel_loop3A_310, %parallel_loop3A_311], %parallel_loop3A_314 {strides = array<i32>} : memref<128x64xf32, #tpu.memory_space<vmem>>, vector<1x16xf32>,
        %parallel_loop3A_315 = arith.index_cast %parallel_loop3A_281 : i32 to index
        %parallel_loop3A_316 = arith.constant 48 : index
        %parallel_loop3A_317 = tpu.vector_load %arg11[%parallel_loop3A_315, %parallel_loop3A_316] {strides = array<i32>} : memref<128x64xf32, #tpu.memory_space<vmem>>, vector<1x16xf32>,
        %parallel_loop3A_318 = vector.shape_cast %parallel_loop3A_317 : vector<1x16xf32> to vector<16xf32>
        %parallel_loop3A_319 = vector.broadcast %parallel_loop3A_277 : f32 to vector<16xf32>
        %parallel_loop3A_320 = arith.mulf %parallel_loop3A_318, %parallel_loop3A_319 : vector<16xf32>
        %parallel_loop3A_321 = arith.index_cast %parallel_loop3A_281 : i32 to index
        %parallel_loop3A_322 = arith.constant 48 : index
        %parallel_loop3A_323 = tpu.vector_load %arg11[%parallel_loop3A_321, %parallel_loop3A_322] {strides = array<i32>} : memref<128x64xf32, #tpu.memory_space<vmem>>, vector<1x16xf32>,
        %parallel_loop3A_324 = vector.shape_cast %parallel_loop3A_323 : vector<1x16xf32> to vector<16xf32>
        %parallel_loop3A_325 = vector.shape_cast %parallel_loop3A_320 : vector<16xf32> to vector<1x16xf32>
        tpu.vector_store %arg11[%parallel_loop3A_321, %parallel_loop3A_322], %parallel_loop3A_325 {strides = array<i32>} : memref<128x64xf32, #tpu.memory_space<vmem>>, vector<1x16xf32>,
        %parallel_loop3A_326 = vector.extract_strided_slice %parallel_loop3A_125 {offsets = [4], sizes = [1], strides = [1]} : vector<16xf32> to vector<1xf32>
        %parallel_loop3A_327 = vector.extract %parallel_loop3A_326[0] : f32 from vector<1xf32>
        %parallel_loop3A_328 = arith.constant 16 : i32
        %parallel_loop3A_329 = arith.muli %parallel_loop3A_119, %parallel_loop3A_328 : i32
        %parallel_loop3A_330 = arith.constant 4 : i32
        %parallel_loop3A_331 = arith.addi %parallel_loop3A_329, %parallel_loop3A_330 : i32
        %parallel_loop3A_332 = arith.index_cast %parallel_loop3A_331 : i32 to index
        %parallel_loop3A_333 = arith.constant 0 : index
        %parallel_loop3A_334 = tpu.vector_load %arg11[%parallel_loop3A_332, %parallel_loop3A_333] {strides = array<i32>} : memref<128x64xf32, #tpu.memory_space<vmem>>, vector<1x16xf32>,
        %parallel_loop3A_335 = vector.shape_cast %parallel_loop3A_334 : vector<1x16xf32> to vector<16xf32>
        %parallel_loop3A_336 = vector.broadcast %parallel_loop3A_327 : f32 to vector<16xf32>
        %parallel_loop3A_337 = arith.mulf %parallel_loop3A_335, %parallel_loop3A_336 : vector<16xf32>
        %parallel_loop3A_338 = arith.index_cast %parallel_loop3A_331 : i32 to index
        %parallel_loop3A_339 = arith.constant 0 : index
        %parallel_loop3A_340 = tpu.vector_load %arg11[%parallel_loop3A_338, %parallel_loop3A_339] {strides = array<i32>} : memref<128x64xf32, #tpu.memory_space<vmem>>, vector<1x16xf32>,
        %parallel_loop3A_341 = vector.shape_cast %parallel_loop3A_340 : vector<1x16xf32> to vector<16xf32>
        %parallel_loop3A_342 = vector.shape_cast %parallel_loop3A_337 : vector<16xf32> to vector<1x16xf32>
        tpu.vector_store %arg11[%parallel_loop3A_338, %parallel_loop3A_339], %parallel_loop3A_342 {strides = array<i32>} : memref<128x64xf32, #tpu.memory_space<vmem>>, vector<1x16xf32>,
        %parallel_loop3A_343 = arith.index_cast %parallel_loop3A_331 : i32 to index
        %parallel_loop3A_344 = arith.constant 16 : index
        %parallel_loop3A_345 = tpu.vector_load %arg11[%parallel_loop3A_343, %parallel_loop3A_344] {strides = array<i32>} : memref<128x64xf32, #tpu.memory_space<vmem>>, vector<1x16xf32>,
        %parallel_loop3A_346 = vector.shape_cast %parallel_loop3A_345 : vector<1x16xf32> to vector<16xf32>
        %parallel_loop3A_347 = vector.broadcast %parallel_loop3A_327 : f32 to vector<16xf32>
        %parallel_loop3A_348 = arith.mulf %parallel_loop3A_346, %parallel_loop3A_347 : vector<16xf32>
        %parallel_loop3A_349 = arith.index_cast %parallel_loop3A_331 : i32 to index
        %parallel_loop3A_350 = arith.constant 16 : index
        %parallel_loop3A_351 = tpu.vector_load %arg11[%parallel_loop3A_349, %parallel_loop3A_350] {strides = array<i32>} : memref<128x64xf32, #tpu.memory_space<vmem>>, vector<1x16xf32>,
        %parallel_loop3A_352 = vector.shape_cast %parallel_loop3A_351 : vector<1x16xf32> to vector<16xf32>
        %parallel_loop3A_353 = vector.shape_cast %parallel_loop3A_348 : vector<16xf32> to vector<1x16xf32>
        tpu.vector_store %arg11[%parallel_loop3A_349, %parallel_loop3A_350], %parallel_loop3A_353 {strides = array<i32>} : memref<128x64xf32, #tpu.memory_space<vmem>>, vector<1x16xf32>,
        %parallel_loop3A_354 = arith.index_cast %parallel_loop3A_331 : i32 to index
        %parallel_loop3A_355 = arith.constant 32 : index
        %parallel_loop3A_356 = tpu.vector_load %arg11[%parallel_loop3A_354, %parallel_loop3A_355] {strides = array<i32>} : memref<128x64xf32, #tpu.memory_space<vmem>>, vector<1x16xf32>,
        %parallel_loop3A_357 = vector.shape_cast %parallel_loop3A_356 : vector<1x16xf32> to vector<16xf32>
        %parallel_loop3A_358 = vector.broadcast %parallel_loop3A_327 : f32 to vector<16xf32>
        %parallel_loop3A_359 = arith.mulf %parallel_loop3A_357, %parallel_loop3A_358 : vector<16xf32>
        %parallel_loop3A_360 = arith.index_cast %parallel_loop3A_331 : i32 to index
        %parallel_loop3A_361 = arith.constant 32 : index
        %parallel_loop3A_362 = tpu.vector_load %arg11[%parallel_loop3A_360, %parallel_loop3A_361] {strides = array<i32>} : memref<128x64xf32, #tpu.memory_space<vmem>>, vector<1x16xf32>,
        %parallel_loop3A_363 = vector.shape_cast %parallel_loop3A_362 : vector<1x16xf32> to vector<16xf32>
        %parallel_loop3A_364 = vector.shape_cast %parallel_loop3A_359 : vector<16xf32> to vector<1x16xf32>
        tpu.vector_store %arg11[%parallel_loop3A_360, %parallel_loop3A_361], %parallel_loop3A_364 {strides = array<i32>} : memref<128x64xf32, #tpu.memory_space<vmem>>, vector<1x16xf32>,
        %parallel_loop3A_365 = arith.index_cast %parallel_loop3A_331 : i32 to index
        %parallel_loop3A_366 = arith.constant 48 : index
        %parallel_loop3A_367 = tpu.vector_load %arg11[%parallel_loop3A_365, %parallel_loop3A_366] {strides = array<i32>} : memref<128x64xf32, #tpu.memory_space<vmem>>, vector<1x16xf32>,
        %parallel_loop3A_368 = vector.shape_cast %parallel_loop3A_367 : vector<1x16xf32> to vector<16xf32>
        %parallel_loop3A_369 = vector.broadcast %parallel_loop3A_327 : f32 to vector<16xf32>
        %parallel_loop3A_370 = arith.mulf %parallel_loop3A_368, %parallel_loop3A_369 : vector<16xf32>
        %parallel_loop3A_371 = arith.index_cast %parallel_loop3A_331 : i32 to index
        %parallel_loop3A_372 = arith.constant 48 : index
        %parallel_loop3A_373 = tpu.vector_load %arg11[%parallel_loop3A_371, %parallel_loop3A_372] {strides = array<i32>} : memref<128x64xf32, #tpu.memory_space<vmem>>, vector<1x16xf32>,
        %parallel_loop3A_374 = vector.shape_cast %parallel_loop3A_373 : vector<1x16xf32> to vector<16xf32>
        %parallel_loop3A_375 = vector.shape_cast %parallel_loop3A_370 : vector<16xf32> to vector<1x16xf32>
        tpu.vector_store %arg11[%parallel_loop3A_371, %parallel_loop3A_372], %parallel_loop3A_375 {strides = array<i32>} : memref<128x64xf32, #tpu.memory_space<vmem>>, vector<1x16xf32>,
        %parallel_loop3A_376 = vector.extract_strided_slice %parallel_loop3A_125 {offsets = [5], sizes = [1], strides = [1]} : vector<16xf32> to vector<1xf32>
        %parallel_loop3A_377 = vector.extract %parallel_loop3A_376[0] : f32 from vector<1xf32>
        %parallel_loop3A_378 = arith.constant 16 : i32
        %parallel_loop3A_379 = arith.muli %parallel_loop3A_119, %parallel_loop3A_378 : i32
        %parallel_loop3A_380 = arith.constant 5 : i32
        %parallel_loop3A_381 = arith.addi %parallel_loop3A_379, %parallel_loop3A_380 : i32
        %parallel_loop3A_382 = arith.index_cast %parallel_loop3A_381 : i32 to index
        %parallel_loop3A_383 = arith.constant 0 : index
        %parallel_loop3A_384 = tpu.vector_load %arg11[%parallel_loop3A_382, %parallel_loop3A_383] {strides = array<i32>} : memref<128x64xf32, #tpu.memory_space<vmem>>, vector<1x16xf32>,
        %parallel_loop3A_385 = vector.shape_cast %parallel_loop3A_384 : vector<1x16xf32> to vector<16xf32>
        %parallel_loop3A_386 = vector.broadcast %parallel_loop3A_377 : f32 to vector<16xf32>
        %parallel_loop3A_387 = arith.mulf %parallel_loop3A_385, %parallel_loop3A_386 : vector<16xf32>
        %parallel_loop3A_388 = arith.index_cast %parallel_loop3A_381 : i32 to index
        %parallel_loop3A_389 = arith.constant 0 : index
        %parallel_loop3A_390 = tpu.vector_load %arg11[%parallel_loop3A_388, %parallel_loop3A_389] {strides = array<i32>} : memref<128x64xf32, #tpu.memory_space<vmem>>, vector<1x16xf32>,
        %parallel_loop3A_391 = vector.shape_cast %parallel_loop3A_390 : vector<1x16xf32> to vector<16xf32>
        %parallel_loop3A_392 = vector.shape_cast %parallel_loop3A_387 : vector<16xf32> to vector<1x16xf32>
        tpu.vector_store %arg11[%parallel_loop3A_388, %parallel_loop3A_389], %parallel_loop3A_392 {strides = array<i32>} : memref<128x64xf32, #tpu.memory_space<vmem>>, vector<1x16xf32>,
        %parallel_loop3A_393 = arith.index_cast %parallel_loop3A_381 : i32 to index
        %parallel_loop3A_394 = arith.constant 16 : index
        %parallel_loop3A_395 = tpu.vector_load %arg11[%parallel_loop3A_393, %parallel_loop3A_394] {strides = array<i32>} : memref<128x64xf32, #tpu.memory_space<vmem>>, vector<1x16xf32>,
        %parallel_loop3A_396 = vector.shape_cast %parallel_loop3A_395 : vector<1x16xf32> to vector<16xf32>
        %parallel_loop3A_397 = vector.broadcast %parallel_loop3A_377 : f32 to vector<16xf32>
        %parallel_loop3A_398 = arith.mulf %parallel_loop3A_396, %parallel_loop3A_397 : vector<16xf32>
        %parallel_loop3A_399 = arith.index_cast %parallel_loop3A_381 : i32 to index
        %parallel_loop3A_400 = arith.constant 16 : index
        %parallel_loop3A_401 = tpu.vector_load %arg11[%parallel_loop3A_399, %parallel_loop3A_400] {strides = array<i32>} : memref<128x64xf32, #tpu.memory_space<vmem>>, vector<1x16xf32>,
        %parallel_loop3A_402 = vector.shape_cast %parallel_loop3A_401 : vector<1x16xf32> to vector<16xf32>
        %parallel_loop3A_403 = vector.shape_cast %parallel_loop3A_398 : vector<16xf32> to vector<1x16xf32>
        tpu.vector_store %arg11[%parallel_loop3A_399, %parallel_loop3A_400], %parallel_loop3A_403 {strides = array<i32>} : memref<128x64xf32, #tpu.memory_space<vmem>>, vector<1x16xf32>,
        %parallel_loop3A_404 = arith.index_cast %parallel_loop3A_381 : i32 to index
        %parallel_loop3A_405 = arith.constant 32 : index
        %parallel_loop3A_406 = tpu.vector_load %arg11[%parallel_loop3A_404, %parallel_loop3A_405] {strides = array<i32>} : memref<128x64xf32, #tpu.memory_space<vmem>>, vector<1x16xf32>,
        %parallel_loop3A_407 = vector.shape_cast %parallel_loop3A_406 : vector<1x16xf32> to vector<16xf32>
        %parallel_loop3A_408 = vector.broadcast %parallel_loop3A_377 : f32 to vector<16xf32>
        %parallel_loop3A_409 = arith.mulf %parallel_loop3A_407, %parallel_loop3A_408 : vector<16xf32>
        %parallel_loop3A_410 = arith.index_cast %parallel_loop3A_381 : i32 to index
        %parallel_loop3A_411 = arith.constant 32 : index
        %parallel_loop3A_412 = tpu.vector_load %arg11[%parallel_loop3A_410, %parallel_loop3A_411] {strides = array<i32>} : memref<128x64xf32, #tpu.memory_space<vmem>>, vector<1x16xf32>,
        %parallel_loop3A_413 = vector.shape_cast %parallel_loop3A_412 : vector<1x16xf32> to vector<16xf32>
        %parallel_loop3A_414 = vector.shape_cast %parallel_loop3A_409 : vector<16xf32> to vector<1x16xf32>
        tpu.vector_store %arg11[%parallel_loop3A_410, %parallel_loop3A_411], %parallel_loop3A_414 {strides = array<i32>} : memref<128x64xf32, #tpu.memory_space<vmem>>, vector<1x16xf32>,
        %parallel_loop3A_415 = arith.index_cast %parallel_loop3A_381 : i32 to index
        %parallel_loop3A_416 = arith.constant 48 : index
        %parallel_loop3A_417 = tpu.vector_load %arg11[%parallel_loop3A_415, %parallel_loop3A_416] {strides = array<i32>} : memref<128x64xf32, #tpu.memory_space<vmem>>, vector<1x16xf32>,
        %parallel_loop3A_418 = vector.shape_cast %parallel_loop3A_417 : vector<1x16xf32> to vector<16xf32>
        %parallel_loop3A_419 = vector.broadcast %parallel_loop3A_377 : f32 to vector<16xf32>
        %parallel_loop3A_420 = arith.mulf %parallel_loop3A_418, %parallel_loop3A_419 : vector<16xf32>
        %parallel_loop3A_421 = arith.index_cast %parallel_loop3A_381 : i32 to index
        %parallel_loop3A_422 = arith.constant 48 : index
        %parallel_loop3A_423 = tpu.vector_load %arg11[%parallel_loop3A_421, %parallel_loop3A_422] {strides = array<i32>} : memref<128x64xf32, #tpu.memory_space<vmem>>, vector<1x16xf32>,
        %parallel_loop3A_424 = vector.shape_cast %parallel_loop3A_423 : vector<1x16xf32> to vector<16xf32>
        %parallel_loop3A_425 = vector.shape_cast %parallel_loop3A_420 : vector<16xf32> to vector<1x16xf32>
        tpu.vector_store %arg11[%parallel_loop3A_421, %parallel_loop3A_422], %parallel_loop3A_425 {strides = array<i32>} : memref<128x64xf32, #tpu.memory_space<vmem>>, vector<1x16xf32>,
        %parallel_loop3A_426 = vector.extract_strided_slice %parallel_loop3A_125 {offsets = [6], sizes = [1], strides = [1]} : vector<16xf32> to vector<1xf32>
        %parallel_loop3A_427 = vector.extract %parallel_loop3A_426[0] : f32 from vector<1xf32>
        %parallel_loop3A_428 = arith.constant 16 : i32
        %parallel_loop3A_429 = arith.muli %parallel_loop3A_119, %parallel_loop3A_428 : i32
        %parallel_loop3A_430 = arith.constant 6 : i32
        %parallel_loop3A_431 = arith.addi %parallel_loop3A_429, %parallel_loop3A_430 : i32
        %parallel_loop3A_432 = arith.index_cast %parallel_loop3A_431 : i32 to index
        %parallel_loop3A_433 = arith.constant 0 : index
        %parallel_loop3A_434 = tpu.vector_load %arg11[%parallel_loop3A_432, %parallel_loop3A_433] {strides = array<i32>} : memref<128x64xf32, #tpu.memory_space<vmem>>, vector<1x16xf32>,
        %parallel_loop3A_435 = vector.shape_cast %parallel_loop3A_434 : vector<1x16xf32> to vector<16xf32>
        %parallel_loop3A_436 = vector.broadcast %parallel_loop3A_427 : f32 to vector<16xf32>
        %parallel_loop3A_437 = arith.mulf %parallel_loop3A_435, %parallel_loop3A_436 : vector<16xf32>
        %parallel_loop3A_438 = arith.index_cast %parallel_loop3A_431 : i32 to index
        %parallel_loop3A_439 = arith.constant 0 : index
        %parallel_loop3A_440 = tpu.vector_load %arg11[%parallel_loop3A_438, %parallel_loop3A_439] {strides = array<i32>} : memref<128x64xf32, #tpu.memory_space<vmem>>, vector<1x16xf32>,
        %parallel_loop3A_441 = vector.shape_cast %parallel_loop3A_440 : vector<1x16xf32> to vector<16xf32>
        %parallel_loop3A_442 = vector.shape_cast %parallel_loop3A_437 : vector<16xf32> to vector<1x16xf32>
        tpu.vector_store %arg11[%parallel_loop3A_438, %parallel_loop3A_439], %parallel_loop3A_442 {strides = array<i32>} : memref<128x64xf32, #tpu.memory_space<vmem>>, vector<1x16xf32>,
        %parallel_loop3A_443 = arith.index_cast %parallel_loop3A_431 : i32 to index
        %parallel_loop3A_444 = arith.constant 16 : index
        %parallel_loop3A_445 = tpu.vector_load %arg11[%parallel_loop3A_443, %parallel_loop3A_444] {strides = array<i32>} : memref<128x64xf32, #tpu.memory_space<vmem>>, vector<1x16xf32>,
        %parallel_loop3A_446 = vector.shape_cast %parallel_loop3A_445 : vector<1x16xf32> to vector<16xf32>
        %parallel_loop3A_447 = vector.broadcast %parallel_loop3A_427 : f32 to vector<16xf32>
        %parallel_loop3A_448 = arith.mulf %parallel_loop3A_446, %parallel_loop3A_447 : vector<16xf32>
        %parallel_loop3A_449 = arith.index_cast %parallel_loop3A_431 : i32 to index
        %parallel_loop3A_450 = arith.constant 16 : index
        %parallel_loop3A_451 = tpu.vector_load %arg11[%parallel_loop3A_449, %parallel_loop3A_450] {strides = array<i32>} : memref<128x64xf32, #tpu.memory_space<vmem>>, vector<1x16xf32>,
        %parallel_loop3A_452 = vector.shape_cast %parallel_loop3A_451 : vector<1x16xf32> to vector<16xf32>
        %parallel_loop3A_453 = vector.shape_cast %parallel_loop3A_448 : vector<16xf32> to vector<1x16xf32>
        tpu.vector_store %arg11[%parallel_loop3A_449, %parallel_loop3A_450], %parallel_loop3A_453 {strides = array<i32>} : memref<128x64xf32, #tpu.memory_space<vmem>>, vector<1x16xf32>,
        %parallel_loop3A_454 = arith.index_cast %parallel_loop3A_431 : i32 to index
        %parallel_loop3A_455 = arith.constant 32 : index
        %parallel_loop3A_456 = tpu.vector_load %arg11[%parallel_loop3A_454, %parallel_loop3A_455] {strides = array<i32>} : memref<128x64xf32, #tpu.memory_space<vmem>>, vector<1x16xf32>,
        %parallel_loop3A_457 = vector.shape_cast %parallel_loop3A_456 : vector<1x16xf32> to vector<16xf32>
        %parallel_loop3A_458 = vector.broadcast %parallel_loop3A_427 : f32 to vector<16xf32>
        %parallel_loop3A_459 = arith.mulf %parallel_loop3A_457, %parallel_loop3A_458 : vector<16xf32>
        %parallel_loop3A_460 = arith.index_cast %parallel_loop3A_431 : i32 to index
        %parallel_loop3A_461 = arith.constant 32 : index
        %parallel_loop3A_462 = tpu.vector_load %arg11[%parallel_loop3A_460, %parallel_loop3A_461] {strides = array<i32>} : memref<128x64xf32, #tpu.memory_space<vmem>>, vector<1x16xf32>,
        %parallel_loop3A_463 = vector.shape_cast %parallel_loop3A_462 : vector<1x16xf32> to vector<16xf32>
        %parallel_loop3A_464 = vector.shape_cast %parallel_loop3A_459 : vector<16xf32> to vector<1x16xf32>
        tpu.vector_store %arg11[%parallel_loop3A_460, %parallel_loop3A_461], %parallel_loop3A_464 {strides = array<i32>} : memref<128x64xf32, #tpu.memory_space<vmem>>, vector<1x16xf32>,
        %parallel_loop3A_465 = arith.index_cast %parallel_loop3A_431 : i32 to index
        %parallel_loop3A_466 = arith.constant 48 : index
        %parallel_loop3A_467 = tpu.vector_load %arg11[%parallel_loop3A_465, %parallel_loop3A_466] {strides = array<i32>} : memref<128x64xf32, #tpu.memory_space<vmem>>, vector<1x16xf32>,
        %parallel_loop3A_468 = vector.shape_cast %parallel_loop3A_467 : vector<1x16xf32> to vector<16xf32>
        %parallel_loop3A_469 = vector.broadcast %parallel_loop3A_427 : f32 to vector<16xf32>
        %parallel_loop3A_470 = arith.mulf %parallel_loop3A_468, %parallel_loop3A_469 : vector<16xf32>
        %parallel_loop3A_471 = arith.index_cast %parallel_loop3A_431 : i32 to index
        %parallel_loop3A_472 = arith.constant 48 : index
        %parallel_loop3A_473 = tpu.vector_load %arg11[%parallel_loop3A_471, %parallel_loop3A_472] {strides = array<i32>} : memref<128x64xf32, #tpu.memory_space<vmem>>, vector<1x16xf32>,
        %parallel_loop3A_474 = vector.shape_cast %parallel_loop3A_473 : vector<1x16xf32> to vector<16xf32>
        %parallel_loop3A_475 = vector.shape_cast %parallel_loop3A_470 : vector<16xf32> to vector<1x16xf32>
        tpu.vector_store %arg11[%parallel_loop3A_471, %parallel_loop3A_472], %parallel_loop3A_475 {strides = array<i32>} : memref<128x64xf32, #tpu.memory_space<vmem>>, vector<1x16xf32>,
        %parallel_loop3A_476 = vector.extract_strided_slice %parallel_loop3A_125 {offsets = [7], sizes = [1], strides = [1]} : vector<16xf32> to vector<1xf32>
        %parallel_loop3A_477 = vector.extract %parallel_loop3A_476[0] : f32 from vector<1xf32>
        %parallel_loop3A_478 = arith.constant 16 : i32
        %parallel_loop3A_479 = arith.muli %parallel_loop3A_119, %parallel_loop3A_478 : i32
        %parallel_loop3A_480 = arith.constant 7 : i32
        %parallel_loop3A_481 = arith.addi %parallel_loop3A_479, %parallel_loop3A_480 : i32
        %parallel_loop3A_482 = arith.index_cast %parallel_loop3A_481 : i32 to index
        %parallel_loop3A_483 = arith.constant 0 : index
        %parallel_loop3A_484 = tpu.vector_load %arg11[%parallel_loop3A_482, %parallel_loop3A_483] {strides = array<i32>} : memref<128x64xf32, #tpu.memory_space<vmem>>, vector<1x16xf32>,
        %parallel_loop3A_485 = vector.shape_cast %parallel_loop3A_484 : vector<1x16xf32> to vector<16xf32>
        %parallel_loop3A_486 = vector.broadcast %parallel_loop3A_477 : f32 to vector<16xf32>
        %parallel_loop3A_487 = arith.mulf %parallel_loop3A_485, %parallel_loop3A_486 : vector<16xf32>
        %parallel_loop3A_488 = arith.index_cast %parallel_loop3A_481 : i32 to index
        %parallel_loop3A_489 = arith.constant 0 : index
        %parallel_loop3A_490 = tpu.vector_load %arg11[%parallel_loop3A_488, %parallel_loop3A_489] {strides = array<i32>} : memref<128x64xf32, #tpu.memory_space<vmem>>, vector<1x16xf32>,
        %parallel_loop3A_491 = vector.shape_cast %parallel_loop3A_490 : vector<1x16xf32> to vector<16xf32>
        %parallel_loop3A_492 = vector.shape_cast %parallel_loop3A_487 : vector<16xf32> to vector<1x16xf32>
        tpu.vector_store %arg11[%parallel_loop3A_488, %parallel_loop3A_489], %parallel_loop3A_492 {strides = array<i32>} : memref<128x64xf32, #tpu.memory_space<vmem>>, vector<1x16xf32>,
        %parallel_loop3A_493 = arith.index_cast %parallel_loop3A_481 : i32 to index
        %parallel_loop3A_494 = arith.constant 16 : index
        %parallel_loop3A_495 = tpu.vector_load %arg11[%parallel_loop3A_493, %parallel_loop3A_494] {strides = array<i32>} : memref<128x64xf32, #tpu.memory_space<vmem>>, vector<1x16xf32>,
        %parallel_loop3A_496 = vector.shape_cast %parallel_loop3A_495 : vector<1x16xf32> to vector<16xf32>
        %parallel_loop3A_497 = vector.broadcast %parallel_loop3A_477 : f32 to vector<16xf32>
        %parallel_loop3A_498 = arith.mulf %parallel_loop3A_496, %parallel_loop3A_497 : vector<16xf32>
        %parallel_loop3A_499 = arith.index_cast %parallel_loop3A_481 : i32 to index
        %parallel_loop3A_500 = arith.constant 16 : index
        %parallel_loop3A_501 = tpu.vector_load %arg11[%parallel_loop3A_499, %parallel_loop3A_500] {strides = array<i32>} : memref<128x64xf32, #tpu.memory_space<vmem>>, vector<1x16xf32>,
        %parallel_loop3A_502 = vector.shape_cast %parallel_loop3A_501 : vector<1x16xf32> to vector<16xf32>
        %parallel_loop3A_503 = vector.shape_cast %parallel_loop3A_498 : vector<16xf32> to vector<1x16xf32>
        tpu.vector_store %arg11[%parallel_loop3A_499, %parallel_loop3A_500], %parallel_loop3A_503 {strides = array<i32>} : memref<128x64xf32, #tpu.memory_space<vmem>>, vector<1x16xf32>,
        %parallel_loop3A_504 = arith.index_cast %parallel_loop3A_481 : i32 to index
        %parallel_loop3A_505 = arith.constant 32 : index
        %parallel_loop3A_506 = tpu.vector_load %arg11[%parallel_loop3A_504, %parallel_loop3A_505] {strides = array<i32>} : memref<128x64xf32, #tpu.memory_space<vmem>>, vector<1x16xf32>,
        %parallel_loop3A_507 = vector.shape_cast %parallel_loop3A_506 : vector<1x16xf32> to vector<16xf32>
        %parallel_loop3A_508 = vector.broadcast %parallel_loop3A_477 : f32 to vector<16xf32>
        %parallel_loop3A_509 = arith.mulf %parallel_loop3A_507, %parallel_loop3A_508 : vector<16xf32>
        %parallel_loop3A_510 = arith.index_cast %parallel_loop3A_481 : i32 to index
        %parallel_loop3A_511 = arith.constant 32 : index
        %parallel_loop3A_512 = tpu.vector_load %arg11[%parallel_loop3A_510, %parallel_loop3A_511] {strides = array<i32>} : memref<128x64xf32, #tpu.memory_space<vmem>>, vector<1x16xf32>,
        %parallel_loop3A_513 = vector.shape_cast %parallel_loop3A_512 : vector<1x16xf32> to vector<16xf32>
        %parallel_loop3A_514 = vector.shape_cast %parallel_loop3A_509 : vector<16xf32> to vector<1x16xf32>
        tpu.vector_store %arg11[%parallel_loop3A_510, %parallel_loop3A_511], %parallel_loop3A_514 {strides = array<i32>} : memref<128x64xf32, #tpu.memory_space<vmem>>, vector<1x16xf32>,
        %parallel_loop3A_515 = arith.index_cast %parallel_loop3A_481 : i32 to index
        %parallel_loop3A_516 = arith.constant 48 : index
        %parallel_loop3A_517 = tpu.vector_load %arg11[%parallel_loop3A_515, %parallel_loop3A_516] {strides = array<i32>} : memref<128x64xf32, #tpu.memory_space<vmem>>, vector<1x16xf32>,
        %parallel_loop3A_518 = vector.shape_cast %parallel_loop3A_517 : vector<1x16xf32> to vector<16xf32>
        %parallel_loop3A_519 = vector.broadcast %parallel_loop3A_477 : f32 to vector<16xf32>
        %parallel_loop3A_520 = arith.mulf %parallel_loop3A_518, %parallel_loop3A_519 : vector<16xf32>
        %parallel_loop3A_521 = arith.index_cast %parallel_loop3A_481 : i32 to index
        %parallel_loop3A_522 = arith.constant 48 : index
        %parallel_loop3A_523 = tpu.vector_load %arg11[%parallel_loop3A_521, %parallel_loop3A_522] {strides = array<i32>} : memref<128x64xf32, #tpu.memory_space<vmem>>, vector<1x16xf32>,
        %parallel_loop3A_524 = vector.shape_cast %parallel_loop3A_523 : vector<1x16xf32> to vector<16xf32>
        %parallel_loop3A_525 = vector.shape_cast %parallel_loop3A_520 : vector<16xf32> to vector<1x16xf32>
        tpu.vector_store %arg11[%parallel_loop3A_521, %parallel_loop3A_522], %parallel_loop3A_525 {strides = array<i32>} : memref<128x64xf32, #tpu.memory_space<vmem>>, vector<1x16xf32>,
        %parallel_loop3A_526 = vector.extract_strided_slice %parallel_loop3A_125 {offsets = [8], sizes = [1], strides = [1]} : vector<16xf32> to vector<1xf32>
        %parallel_loop3A_527 = vector.extract %parallel_loop3A_526[0] : f32 from vector<1xf32>
        %parallel_loop3A_528 = arith.constant 16 : i32
        %parallel_loop3A_529 = arith.muli %parallel_loop3A_119, %parallel_loop3A_528 : i32
        %parallel_loop3A_530 = arith.constant 8 : i32
        %parallel_loop3A_531 = arith.addi %parallel_loop3A_529, %parallel_loop3A_530 : i32
        %parallel_loop3A_532 = arith.index_cast %parallel_loop3A_531 : i32 to index
        %parallel_loop3A_533 = arith.constant 0 : index
        %parallel_loop3A_534 = tpu.vector_load %arg11[%parallel_loop3A_532, %parallel_loop3A_533] {strides = array<i32>} : memref<128x64xf32, #tpu.memory_space<vmem>>, vector<1x16xf32>,
        %parallel_loop3A_535 = vector.shape_cast %parallel_loop3A_534 : vector<1x16xf32> to vector<16xf32>
        %parallel_loop3A_536 = vector.broadcast %parallel_loop3A_527 : f32 to vector<16xf32>
        %parallel_loop3A_537 = arith.mulf %parallel_loop3A_535, %parallel_loop3A_536 : vector<16xf32>
        %parallel_loop3A_538 = arith.index_cast %parallel_loop3A_531 : i32 to index
        %parallel_loop3A_539 = arith.constant 0 : index
        %parallel_loop3A_540 = tpu.vector_load %arg11[%parallel_loop3A_538, %parallel_loop3A_539] {strides = array<i32>} : memref<128x64xf32, #tpu.memory_space<vmem>>, vector<1x16xf32>,
        %parallel_loop3A_541 = vector.shape_cast %parallel_loop3A_540 : vector<1x16xf32> to vector<16xf32>
        %parallel_loop3A_542 = vector.shape_cast %parallel_loop3A_537 : vector<16xf32> to vector<1x16xf32>
        tpu.vector_store %arg11[%parallel_loop3A_538, %parallel_loop3A_539], %parallel_loop3A_542 {strides = array<i32>} : memref<128x64xf32, #tpu.memory_space<vmem>>, vector<1x16xf32>,
        %parallel_loop3A_543 = arith.index_cast %parallel_loop3A_531 : i32 to index
        %parallel_loop3A_544 = arith.constant 16 : index
        %parallel_loop3A_545 = tpu.vector_load %arg11[%parallel_loop3A_543, %parallel_loop3A_544] {strides = array<i32>} : memref<128x64xf32, #tpu.memory_space<vmem>>, vector<1x16xf32>,
        %parallel_loop3A_546 = vector.shape_cast %parallel_loop3A_545 : vector<1x16xf32> to vector<16xf32>
        %parallel_loop3A_547 = vector.broadcast %parallel_loop3A_527 : f32 to vector<16xf32>
        %parallel_loop3A_548 = arith.mulf %parallel_loop3A_546, %parallel_loop3A_547 : vector<16xf32>
        %parallel_loop3A_549 = arith.index_cast %parallel_loop3A_531 : i32 to index
        %parallel_loop3A_550 = arith.constant 16 : index
        %parallel_loop3A_551 = tpu.vector_load %arg11[%parallel_loop3A_549, %parallel_loop3A_550] {strides = array<i32>} : memref<128x64xf32, #tpu.memory_space<vmem>>, vector<1x16xf32>,
        %parallel_loop3A_552 = vector.shape_cast %parallel_loop3A_551 : vector<1x16xf32> to vector<16xf32>
        %parallel_loop3A_553 = vector.shape_cast %parallel_loop3A_548 : vector<16xf32> to vector<1x16xf32>
        tpu.vector_store %arg11[%parallel_loop3A_549, %parallel_loop3A_550], %parallel_loop3A_553 {strides = array<i32>} : memref<128x64xf32, #tpu.memory_space<vmem>>, vector<1x16xf32>,
        %parallel_loop3A_554 = arith.index_cast %parallel_loop3A_531 : i32 to index
        %parallel_loop3A_555 = arith.constant 32 : index
        %parallel_loop3A_556 = tpu.vector_load %arg11[%parallel_loop3A_554, %parallel_loop3A_555] {strides = array<i32>} : memref<128x64xf32, #tpu.memory_space<vmem>>, vector<1x16xf32>,
        %parallel_loop3A_557 = vector.shape_cast %parallel_loop3A_556 : vector<1x16xf32> to vector<16xf32>
        %parallel_loop3A_558 = vector.broadcast %parallel_loop3A_527 : f32 to vector<16xf32>
        %parallel_loop3A_559 = arith.mulf %parallel_loop3A_557, %parallel_loop3A_558 : vector<16xf32>
        %parallel_loop3A_560 = arith.index_cast %parallel_loop3A_531 : i32 to index
        %parallel_loop3A_561 = arith.constant 32 : index
        %parallel_loop3A_562 = tpu.vector_load %arg11[%parallel_loop3A_560, %parallel_loop3A_561] {strides = array<i32>} : memref<128x64xf32, #tpu.memory_space<vmem>>, vector<1x16xf32>,
        %parallel_loop3A_563 = vector.shape_cast %parallel_loop3A_562 : vector<1x16xf32> to vector<16xf32>
        %parallel_loop3A_564 = vector.shape_cast %parallel_loop3A_559 : vector<16xf32> to vector<1x16xf32>
        tpu.vector_store %arg11[%parallel_loop3A_560, %parallel_loop3A_561], %parallel_loop3A_564 {strides = array<i32>} : memref<128x64xf32, #tpu.memory_space<vmem>>, vector<1x16xf32>,
        %parallel_loop3A_565 = arith.index_cast %parallel_loop3A_531 : i32 to index
        %parallel_loop3A_566 = arith.constant 48 : index
        %parallel_loop3A_567 = tpu.vector_load %arg11[%parallel_loop3A_565, %parallel_loop3A_566] {strides = array<i32>} : memref<128x64xf32, #tpu.memory_space<vmem>>, vector<1x16xf32>,
        %parallel_loop3A_568 = vector.shape_cast %parallel_loop3A_567 : vector<1x16xf32> to vector<16xf32>
        %parallel_loop3A_569 = vector.broadcast %parallel_loop3A_527 : f32 to vector<16xf32>
        %parallel_loop3A_570 = arith.mulf %parallel_loop3A_568, %parallel_loop3A_569 : vector<16xf32>
        %parallel_loop3A_571 = arith.index_cast %parallel_loop3A_531 : i32 to index
        %parallel_loop3A_572 = arith.constant 48 : index
        %parallel_loop3A_573 = tpu.vector_load %arg11[%parallel_loop3A_571, %parallel_loop3A_572] {strides = array<i32>} : memref<128x64xf32, #tpu.memory_space<vmem>>, vector<1x16xf32>,
        %parallel_loop3A_574 = vector.shape_cast %parallel_loop3A_573 : vector<1x16xf32> to vector<16xf32>
        %parallel_loop3A_575 = vector.shape_cast %parallel_loop3A_570 : vector<16xf32> to vector<1x16xf32>
        tpu.vector_store %arg11[%parallel_loop3A_571, %parallel_loop3A_572], %parallel_loop3A_575 {strides = array<i32>} : memref<128x64xf32, #tpu.memory_space<vmem>>, vector<1x16xf32>,
        %parallel_loop3A_576 = vector.extract_strided_slice %parallel_loop3A_125 {offsets = [9], sizes = [1], strides = [1]} : vector<16xf32> to vector<1xf32>
        %parallel_loop3A_577 = vector.extract %parallel_loop3A_576[0] : f32 from vector<1xf32>
        %parallel_loop3A_578 = arith.constant 16 : i32
        %parallel_loop3A_579 = arith.muli %parallel_loop3A_119, %parallel_loop3A_578 : i32
        %parallel_loop3A_580 = arith.constant 9 : i32
        %parallel_loop3A_581 = arith.addi %parallel_loop3A_579, %parallel_loop3A_580 : i32
        %parallel_loop3A_582 = arith.index_cast %parallel_loop3A_581 : i32 to index
        %parallel_loop3A_583 = arith.constant 0 : index
        %parallel_loop3A_584 = tpu.vector_load %arg11[%parallel_loop3A_582, %parallel_loop3A_583] {strides = array<i32>} : memref<128x64xf32, #tpu.memory_space<vmem>>, vector<1x16xf32>,
        %parallel_loop3A_585 = vector.shape_cast %parallel_loop3A_584 : vector<1x16xf32> to vector<16xf32>
        %parallel_loop3A_586 = vector.broadcast %parallel_loop3A_577 : f32 to vector<16xf32>
        %parallel_loop3A_587 = arith.mulf %parallel_loop3A_585, %parallel_loop3A_586 : vector<16xf32>
        %parallel_loop3A_588 = arith.index_cast %parallel_loop3A_581 : i32 to index
        %parallel_loop3A_589 = arith.constant 0 : index
        %parallel_loop3A_590 = tpu.vector_load %arg11[%parallel_loop3A_588, %parallel_loop3A_589] {strides = array<i32>} : memref<128x64xf32, #tpu.memory_space<vmem>>, vector<1x16xf32>,
        %parallel_loop3A_591 = vector.shape_cast %parallel_loop3A_590 : vector<1x16xf32> to vector<16xf32>
        %parallel_loop3A_592 = vector.shape_cast %parallel_loop3A_587 : vector<16xf32> to vector<1x16xf32>
        tpu.vector_store %arg11[%parallel_loop3A_588, %parallel_loop3A_589], %parallel_loop3A_592 {strides = array<i32>} : memref<128x64xf32, #tpu.memory_space<vmem>>, vector<1x16xf32>,
        %parallel_loop3A_593 = arith.index_cast %parallel_loop3A_581 : i32 to index
        %parallel_loop3A_594 = arith.constant 16 : index
        %parallel_loop3A_595 = tpu.vector_load %arg11[%parallel_loop3A_593, %parallel_loop3A_594] {strides = array<i32>} : memref<128x64xf32, #tpu.memory_space<vmem>>, vector<1x16xf32>,
        %parallel_loop3A_596 = vector.shape_cast %parallel_loop3A_595 : vector<1x16xf32> to vector<16xf32>
        %parallel_loop3A_597 = vector.broadcast %parallel_loop3A_577 : f32 to vector<16xf32>
        %parallel_loop3A_598 = arith.mulf %parallel_loop3A_596, %parallel_loop3A_597 : vector<16xf32>
        %parallel_loop3A_599 = arith.index_cast %parallel_loop3A_581 : i32 to index
        %parallel_loop3A_600 = arith.constant 16 : index
        %parallel_loop3A_601 = tpu.vector_load %arg11[%parallel_loop3A_599, %parallel_loop3A_600] {strides = array<i32>} : memref<128x64xf32, #tpu.memory_space<vmem>>, vector<1x16xf32>,
        %parallel_loop3A_602 = vector.shape_cast %parallel_loop3A_601 : vector<1x16xf32> to vector<16xf32>
        %parallel_loop3A_603 = vector.shape_cast %parallel_loop3A_598 : vector<16xf32> to vector<1x16xf32>
        tpu.vector_store %arg11[%parallel_loop3A_599, %parallel_loop3A_600], %parallel_loop3A_603 {strides = array<i32>} : memref<128x64xf32, #tpu.memory_space<vmem>>, vector<1x16xf32>,
        %parallel_loop3A_604 = arith.index_cast %parallel_loop3A_581 : i32 to index
        %parallel_loop3A_605 = arith.constant 32 : index
        %parallel_loop3A_606 = tpu.vector_load %arg11[%parallel_loop3A_604, %parallel_loop3A_605] {strides = array<i32>} : memref<128x64xf32, #tpu.memory_space<vmem>>, vector<1x16xf32>,
        %parallel_loop3A_607 = vector.shape_cast %parallel_loop3A_606 : vector<1x16xf32> to vector<16xf32>
        %parallel_loop3A_608 = vector.broadcast %parallel_loop3A_577 : f32 to vector<16xf32>
        %parallel_loop3A_609 = arith.mulf %parallel_loop3A_607, %parallel_loop3A_608 : vector<16xf32>
        %parallel_loop3A_610 = arith.index_cast %parallel_loop3A_581 : i32 to index
        %parallel_loop3A_611 = arith.constant 32 : index
        %parallel_loop3A_612 = tpu.vector_load %arg11[%parallel_loop3A_610, %parallel_loop3A_611] {strides = array<i32>} : memref<128x64xf32, #tpu.memory_space<vmem>>, vector<1x16xf32>,
        %parallel_loop3A_613 = vector.shape_cast %parallel_loop3A_612 : vector<1x16xf32> to vector<16xf32>
        %parallel_loop3A_614 = vector.shape_cast %parallel_loop3A_609 : vector<16xf32> to vector<1x16xf32>
        tpu.vector_store %arg11[%parallel_loop3A_610, %parallel_loop3A_611], %parallel_loop3A_614 {strides = array<i32>} : memref<128x64xf32, #tpu.memory_space<vmem>>, vector<1x16xf32>,
        %parallel_loop3A_615 = arith.index_cast %parallel_loop3A_581 : i32 to index
        %parallel_loop3A_616 = arith.constant 48 : index
        %parallel_loop3A_617 = tpu.vector_load %arg11[%parallel_loop3A_615, %parallel_loop3A_616] {strides = array<i32>} : memref<128x64xf32, #tpu.memory_space<vmem>>, vector<1x16xf32>,
        %parallel_loop3A_618 = vector.shape_cast %parallel_loop3A_617 : vector<1x16xf32> to vector<16xf32>
        %parallel_loop3A_619 = vector.broadcast %parallel_loop3A_577 : f32 to vector<16xf32>
        %parallel_loop3A_620 = arith.mulf %parallel_loop3A_618, %parallel_loop3A_619 : vector<16xf32>
        %parallel_loop3A_621 = arith.index_cast %parallel_loop3A_581 : i32 to index
        %parallel_loop3A_622 = arith.constant 48 : index
        %parallel_loop3A_623 = tpu.vector_load %arg11[%parallel_loop3A_621, %parallel_loop3A_622] {strides = array<i32>} : memref<128x64xf32, #tpu.memory_space<vmem>>, vector<1x16xf32>,
        %parallel_loop3A_624 = vector.shape_cast %parallel_loop3A_623 : vector<1x16xf32> to vector<16xf32>
        %parallel_loop3A_625 = vector.shape_cast %parallel_loop3A_620 : vector<16xf32> to vector<1x16xf32>
        tpu.vector_store %arg11[%parallel_loop3A_621, %parallel_loop3A_622], %parallel_loop3A_625 {strides = array<i32>} : memref<128x64xf32, #tpu.memory_space<vmem>>, vector<1x16xf32>,
        %parallel_loop3A_626 = vector.extract_strided_slice %parallel_loop3A_125 {offsets = [10], sizes = [1], strides = [1]} : vector<16xf32> to vector<1xf32>
        %parallel_loop3A_627 = vector.extract %parallel_loop3A_626[0] : f32 from vector<1xf32>
        %parallel_loop3A_628 = arith.constant 16 : i32
        %parallel_loop3A_629 = arith.muli %parallel_loop3A_119, %parallel_loop3A_628 : i32
        %parallel_loop3A_630 = arith.constant 10 : i32
        %parallel_loop3A_631 = arith.addi %parallel_loop3A_629, %parallel_loop3A_630 : i32
        %parallel_loop3A_632 = arith.index_cast %parallel_loop3A_631 : i32 to index
        %parallel_loop3A_633 = arith.constant 0 : index
        %parallel_loop3A_634 = tpu.vector_load %arg11[%parallel_loop3A_632, %parallel_loop3A_633] {strides = array<i32>} : memref<128x64xf32, #tpu.memory_space<vmem>>, vector<1x16xf32>,
        %parallel_loop3A_635 = vector.shape_cast %parallel_loop3A_634 : vector<1x16xf32> to vector<16xf32>
        %parallel_loop3A_636 = vector.broadcast %parallel_loop3A_627 : f32 to vector<16xf32>
        %parallel_loop3A_637 = arith.mulf %parallel_loop3A_635, %parallel_loop3A_636 : vector<16xf32>
        %parallel_loop3A_638 = arith.index_cast %parallel_loop3A_631 : i32 to index
        %parallel_loop3A_639 = arith.constant 0 : index
        %parallel_loop3A_640 = tpu.vector_load %arg11[%parallel_loop3A_638, %parallel_loop3A_639] {strides = array<i32>} : memref<128x64xf32, #tpu.memory_space<vmem>>, vector<1x16xf32>,
        %parallel_loop3A_641 = vector.shape_cast %parallel_loop3A_640 : vector<1x16xf32> to vector<16xf32>
        %parallel_loop3A_642 = vector.shape_cast %parallel_loop3A_637 : vector<16xf32> to vector<1x16xf32>
        tpu.vector_store %arg11[%parallel_loop3A_638, %parallel_loop3A_639], %parallel_loop3A_642 {strides = array<i32>} : memref<128x64xf32, #tpu.memory_space<vmem>>, vector<1x16xf32>,
        %parallel_loop3A_643 = arith.index_cast %parallel_loop3A_631 : i32 to index
        %parallel_loop3A_644 = arith.constant 16 : index
        %parallel_loop3A_645 = tpu.vector_load %arg11[%parallel_loop3A_643, %parallel_loop3A_644] {strides = array<i32>} : memref<128x64xf32, #tpu.memory_space<vmem>>, vector<1x16xf32>,
        %parallel_loop3A_646 = vector.shape_cast %parallel_loop3A_645 : vector<1x16xf32> to vector<16xf32>
        %parallel_loop3A_647 = vector.broadcast %parallel_loop3A_627 : f32 to vector<16xf32>
        %parallel_loop3A_648 = arith.mulf %parallel_loop3A_646, %parallel_loop3A_647 : vector<16xf32>
        %parallel_loop3A_649 = arith.index_cast %parallel_loop3A_631 : i32 to index
        %parallel_loop3A_650 = arith.constant 16 : index
        %parallel_loop3A_651 = tpu.vector_load %arg11[%parallel_loop3A_649, %parallel_loop3A_650] {strides = array<i32>} : memref<128x64xf32, #tpu.memory_space<vmem>>, vector<1x16xf32>,
        %parallel_loop3A_652 = vector.shape_cast %parallel_loop3A_651 : vector<1x16xf32> to vector<16xf32>
        %parallel_loop3A_653 = vector.shape_cast %parallel_loop3A_648 : vector<16xf32> to vector<1x16xf32>
        tpu.vector_store %arg11[%parallel_loop3A_649, %parallel_loop3A_650], %parallel_loop3A_653 {strides = array<i32>} : memref<128x64xf32, #tpu.memory_space<vmem>>, vector<1x16xf32>,
        %parallel_loop3A_654 = arith.index_cast %parallel_loop3A_631 : i32 to index
        %parallel_loop3A_655 = arith.constant 32 : index
        %parallel_loop3A_656 = tpu.vector_load %arg11[%parallel_loop3A_654, %parallel_loop3A_655] {strides = array<i32>} : memref<128x64xf32, #tpu.memory_space<vmem>>, vector<1x16xf32>,
        %parallel_loop3A_657 = vector.shape_cast %parallel_loop3A_656 : vector<1x16xf32> to vector<16xf32>
        %parallel_loop3A_658 = vector.broadcast %parallel_loop3A_627 : f32 to vector<16xf32>
        %parallel_loop3A_659 = arith.mulf %parallel_loop3A_657, %parallel_loop3A_658 : vector<16xf32>
        %parallel_loop3A_660 = arith.index_cast %parallel_loop3A_631 : i32 to index
        %parallel_loop3A_661 = arith.constant 32 : index
        %parallel_loop3A_662 = tpu.vector_load %arg11[%parallel_loop3A_660, %parallel_loop3A_661] {strides = array<i32>} : memref<128x64xf32, #tpu.memory_space<vmem>>, vector<1x16xf32>,
        %parallel_loop3A_663 = vector.shape_cast %parallel_loop3A_662 : vector<1x16xf32> to vector<16xf32>
        %parallel_loop3A_664 = vector.shape_cast %parallel_loop3A_659 : vector<16xf32> to vector<1x16xf32>
        tpu.vector_store %arg11[%parallel_loop3A_660, %parallel_loop3A_661], %parallel_loop3A_664 {strides = array<i32>} : memref<128x64xf32, #tpu.memory_space<vmem>>, vector<1x16xf32>,
        %parallel_loop3A_665 = arith.index_cast %parallel_loop3A_631 : i32 to index
        %parallel_loop3A_666 = arith.constant 48 : index
        %parallel_loop3A_667 = tpu.vector_load %arg11[%parallel_loop3A_665, %parallel_loop3A_666] {strides = array<i32>} : memref<128x64xf32, #tpu.memory_space<vmem>>, vector<1x16xf32>,
        %parallel_loop3A_668 = vector.shape_cast %parallel_loop3A_667 : vector<1x16xf32> to vector<16xf32>
        %parallel_loop3A_669 = vector.broadcast %parallel_loop3A_627 : f32 to vector<16xf32>
        %parallel_loop3A_670 = arith.mulf %parallel_loop3A_668, %parallel_loop3A_669 : vector<16xf32>
        %parallel_loop3A_671 = arith.index_cast %parallel_loop3A_631 : i32 to index
        %parallel_loop3A_672 = arith.constant 48 : index
        %parallel_loop3A_673 = tpu.vector_load %arg11[%parallel_loop3A_671, %parallel_loop3A_672] {strides = array<i32>} : memref<128x64xf32, #tpu.memory_space<vmem>>, vector<1x16xf32>,
        %parallel_loop3A_674 = vector.shape_cast %parallel_loop3A_673 : vector<1x16xf32> to vector<16xf32>
        %parallel_loop3A_675 = vector.shape_cast %parallel_loop3A_670 : vector<16xf32> to vector<1x16xf32>
        tpu.vector_store %arg11[%parallel_loop3A_671, %parallel_loop3A_672], %parallel_loop3A_675 {strides = array<i32>} : memref<128x64xf32, #tpu.memory_space<vmem>>, vector<1x16xf32>,
        %parallel_loop3A_676 = vector.extract_strided_slice %parallel_loop3A_125 {offsets = [11], sizes = [1], strides = [1]} : vector<16xf32> to vector<1xf32>
        %parallel_loop3A_677 = vector.extract %parallel_loop3A_676[0] : f32 from vector<1xf32>
        %parallel_loop3A_678 = arith.constant 16 : i32
        %parallel_loop3A_679 = arith.muli %parallel_loop3A_119, %parallel_loop3A_678 : i32
        %parallel_loop3A_680 = arith.constant 11 : i32
        %parallel_loop3A_681 = arith.addi %parallel_loop3A_679, %parallel_loop3A_680 : i32
        %parallel_loop3A_682 = arith.index_cast %parallel_loop3A_681 : i32 to index
        %parallel_loop3A_683 = arith.constant 0 : index
        %parallel_loop3A_684 = tpu.vector_load %arg11[%parallel_loop3A_682, %parallel_loop3A_683] {strides = array<i32>} : memref<128x64xf32, #tpu.memory_space<vmem>>, vector<1x16xf32>,
        %parallel_loop3A_685 = vector.shape_cast %parallel_loop3A_684 : vector<1x16xf32> to vector<16xf32>
        %parallel_loop3A_686 = vector.broadcast %parallel_loop3A_677 : f32 to vector<16xf32>
        %parallel_loop3A_687 = arith.mulf %parallel_loop3A_685, %parallel_loop3A_686 : vector<16xf32>
        %parallel_loop3A_688 = arith.index_cast %parallel_loop3A_681 : i32 to index
        %parallel_loop3A_689 = arith.constant 0 : index
        %parallel_loop3A_690 = tpu.vector_load %arg11[%parallel_loop3A_688, %parallel_loop3A_689] {strides = array<i32>} : memref<128x64xf32, #tpu.memory_space<vmem>>, vector<1x16xf32>,
        %parallel_loop3A_691 = vector.shape_cast %parallel_loop3A_690 : vector<1x16xf32> to vector<16xf32>
        %parallel_loop3A_692 = vector.shape_cast %parallel_loop3A_687 : vector<16xf32> to vector<1x16xf32>
        tpu.vector_store %arg11[%parallel_loop3A_688, %parallel_loop3A_689], %parallel_loop3A_692 {strides = array<i32>} : memref<128x64xf32, #tpu.memory_space<vmem>>, vector<1x16xf32>,
        %parallel_loop3A_693 = arith.index_cast %parallel_loop3A_681 : i32 to index
        %parallel_loop3A_694 = arith.constant 16 : index
        %parallel_loop3A_695 = tpu.vector_load %arg11[%parallel_loop3A_693, %parallel_loop3A_694] {strides = array<i32>} : memref<128x64xf32, #tpu.memory_space<vmem>>, vector<1x16xf32>,
        %parallel_loop3A_696 = vector.shape_cast %parallel_loop3A_695 : vector<1x16xf32> to vector<16xf32>
        %parallel_loop3A_697 = vector.broadcast %parallel_loop3A_677 : f32 to vector<16xf32>
        %parallel_loop3A_698 = arith.mulf %parallel_loop3A_696, %parallel_loop3A_697 : vector<16xf32>
        %parallel_loop3A_699 = arith.index_cast %parallel_loop3A_681 : i32 to index
        %parallel_loop3A_700 = arith.constant 16 : index
        %parallel_loop3A_701 = tpu.vector_load %arg11[%parallel_loop3A_699, %parallel_loop3A_700] {strides = array<i32>} : memref<128x64xf32, #tpu.memory_space<vmem>>, vector<1x16xf32>,
        %parallel_loop3A_702 = vector.shape_cast %parallel_loop3A_701 : vector<1x16xf32> to vector<16xf32>
        %parallel_loop3A_703 = vector.shape_cast %parallel_loop3A_698 : vector<16xf32> to vector<1x16xf32>
        tpu.vector_store %arg11[%parallel_loop3A_699, %parallel_loop3A_700], %parallel_loop3A_703 {strides = array<i32>} : memref<128x64xf32, #tpu.memory_space<vmem>>, vector<1x16xf32>,
        %parallel_loop3A_704 = arith.index_cast %parallel_loop3A_681 : i32 to index
        %parallel_loop3A_705 = arith.constant 32 : index
        %parallel_loop3A_706 = tpu.vector_load %arg11[%parallel_loop3A_704, %parallel_loop3A_705] {strides = array<i32>} : memref<128x64xf32, #tpu.memory_space<vmem>>, vector<1x16xf32>,
        %parallel_loop3A_707 = vector.shape_cast %parallel_loop3A_706 : vector<1x16xf32> to vector<16xf32>
        %parallel_loop3A_708 = vector.broadcast %parallel_loop3A_677 : f32 to vector<16xf32>
        %parallel_loop3A_709 = arith.mulf %parallel_loop3A_707, %parallel_loop3A_708 : vector<16xf32>
        %parallel_loop3A_710 = arith.index_cast %parallel_loop3A_681 : i32 to index
        %parallel_loop3A_711 = arith.constant 32 : index
        %parallel_loop3A_712 = tpu.vector_load %arg11[%parallel_loop3A_710, %parallel_loop3A_711] {strides = array<i32>} : memref<128x64xf32, #tpu.memory_space<vmem>>, vector<1x16xf32>,
        %parallel_loop3A_713 = vector.shape_cast %parallel_loop3A_712 : vector<1x16xf32> to vector<16xf32>
        %parallel_loop3A_714 = vector.shape_cast %parallel_loop3A_709 : vector<16xf32> to vector<1x16xf32>
        tpu.vector_store %arg11[%parallel_loop3A_710, %parallel_loop3A_711], %parallel_loop3A_714 {strides = array<i32>} : memref<128x64xf32, #tpu.memory_space<vmem>>, vector<1x16xf32>,
        %parallel_loop3A_715 = arith.index_cast %parallel_loop3A_681 : i32 to index
        %parallel_loop3A_716 = arith.constant 48 : index
        %parallel_loop3A_717 = tpu.vector_load %arg11[%parallel_loop3A_715, %parallel_loop3A_716] {strides = array<i32>} : memref<128x64xf32, #tpu.memory_space<vmem>>, vector<1x16xf32>,
        %parallel_loop3A_718 = vector.shape_cast %parallel_loop3A_717 : vector<1x16xf32> to vector<16xf32>
        %parallel_loop3A_719 = vector.broadcast %parallel_loop3A_677 : f32 to vector<16xf32>
        %parallel_loop3A_720 = arith.mulf %parallel_loop3A_718, %parallel_loop3A_719 : vector<16xf32>
        %parallel_loop3A_721 = arith.index_cast %parallel_loop3A_681 : i32 to index
        %parallel_loop3A_722 = arith.constant 48 : index
        %parallel_loop3A_723 = tpu.vector_load %arg11[%parallel_loop3A_721, %parallel_loop3A_722] {strides = array<i32>} : memref<128x64xf32, #tpu.memory_space<vmem>>, vector<1x16xf32>,
        %parallel_loop3A_724 = vector.shape_cast %parallel_loop3A_723 : vector<1x16xf32> to vector<16xf32>
        %parallel_loop3A_725 = vector.shape_cast %parallel_loop3A_720 : vector<16xf32> to vector<1x16xf32>
        tpu.vector_store %arg11[%parallel_loop3A_721, %parallel_loop3A_722], %parallel_loop3A_725 {strides = array<i32>} : memref<128x64xf32, #tpu.memory_space<vmem>>, vector<1x16xf32>,
        %parallel_loop3A_726 = vector.extract_strided_slice %parallel_loop3A_125 {offsets = [12], sizes = [1], strides = [1]} : vector<16xf32> to vector<1xf32>
        %parallel_loop3A_727 = vector.extract %parallel_loop3A_726[0] : f32 from vector<1xf32>
        %parallel_loop3A_728 = arith.constant 16 : i32
        %parallel_loop3A_729 = arith.muli %parallel_loop3A_119, %parallel_loop3A_728 : i32
        %parallel_loop3A_730 = arith.constant 12 : i32
        %parallel_loop3A_731 = arith.addi %parallel_loop3A_729, %parallel_loop3A_730 : i32
        %parallel_loop3A_732 = arith.index_cast %parallel_loop3A_731 : i32 to index
        %parallel_loop3A_733 = arith.constant 0 : index
        %parallel_loop3A_734 = tpu.vector_load %arg11[%parallel_loop3A_732, %parallel_loop3A_733] {strides = array<i32>} : memref<128x64xf32, #tpu.memory_space<vmem>>, vector<1x16xf32>,
        %parallel_loop3A_735 = vector.shape_cast %parallel_loop3A_734 : vector<1x16xf32> to vector<16xf32>
        %parallel_loop3A_736 = vector.broadcast %parallel_loop3A_727 : f32 to vector<16xf32>
        %parallel_loop3A_737 = arith.mulf %parallel_loop3A_735, %parallel_loop3A_736 : vector<16xf32>
        %parallel_loop3A_738 = arith.index_cast %parallel_loop3A_731 : i32 to index
        %parallel_loop3A_739 = arith.constant 0 : index
        %parallel_loop3A_740 = tpu.vector_load %arg11[%parallel_loop3A_738, %parallel_loop3A_739] {strides = array<i32>} : memref<128x64xf32, #tpu.memory_space<vmem>>, vector<1x16xf32>,
        %parallel_loop3A_741 = vector.shape_cast %parallel_loop3A_740 : vector<1x16xf32> to vector<16xf32>
        %parallel_loop3A_742 = vector.shape_cast %parallel_loop3A_737 : vector<16xf32> to vector<1x16xf32>
        tpu.vector_store %arg11[%parallel_loop3A_738, %parallel_loop3A_739], %parallel_loop3A_742 {strides = array<i32>} : memref<128x64xf32, #tpu.memory_space<vmem>>, vector<1x16xf32>,
        %parallel_loop3A_743 = arith.index_cast %parallel_loop3A_731 : i32 to index
        %parallel_loop3A_744 = arith.constant 16 : index
        %parallel_loop3A_745 = tpu.vector_load %arg11[%parallel_loop3A_743, %parallel_loop3A_744] {strides = array<i32>} : memref<128x64xf32, #tpu.memory_space<vmem>>, vector<1x16xf32>,
        %parallel_loop3A_746 = vector.shape_cast %parallel_loop3A_745 : vector<1x16xf32> to vector<16xf32>
        %parallel_loop3A_747 = vector.broadcast %parallel_loop3A_727 : f32 to vector<16xf32>
        %parallel_loop3A_748 = arith.mulf %parallel_loop3A_746, %parallel_loop3A_747 : vector<16xf32>
        %parallel_loop3A_749 = arith.index_cast %parallel_loop3A_731 : i32 to index
        %parallel_loop3A_750 = arith.constant 16 : index
        %parallel_loop3A_751 = tpu.vector_load %arg11[%parallel_loop3A_749, %parallel_loop3A_750] {strides = array<i32>} : memref<128x64xf32, #tpu.memory_space<vmem>>, vector<1x16xf32>,
        %parallel_loop3A_752 = vector.shape_cast %parallel_loop3A_751 : vector<1x16xf32> to vector<16xf32>
        %parallel_loop3A_753 = vector.shape_cast %parallel_loop3A_748 : vector<16xf32> to vector<1x16xf32>
        tpu.vector_store %arg11[%parallel_loop3A_749, %parallel_loop3A_750], %parallel_loop3A_753 {strides = array<i32>} : memref<128x64xf32, #tpu.memory_space<vmem>>, vector<1x16xf32>,
        %parallel_loop3A_754 = arith.index_cast %parallel_loop3A_731 : i32 to index
        %parallel_loop3A_755 = arith.constant 32 : index
        %parallel_loop3A_756 = tpu.vector_load %arg11[%parallel_loop3A_754, %parallel_loop3A_755] {strides = array<i32>} : memref<128x64xf32, #tpu.memory_space<vmem>>, vector<1x16xf32>,
        %parallel_loop3A_757 = vector.shape_cast %parallel_loop3A_756 : vector<1x16xf32> to vector<16xf32>
        %parallel_loop3A_758 = vector.broadcast %parallel_loop3A_727 : f32 to vector<16xf32>
        %parallel_loop3A_759 = arith.mulf %parallel_loop3A_757, %parallel_loop3A_758 : vector<16xf32>
        %parallel_loop3A_760 = arith.index_cast %parallel_loop3A_731 : i32 to index
        %parallel_loop3A_761 = arith.constant 32 : index
        %parallel_loop3A_762 = tpu.vector_load %arg11[%parallel_loop3A_760, %parallel_loop3A_761] {strides = array<i32>} : memref<128x64xf32, #tpu.memory_space<vmem>>, vector<1x16xf32>,
        %parallel_loop3A_763 = vector.shape_cast %parallel_loop3A_762 : vector<1x16xf32> to vector<16xf32>
        %parallel_loop3A_764 = vector.shape_cast %parallel_loop3A_759 : vector<16xf32> to vector<1x16xf32>
        tpu.vector_store %arg11[%parallel_loop3A_760, %parallel_loop3A_761], %parallel_loop3A_764 {strides = array<i32>} : memref<128x64xf32, #tpu.memory_space<vmem>>, vector<1x16xf32>,
        %parallel_loop3A_765 = arith.index_cast %parallel_loop3A_731 : i32 to index
        %parallel_loop3A_766 = arith.constant 48 : index
        %parallel_loop3A_767 = tpu.vector_load %arg11[%parallel_loop3A_765, %parallel_loop3A_766] {strides = array<i32>} : memref<128x64xf32, #tpu.memory_space<vmem>>, vector<1x16xf32>,
        %parallel_loop3A_768 = vector.shape_cast %parallel_loop3A_767 : vector<1x16xf32> to vector<16xf32>
        %parallel_loop3A_769 = vector.broadcast %parallel_loop3A_727 : f32 to vector<16xf32>
        %parallel_loop3A_770 = arith.mulf %parallel_loop3A_768, %parallel_loop3A_769 : vector<16xf32>
        %parallel_loop3A_771 = arith.index_cast %parallel_loop3A_731 : i32 to index
        %parallel_loop3A_772 = arith.constant 48 : index
        %parallel_loop3A_773 = tpu.vector_load %arg11[%parallel_loop3A_771, %parallel_loop3A_772] {strides = array<i32>} : memref<128x64xf32, #tpu.memory_space<vmem>>, vector<1x16xf32>,
        %parallel_loop3A_774 = vector.shape_cast %parallel_loop3A_773 : vector<1x16xf32> to vector<16xf32>
        %parallel_loop3A_775 = vector.shape_cast %parallel_loop3A_770 : vector<16xf32> to vector<1x16xf32>
        tpu.vector_store %arg11[%parallel_loop3A_771, %parallel_loop3A_772], %parallel_loop3A_775 {strides = array<i32>} : memref<128x64xf32, #tpu.memory_space<vmem>>, vector<1x16xf32>,
        %parallel_loop3A_776 = vector.extract_strided_slice %parallel_loop3A_125 {offsets = [13], sizes = [1], strides = [1]} : vector<16xf32> to vector<1xf32>
        %parallel_loop3A_777 = vector.extract %parallel_loop3A_776[0] : f32 from vector<1xf32>
        %parallel_loop3A_778 = arith.constant 16 : i32
        %parallel_loop3A_779 = arith.muli %parallel_loop3A_119, %parallel_loop3A_778 : i32
        %parallel_loop3A_780 = arith.constant 13 : i32
        %parallel_loop3A_781 = arith.addi %parallel_loop3A_779, %parallel_loop3A_780 : i32
        %parallel_loop3A_782 = arith.index_cast %parallel_loop3A_781 : i32 to index
        %parallel_loop3A_783 = arith.constant 0 : index
        %parallel_loop3A_784 = tpu.vector_load %arg11[%parallel_loop3A_782, %parallel_loop3A_783] {strides = array<i32>} : memref<128x64xf32, #tpu.memory_space<vmem>>, vector<1x16xf32>,
        %parallel_loop3A_785 = vector.shape_cast %parallel_loop3A_784 : vector<1x16xf32> to vector<16xf32>
        %parallel_loop3A_786 = vector.broadcast %parallel_loop3A_777 : f32 to vector<16xf32>
        %parallel_loop3A_787 = arith.mulf %parallel_loop3A_785, %parallel_loop3A_786 : vector<16xf32>
        %parallel_loop3A_788 = arith.index_cast %parallel_loop3A_781 : i32 to index
        %parallel_loop3A_789 = arith.constant 0 : index
        %parallel_loop3A_790 = tpu.vector_load %arg11[%parallel_loop3A_788, %parallel_loop3A_789] {strides = array<i32>} : memref<128x64xf32, #tpu.memory_space<vmem>>, vector<1x16xf32>,
        %parallel_loop3A_791 = vector.shape_cast %parallel_loop3A_790 : vector<1x16xf32> to vector<16xf32>
        %parallel_loop3A_792 = vector.shape_cast %parallel_loop3A_787 : vector<16xf32> to vector<1x16xf32>
        tpu.vector_store %arg11[%parallel_loop3A_788, %parallel_loop3A_789], %parallel_loop3A_792 {strides = array<i32>} : memref<128x64xf32, #tpu.memory_space<vmem>>, vector<1x16xf32>,
        %parallel_loop3A_793 = arith.index_cast %parallel_loop3A_781 : i32 to index
        %parallel_loop3A_794 = arith.constant 16 : index
        %parallel_loop3A_795 = tpu.vector_load %arg11[%parallel_loop3A_793, %parallel_loop3A_794] {strides = array<i32>} : memref<128x64xf32, #tpu.memory_space<vmem>>, vector<1x16xf32>,
        %parallel_loop3A_796 = vector.shape_cast %parallel_loop3A_795 : vector<1x16xf32> to vector<16xf32>
        %parallel_loop3A_797 = vector.broadcast %parallel_loop3A_777 : f32 to vector<16xf32>
        %parallel_loop3A_798 = arith.mulf %parallel_loop3A_796, %parallel_loop3A_797 : vector<16xf32>
        %parallel_loop3A_799 = arith.index_cast %parallel_loop3A_781 : i32 to index
        %parallel_loop3A_800 = arith.constant 16 : index
        %parallel_loop3A_801 = tpu.vector_load %arg11[%parallel_loop3A_799, %parallel_loop3A_800] {strides = array<i32>} : memref<128x64xf32, #tpu.memory_space<vmem>>, vector<1x16xf32>,
        %parallel_loop3A_802 = vector.shape_cast %parallel_loop3A_801 : vector<1x16xf32> to vector<16xf32>
        %parallel_loop3A_803 = vector.shape_cast %parallel_loop3A_798 : vector<16xf32> to vector<1x16xf32>
        tpu.vector_store %arg11[%parallel_loop3A_799, %parallel_loop3A_800], %parallel_loop3A_803 {strides = array<i32>} : memref<128x64xf32, #tpu.memory_space<vmem>>, vector<1x16xf32>,
        %parallel_loop3A_804 = arith.index_cast %parallel_loop3A_781 : i32 to index
        %parallel_loop3A_805 = arith.constant 32 : index
        %parallel_loop3A_806 = tpu.vector_load %arg11[%parallel_loop3A_804, %parallel_loop3A_805] {strides = array<i32>} : memref<128x64xf32, #tpu.memory_space<vmem>>, vector<1x16xf32>,
        %parallel_loop3A_807 = vector.shape_cast %parallel_loop3A_806 : vector<1x16xf32> to vector<16xf32>
        %parallel_loop3A_808 = vector.broadcast %parallel_loop3A_777 : f32 to vector<16xf32>
        %parallel_loop3A_809 = arith.mulf %parallel_loop3A_807, %parallel_loop3A_808 : vector<16xf32>
        %parallel_loop3A_810 = arith.index_cast %parallel_loop3A_781 : i32 to index
        %parallel_loop3A_811 = arith.constant 32 : index
        %parallel_loop3A_812 = tpu.vector_load %arg11[%parallel_loop3A_810, %parallel_loop3A_811] {strides = array<i32>} : memref<128x64xf32, #tpu.memory_space<vmem>>, vector<1x16xf32>,
        %parallel_loop3A_813 = vector.shape_cast %parallel_loop3A_812 : vector<1x16xf32> to vector<16xf32>
        %parallel_loop3A_814 = vector.shape_cast %parallel_loop3A_809 : vector<16xf32> to vector<1x16xf32>
        tpu.vector_store %arg11[%parallel_loop3A_810, %parallel_loop3A_811], %parallel_loop3A_814 {strides = array<i32>} : memref<128x64xf32, #tpu.memory_space<vmem>>, vector<1x16xf32>,
        %parallel_loop3A_815 = arith.index_cast %parallel_loop3A_781 : i32 to index
        %parallel_loop3A_816 = arith.constant 48 : index
        %parallel_loop3A_817 = tpu.vector_load %arg11[%parallel_loop3A_815, %parallel_loop3A_816] {strides = array<i32>} : memref<128x64xf32, #tpu.memory_space<vmem>>, vector<1x16xf32>,
        %parallel_loop3A_818 = vector.shape_cast %parallel_loop3A_817 : vector<1x16xf32> to vector<16xf32>
        %parallel_loop3A_819 = vector.broadcast %parallel_loop3A_777 : f32 to vector<16xf32>
        %parallel_loop3A_820 = arith.mulf %parallel_loop3A_818, %parallel_loop3A_819 : vector<16xf32>
        %parallel_loop3A_821 = arith.index_cast %parallel_loop3A_781 : i32 to index
        %parallel_loop3A_822 = arith.constant 48 : index
        %parallel_loop3A_823 = tpu.vector_load %arg11[%parallel_loop3A_821, %parallel_loop3A_822] {strides = array<i32>} : memref<128x64xf32, #tpu.memory_space<vmem>>, vector<1x16xf32>,
        %parallel_loop3A_824 = vector.shape_cast %parallel_loop3A_823 : vector<1x16xf32> to vector<16xf32>
        %parallel_loop3A_825 = vector.shape_cast %parallel_loop3A_820 : vector<16xf32> to vector<1x16xf32>
        tpu.vector_store %arg11[%parallel_loop3A_821, %parallel_loop3A_822], %parallel_loop3A_825 {strides = array<i32>} : memref<128x64xf32, #tpu.memory_space<vmem>>, vector<1x16xf32>,
        %parallel_loop3A_826 = vector.extract_strided_slice %parallel_loop3A_125 {offsets = [14], sizes = [1], strides = [1]} : vector<16xf32> to vector<1xf32>
        %parallel_loop3A_827 = vector.extract %parallel_loop3A_826[0] : f32 from vector<1xf32>
        %parallel_loop3A_828 = arith.constant 16 : i32
        %parallel_loop3A_829 = arith.muli %parallel_loop3A_119, %parallel_loop3A_828 : i32
        %parallel_loop3A_830 = arith.constant 14 : i32
        %parallel_loop3A_831 = arith.addi %parallel_loop3A_829, %parallel_loop3A_830 : i32
        %parallel_loop3A_832 = arith.index_cast %parallel_loop3A_831 : i32 to index
        %parallel_loop3A_833 = arith.constant 0 : index
        %parallel_loop3A_834 = tpu.vector_load %arg11[%parallel_loop3A_832, %parallel_loop3A_833] {strides = array<i32>} : memref<128x64xf32, #tpu.memory_space<vmem>>, vector<1x16xf32>,
        %parallel_loop3A_835 = vector.shape_cast %parallel_loop3A_834 : vector<1x16xf32> to vector<16xf32>
        %parallel_loop3A_836 = vector.broadcast %parallel_loop3A_827 : f32 to vector<16xf32>
        %parallel_loop3A_837 = arith.mulf %parallel_loop3A_835, %parallel_loop3A_836 : vector<16xf32>
        %parallel_loop3A_838 = arith.index_cast %parallel_loop3A_831 : i32 to index
        %parallel_loop3A_839 = arith.constant 0 : index
        %parallel_loop3A_840 = tpu.vector_load %arg11[%parallel_loop3A_838, %parallel_loop3A_839] {strides = array<i32>} : memref<128x64xf32, #tpu.memory_space<vmem>>, vector<1x16xf32>,
        %parallel_loop3A_841 = vector.shape_cast %parallel_loop3A_840 : vector<1x16xf32> to vector<16xf32>
        %parallel_loop3A_842 = vector.shape_cast %parallel_loop3A_837 : vector<16xf32> to vector<1x16xf32>
        tpu.vector_store %arg11[%parallel_loop3A_838, %parallel_loop3A_839], %parallel_loop3A_842 {strides = array<i32>} : memref<128x64xf32, #tpu.memory_space<vmem>>, vector<1x16xf32>,
        %parallel_loop3A_843 = arith.index_cast %parallel_loop3A_831 : i32 to index
        %parallel_loop3A_844 = arith.constant 16 : index
        %parallel_loop3A_845 = tpu.vector_load %arg11[%parallel_loop3A_843, %parallel_loop3A_844] {strides = array<i32>} : memref<128x64xf32, #tpu.memory_space<vmem>>, vector<1x16xf32>,
        %parallel_loop3A_846 = vector.shape_cast %parallel_loop3A_845 : vector<1x16xf32> to vector<16xf32>
        %parallel_loop3A_847 = vector.broadcast %parallel_loop3A_827 : f32 to vector<16xf32>
        %parallel_loop3A_848 = arith.mulf %parallel_loop3A_846, %parallel_loop3A_847 : vector<16xf32>
        %parallel_loop3A_849 = arith.index_cast %parallel_loop3A_831 : i32 to index
        %parallel_loop3A_850 = arith.constant 16 : index
        %parallel_loop3A_851 = tpu.vector_load %arg11[%parallel_loop3A_849, %parallel_loop3A_850] {strides = array<i32>} : memref<128x64xf32, #tpu.memory_space<vmem>>, vector<1x16xf32>,
        %parallel_loop3A_852 = vector.shape_cast %parallel_loop3A_851 : vector<1x16xf32> to vector<16xf32>
        %parallel_loop3A_853 = vector.shape_cast %parallel_loop3A_848 : vector<16xf32> to vector<1x16xf32>
        tpu.vector_store %arg11[%parallel_loop3A_849, %parallel_loop3A_850], %parallel_loop3A_853 {strides = array<i32>} : memref<128x64xf32, #tpu.memory_space<vmem>>, vector<1x16xf32>,
        %parallel_loop3A_854 = arith.index_cast %parallel_loop3A_831 : i32 to index
        %parallel_loop3A_855 = arith.constant 32 : index
        %parallel_loop3A_856 = tpu.vector_load %arg11[%parallel_loop3A_854, %parallel_loop3A_855] {strides = array<i32>} : memref<128x64xf32, #tpu.memory_space<vmem>>, vector<1x16xf32>,
        %parallel_loop3A_857 = vector.shape_cast %parallel_loop3A_856 : vector<1x16xf32> to vector<16xf32>
        %parallel_loop3A_858 = vector.broadcast %parallel_loop3A_827 : f32 to vector<16xf32>
        %parallel_loop3A_859 = arith.mulf %parallel_loop3A_857, %parallel_loop3A_858 : vector<16xf32>
        %parallel_loop3A_860 = arith.index_cast %parallel_loop3A_831 : i32 to index
        %parallel_loop3A_861 = arith.constant 32 : index
        %parallel_loop3A_862 = tpu.vector_load %arg11[%parallel_loop3A_860, %parallel_loop3A_861] {strides = array<i32>} : memref<128x64xf32, #tpu.memory_space<vmem>>, vector<1x16xf32>,
        %parallel_loop3A_863 = vector.shape_cast %parallel_loop3A_862 : vector<1x16xf32> to vector<16xf32>
        %parallel_loop3A_864 = vector.shape_cast %parallel_loop3A_859 : vector<16xf32> to vector<1x16xf32>
        tpu.vector_store %arg11[%parallel_loop3A_860, %parallel_loop3A_861], %parallel_loop3A_864 {strides = array<i32>} : memref<128x64xf32, #tpu.memory_space<vmem>>, vector<1x16xf32>,
        %parallel_loop3A_865 = arith.index_cast %parallel_loop3A_831 : i32 to index
        %parallel_loop3A_866 = arith.constant 48 : index
        %parallel_loop3A_867 = tpu.vector_load %arg11[%parallel_loop3A_865, %parallel_loop3A_866] {strides = array<i32>} : memref<128x64xf32, #tpu.memory_space<vmem>>, vector<1x16xf32>,
        %parallel_loop3A_868 = vector.shape_cast %parallel_loop3A_867 : vector<1x16xf32> to vector<16xf32>
        %parallel_loop3A_869 = vector.broadcast %parallel_loop3A_827 : f32 to vector<16xf32>
        %parallel_loop3A_870 = arith.mulf %parallel_loop3A_868, %parallel_loop3A_869 : vector<16xf32>
        %parallel_loop3A_871 = arith.index_cast %parallel_loop3A_831 : i32 to index
        %parallel_loop3A_872 = arith.constant 48 : index
        %parallel_loop3A_873 = tpu.vector_load %arg11[%parallel_loop3A_871, %parallel_loop3A_872] {strides = array<i32>} : memref<128x64xf32, #tpu.memory_space<vmem>>, vector<1x16xf32>,
        %parallel_loop3A_874 = vector.shape_cast %parallel_loop3A_873 : vector<1x16xf32> to vector<16xf32>
        %parallel_loop3A_875 = vector.shape_cast %parallel_loop3A_870 : vector<16xf32> to vector<1x16xf32>
        tpu.vector_store %arg11[%parallel_loop3A_871, %parallel_loop3A_872], %parallel_loop3A_875 {strides = array<i32>} : memref<128x64xf32, #tpu.memory_space<vmem>>, vector<1x16xf32>,
        %parallel_loop3A_876 = vector.extract_strided_slice %parallel_loop3A_125 {offsets = [15], sizes = [1], strides = [1]} : vector<16xf32> to vector<1xf32>
        %parallel_loop3A_877 = vector.extract %parallel_loop3A_876[0] : f32 from vector<1xf32>
        %parallel_loop3A_878 = arith.constant 16 : i32
        %parallel_loop3A_879 = arith.muli %parallel_loop3A_119, %parallel_loop3A_878 : i32
        %parallel_loop3A_880 = arith.constant 15 : i32
        %parallel_loop3A_881 = arith.addi %parallel_loop3A_879, %parallel_loop3A_880 : i32
        %parallel_loop3A_882 = arith.index_cast %parallel_loop3A_881 : i32 to index
        %parallel_loop3A_883 = arith.constant 0 : index
        %parallel_loop3A_884 = tpu.vector_load %arg11[%parallel_loop3A_882, %parallel_loop3A_883] {strides = array<i32>} : memref<128x64xf32, #tpu.memory_space<vmem>>, vector<1x16xf32>,
        %parallel_loop3A_885 = vector.shape_cast %parallel_loop3A_884 : vector<1x16xf32> to vector<16xf32>
        %parallel_loop3A_886 = vector.broadcast %parallel_loop3A_877 : f32 to vector<16xf32>
        %parallel_loop3A_887 = arith.mulf %parallel_loop3A_885, %parallel_loop3A_886 : vector<16xf32>
        %parallel_loop3A_888 = arith.index_cast %parallel_loop3A_881 : i32 to index
        %parallel_loop3A_889 = arith.constant 0 : index
        %parallel_loop3A_890 = tpu.vector_load %arg11[%parallel_loop3A_888, %parallel_loop3A_889] {strides = array<i32>} : memref<128x64xf32, #tpu.memory_space<vmem>>, vector<1x16xf32>,
        %parallel_loop3A_891 = vector.shape_cast %parallel_loop3A_890 : vector<1x16xf32> to vector<16xf32>
        %parallel_loop3A_892 = vector.shape_cast %parallel_loop3A_887 : vector<16xf32> to vector<1x16xf32>
        tpu.vector_store %arg11[%parallel_loop3A_888, %parallel_loop3A_889], %parallel_loop3A_892 {strides = array<i32>} : memref<128x64xf32, #tpu.memory_space<vmem>>, vector<1x16xf32>,
        %parallel_loop3A_893 = arith.index_cast %parallel_loop3A_881 : i32 to index
        %parallel_loop3A_894 = arith.constant 16 : index
        %parallel_loop3A_895 = tpu.vector_load %arg11[%parallel_loop3A_893, %parallel_loop3A_894] {strides = array<i32>} : memref<128x64xf32, #tpu.memory_space<vmem>>, vector<1x16xf32>,
        %parallel_loop3A_896 = vector.shape_cast %parallel_loop3A_895 : vector<1x16xf32> to vector<16xf32>
        %parallel_loop3A_897 = vector.broadcast %parallel_loop3A_877 : f32 to vector<16xf32>
        %parallel_loop3A_898 = arith.mulf %parallel_loop3A_896, %parallel_loop3A_897 : vector<16xf32>
        %parallel_loop3A_899 = arith.index_cast %parallel_loop3A_881 : i32 to index
        %parallel_loop3A_900 = arith.constant 16 : index
        %parallel_loop3A_901 = tpu.vector_load %arg11[%parallel_loop3A_899, %parallel_loop3A_900] {strides = array<i32>} : memref<128x64xf32, #tpu.memory_space<vmem>>, vector<1x16xf32>,
        %parallel_loop3A_902 = vector.shape_cast %parallel_loop3A_901 : vector<1x16xf32> to vector<16xf32>
        %parallel_loop3A_903 = vector.shape_cast %parallel_loop3A_898 : vector<16xf32> to vector<1x16xf32>
        tpu.vector_store %arg11[%parallel_loop3A_899, %parallel_loop3A_900], %parallel_loop3A_903 {strides = array<i32>} : memref<128x64xf32, #tpu.memory_space<vmem>>, vector<1x16xf32>,
        %parallel_loop3A_904 = arith.index_cast %parallel_loop3A_881 : i32 to index
        %parallel_loop3A_905 = arith.constant 32 : index
        %parallel_loop3A_906 = tpu.vector_load %arg11[%parallel_loop3A_904, %parallel_loop3A_905] {strides = array<i32>} : memref<128x64xf32, #tpu.memory_space<vmem>>, vector<1x16xf32>,
        %parallel_loop3A_907 = vector.shape_cast %parallel_loop3A_906 : vector<1x16xf32> to vector<16xf32>
        %parallel_loop3A_908 = vector.broadcast %parallel_loop3A_877 : f32 to vector<16xf32>
        %parallel_loop3A_909 = arith.mulf %parallel_loop3A_907, %parallel_loop3A_908 : vector<16xf32>
        %parallel_loop3A_910 = arith.index_cast %parallel_loop3A_881 : i32 to index
        %parallel_loop3A_911 = arith.constant 32 : index
        %parallel_loop3A_912 = tpu.vector_load %arg11[%parallel_loop3A_910, %parallel_loop3A_911] {strides = array<i32>} : memref<128x64xf32, #tpu.memory_space<vmem>>, vector<1x16xf32>,
        %parallel_loop3A_913 = vector.shape_cast %parallel_loop3A_912 : vector<1x16xf32> to vector<16xf32>
        %parallel_loop3A_914 = vector.shape_cast %parallel_loop3A_909 : vector<16xf32> to vector<1x16xf32>
        tpu.vector_store %arg11[%parallel_loop3A_910, %parallel_loop3A_911], %parallel_loop3A_914 {strides = array<i32>} : memref<128x64xf32, #tpu.memory_space<vmem>>, vector<1x16xf32>,
        %parallel_loop3A_915 = arith.index_cast %parallel_loop3A_881 : i32 to index
        %parallel_loop3A_916 = arith.constant 48 : index
        %parallel_loop3A_917 = tpu.vector_load %arg11[%parallel_loop3A_915, %parallel_loop3A_916] {strides = array<i32>} : memref<128x64xf32, #tpu.memory_space<vmem>>, vector<1x16xf32>,
        %parallel_loop3A_918 = vector.shape_cast %parallel_loop3A_917 : vector<1x16xf32> to vector<16xf32>
        %parallel_loop3A_919 = vector.broadcast %parallel_loop3A_877 : f32 to vector<16xf32>
        %parallel_loop3A_920 = arith.mulf %parallel_loop3A_918, %parallel_loop3A_919 : vector<16xf32>
        %parallel_loop3A_921 = arith.index_cast %parallel_loop3A_881 : i32 to index
        %parallel_loop3A_922 = arith.constant 48 : index
        %parallel_loop3A_923 = tpu.vector_load %arg11[%parallel_loop3A_921, %parallel_loop3A_922] {strides = array<i32>} : memref<128x64xf32, #tpu.memory_space<vmem>>, vector<1x16xf32>,
        %parallel_loop3A_924 = vector.shape_cast %parallel_loop3A_923 : vector<1x16xf32> to vector<16xf32>
        %parallel_loop3A_925 = vector.shape_cast %parallel_loop3A_920 : vector<16xf32> to vector<1x16xf32>
        tpu.vector_store %arg11[%parallel_loop3A_921, %parallel_loop3A_922], %parallel_loop3A_925 {strides = array<i32>} : memref<128x64xf32, #tpu.memory_space<vmem>>, vector<1x16xf32>,
      } {sc.loop_unroll_factor = 2 : i64, sc.parallel_access}
      "tpu.region"() ({
        %run_scoped3A = tpu.sem_alloc : memref<!tpu.dma_semaphore, #tpu.memory_space<semaphore_mem>>
        %dma_start3A_119 = arith.constant 0 : i32
        %dma_start3A_120 = tpu.memref_slice %arg8[%add3A_103, %dma_start3A_119] : memref<40x128xi32, #tpu.memory_space<vmem>> -> memref<1x128xi32, #tpu.memory_space<vmem>>
        %dma_start3A_121 = tpu.memref_squeeze %dma_start3A_120 : memref<1x128xi32, #tpu.memory_space<vmem>> -> memref<128xi32, #tpu.memory_space<vmem>>
        %dma_start3A_122 = arith.constant 0 : i32
        %dma_start3A_123 = arith.constant 0 : i32
        %dma_start3A_124 = tpu.memref_slice %arg13[%dma_start3A_122, %dma_start3A_123] : memref<10240x64xf32, #tpu.memory_space<vmem_shared>> -> memref<10240x64xf32, #tpu.memory_space<vmem_shared>>
        tpu.enqueue_indirect_dma source(%arg11 : memref<128x64xf32, #tpu.memory_space<vmem>>) target(%dma_start3A_124 : memref<10240x64xf32, #tpu.memory_space<vmem_shared>>) offsets(%dma_start3A_121 : memref<128xi32, #tpu.memory_space<vmem>>) semaphore(%run_scoped3A : memref<!tpu.dma_semaphore, #tpu.memory_space<semaphore_mem>>) {add = true}
        %dma_wait3A_125 = arith.constant 0 : i32
        %dma_wait3A_126 = tpu.memref_slice %arg8[%add3A_103, %dma_wait3A_125] : memref<40x128xi32, #tpu.memory_space<vmem>> -> memref<1x128xi32, #tpu.memory_space<vmem>>
        %dma_wait3A_127 = tpu.memref_squeeze %dma_wait3A_126 : memref<1x128xi32, #tpu.memory_space<vmem>> -> memref<128xi32, #tpu.memory_space<vmem>>
        %dma_wait3A_128 = arith.constant 0 : i32
        %dma_wait3A_129 = arith.constant 0 : i32
        %dma_wait3A_130 = tpu.memref_slice %arg13[%dma_wait3A_128, %dma_wait3A_129] : memref<10240x64xf32, #tpu.memory_space<vmem_shared>> -> memref<10240x64xf32, #tpu.memory_space<vmem_shared>>
        tpu.wait_indirect_dma semaphore(%run_scoped3A : memref<!tpu.dma_semaphore, #tpu.memory_space<semaphore_mem>>) src(%arg11 : memref<128x64xf32, #tpu.memory_space<vmem>>) dst(%dma_wait3A_130 : memref<10240x64xf32, #tpu.memory_space<vmem_shared>>)
        tpu.yield
      }) : () -> ()
      %add3A_113 = arith.constant 2 : i32
      %add3A_114 = arith.addi %add3A_103, %add3A_113 : i32
      %lt3A_115 = arith.cmpi slt, %add3A_114, %select_n3A : i32
      %convert_element_type3A_116 = arith.extui %lt3A_115 : i1 to i32
      %cond3A_117 = arith.constant 0 : i32
      %cond3A_118 = arith.cmpi ne, %convert_element_type3A_116, %cond3A_117 : i32
      scf.if %cond3A_118 {
        %add3A_119 = arith.constant 2 : i32
        %add3A_120 = arith.addi %add3A_103, %add3A_119 : i32
        %dma_start3A_121 = arith.constant 0 : i32
        %dma_start3A_122 = tpu.memref_slice %arg7[%add3A_120, %dma_start3A_121] : memref<40x128xi32, #tpu.memory_space<vmem>> -> memref<1x128xi32, #tpu.memory_space<vmem>>
        %dma_start3A_123 = tpu.memref_squeeze %dma_start3A_122 : memref<1x128xi32, #tpu.memory_space<vmem>> -> memref<128xi32, #tpu.memory_space<vmem>>
        %dma_start3A_124 = arith.constant 0 : i32
        %dma_start3A_125 = arith.constant 0 : i32
        %dma_start3A_126 = tpu.memref_slice %arg12[%dma_start3A_124, %dma_start3A_125] : memref<10000x64xf32, #tpu.memory_space<vmem_shared>> -> memref<10000x64xf32, #tpu.memory_space<vmem_shared>>
        tpu.enqueue_indirect_dma source(%dma_start3A_126 : memref<10000x64xf32, #tpu.memory_space<vmem_shared>>) target(%arg11 : memref<128x64xf32, #tpu.memory_space<vmem>>) offsets(%dma_start3A_123 : memref<128xi32, #tpu.memory_space<vmem>>) semaphore(%arg15 : memref<!tpu.dma_semaphore, #tpu.memory_space<semaphore_mem>>)
      } else {
      }
    }
    %barrier3A_73 = arith.constant 0 : index
    tpu.barrier barrier_id(%barrier3A_73)
    %mul3A_74 = arith.constant 640 : i32
    %mul3A_75 = arith.muli %arg1, %mul3A_74 : i32
    %mul3A_76 = arith.constant 12000 : i32
    %mul3A_77 = arith.muli %arg0, %mul3A_76 : i32
    %mul3A_78 = arith.constant 640 : i32
    %mul3A_79 = arith.muli %arg1, %mul3A_78 : i32
    %add3A_80 = arith.addi %mul3A_77, %mul3A_79 : i32
    "tpu.region"() ({
      %run_scoped3A = tpu.sem_alloc : memref<!tpu.dma_semaphore, #tpu.memory_space<semaphore_mem>>
      %dma_start3A_81 = arith.constant 0 : i32
      %dma_start3A_82 = tpu.memref_slice %arg6[%add3A_80, %dma_start3A_81] : memref<24000x64xf32, #tpu.memory_space<hbm>> -> memref<640x64xf32, #tpu.memory_space<hbm>>
      %dma_start3A_83 = arith.constant 0 : i32
      %dma_start3A_84 = tpu.memref_slice %arg13[%mul3A_75, %dma_start3A_83] : memref<10240x64xf32, #tpu.memory_space<vmem_shared>> -> memref<640x64xf32, #tpu.memory_space<vmem_shared>>
      tpu.enqueue_dma source(%dma_start3A_84 : memref<640x64xf32, #tpu.memory_space<vmem_shared>>) target(%dma_start3A_82 : memref<640x64xf32, #tpu.memory_space<hbm>>) target_semaphore(%run_scoped3A : memref<!tpu.dma_semaphore, #tpu.memory_space<semaphore_mem>>)
      %dma_wait3A_85 = arith.constant 0 : i32
      %dma_wait3A_86 = tpu.memref_slice %arg6[%add3A_80, %dma_wait3A_85] : memref<24000x64xf32, #tpu.memory_space<hbm>> -> memref<640x64xf32, #tpu.memory_space<hbm>>
      %dma_wait3A_87 = arith.constant 0 : i32
      %dma_wait3A_88 = tpu.memref_slice %arg13[%mul3A_75, %dma_wait3A_87] : memref<10240x64xf32, #tpu.memory_space<vmem_shared>> -> memref<640x64xf32, #tpu.memory_space<vmem_shared>>
      tpu.wait_dma2 semaphore(%run_scoped3A : memref<!tpu.dma_semaphore, #tpu.memory_space<semaphore_mem>>) src(%dma_wait3A_88 : memref<640x64xf32, #tpu.memory_space<vmem_shared>>) dst(%dma_wait3A_86 : memref<640x64xf32, #tpu.memory_space<hbm>>)
      tpu.yield
    }) : () -> ()
    return
  }
}

module attributes {stable_mosaic.version = 14 : i64} {
  func.func @_tc1_body(%arg0: i32, %arg1: memref<2000x256xf32, #tpu.memory_space<vmem>>, %arg2: memref<256x64xf32, #tpu.memory_space<vmem>>, %arg3: memref<1x64xf32, #tpu.memory_space<vmem>>, %arg4: memref<2000x64xf32, #tpu.memory_space<vmem>>, %arg5: memref<256x64xf32, #tpu.memory_space<vmem>>, %arg6: memref<8x64xf32, #tpu.memory_space<vmem>>) attributes {dimension_semantics = [#tpu.dimension_semantics<arbitrary>], iteration_bounds = array<i64: 5>, scalar_prefetch = 0 : i64, scratch_operands = 0 : i64, tpu.core_type = #tpu.core_type<tc>, window_params = [{transform_indices = @transform_0, window_bounds = array<i64: 2000, 256>}, {pipeline_mode = #tpu.pipeline_mode<synchronous>, transform_indices = @transform_1, window_bounds = array<i64: 256, 64>}, {pipeline_mode = #tpu.pipeline_mode<synchronous>, transform_indices = @transform_2, window_bounds = array<i64: 1, 64>}, {transform_indices = @transform_3, window_bounds = array<i64: 2000, 64>}, {pipeline_mode = #tpu.pipeline_mode<synchronous>, transform_indices = @transform_4, window_bounds = array<i64: 256, 64>}, {pipeline_mode = #tpu.pipeline_mode<synchronous>, transform_indices = @transform_5, window_bounds = array<i64: 8, 64>}]} {
    %get3A = arith.constant 0 : index
    %get3A_0 = arith.constant 0 : index
    %get3A_1 = vector.load %arg1[%get3A, %get3A_0] : memref<2000x256xf32, #tpu.memory_space<vmem>>, vector<2000x256xf32>
    %get3A_2 = arith.constant 0 : index
    %get3A_3 = arith.constant 0 : index
    %get3A_4 = vector.load %arg2[%get3A_2, %get3A_3] : memref<256x64xf32, #tpu.memory_space<vmem>>, vector<256x64xf32>
    %dot_general3A = arith.constant dense<0.000000e+00> : vector<2000x64xf32>
    %dot_general3A_5 = tpu.matmul %get3A_1, %get3A_4, %dot_general3A {dimension_numbers = #tpu.dot_dimension_numbers<[1], [0], [0], [1], [0, 0, 1, 1], [], []>, transpose_lhs_hint = false} : vector<2000x256xf32>, vector<256x64xf32>, vector<2000x64xf32> -> vector<2000x64xf32>
    %get3A_6 = arith.constant 0 : index
    %get3A_7 = arith.constant 0 : index
    %get3A_8 = vector.load %arg3[%get3A_6, %get3A_7] : memref<1x64xf32, #tpu.memory_space<vmem>>, vector<1x64xf32>
    %add3A = vector.broadcast %get3A_8 : vector<1x64xf32> to vector<2000x64xf32>
    %add3A_9 = arith.addf %dot_general3A_5, %add3A : vector<2000x64xf32>
    %reduce_max3A = arith.constant dense<0xFF800000> : vector<2000xf32>
    %reduce_max3A_10 = vector.multi_reduction <maximumf>, %add3A_9, %reduce_max3A [1] : vector<2000x64xf32> to vector<2000xf32>
    %broadcast_in_dim3A = vector.shape_cast %reduce_max3A_10 : vector<2000xf32> to vector<2000x1xf32>
    %sub3A = vector.broadcast %broadcast_in_dim3A : vector<2000x1xf32> to vector<2000x64xf32>
    %sub3A_11 = arith.subf %add3A_9, %sub3A : vector<2000x64xf32>
    %exp3A = math.exp %sub3A_11 : vector<2000x64xf32>
    %reduce_sum3A = arith.constant dense<0.000000e+00> : vector<2000xf32>
    %reduce_sum3A_12 = vector.multi_reduction <add>, %exp3A, %reduce_sum3A [1] : vector<2000x64xf32> to vector<2000xf32>
    %broadcast_in_dim3A_13 = vector.shape_cast %reduce_sum3A_12 : vector<2000xf32> to vector<2000x1xf32>
    %div3A = vector.broadcast %broadcast_in_dim3A_13 : vector<2000x1xf32> to vector<2000x64xf32>
    %div3A_14 = arith.divf %exp3A, %div3A : vector<2000x64xf32>
    %swap3A = arith.constant 0 : index
    %swap3A_15 = arith.constant 0 : index
    %swap3A_16 = vector.load %arg4[%swap3A, %swap3A_15] : memref<2000x64xf32, #tpu.memory_space<vmem>>, vector<2000x64xf32>
    tpu.vector_store %arg4[%swap3A, %swap3A_15], %div3A_14 {strides = array<i32>} : memref<2000x64xf32, #tpu.memory_space<vmem>>, vector<2000x64xf32>,
    %dot_general3A_17 = arith.constant dense<0.000000e+00> : vector<256x64xf32>
    %dot_general3A_18 = tpu.matmul %get3A_1, %div3A_14, %dot_general3A_17 {dimension_numbers = #tpu.dot_dimension_numbers<[0], [0], [1], [1], [0, 1, 1, 1], [], []>, transpose_lhs_hint = false} : vector<2000x256xf32>, vector<2000x64xf32>, vector<256x64xf32> -> vector<256x64xf32>
    %reduce_sum3A_19 = arith.constant dense<0.000000e+00> : vector<64xf32>
    %reduce_sum3A_20 = vector.multi_reduction <add>, %div3A_14, %reduce_sum3A_19 [0] : vector<2000x64xf32> to vector<64xf32>
    %broadcast_in_dim3A_21 = vector.shape_cast %reduce_sum3A_20 : vector<64xf32> to vector<1x64xf32>
    %broadcast_in_dim3A_22 = vector.shape_cast %broadcast_in_dim3A_21 : vector<1x64xf32> to vector<1x64xf32>
    %broadcast_in_dim3A_23 = vector.broadcast %broadcast_in_dim3A_22 : vector<1x64xf32> to vector<8x64xf32>
    %eq3A = arith.constant 0 : i32
    %eq3A_24 = arith.cmpi eq, %arg0, %eq3A : i32
    %convert_element_type3A = arith.extui %eq3A_24 : i1 to i32
    %cond3A = arith.constant 0 : i32
    %cond3A_25 = arith.cmpi ne, %convert_element_type3A, %cond3A : i32
    scf.if %cond3A_25 {
      %broadcast_in_dim3A_40 = arith.constant 0.000000e+00 : f32
      %broadcast_in_dim3A_41 = vector.broadcast %broadcast_in_dim3A_40 : f32 to vector<256x64xf32>
      %swap3A_42 = arith.constant 0 : index
      %swap3A_43 = arith.constant 0 : index
      %swap3A_44 = vector.load %arg5[%swap3A_42, %swap3A_43] : memref<256x64xf32, #tpu.memory_space<vmem>>, vector<256x64xf32>
      tpu.vector_store %arg5[%swap3A_42, %swap3A_43], %broadcast_in_dim3A_41 {strides = array<i32>} : memref<256x64xf32, #tpu.memory_space<vmem>>, vector<256x64xf32>,
      %broadcast_in_dim3A_45 = arith.constant 0.000000e+00 : f32
      %broadcast_in_dim3A_46 = vector.broadcast %broadcast_in_dim3A_45 : f32 to vector<8x64xf32>
      %swap3A_47 = arith.constant 0 : index
      %swap3A_48 = arith.constant 0 : index
      %swap3A_49 = vector.load %arg6[%swap3A_47, %swap3A_48] : memref<8x64xf32, #tpu.memory_space<vmem>>, vector<8x64xf32>
      tpu.vector_store %arg6[%swap3A_47, %swap3A_48], %broadcast_in_dim3A_46 {strides = array<i32>} : memref<8x64xf32, #tpu.memory_space<vmem>>, vector<8x64xf32>,
    } else {
    }
    %get3A_26 = arith.constant 0 : index
    %get3A_27 = arith.constant 0 : index
    %get3A_28 = vector.load %arg5[%get3A_26, %get3A_27] : memref<256x64xf32, #tpu.memory_space<vmem>>, vector<256x64xf32>
    %add3A_29 = arith.addf %get3A_28, %dot_general3A_18 : vector<256x64xf32>
    %swap3A_30 = arith.constant 0 : index
    %swap3A_31 = arith.constant 0 : index
    %swap3A_32 = vector.load %arg5[%swap3A_30, %swap3A_31] : memref<256x64xf32, #tpu.memory_space<vmem>>, vector<256x64xf32>
    tpu.vector_store %arg5[%swap3A_30, %swap3A_31], %add3A_29 {strides = array<i32>} : memref<256x64xf32, #tpu.memory_space<vmem>>, vector<256x64xf32>,
    %get3A_33 = arith.constant 0 : index
    %get3A_34 = arith.constant 0 : index
    %get3A_35 = vector.load %arg6[%get3A_33, %get3A_34] : memref<8x64xf32, #tpu.memory_space<vmem>>, vector<8x64xf32>
    %add3A_36 = arith.addf %get3A_35, %broadcast_in_dim3A_23 : vector<8x64xf32>
    %swap3A_37 = arith.constant 0 : index
    %swap3A_38 = arith.constant 0 : index
    %swap3A_39 = vector.load %arg6[%swap3A_37, %swap3A_38] : memref<8x64xf32, #tpu.memory_space<vmem>>, vector<8x64xf32>
    tpu.vector_store %arg6[%swap3A_37, %swap3A_38], %add3A_36 {strides = array<i32>} : memref<8x64xf32, #tpu.memory_space<vmem>>, vector<8x64xf32>,
    return
  }
  func.func @transform_0(%arg0: i32) -> (i32, i32) {
    %c0_i32 = arith.constant 0 : i32
    %c0_i32_0 = arith.constant 0 : i32
    return %arg0, %c0_i32 : i32, i32
  }
  func.func @transform_1(%arg0: i32) -> (i32, i32) {
    %c0_i32 = arith.constant 0 : i32
    %c0_i32_0 = arith.constant 0 : i32
    %c0_i32_1 = arith.constant 0 : i32
    return %c0_i32, %c0_i32_0 : i32, i32
  }
  func.func @transform_2(%arg0: i32) -> (i32, i32) {
    %c0_i32 = arith.constant 0 : i32
    %c0_i32_0 = arith.constant 0 : i32
    %c0_i32_1 = arith.constant 0 : i32
    return %c0_i32, %c0_i32_0 : i32, i32
  }
  func.func @transform_3(%arg0: i32) -> (i32, i32) {
    %c0_i32 = arith.constant 0 : i32
    %c0_i32_0 = arith.constant 0 : i32
    return %arg0, %c0_i32 : i32, i32
  }
  func.func @transform_4(%arg0: i32) -> (i32, i32) {
    %c0_i32 = arith.constant 0 : i32
    %c0_i32_0 = arith.constant 0 : i32
    %c0_i32_1 = arith.constant 0 : i32
    return %c0_i32, %c0_i32_0 : i32, i32
  }
  func.func @transform_5(%arg0: i32) -> (i32, i32) {
    %c0_i32 = arith.constant 0 : i32
    %c0_i32_0 = arith.constant 0 : i32
    %c0_i32_1 = arith.constant 0 : i32
    return %c0_i32, %c0_i32_0 : i32, i32
  }
}

module attributes {stable_mosaic.version = 14 : i64} {
  func.func @_tc2_body(%arg0: i32, %arg1: memref<2000x64xf32, #tpu.memory_space<vmem>>, %arg2: memref<2000x64xf32, #tpu.memory_space<vmem>>, %arg3: memref<2000x64xf32, #tpu.memory_space<vmem>>, %arg4: memref<256x64xf32, #tpu.memory_space<vmem>>, %arg5: memref<8x64xf32, #tpu.memory_space<vmem>>, %arg6: memref<256x256xf32, #tpu.memory_space<vmem>>, %arg7: memref<256x256xf32, #tpu.memory_space<vmem>>, %arg8: memref<256x256xf32, #tpu.memory_space<vmem>>, %arg9: memref<256x256xf32, #tpu.memory_space<vmem>>, %arg10: memref<256x64xf32, #tpu.memory_space<vmem>>, %arg11: memref<256x64xf32, #tpu.memory_space<vmem>>, %arg12: memref<256x64xf32, #tpu.memory_space<vmem>>, %arg13: memref<256x64xf32, #tpu.memory_space<vmem>>, %arg14: memref<1x1xf32, #tpu.memory_space<vmem>>, %arg15: memref<2000x256xf32, #tpu.memory_space<vmem>>, %arg16: memref<64x64xf32, #tpu.memory_space<vmem>>, %arg17: memref<256x64xf32, #tpu.memory_space<vmem>>, %arg18: memref<256x64xf32, #tpu.memory_space<vmem>>) attributes {dimension_semantics = [#tpu.dimension_semantics<arbitrary>], iteration_bounds = array<i64: 10>, scalar_prefetch = 0 : i64, scratch_operands = 3 : i64, tpu.core_type = #tpu.core_type<tc>, window_params = [{transform_indices = @transform_0, window_bounds = array<i64: 2000, 64>}, {transform_indices = @transform_1, window_bounds = array<i64: 2000, 64>}, {transform_indices = @transform_2, window_bounds = array<i64: 2000, 64>}, {pipeline_mode = #tpu.pipeline_mode<synchronous>, transform_indices = @transform_3, window_bounds = array<i64: 256, 64>}, {pipeline_mode = #tpu.pipeline_mode<synchronous>, transform_indices = @transform_4, window_bounds = array<i64: 8, 64>}, {pipeline_mode = #tpu.pipeline_mode<synchronous>, transform_indices = @transform_5, window_bounds = array<i64: 256, 256>}, {pipeline_mode = #tpu.pipeline_mode<synchronous>, transform_indices = @transform_6, window_bounds = array<i64: 256, 256>}, {pipeline_mode = #tpu.pipeline_mode<synchronous>, transform_indices = @transform_7, window_bounds = array<i64: 256, 256>}, {pipeline_mode = #tpu.pipeline_mode<synchronous>, transform_indices = @transform_8, window_bounds = array<i64: 256, 256>}, {pipeline_mode = #tpu.pipeline_mode<synchronous>, transform_indices = @transform_9, window_bounds = array<i64: 256, 64>}, {pipeline_mode = #tpu.pipeline_mode<synchronous>, transform_indices = @transform_10, window_bounds = array<i64: 256, 64>}, {pipeline_mode = #tpu.pipeline_mode<synchronous>, transform_indices = @transform_11, window_bounds = array<i64: 256, 64>}, {pipeline_mode = #tpu.pipeline_mode<synchronous>, transform_indices = @transform_12, window_bounds = array<i64: 256, 64>}, {pipeline_mode = #tpu.pipeline_mode<synchronous>, transform_indices = @transform_13, window_bounds = array<i64: 1, 1>}, {transform_indices = @transform_14, window_bounds = array<i64: 2000, 256>}]} {
    %lt3A = arith.constant 5 : i32
    %lt3A_0 = arith.cmpi slt, %arg0, %lt3A : i32
    %convert_element_type3A = arith.extui %lt3A_0 : i1 to i32
    %cond3A = arith.constant 0 : i32
    %cond3A_1 = arith.cmpi ne, %convert_element_type3A, %cond3A : i32
    scf.if %cond3A_1 {
      %get3A = arith.constant 0 : index
      %get3A_10 = arith.constant 0 : index
      %get3A_11 = vector.load %arg1[%get3A, %get3A_10] : memref<2000x64xf32, #tpu.memory_space<vmem>>, vector<2000x64xf32>
      %get3A_12 = arith.constant 0 : index
      %get3A_13 = arith.constant 0 : index
      %get3A_14 = vector.load %arg2[%get3A_12, %get3A_13] : memref<2000x64xf32, #tpu.memory_space<vmem>>, vector<2000x64xf32>
      %get3A_15 = arith.constant 0 : index
      %get3A_16 = arith.constant 0 : index
      %get3A_17 = vector.load %arg3[%get3A_15, %get3A_16] : memref<2000x64xf32, #tpu.memory_space<vmem>>, vector<2000x64xf32>
      %add3A = arith.addf %get3A_14, %get3A_17 : vector<2000x64xf32>
      %dot_general3A = arith.constant dense<0.000000e+00> : vector<64x64xf32>
      %dot_general3A_18 = tpu.matmul %get3A_11, %add3A, %dot_general3A {dimension_numbers = #tpu.dot_dimension_numbers<[0], [0], [1], [1], [0, 1, 1, 1], [], []>, transpose_lhs_hint = false} : vector<2000x64xf32>, vector<2000x64xf32>, vector<64x64xf32> -> vector<64x64xf32>
      %eq3A_19 = arith.constant 0 : i32
      %eq3A_20 = arith.cmpi eq, %arg0, %eq3A_19 : i32
      %convert_element_type3A_21 = arith.extui %eq3A_20 : i1 to i32
      %cond3A_22 = arith.constant 0 : i32
      %cond3A_23 = arith.cmpi ne, %convert_element_type3A_21, %cond3A_22 : i32
      scf.if %cond3A_23 {
        %broadcast_in_dim3A = arith.constant 0.000000e+00 : f32
        %broadcast_in_dim3A_30 = vector.broadcast %broadcast_in_dim3A : f32 to vector<64x64xf32>
        %swap3A_31 = arith.constant 0 : index
        %swap3A_32 = arith.constant 0 : index
        %swap3A_33 = vector.load %arg16[%swap3A_31, %swap3A_32] : memref<64x64xf32, #tpu.memory_space<vmem>>, vector<64x64xf32>
        tpu.vector_store %arg16[%swap3A_31, %swap3A_32], %broadcast_in_dim3A_30 {strides = array<i32>} : memref<64x64xf32, #tpu.memory_space<vmem>>, vector<64x64xf32>,
      } else {
      }
      %get3A_24 = arith.constant 0 : index
      %get3A_25 = arith.constant 0 : index
      %get3A_26 = vector.load %arg16[%get3A_24, %get3A_25] : memref<64x64xf32, #tpu.memory_space<vmem>>, vector<64x64xf32>
      %add3A_27 = arith.addf %get3A_26, %dot_general3A_18 : vector<64x64xf32>
      %swap3A = arith.constant 0 : index
      %swap3A_28 = arith.constant 0 : index
      %swap3A_29 = vector.load %arg16[%swap3A, %swap3A_28] : memref<64x64xf32, #tpu.memory_space<vmem>>, vector<64x64xf32>
      tpu.vector_store %arg16[%swap3A, %swap3A_28], %add3A_27 {strides = array<i32>} : memref<64x64xf32, #tpu.memory_space<vmem>>, vector<64x64xf32>,
    } else {
    }
    %eq3A = arith.constant 4 : i32
    %eq3A_2 = arith.cmpi eq, %arg0, %eq3A : i32
    %convert_element_type3A_3 = arith.extui %eq3A_2 : i1 to i32
    %cond3A_4 = arith.constant 0 : i32
    %cond3A_5 = arith.cmpi ne, %convert_element_type3A_3, %cond3A_4 : i32
    scf.if %cond3A_5 {
      %get3A = arith.constant 0 : index
      %get3A_10 = arith.constant 0 : index
      %get3A_11 = vector.load %arg5[%get3A, %get3A_10] : memref<8x64xf32, #tpu.memory_space<vmem>>, vector<1x64xf32>
      %max3A = arith.constant 9.99999997E-7 : f32
      %max3A_12 = vector.broadcast %max3A : f32 to vector<1x64xf32>
      %max3A_13 = arith.maximumf %get3A_11, %max3A_12 : vector<1x64xf32>
      %get3A_14 = arith.constant 0 : index
      %get3A_15 = arith.constant 0 : index
      %get3A_16 = vector.load %arg4[%get3A_14, %get3A_15] : memref<256x64xf32, #tpu.memory_space<vmem>>, vector<256x64xf32>
      %div3A = vector.broadcast %max3A_13 : vector<1x64xf32> to vector<256x64xf32>
      %div3A_17 = arith.divf %get3A_16, %div3A : vector<256x64xf32>
      %get3A_18 = arith.constant 0 : index
      %get3A_19 = arith.constant 0 : index
      %get3A_20 = vector.load %arg6[%get3A_18, %get3A_19] : memref<256x256xf32, #tpu.memory_space<vmem>>, vector<256x256xf32>
      %dot_general3A = arith.constant dense<0.000000e+00> : vector<256x64xf32>
      %dot_general3A_21 = tpu.matmul %get3A_20, %div3A_17, %dot_general3A {dimension_numbers = #tpu.dot_dimension_numbers<[1], [0], [0], [1], [0, 0, 1, 1], [], []>, transpose_lhs_hint = false} : vector<256x256xf32>, vector<256x64xf32>, vector<256x64xf32> -> vector<256x64xf32>
      %get3A_22 = arith.constant 0 : index
      %get3A_23 = arith.constant 0 : index
      %get3A_24 = vector.load %arg10[%get3A_22, %get3A_23] : memref<256x64xf32, #tpu.memory_space<vmem>>, vector<256x64xf32>
      %add3A = arith.addf %dot_general3A_21, %get3A_24 : vector<256x64xf32>
      %get3A_25 = arith.constant 0 : index
      %get3A_26 = arith.constant 0 : index
      %get3A_27 = vector.load %arg7[%get3A_25, %get3A_26] : memref<256x256xf32, #tpu.memory_space<vmem>>, vector<256x256xf32>
      %dot_general3A_28 = arith.constant dense<0.000000e+00> : vector<256x64xf32>
      %dot_general3A_29 = tpu.matmul %get3A_27, %div3A_17, %dot_general3A_28 {dimension_numbers = #tpu.dot_dimension_numbers<[1], [0], [0], [1], [0, 0, 1, 1], [], []>, transpose_lhs_hint = false} : vector<256x256xf32>, vector<256x64xf32>, vector<256x64xf32> -> vector<256x64xf32>
      %get3A_30 = arith.constant 0 : index
      %get3A_31 = arith.constant 0 : index
      %get3A_32 = vector.load %arg11[%get3A_30, %get3A_31] : memref<256x64xf32, #tpu.memory_space<vmem>>, vector<256x64xf32>
      %add3A_33 = arith.addf %dot_general3A_29, %get3A_32 : vector<256x64xf32>
      %get3A_34 = arith.constant 0 : index
      %get3A_35 = arith.constant 0 : index
      %get3A_36 = vector.load %arg8[%get3A_34, %get3A_35] : memref<256x256xf32, #tpu.memory_space<vmem>>, vector<256x256xf32>
      %dot_general3A_37 = arith.constant dense<0.000000e+00> : vector<256x64xf32>
      %dot_general3A_38 = tpu.matmul %get3A_36, %div3A_17, %dot_general3A_37 {dimension_numbers = #tpu.dot_dimension_numbers<[1], [0], [0], [1], [0, 0, 1, 1], [], []>, transpose_lhs_hint = false} : vector<256x256xf32>, vector<256x64xf32>, vector<256x64xf32> -> vector<256x64xf32>
      %get3A_39 = arith.constant 0 : index
      %get3A_40 = arith.constant 0 : index
      %get3A_41 = vector.load %arg12[%get3A_39, %get3A_40] : memref<256x64xf32, #tpu.memory_space<vmem>>, vector<256x64xf32>
      %add3A_42 = arith.addf %dot_general3A_38, %get3A_41 : vector<256x64xf32>
      %get3A_43 = arith.constant 0 : index
      %get3A_44 = arith.constant 0 : index
      %get3A_45 = vector.load %arg16[%get3A_43, %get3A_44] : memref<64x64xf32, #tpu.memory_space<vmem>>, vector<64x64xf32>
      %iota3A = tpu.iota {dimensions = array<i32: 0>} : vector<64x64xi32>
      %iota3A_46 = tpu.iota {dimensions = array<i32: 1>} : vector<64x64xi32>
      %eq3A_47 = arith.cmpi eq, %iota3A, %iota3A_46 : vector<64x64xi32>
      %convert_element_type3A_48 = arith.extui %eq3A_47 : vector<64x64xi1> to vector<64x64xi32>
      %convert_element_type3A_49 = arith.sitofp %convert_element_type3A_48 : vector<64x64xi32> to vector<64x64xf32>
      %dot_general3A_50 = arith.constant dense<0.000000e+00> : vector<64x64xf32>
      %dot_general3A_51 = tpu.matmul %get3A_45, %convert_element_type3A_49, %dot_general3A_50 {dimension_numbers = #tpu.dot_dimension_numbers<[0], [0], [1], [1], [0, 1, 1, 1], [], []>, transpose_lhs_hint = false} : vector<64x64xf32>, vector<64x64xf32>, vector<64x64xf32> -> vector<64x64xf32>
      %add3A_52 = arith.addf %get3A_45, %dot_general3A_51 : vector<64x64xf32>
      %mul3A = arith.constant 5.000000e-01 : f32
      %mul3A_53 = vector.broadcast %mul3A : f32 to vector<64x64xf32>
      %mul3A_54 = arith.mulf %mul3A_53, %add3A_52 : vector<64x64xf32>
      %reduce_sum3A = arith.constant dense<0.000000e+00> : vector<64xf32>
      %reduce_sum3A_55 = vector.multi_reduction <add>, %mul3A_54, %reduce_sum3A [1] : vector<64x64xf32> to vector<64xf32>
      %broadcast_in_dim3A = vector.shape_cast %reduce_sum3A_55 : vector<64xf32> to vector<64x1xf32>
      %max3A_56 = arith.constant 9.99999997E-7 : f32
      %max3A_57 = vector.broadcast %max3A_56 : f32 to vector<64x1xf32>
      %max3A_58 = arith.maximumf %broadcast_in_dim3A, %max3A_57 : vector<64x1xf32>
      %div3A_59 = vector.broadcast %max3A_58 : vector<64x1xf32> to vector<64x64xf32>
      %div3A_60 = arith.divf %mul3A_54, %div3A_59 : vector<64x64xf32>
      %max3A_61 = arith.constant 9.99999997E-7 : f32
      %max3A_62 = vector.broadcast %max3A_61 : f32 to vector<64x64xf32>
      %max3A_63 = arith.maximumf %div3A_60, %max3A_62 : vector<64x64xf32>
      %log3A = math.log %max3A_63 : vector<64x64xf32>
      %get3A_64 = arith.constant 0 : index
      %get3A_65 = arith.constant 0 : index
      %get3A_66 = vector.load %arg14[%get3A_64, %get3A_65] : memref<1x1xf32, #tpu.memory_space<vmem>>, vector<1x1xf32>
      %get3A_67 = vector.extract %get3A_66[0, 0] : f32 from vector<1x1xf32>
      %max3A_68 = arith.constant 0.000000e+00 : f32
      %max3A_69 = arith.maximumf %get3A_67, %max3A_68 : f32
      %abs3A = math.absf %get3A_67 : f32
      %neg3A = arith.constant 0.000000e+00 : f32
      %neg3A_70 = arith.subf %neg3A, %abs3A : f32
      %exp3A = math.exp %neg3A_70 : f32
      %add3A_71 = arith.constant 1.000000e+00 : f32
      %add3A_72 = arith.addf %add3A_71, %exp3A : f32
      %log3A_73 = math.log %add3A_72 : f32
      %add3A_74 = arith.addf %max3A_69, %log3A_73 : f32
      %mul3A_75 = vector.broadcast %add3A_74 : f32 to vector<64x64xf32>
      %mul3A_76 = arith.mulf %mul3A_75, %log3A : vector<64x64xf32>
      %slice3A = vector.extract_strided_slice %add3A {offsets = [0, 0], sizes = [32, 64], strides = [1, 1]} : vector<256x64xf32> to vector<32x64xf32>
      %slice3A_77 = vector.extract_strided_slice %add3A_33 {offsets = [0, 0], sizes = [32, 64], strides = [1, 1]} : vector<256x64xf32> to vector<32x64xf32>
      %slice3A_78 = vector.extract_strided_slice %add3A_42 {offsets = [0, 0], sizes = [32, 64], strides = [1, 1]} : vector<256x64xf32> to vector<32x64xf32>
      %dot_general3A_79 = arith.constant dense<0.000000e+00> : vector<64x64xf32>
      %dot_general3A_80 = tpu.matmul %slice3A, %slice3A_77, %dot_general3A_79 {dimension_numbers = #tpu.dot_dimension_numbers<[0], [0], [1], [1], [0, 1, 1, 1], [], []>, transpose_lhs_hint = false} : vector<32x64xf32>, vector<32x64xf32>, vector<64x64xf32> -> vector<64x64xf32>
      %mul3A_81 = arith.constant 0.176776692 : f32
      %mul3A_82 = vector.broadcast %mul3A_81 : f32 to vector<64x64xf32>
      %mul3A_83 = arith.mulf %dot_general3A_80, %mul3A_82 : vector<64x64xf32>
      %add3A_84 = arith.addf %mul3A_83, %mul3A_76 : vector<64x64xf32>
      %reduce_max3A = arith.constant dense<0xFF800000> : vector<64xf32>
      %reduce_max3A_85 = vector.multi_reduction <maximumf>, %add3A_84, %reduce_max3A [1] : vector<64x64xf32> to vector<64xf32>
      %broadcast_in_dim3A_86 = vector.shape_cast %reduce_max3A_85 : vector<64xf32> to vector<64x1xf32>
      %sub3A = vector.broadcast %broadcast_in_dim3A_86 : vector<64x1xf32> to vector<64x64xf32>
      %sub3A_87 = arith.subf %add3A_84, %sub3A : vector<64x64xf32>
      %exp3A_88 = math.exp %sub3A_87 : vector<64x64xf32>
      %reduce_sum3A_89 = arith.constant dense<0.000000e+00> : vector<64xf32>
      %reduce_sum3A_90 = vector.multi_reduction <add>, %exp3A_88, %reduce_sum3A_89 [1] : vector<64x64xf32> to vector<64xf32>
      %broadcast_in_dim3A_91 = vector.shape_cast %reduce_sum3A_90 : vector<64xf32> to vector<64x1xf32>
      %div3A_92 = vector.broadcast %broadcast_in_dim3A_91 : vector<64x1xf32> to vector<64x64xf32>
      %div3A_93 = arith.divf %exp3A_88, %div3A_92 : vector<64x64xf32>
      %dot_general3A_94 = arith.constant dense<0.000000e+00> : vector<32x64xf32>
      %dot_general3A_95 = tpu.matmul %slice3A_78, %div3A_93, %dot_general3A_94 {dimension_numbers = #tpu.dot_dimension_numbers<[1], [1], [0], [0], [0, 0, 1, 0], [], []>, transpose_lhs_hint = false} : vector<32x64xf32>, vector<64x64xf32>, vector<32x64xf32> -> vector<32x64xf32>
      %swap3A = arith.constant 0 : index
      %swap3A_96 = arith.constant 0 : index
      %swap3A_97 = vector.load %arg17[%swap3A, %swap3A_96] : memref<256x64xf32, #tpu.memory_space<vmem>>, vector<32x64xf32>
      tpu.vector_store %arg17[%swap3A, %swap3A_96], %dot_general3A_95 {strides = array<i32>} : memref<256x64xf32, #tpu.memory_space<vmem>>, vector<32x64xf32>,
      %slice3A_98 = vector.extract_strided_slice %add3A {offsets = [32, 0], sizes = [32, 64], strides = [1, 1]} : vector<256x64xf32> to vector<32x64xf32>
      %slice3A_99 = vector.extract_strided_slice %add3A_33 {offsets = [32, 0], sizes = [32, 64], strides = [1, 1]} : vector<256x64xf32> to vector<32x64xf32>
      %slice3A_100 = vector.extract_strided_slice %add3A_42 {offsets = [32, 0], sizes = [32, 64], strides = [1, 1]} : vector<256x64xf32> to vector<32x64xf32>
      %dot_general3A_101 = arith.constant dense<0.000000e+00> : vector<64x64xf32>
      %dot_general3A_102 = tpu.matmul %slice3A_98, %slice3A_99, %dot_general3A_101 {dimension_numbers = #tpu.dot_dimension_numbers<[0], [0], [1], [1], [0, 1, 1, 1], [], []>, transpose_lhs_hint = false} : vector<32x64xf32>, vector<32x64xf32>, vector<64x64xf32> -> vector<64x64xf32>
      %mul3A_103 = arith.constant 0.176776692 : f32
      %mul3A_104 = vector.broadcast %mul3A_103 : f32 to vector<64x64xf32>
      %mul3A_105 = arith.mulf %dot_general3A_102, %mul3A_104 : vector<64x64xf32>
      %add3A_106 = arith.addf %mul3A_105, %mul3A_76 : vector<64x64xf32>
      %reduce_max3A_107 = arith.constant dense<0xFF800000> : vector<64xf32>
      %reduce_max3A_108 = vector.multi_reduction <maximumf>, %add3A_106, %reduce_max3A_107 [1] : vector<64x64xf32> to vector<64xf32>
      %broadcast_in_dim3A_109 = vector.shape_cast %reduce_max3A_108 : vector<64xf32> to vector<64x1xf32>
      %sub3A_110 = vector.broadcast %broadcast_in_dim3A_109 : vector<64x1xf32> to vector<64x64xf32>
      %sub3A_111 = arith.subf %add3A_106, %sub3A_110 : vector<64x64xf32>
      %exp3A_112 = math.exp %sub3A_111 : vector<64x64xf32>
      %reduce_sum3A_113 = arith.constant dense<0.000000e+00> : vector<64xf32>
      %reduce_sum3A_114 = vector.multi_reduction <add>, %exp3A_112, %reduce_sum3A_113 [1] : vector<64x64xf32> to vector<64xf32>
      %broadcast_in_dim3A_115 = vector.shape_cast %reduce_sum3A_114 : vector<64xf32> to vector<64x1xf32>
      %div3A_116 = vector.broadcast %broadcast_in_dim3A_115 : vector<64x1xf32> to vector<64x64xf32>
      %div3A_117 = arith.divf %exp3A_112, %div3A_116 : vector<64x64xf32>
      %dot_general3A_118 = arith.constant dense<0.000000e+00> : vector<32x64xf32>
      %dot_general3A_119 = tpu.matmul %slice3A_100, %div3A_117, %dot_general3A_118 {dimension_numbers = #tpu.dot_dimension_numbers<[1], [1], [0], [0], [0, 0, 1, 0], [], []>, transpose_lhs_hint = false} : vector<32x64xf32>, vector<64x64xf32>, vector<32x64xf32> -> vector<32x64xf32>
      %swap3A_120 = arith.constant 32 : index
      %swap3A_121 = arith.constant 0 : index
      %swap3A_122 = vector.load %arg17[%swap3A_120, %swap3A_121] : memref<256x64xf32, #tpu.memory_space<vmem>>, vector<32x64xf32>
      tpu.vector_store %arg17[%swap3A_120, %swap3A_121], %dot_general3A_119 {strides = array<i32>} : memref<256x64xf32, #tpu.memory_space<vmem>>, vector<32x64xf32>,
      %slice3A_123 = vector.extract_strided_slice %add3A {offsets = [64, 0], sizes = [32, 64], strides = [1, 1]} : vector<256x64xf32> to vector<32x64xf32>
      %slice3A_124 = vector.extract_strided_slice %add3A_33 {offsets = [64, 0], sizes = [32, 64], strides = [1, 1]} : vector<256x64xf32> to vector<32x64xf32>
      %slice3A_125 = vector.extract_strided_slice %add3A_42 {offsets = [64, 0], sizes = [32, 64], strides = [1, 1]} : vector<256x64xf32> to vector<32x64xf32>
      %dot_general3A_126 = arith.constant dense<0.000000e+00> : vector<64x64xf32>
      %dot_general3A_127 = tpu.matmul %slice3A_123, %slice3A_124, %dot_general3A_126 {dimension_numbers = #tpu.dot_dimension_numbers<[0], [0], [1], [1], [0, 1, 1, 1], [], []>, transpose_lhs_hint = false} : vector<32x64xf32>, vector<32x64xf32>, vector<64x64xf32> -> vector<64x64xf32>
      %mul3A_128 = arith.constant 0.176776692 : f32
      %mul3A_129 = vector.broadcast %mul3A_128 : f32 to vector<64x64xf32>
      %mul3A_130 = arith.mulf %dot_general3A_127, %mul3A_129 : vector<64x64xf32>
      %add3A_131 = arith.addf %mul3A_130, %mul3A_76 : vector<64x64xf32>
      %reduce_max3A_132 = arith.constant dense<0xFF800000> : vector<64xf32>
      %reduce_max3A_133 = vector.multi_reduction <maximumf>, %add3A_131, %reduce_max3A_132 [1] : vector<64x64xf32> to vector<64xf32>
      %broadcast_in_dim3A_134 = vector.shape_cast %reduce_max3A_133 : vector<64xf32> to vector<64x1xf32>
      %sub3A_135 = vector.broadcast %broadcast_in_dim3A_134 : vector<64x1xf32> to vector<64x64xf32>
      %sub3A_136 = arith.subf %add3A_131, %sub3A_135 : vector<64x64xf32>
      %exp3A_137 = math.exp %sub3A_136 : vector<64x64xf32>
      %reduce_sum3A_138 = arith.constant dense<0.000000e+00> : vector<64xf32>
      %reduce_sum3A_139 = vector.multi_reduction <add>, %exp3A_137, %reduce_sum3A_138 [1] : vector<64x64xf32> to vector<64xf32>
      %broadcast_in_dim3A_140 = vector.shape_cast %reduce_sum3A_139 : vector<64xf32> to vector<64x1xf32>
      %div3A_141 = vector.broadcast %broadcast_in_dim3A_140 : vector<64x1xf32> to vector<64x64xf32>
      %div3A_142 = arith.divf %exp3A_137, %div3A_141 : vector<64x64xf32>
      %dot_general3A_143 = arith.constant dense<0.000000e+00> : vector<32x64xf32>
      %dot_general3A_144 = tpu.matmul %slice3A_125, %div3A_142, %dot_general3A_143 {dimension_numbers = #tpu.dot_dimension_numbers<[1], [1], [0], [0], [0, 0, 1, 0], [], []>, transpose_lhs_hint = false} : vector<32x64xf32>, vector<64x64xf32>, vector<32x64xf32> -> vector<32x64xf32>
      %swap3A_145 = arith.constant 64 : index
      %swap3A_146 = arith.constant 0 : index
      %swap3A_147 = vector.load %arg17[%swap3A_145, %swap3A_146] : memref<256x64xf32, #tpu.memory_space<vmem>>, vector<32x64xf32>
      tpu.vector_store %arg17[%swap3A_145, %swap3A_146], %dot_general3A_144 {strides = array<i32>} : memref<256x64xf32, #tpu.memory_space<vmem>>, vector<32x64xf32>,
      %slice3A_148 = vector.extract_strided_slice %add3A {offsets = [96, 0], sizes = [32, 64], strides = [1, 1]} : vector<256x64xf32> to vector<32x64xf32>
      %slice3A_149 = vector.extract_strided_slice %add3A_33 {offsets = [96, 0], sizes = [32, 64], strides = [1, 1]} : vector<256x64xf32> to vector<32x64xf32>
      %slice3A_150 = vector.extract_strided_slice %add3A_42 {offsets = [96, 0], sizes = [32, 64], strides = [1, 1]} : vector<256x64xf32> to vector<32x64xf32>
      %dot_general3A_151 = arith.constant dense<0.000000e+00> : vector<64x64xf32>
      %dot_general3A_152 = tpu.matmul %slice3A_148, %slice3A_149, %dot_general3A_151 {dimension_numbers = #tpu.dot_dimension_numbers<[0], [0], [1], [1], [0, 1, 1, 1], [], []>, transpose_lhs_hint = false} : vector<32x64xf32>, vector<32x64xf32>, vector<64x64xf32> -> vector<64x64xf32>
      %mul3A_153 = arith.constant 0.176776692 : f32
      %mul3A_154 = vector.broadcast %mul3A_153 : f32 to vector<64x64xf32>
      %mul3A_155 = arith.mulf %dot_general3A_152, %mul3A_154 : vector<64x64xf32>
      %add3A_156 = arith.addf %mul3A_155, %mul3A_76 : vector<64x64xf32>
      %reduce_max3A_157 = arith.constant dense<0xFF800000> : vector<64xf32>
      %reduce_max3A_158 = vector.multi_reduction <maximumf>, %add3A_156, %reduce_max3A_157 [1] : vector<64x64xf32> to vector<64xf32>
      %broadcast_in_dim3A_159 = vector.shape_cast %reduce_max3A_158 : vector<64xf32> to vector<64x1xf32>
      %sub3A_160 = vector.broadcast %broadcast_in_dim3A_159 : vector<64x1xf32> to vector<64x64xf32>
      %sub3A_161 = arith.subf %add3A_156, %sub3A_160 : vector<64x64xf32>
      %exp3A_162 = math.exp %sub3A_161 : vector<64x64xf32>
      %reduce_sum3A_163 = arith.constant dense<0.000000e+00> : vector<64xf32>
      %reduce_sum3A_164 = vector.multi_reduction <add>, %exp3A_162, %reduce_sum3A_163 [1] : vector<64x64xf32> to vector<64xf32>
      %broadcast_in_dim3A_165 = vector.shape_cast %reduce_sum3A_164 : vector<64xf32> to vector<64x1xf32>
      %div3A_166 = vector.broadcast %broadcast_in_dim3A_165 : vector<64x1xf32> to vector<64x64xf32>
      %div3A_167 = arith.divf %exp3A_162, %div3A_166 : vector<64x64xf32>
      %dot_general3A_168 = arith.constant dense<0.000000e+00> : vector<32x64xf32>
      %dot_general3A_169 = tpu.matmul %slice3A_150, %div3A_167, %dot_general3A_168 {dimension_numbers = #tpu.dot_dimension_numbers<[1], [1], [0], [0], [0, 0, 1, 0], [], []>, transpose_lhs_hint = false} : vector<32x64xf32>, vector<64x64xf32>, vector<32x64xf32> -> vector<32x64xf32>
      %swap3A_170 = arith.constant 96 : index
      %swap3A_171 = arith.constant 0 : index
      %swap3A_172 = vector.load %arg17[%swap3A_170, %swap3A_171] : memref<256x64xf32, #tpu.memory_space<vmem>>, vector<32x64xf32>
      tpu.vector_store %arg17[%swap3A_170, %swap3A_171], %dot_general3A_169 {strides = array<i32>} : memref<256x64xf32, #tpu.memory_space<vmem>>, vector<32x64xf32>,
      %slice3A_173 = vector.extract_strided_slice %add3A {offsets = [128, 0], sizes = [32, 64], strides = [1, 1]} : vector<256x64xf32> to vector<32x64xf32>
      %slice3A_174 = vector.extract_strided_slice %add3A_33 {offsets = [128, 0], sizes = [32, 64], strides = [1, 1]} : vector<256x64xf32> to vector<32x64xf32>
      %slice3A_175 = vector.extract_strided_slice %add3A_42 {offsets = [128, 0], sizes = [32, 64], strides = [1, 1]} : vector<256x64xf32> to vector<32x64xf32>
      %dot_general3A_176 = arith.constant dense<0.000000e+00> : vector<64x64xf32>
      %dot_general3A_177 = tpu.matmul %slice3A_173, %slice3A_174, %dot_general3A_176 {dimension_numbers = #tpu.dot_dimension_numbers<[0], [0], [1], [1], [0, 1, 1, 1], [], []>, transpose_lhs_hint = false} : vector<32x64xf32>, vector<32x64xf32>, vector<64x64xf32> -> vector<64x64xf32>
      %mul3A_178 = arith.constant 0.176776692 : f32
      %mul3A_179 = vector.broadcast %mul3A_178 : f32 to vector<64x64xf32>
      %mul3A_180 = arith.mulf %dot_general3A_177, %mul3A_179 : vector<64x64xf32>
      %add3A_181 = arith.addf %mul3A_180, %mul3A_76 : vector<64x64xf32>
      %reduce_max3A_182 = arith.constant dense<0xFF800000> : vector<64xf32>
      %reduce_max3A_183 = vector.multi_reduction <maximumf>, %add3A_181, %reduce_max3A_182 [1] : vector<64x64xf32> to vector<64xf32>
      %broadcast_in_dim3A_184 = vector.shape_cast %reduce_max3A_183 : vector<64xf32> to vector<64x1xf32>
      %sub3A_185 = vector.broadcast %broadcast_in_dim3A_184 : vector<64x1xf32> to vector<64x64xf32>
      %sub3A_186 = arith.subf %add3A_181, %sub3A_185 : vector<64x64xf32>
      %exp3A_187 = math.exp %sub3A_186 : vector<64x64xf32>
      %reduce_sum3A_188 = arith.constant dense<0.000000e+00> : vector<64xf32>
      %reduce_sum3A_189 = vector.multi_reduction <add>, %exp3A_187, %reduce_sum3A_188 [1] : vector<64x64xf32> to vector<64xf32>
      %broadcast_in_dim3A_190 = vector.shape_cast %reduce_sum3A_189 : vector<64xf32> to vector<64x1xf32>
      %div3A_191 = vector.broadcast %broadcast_in_dim3A_190 : vector<64x1xf32> to vector<64x64xf32>
      %div3A_192 = arith.divf %exp3A_187, %div3A_191 : vector<64x64xf32>
      %dot_general3A_193 = arith.constant dense<0.000000e+00> : vector<32x64xf32>
      %dot_general3A_194 = tpu.matmul %slice3A_175, %div3A_192, %dot_general3A_193 {dimension_numbers = #tpu.dot_dimension_numbers<[1], [1], [0], [0], [0, 0, 1, 0], [], []>, transpose_lhs_hint = false} : vector<32x64xf32>, vector<64x64xf32>, vector<32x64xf32> -> vector<32x64xf32>
      %swap3A_195 = arith.constant 128 : index
      %swap3A_196 = arith.constant 0 : index
      %swap3A_197 = vector.load %arg17[%swap3A_195, %swap3A_196] : memref<256x64xf32, #tpu.memory_space<vmem>>, vector<32x64xf32>
      tpu.vector_store %arg17[%swap3A_195, %swap3A_196], %dot_general3A_194 {strides = array<i32>} : memref<256x64xf32, #tpu.memory_space<vmem>>, vector<32x64xf32>,
      %slice3A_198 = vector.extract_strided_slice %add3A {offsets = [160, 0], sizes = [32, 64], strides = [1, 1]} : vector<256x64xf32> to vector<32x64xf32>
      %slice3A_199 = vector.extract_strided_slice %add3A_33 {offsets = [160, 0], sizes = [32, 64], strides = [1, 1]} : vector<256x64xf32> to vector<32x64xf32>
      %slice3A_200 = vector.extract_strided_slice %add3A_42 {offsets = [160, 0], sizes = [32, 64], strides = [1, 1]} : vector<256x64xf32> to vector<32x64xf32>
      %dot_general3A_201 = arith.constant dense<0.000000e+00> : vector<64x64xf32>
      %dot_general3A_202 = tpu.matmul %slice3A_198, %slice3A_199, %dot_general3A_201 {dimension_numbers = #tpu.dot_dimension_numbers<[0], [0], [1], [1], [0, 1, 1, 1], [], []>, transpose_lhs_hint = false} : vector<32x64xf32>, vector<32x64xf32>, vector<64x64xf32> -> vector<64x64xf32>
      %mul3A_203 = arith.constant 0.176776692 : f32
      %mul3A_204 = vector.broadcast %mul3A_203 : f32 to vector<64x64xf32>
      %mul3A_205 = arith.mulf %dot_general3A_202, %mul3A_204 : vector<64x64xf32>
      %add3A_206 = arith.addf %mul3A_205, %mul3A_76 : vector<64x64xf32>
      %reduce_max3A_207 = arith.constant dense<0xFF800000> : vector<64xf32>
      %reduce_max3A_208 = vector.multi_reduction <maximumf>, %add3A_206, %reduce_max3A_207 [1] : vector<64x64xf32> to vector<64xf32>
      %broadcast_in_dim3A_209 = vector.shape_cast %reduce_max3A_208 : vector<64xf32> to vector<64x1xf32>
      %sub3A_210 = vector.broadcast %broadcast_in_dim3A_209 : vector<64x1xf32> to vector<64x64xf32>
      %sub3A_211 = arith.subf %add3A_206, %sub3A_210 : vector<64x64xf32>
      %exp3A_212 = math.exp %sub3A_211 : vector<64x64xf32>
      %reduce_sum3A_213 = arith.constant dense<0.000000e+00> : vector<64xf32>
      %reduce_sum3A_214 = vector.multi_reduction <add>, %exp3A_212, %reduce_sum3A_213 [1] : vector<64x64xf32> to vector<64xf32>
      %broadcast_in_dim3A_215 = vector.shape_cast %reduce_sum3A_214 : vector<64xf32> to vector<64x1xf32>
      %div3A_216 = vector.broadcast %broadcast_in_dim3A_215 : vector<64x1xf32> to vector<64x64xf32>
      %div3A_217 = arith.divf %exp3A_212, %div3A_216 : vector<64x64xf32>
      %dot_general3A_218 = arith.constant dense<0.000000e+00> : vector<32x64xf32>
      %dot_general3A_219 = tpu.matmul %slice3A_200, %div3A_217, %dot_general3A_218 {dimension_numbers = #tpu.dot_dimension_numbers<[1], [1], [0], [0], [0, 0, 1, 0], [], []>, transpose_lhs_hint = false} : vector<32x64xf32>, vector<64x64xf32>, vector<32x64xf32> -> vector<32x64xf32>
      %swap3A_220 = arith.constant 160 : index
      %swap3A_221 = arith.constant 0 : index
      %swap3A_222 = vector.load %arg17[%swap3A_220, %swap3A_221] : memref<256x64xf32, #tpu.memory_space<vmem>>, vector<32x64xf32>
      tpu.vector_store %arg17[%swap3A_220, %swap3A_221], %dot_general3A_219 {strides = array<i32>} : memref<256x64xf32, #tpu.memory_space<vmem>>, vector<32x64xf32>,
      %slice3A_223 = vector.extract_strided_slice %add3A {offsets = [192, 0], sizes = [32, 64], strides = [1, 1]} : vector<256x64xf32> to vector<32x64xf32>
      %slice3A_224 = vector.extract_strided_slice %add3A_33 {offsets = [192, 0], sizes = [32, 64], strides = [1, 1]} : vector<256x64xf32> to vector<32x64xf32>
      %slice3A_225 = vector.extract_strided_slice %add3A_42 {offsets = [192, 0], sizes = [32, 64], strides = [1, 1]} : vector<256x64xf32> to vector<32x64xf32>
      %dot_general3A_226 = arith.constant dense<0.000000e+00> : vector<64x64xf32>
      %dot_general3A_227 = tpu.matmul %slice3A_223, %slice3A_224, %dot_general3A_226 {dimension_numbers = #tpu.dot_dimension_numbers<[0], [0], [1], [1], [0, 1, 1, 1], [], []>, transpose_lhs_hint = false} : vector<32x64xf32>, vector<32x64xf32>, vector<64x64xf32> -> vector<64x64xf32>
      %mul3A_228 = arith.constant 0.176776692 : f32
      %mul3A_229 = vector.broadcast %mul3A_228 : f32 to vector<64x64xf32>
      %mul3A_230 = arith.mulf %dot_general3A_227, %mul3A_229 : vector<64x64xf32>
      %add3A_231 = arith.addf %mul3A_230, %mul3A_76 : vector<64x64xf32>
      %reduce_max3A_232 = arith.constant dense<0xFF800000> : vector<64xf32>
      %reduce_max3A_233 = vector.multi_reduction <maximumf>, %add3A_231, %reduce_max3A_232 [1] : vector<64x64xf32> to vector<64xf32>
      %broadcast_in_dim3A_234 = vector.shape_cast %reduce_max3A_233 : vector<64xf32> to vector<64x1xf32>
      %sub3A_235 = vector.broadcast %broadcast_in_dim3A_234 : vector<64x1xf32> to vector<64x64xf32>
      %sub3A_236 = arith.subf %add3A_231, %sub3A_235 : vector<64x64xf32>
      %exp3A_237 = math.exp %sub3A_236 : vector<64x64xf32>
      %reduce_sum3A_238 = arith.constant dense<0.000000e+00> : vector<64xf32>
      %reduce_sum3A_239 = vector.multi_reduction <add>, %exp3A_237, %reduce_sum3A_238 [1] : vector<64x64xf32> to vector<64xf32>
      %broadcast_in_dim3A_240 = vector.shape_cast %reduce_sum3A_239 : vector<64xf32> to vector<64x1xf32>
      %div3A_241 = vector.broadcast %broadcast_in_dim3A_240 : vector<64x1xf32> to vector<64x64xf32>
      %div3A_242 = arith.divf %exp3A_237, %div3A_241 : vector<64x64xf32>
      %dot_general3A_243 = arith.constant dense<0.000000e+00> : vector<32x64xf32>
      %dot_general3A_244 = tpu.matmul %slice3A_225, %div3A_242, %dot_general3A_243 {dimension_numbers = #tpu.dot_dimension_numbers<[1], [1], [0], [0], [0, 0, 1, 0], [], []>, transpose_lhs_hint = false} : vector<32x64xf32>, vector<64x64xf32>, vector<32x64xf32> -> vector<32x64xf32>
      %swap3A_245 = arith.constant 192 : index
      %swap3A_246 = arith.constant 0 : index
      %swap3A_247 = vector.load %arg17[%swap3A_245, %swap3A_246] : memref<256x64xf32, #tpu.memory_space<vmem>>, vector<32x64xf32>
      tpu.vector_store %arg17[%swap3A_245, %swap3A_246], %dot_general3A_244 {strides = array<i32>} : memref<256x64xf32, #tpu.memory_space<vmem>>, vector<32x64xf32>,
      %slice3A_248 = vector.extract_strided_slice %add3A {offsets = [224, 0], sizes = [32, 64], strides = [1, 1]} : vector<256x64xf32> to vector<32x64xf32>
      %slice3A_249 = vector.extract_strided_slice %add3A_33 {offsets = [224, 0], sizes = [32, 64], strides = [1, 1]} : vector<256x64xf32> to vector<32x64xf32>
      %slice3A_250 = vector.extract_strided_slice %add3A_42 {offsets = [224, 0], sizes = [32, 64], strides = [1, 1]} : vector<256x64xf32> to vector<32x64xf32>
      %dot_general3A_251 = arith.constant dense<0.000000e+00> : vector<64x64xf32>
      %dot_general3A_252 = tpu.matmul %slice3A_248, %slice3A_249, %dot_general3A_251 {dimension_numbers = #tpu.dot_dimension_numbers<[0], [0], [1], [1], [0, 1, 1, 1], [], []>, transpose_lhs_hint = false} : vector<32x64xf32>, vector<32x64xf32>, vector<64x64xf32> -> vector<64x64xf32>
      %mul3A_253 = arith.constant 0.176776692 : f32
      %mul3A_254 = vector.broadcast %mul3A_253 : f32 to vector<64x64xf32>
      %mul3A_255 = arith.mulf %dot_general3A_252, %mul3A_254 : vector<64x64xf32>
      %add3A_256 = arith.addf %mul3A_255, %mul3A_76 : vector<64x64xf32>
      %reduce_max3A_257 = arith.constant dense<0xFF800000> : vector<64xf32>
      %reduce_max3A_258 = vector.multi_reduction <maximumf>, %add3A_256, %reduce_max3A_257 [1] : vector<64x64xf32> to vector<64xf32>
      %broadcast_in_dim3A_259 = vector.shape_cast %reduce_max3A_258 : vector<64xf32> to vector<64x1xf32>
      %sub3A_260 = vector.broadcast %broadcast_in_dim3A_259 : vector<64x1xf32> to vector<64x64xf32>
      %sub3A_261 = arith.subf %add3A_256, %sub3A_260 : vector<64x64xf32>
      %exp3A_262 = math.exp %sub3A_261 : vector<64x64xf32>
      %reduce_sum3A_263 = arith.constant dense<0.000000e+00> : vector<64xf32>
      %reduce_sum3A_264 = vector.multi_reduction <add>, %exp3A_262, %reduce_sum3A_263 [1] : vector<64x64xf32> to vector<64xf32>
      %broadcast_in_dim3A_265 = vector.shape_cast %reduce_sum3A_264 : vector<64xf32> to vector<64x1xf32>
      %div3A_266 = vector.broadcast %broadcast_in_dim3A_265 : vector<64x1xf32> to vector<64x64xf32>
      %div3A_267 = arith.divf %exp3A_262, %div3A_266 : vector<64x64xf32>
      %dot_general3A_268 = arith.constant dense<0.000000e+00> : vector<32x64xf32>
      %dot_general3A_269 = tpu.matmul %slice3A_250, %div3A_267, %dot_general3A_268 {dimension_numbers = #tpu.dot_dimension_numbers<[1], [1], [0], [0], [0, 0, 1, 0], [], []>, transpose_lhs_hint = false} : vector<32x64xf32>, vector<64x64xf32>, vector<32x64xf32> -> vector<32x64xf32>
      %swap3A_270 = arith.constant 224 : index
      %swap3A_271 = arith.constant 0 : index
      %swap3A_272 = vector.load %arg17[%swap3A_270, %swap3A_271] : memref<256x64xf32, #tpu.memory_space<vmem>>, vector<32x64xf32>
      tpu.vector_store %arg17[%swap3A_270, %swap3A_271], %dot_general3A_269 {strides = array<i32>} : memref<256x64xf32, #tpu.memory_space<vmem>>, vector<32x64xf32>,
      %get3A_273 = arith.constant 0 : index
      %get3A_274 = arith.constant 0 : index
      %get3A_275 = vector.load %arg9[%get3A_273, %get3A_274] : memref<256x256xf32, #tpu.memory_space<vmem>>, vector<256x256xf32>
      %get3A_276 = arith.constant 0 : index
      %get3A_277 = arith.constant 0 : index
      %get3A_278 = vector.load %arg17[%get3A_276, %get3A_277] : memref<256x64xf32, #tpu.memory_space<vmem>>, vector<256x64xf32>
      %dot_general3A_279 = arith.constant dense<0.000000e+00> : vector<256x64xf32>
      %dot_general3A_280 = tpu.matmul %get3A_275, %get3A_278, %dot_general3A_279 {dimension_numbers = #tpu.dot_dimension_numbers<[1], [0], [0], [1], [0, 0, 1, 1], [], []>, transpose_lhs_hint = false} : vector<256x256xf32>, vector<256x64xf32>, vector<256x64xf32> -> vector<256x64xf32>
      %get3A_281 = arith.constant 0 : index
      %get3A_282 = arith.constant 0 : index
      %get3A_283 = vector.load %arg13[%get3A_281, %get3A_282] : memref<256x64xf32, #tpu.memory_space<vmem>>, vector<256x64xf32>
      %add3A_284 = arith.addf %dot_general3A_280, %get3A_283 : vector<256x64xf32>
      %swap3A_285 = arith.constant 0 : index
      %swap3A_286 = arith.constant 0 : index
      %swap3A_287 = vector.load %arg18[%swap3A_285, %swap3A_286] : memref<256x64xf32, #tpu.memory_space<vmem>>, vector<256x64xf32>
      tpu.vector_store %arg18[%swap3A_285, %swap3A_286], %add3A_284 {strides = array<i32>} : memref<256x64xf32, #tpu.memory_space<vmem>>, vector<256x64xf32>,
    } else {
    }
    %ge3A = arith.constant 5 : i32
    %ge3A_6 = arith.cmpi sge, %arg0, %ge3A : i32
    %convert_element_type3A_7 = arith.extui %ge3A_6 : i1 to i32
    %cond3A_8 = arith.constant 0 : i32
    %cond3A_9 = arith.cmpi ne, %convert_element_type3A_7, %cond3A_8 : i32
    scf.if %cond3A_9 {
      %get3A = arith.constant 0 : index
      %get3A_10 = arith.constant 0 : index
      %get3A_11 = vector.load %arg1[%get3A, %get3A_10] : memref<2000x64xf32, #tpu.memory_space<vmem>>, vector<2000x64xf32>
      %get3A_12 = arith.constant 0 : index
      %get3A_13 = arith.constant 0 : index
      %get3A_14 = vector.load %arg18[%get3A_12, %get3A_13] : memref<256x64xf32, #tpu.memory_space<vmem>>, vector<256x64xf32>
      %dot_general3A = arith.constant dense<0.000000e+00> : vector<2000x256xf32>
      %dot_general3A_15 = tpu.matmul %get3A_11, %get3A_14, %dot_general3A {dimension_numbers = #tpu.dot_dimension_numbers<[1], [1], [0], [0], [0, 0, 1, 0], [], []>, transpose_lhs_hint = false} : vector<2000x64xf32>, vector<256x64xf32>, vector<2000x256xf32> -> vector<2000x256xf32>
      %swap3A = arith.constant 0 : index
      %swap3A_16 = arith.constant 0 : index
      %swap3A_17 = vector.load %arg15[%swap3A, %swap3A_16] : memref<2000x256xf32, #tpu.memory_space<vmem>>, vector<2000x256xf32>
      tpu.vector_store %arg15[%swap3A, %swap3A_16], %dot_general3A_15 {strides = array<i32>} : memref<2000x256xf32, #tpu.memory_space<vmem>>, vector<2000x256xf32>,
    } else {
    }
    return
  }
  func.func @transform_0(%arg0: i32) -> (i32, i32) {
    %lt3A = arith.constant 5 : i32
    %lt3A_0 = arith.cmpi slt, %arg0, %lt3A : i32
    %sub3A = arith.constant 5 : i32
    %sub3A_1 = arith.subi %arg0, %sub3A : i32
    %select_n3A = arith.select %lt3A_0, %arg0, %sub3A_1 : i32
    %c0_i32 = arith.constant 0 : i32
    %c0_i32_2 = arith.constant 0 : i32
    return %select_n3A, %c0_i32 : i32, i32
  }
  func.func @transform_1(%arg0: i32) -> (i32, i32) {
    %lt3A = arith.constant 5 : i32
    %lt3A_0 = arith.cmpi slt, %arg0, %lt3A : i32
    %jit3A = arith.constant 0 : i32
    %select_n3A = arith.select %lt3A_0, %arg0, %jit3A : i32
    %c0_i32 = arith.constant 0 : i32
    %c0_i32_1 = arith.constant 0 : i32
    return %select_n3A, %c0_i32 : i32, i32
  }
  func.func @transform_2(%arg0: i32) -> (i32, i32) {
    %lt3A = arith.constant 5 : i32
    %lt3A_0 = arith.cmpi slt, %arg0, %lt3A : i32
    %jit3A = arith.constant 0 : i32
    %select_n3A = arith.select %lt3A_0, %arg0, %jit3A : i32
    %add3A = arith.constant 6 : i32
    %add3A_1 = arith.addi %select_n3A, %add3A : i32
    %c0_i32 = arith.constant 0 : i32
    %c0_i32_2 = arith.constant 0 : i32
    return %add3A_1, %c0_i32 : i32, i32
  }
  func.func @transform_3(%arg0: i32) -> (i32, i32) {
    %c0_i32 = arith.constant 0 : i32
    %c0_i32_0 = arith.constant 0 : i32
    %c0_i32_1 = arith.constant 0 : i32
    return %c0_i32, %c0_i32_0 : i32, i32
  }
  func.func @transform_4(%arg0: i32) -> (i32, i32) {
    %c0_i32 = arith.constant 0 : i32
    %c0_i32_0 = arith.constant 0 : i32
    %c0_i32_1 = arith.constant 0 : i32
    return %c0_i32, %c0_i32_0 : i32, i32
  }
  func.func @transform_5(%arg0: i32) -> (i32, i32) {
    %c0_i32 = arith.constant 0 : i32
    %c0_i32_0 = arith.constant 0 : i32
    %c0_i32_1 = arith.constant 0 : i32
    return %c0_i32, %c0_i32_0 : i32, i32
  }
  func.func @transform_6(%arg0: i32) -> (i32, i32) {
    %c0_i32 = arith.constant 0 : i32
    %c0_i32_0 = arith.constant 0 : i32
    %c0_i32_1 = arith.constant 0 : i32
    return %c0_i32, %c0_i32_0 : i32, i32
  }
  func.func @transform_7(%arg0: i32) -> (i32, i32) {
    %c0_i32 = arith.constant 0 : i32
    %c0_i32_0 = arith.constant 0 : i32
    %c0_i32_1 = arith.constant 0 : i32
    return %c0_i32, %c0_i32_0 : i32, i32
  }
  func.func @transform_8(%arg0: i32) -> (i32, i32) {
    %c0_i32 = arith.constant 0 : i32
    %c0_i32_0 = arith.constant 0 : i32
    %c0_i32_1 = arith.constant 0 : i32
    return %c0_i32, %c0_i32_0 : i32, i32
  }
  func.func @transform_9(%arg0: i32) -> (i32, i32) {
    %c0_i32 = arith.constant 0 : i32
    %c0_i32_0 = arith.constant 0 : i32
    %c0_i32_1 = arith.constant 0 : i32
    return %c0_i32, %c0_i32_0 : i32, i32
  }
  func.func @transform_10(%arg0: i32) -> (i32, i32) {
    %c0_i32 = arith.constant 0 : i32
    %c0_i32_0 = arith.constant 0 : i32
    %c0_i32_1 = arith.constant 0 : i32
    return %c0_i32, %c0_i32_0 : i32, i32
  }
  func.func @transform_11(%arg0: i32) -> (i32, i32) {
    %c0_i32 = arith.constant 0 : i32
    %c0_i32_0 = arith.constant 0 : i32
    %c0_i32_1 = arith.constant 0 : i32
    return %c0_i32, %c0_i32_0 : i32, i32
  }
  func.func @transform_12(%arg0: i32) -> (i32, i32) {
    %c0_i32 = arith.constant 0 : i32
    %c0_i32_0 = arith.constant 0 : i32
    %c0_i32_1 = arith.constant 0 : i32
    return %c0_i32, %c0_i32_0 : i32, i32
  }
  func.func @transform_13(%arg0: i32) -> (i32, i32) {
    %c0_i32 = arith.constant 0 : i32
    %c0_i32_0 = arith.constant 0 : i32
    %c0_i32_1 = arith.constant 0 : i32
    return %c0_i32, %c0_i32_0 : i32, i32
  }
  func.func @transform_14(%arg0: i32) -> (i32, i32) {
    %lt3A = arith.constant 5 : i32
    %lt3A_0 = arith.cmpi slt, %arg0, %lt3A : i32
    %sub3A = arith.constant 5 : i32
    %sub3A_1 = arith.subi %arg0, %sub3A : i32
    %jit3A = arith.constant 0 : i32
    %select_n3A = arith.select %lt3A_0, %jit3A, %sub3A_1 : i32
    %c0_i32 = arith.constant 0 : i32
    %c0_i32_2 = arith.constant 0 : i32
    return %select_n3A, %c0_i32 : i32, i32
  }
}

</mosaic_0001>

<sc_bundles>
// kernel: kernel.5.cloned.1.call-start
scs
__scs_entry_jumppad:
0x0: {  	(pc) =	sbr.rel $0x88, $3  }
0x1: {  	(tag) =	ssettag $0x0;
	lr =	simm.s32 $0x1  }
0x2: {  	[smem:$0x3F93] =	sst lr;
	_ =	strace $0xD0000000  }
0x3: {  	_ = 	snop  }
0x4: {  	_ = 	snop  }
0x5: {  	_ = 	snop  }
0x6: {  	_ = 	snop  }
0x7: {  	_ = 	snop  }
__scs_overlays_trampoline_lowered:
0x8: {  	[smem:$0x3FA2] =	sst s0  }
0x9: {  	[smem:$0x3FA3] =	sst s1  }
0xa: {  	[smem:$0x3FA4] =	sst s2  }
0xb: {  	[smem:$0x3FA5] =	sst s3  }
0xc: {  	[smem:$0x3FA6] =	sst s4  }
0xd: {  	[smem:$0x3FA7] =	sst s5  }
0xe: {  	[smem:$0x3FA8] =	sst s6  }
0xf: {  	[smem:$0x3FA9] =	sst s7  }
0x10: {  	[smem:$0x3FAA] =	sst s8  }
0x11: {  	[smem:$0x3FAB] =	sst s9;
	s0 =	simm.s32 @!p0 $0x0  }
0x12: {  	s1 =	sld [smem:$0x3F91];
	s0 =	simm.s32 @p0 $0x1  }
0x13: {  	[smem:$0x3FAC] =	sst s0;
	s0 =	simm.s32 @!p1 $0x0  }
0x14: {  	s2 =	sld [smem:$0x3F90];
	s0 =	simm.s32 @p1 $0x1  }
0x15: {  	[smem:$0x3FAD] =	sst s0;
	s0 =	simm.s32 @!p2 $0x0  }
0x16: {  	s3 =	sld [smem:$0x3FDB];
	s0 =	simm.s32 @p2 $0x1  }
0x17: {  	s4 =	simm.s32 $0x1BF5;
	[smem:$0x3FAF] =	sst s0  }
0x18: {  	s0 =	sld [smem:$0x3F92];
	_ =	swait.ge [sflag:s4], $0x0  }
0x19: {  	s7 =	sld [smem:$0x3F93]  }
0x1a: {  	s8 =	sadd.s32 $0xFFFFE003, lr  }
0x1b: {  	s9 =	sadd.s32 $0xFFFFFEF7, lr;
	s5 =	simm.s32 $0xFFFFFFFF;
	p2 =	slt.u32 s8, $0xFFFFF086  }
0x1c: {  	p1 =	slt.u32 s9, $0xF7A;
	s5 =	simm.s32 @!p2 $0x0  }
0x1d: {  	s5 =	simm.s32 @p1 $0x1;
	p0 =	seq.s32 s7, s2  }
0x1e: {  	s7 =	smul.u32 @!p0 $0xF7A, s2;
	p2 =	seq.s32 @!p0 s5, $0x0  }
0x1f: {  	s9 =	smul.u32 $0xF7A, s1;
	s8 =	simm.s32 @!p0 $0x1BF5;
	p2 =	por !p2, p0  }
0x20: {  	[sflag:s8] =	ssyncset.s32 @!p0 $0xFFFFF086;
	s6 =	sadd.s32 @!p0 s3, s7;
	s7 =	simm.s32 @!p0 $0x108  }
0x21: {  	s3 =	sadd.s32 s3, s9;
	s6 =	sadd.s32 @!p0 $0x88, s6;
	s7 =	simm.s32 @p2 $0x1082  }
0x22: {  	[simem:s7], [sflag:s8] =	dma.local @!p0 [hbm:s6], $0xF7A  }
0x23: {  	s9 =	sor.u32 $0xD0000000, s2;
	s6 =	simm.s32 $0x108;
	_ =	swait.ge @!p0 [sflag:s8], $0x0  }
0x24: {  	s3 =	sadd.s32 $0x88, s3;
	s6 =	simm.s32 @!p1 $0x1082;
	[sflag:s4] =	ssyncset.s32 $0xFFFFF086  }
0x25: {  	[simem:s6], [sflag:s4] =	dma.local [hbm:s3], $0xF7A  }
0x26: {  	[smem:$0x3F93] =	sst s1;
	(tag) =	ssettag s2;
	_ =	strace s9  }
0x27: {  	s1 =	sld [smem:$0x3FA3]  }
0x28: {  	s2 =	sld [smem:$0x3FA4]  }
0x29: {  	s4 =	sld [smem:$0x3FA6]  }
0x2a: {  	p0 =	seq.s32 s5, $0x0;
	s5 =	sld [smem:$0x3FA7]  }
0x2b: {  	s6 =	sld [smem:$0x3FA8]  }
0x2c: {  	s7 =	sld [smem:$0x3FA9]  }
0x2d: {  	s3 =	simm.s32 $0x108;
	s8 =	sld [smem:$0x3FAA]  }
0x2e: {  	s3 =	simm.s32 @!p0 $0x1082;
	s9 =	sld [smem:$0x3FAB]  }
0x2f: {  	lr =	sadd.s32 s0, s3;
	s0 =	sld [smem:$0x3FA2]  }
0x30: {  	s3 =	sld [smem:$0x3FA5]  }
0x31: {  	[smem:$0x3FAE] =	sst s10  }
0x32: {  	s10 =	sld [smem:$0x3FAC];
	_ =	sdelay $0x3  }
0x33: {  	p0 =	seq.s32 s10, $0x1;
	s10 =	sld [smem:$0x3FAE];
	_ =	sdelay $0x3  }
0x34: {  	[smem:$0x3FAE] =	sst s10  }
0x35: {  	s10 =	sld [smem:$0x3FAD];
	_ =	sdelay $0x3  }
0x36: {  	p1 =	seq.s32 s10, $0x1;
	s10 =	sld [smem:$0x3FAE];
	_ =	sdelay $0x3  }
0x37: {  	[smem:$0x3FAE] =	sst s10  }
0x38: {  	s10 =	sld [smem:$0x3FAF]  }
0x39: {  	_ = 	snop;
	(pc) =	sbr.ind lr, $3  }
0x3a: {  	_ = 	snop  }
0x3b: {  	_ = 	snop  }
0x3c: {  	p2 =	seq.s32 s10, $0x1;
	s10 =	sld [smem:$0x3FAE]  }
0x3d: {  	_ =	shalt  }
0x3e: {  	_ =	shalt  }
0x3f: {  	_ =	shalt  }
0x40: {  	_ =	shalt  }
0x41: {  	_ =	shalt  }
0x42: {  	_ =	shalt  }
0x43: {  	_ =	shalt  }
0x44: {  	_ =	shalt  }
0x45: {  	_ =	shalt  }
0x46: {  	_ =	shalt  }
0x47: {  	_ =	shalt  }
0x48: {  	_ =	shalt  }
0x49: {  	_ =	shalt  }
0x4a: {  	_ =	shalt  }
0x4b: {  	_ =	shalt  }
0x4c: {  	_ =	shalt  }
0x4d: {  	_ =	shalt  }
0x4e: {  	_ =	shalt  }
0x4f: {  	_ =	shalt  }
0x50: {  	_ =	shalt  }
0x51: {  	_ =	shalt  }
0x52: {  	_ =	shalt  }
0x53: {  	_ =	shalt  }
0x54: {  	_ =	shalt  }
0x55: {  	_ =	shalt  }
0x56: {  	_ =	shalt  }
0x57: {  	_ =	shalt  }
0x58: {  	_ =	shalt  }
0x59: {  	_ =	shalt  }
0x5a: {  	_ =	shalt  }
0x5b: {  	_ =	shalt  }
0x5c: {  	_ =	shalt  }
0x5d: {  	_ =	shalt  }
0x5e: {  	_ =	shalt  }
0x5f: {  	_ =	shalt  }
0x60: {  	_ =	shalt  }
0x61: {  	_ =	shalt  }
0x62: {  	_ =	shalt  }
0x63: {  	_ =	shalt  }
0x64: {  	_ =	shalt  }
0x65: {  	_ =	shalt  }
0x66: {  	_ =	shalt  }
0x67: {  	_ =	shalt  }
0x68: {  	_ =	shalt  }
0x69: {  	_ =	shalt  }
0x6a: {  	_ =	shalt  }
0x6b: {  	_ =	shalt  }
0x6c: {  	_ =	shalt  }
0x6d: {  	_ =	shalt  }
0x6e: {  	_ =	shalt  }
0x6f: {  	_ =	shalt  }
0x70: {  	_ =	shalt  }
0x71: {  	_ =	shalt  }
0x72: {  	_ =	shalt  }
0x73: {  	_ =	shalt  }
0x74: {  	_ =	shalt  }
0x75: {  	_ =	shalt  }
0x76: {  	_ =	shalt  }
0x77: {  	_ =	shalt  }
0x78: {  	_ =	shalt  }
0x79: {  	_ =	shalt  }
0x7a: {  	_ =	shalt  }
0x7b: {  	_ =	shalt  }
0x7c: {  	_ =	shalt  }
0x7d: {  	_ =	shalt  }
0x7e: {  	_ =	shalt  }
0x7f: {  	_ =	shalt  }
0x80: {  	_ =	shalt  }
0x81: {  	_ =	shalt  }
0x82: {  	_ =	shalt  }
0x83: {  	_ =	shalt  }
0x84: {  	_ =	shalt  }
0x85: {  	_ =	shalt  }
0x86: {  	_ =	shalt  }
0x87: {  	_ =	shalt  }
.Lfunc_end0:
.L_simem_size_0:
called_computation_lowered:
.L_overlay_start_0:
0x88: {  	s2 =	sld [smem:$0x3FD9]  }
0x89: {  	s3 =	sld [smem:$0x3FFE];
	_ =	sdelay $0x1  }
0x8a: {  	s1 =	srdreg.scid  }
0x8b: {  	s0 =	sand.u32 $0x1, s1  }
0x8c: {  	s17 =	sshll.u32 s0, $0xA;
	s2 =	sadd.s32 s3, s2  }
0x8d: {  	s2 =	sadd.s32 s2, s17  }
0x8e: {  	[smem:$0x3FBA] =	sst s2  }
0x8f: {  	_ = 	snop  }
0x90: {  	s2 =	sld [smem:$0x3FC7]  }
0x91: {  	s18 =	sld [smem:$0x3FD0];
	(tm) =	ssettm $0x1  }
0x92: {  	s4 =	sld [smem:$0x3FFB];
	_ =	sdelay $0x3  }
0x93: {  	_ =	strace s4  }
0x94: {  	s4 =	sld [smem:$0x3FFC];
	_ =	sdelay $0x3  }
0x95: {  	_ =	strace s4  }
0x96: {  	s4 =	sld [smem:$0x3FFD];
	_ =	sdelay $0x3  }
0x97: {  	_ =	strace s4  }
0x98: {  	_ =	strace $0x8FFFFFFF  }
0x99: {  	s19 =	sld [smem:$0x3FDB];
	_ =	sdelay $0x1  }
0x9a: {  	s5 =	simm.s32 $_scs_section_size  }
0x9b: {  	s6 =	simm.s32 $_size__tile_overlayer_lowered;
	s7 =	simm.s32 $_tile_overlayer_lowered  }
0x9c: {  	s22 =	simm.s32 $0x1BFF;
	s21 =	sshll.u32 s7, $0x1;
	s4 =	sadd.s32 s5, s19  }
0x9d: {  	s8 =	simm.s32 $0x0;
	s20 =	sshll.u32 s6, $0x1;
	s6 =	sadd.s32 s21, s4  }
0x9e: {  	[timem:s8], [sflag:s22] =	dma.local [hbm:s6], s20  }
0x9f: {  	_ =	swait.ge [sflag:s22], s20  }
0xa0: {  	s5 =	ssub.s32 $0x0, s20;
	[sflag:s22] =	ssyncset.done $0x0  }
0xa1: {  	[sflag:s22] =	ssyncadd.s32 s5;
	_ =	sdelay $0x1  }
0xa2: {  	s23 =	simm.s32 $0x1B8B  }
0xa3: {  	_ =	swait.ge [sflag:s23], $0x1  }
0xa4: {  	[sflag:s23] =	ssyncset.done $0x0  }
0xa5: {  	s25 =	simm.s32 $0x1B8E;
	s24 =	sld [smem:$0x3FFE];
	[sflag:s23] =	ssyncadd.s32 $0xFFFFFFFF  }
0xa6: {  	s26 =	simm.s32 $execute0_lowered;
	[smem:$0x3FD2] =	sst s25  }
0xa7: {  	s6 =	sshll.u32 s26, $0x1;
	_ =	strace $0x80000046;
	[dreg:$0x1] =	wrdreg $0xFFFFFFFF  }
0xa8: {  	s28 =	simm.s32 $_size_execute0_lowered;
	s4 =	sadd.s32 s4, s6;
	[dreg:$0x0] =	wrdreg $0x0  }
0xa9: {  	s6 =	sshll.u32 s28, $0x1;
	[dreg:$0x2] =	wrdreg s4  }
0xaa: {  	[dreg:$0x3] =	wrdreg s6  }
0xab: {  	[dreg:$0x4] =	wrdreg $0xC0  }
0xac: {  	_ =	task [dreg:s8], $0x5FFFF  }
0xad: {  	[dreg:$0x1] =	wrdreg $0xFFFFFFFF  }
0xae: {  	[dreg:$0x0] =	wrdreg $0x60  }
0xaf: {  	[dreg:$0x2] =	wrdreg s24  }
0xb0: {  	[dreg:$0x3] =	wrdreg s2  }
0xb1: {  	[dreg:$0x4] =	wrdreg s18  }
0xb2: {  	[dreg:$0x5] =	wrdreg $0x7C000  }
0xb3: {  	[dreg:$0x6] =	wrdreg $0x118400  }
0xb4: {  	[dreg:$0x7] =	wrdreg $0x9  }
0xb5: {  	_ =	task.clear_ibuf [dreg:s8], $0x8FFFF;
	_ =	strace $0x90000046  }
0xb6: {  	s29 =	simm.s32 $0x9;
	_ =	strace $0x80000048  }
0xb7: {  	_ =	swait.ge [sflag:s29], $0x1  }
0xb8: {  	[sflag:s29] =	ssyncadd.s32 $0xFFFFFFFF  }
0xb9: {  	_ =	strace $0x90000048  }
0xba: {  	_ =	sfence  }
0xbb: {  	s30 =	sld [smem:$0x0];
	_ =	sdelay $0x2  }
0xbc: {  	s31 =	sshll.u32 s1, $0xD;
	s1 =	sshrl.u32 s1, $0x2  }
0xbd: {  	s3 =	sand.u32 $0x4000, s31;
	s1 =	sadd.s32 s1, s30  }
0xbe: {  	s0 =	sor.u32 s3, s0;
	s1 =	sshll.u32 s1, $0x11  }
0xbf: {  	s0 =	sor.u32 s1, s0  }
0xc0: {  	s0 =	sadd.s32 $0x8F2B, s0  }
0xc1: {  	[sflag:s0] =	ssyncadd.remote.s32 $0x1  }
0xc2: {  	_ =	sfence.sel $0xFFFF  }
0xc3: {  	[dreg:$0x0] =	wrdreg $0xFFFFFFFF;
	(pc) =	sbr.abs _section_cstart, $3  }
0xc4: {  	[dreg:$0x1] =	wrdreg $0xFFFFFFFF  }
0xc5: {  	_ =	task.clear_ibuf [dreg:s8], $0x2FFFF;
	_ =	strace $0x9FFFFFFF  }
0xc6: {  	(tm) =	ssettm $0x7FFFFFFF  }
0xc7: {  	_ =	shalt  }
tec
execute0_lowered:
.L_overlay_start_1:
0x0: {  	(tag) =	ssettag $0x1  }
0x1: {  	s0 =	rddreg [dreg:$0x0]  }
0x2: {  	s1 =	rddreg [dreg:$0x1];
	s2 =	srdreg.scid  }
0x3: {  	s4 =	rddreg [dreg:$0x2];
	s15 =	stileid.u32  }
0x4: {  	s3 =	rddreg [dreg:$0x4];
	s9 =	simm.s32 $0x0;
	s28 =	simm.s32 $0x1  }
0x5: {  	s29 =	simm.s32 $0x6;
	s30 =	simm.s32 $0x2;
	s7 =	smul.u32 $0x9C40, s15  }
0x6: {  	s6 =	sand.u32 $0x1, s2;
	s2 =	rddreg [dreg:$0x3];
	s10 =	smul.u32 $0xA000, s15  }
0x7: {  	s31 =	simm.s32 $0x0;
	[smem:$0x7FF] =	sst s9;
	s23 =	smul.u32 $0x1400, s15  }
0x8: {  	s5 =	sshll.u32 s6, $0x4;
	_ =	strace $0x80000047;
	s13 =	ssub.s32 $0x2, s6  }
0x9: {  	s6 =	smul.u32 $0x17700, s6;
	s5 =	sor.u32 s15, s5;
	s20 =	sshrl.u32 s7, $0x3  }
0xa: {  	s12 =	sshrl.u32 s10, $0x3;
	s14 =	sshrl.u32 s13, $0x1;
	s19 =	sadd.s32 s7, s2  }
0xb: {  	s7 =	sshll.u32 s15, $0x6;
	s15 =	sadd.s32 $0x4D80, s1;
	s8 =	smul.u32 $0x1400, s5  }
0xc: {  	s9 =	sadd.s32 s20, s0;
	p0 =	seq.s32 s5, $0x1F;
	s5 =	simm.s32 $0xA  }
0xd: {  	s12 =	sadd.s32 s12, s0;
	s18 =	ssub.s32 s13, s14;
	s22 =	sor.u32 $0x1C03, s7  }
0xe: {  	s13 =	sadd.s32 $0xB5A0, s0;
	s14 =	sadd.s32 $0x6780, s0;
	s26 =	sadd.s32 s23, s6  }
0xf: {  	s19 =	sshrl.u32 s19, $0x3;
	s20 =	sor.u32 $0x1C04, s7;
	s23 =	simm.s32 $0x4  }
0x10: {  	s5 =	simm.s32 @!p0 $0x28;
	s21 =	sadd.s32 $0xB800, s9;
	[dreg:$0x7] =	wrdreg s22  }
0x11: {  	s24 =	sadd.s32 $0x1F200, s12;
	s17 =	sadd.s32 s4, s26;
	s18 =	smax.u32 s18, $0x1  }
0x12: {  	s22 =	simm.s32 $0x3;
	s26 =	simm.s32 $0x5C00;
	[dreg:$0x6] =	wrdreg s21  }
0x13: {  	s8 =	sshrl.u32 s8, $0x3;
	s21 =	sadd.s32 s10, s3;
	[dreg:$0x8] =	wrdreg s24  }
0x14: {  	s16 =	sshrl.u32 s5, $0x1;
	s24 =	simm.s32 $0x80;
	s11 =	sadd.s32 s8, s0  }
0x15: {  	s12 =	sadd.s32 s1, s8;
	s21 =	sshrl.u32 s21, $0x3;
	s25 =	sadd.s32 $0x6820, s11  }
0x16: {  	s11 =	sadd.s32 $0x1A00, s11;
	[dreg:$0x9] =	wrdreg s25;
	s25 =	simm.s32 $0x3C00  }
.LBB2_1:
0x17: {  	s0 =	rddreg [dreg:$0x6]  }
0x18: {  	s1 =	rddreg [dreg:$0x7]  }
0x19: {  	[spmem:s19], [sflag:s1] =	dma.local [hbm:s0], $0x1388  }
0x1a: {  	s0 =	rddreg [dreg:$0x8]  }
0x1b: {  	[spmem:s21], [sflag:s20] =	dma.local [hbm:s0], $0x1400  }
0x1c: {  	s0 =	simm.s32 @p0 $0x0  }
0x1d: {  	[tilespmem:s0], [sflag:$0x5] =	stream.linear.gather @p0 [hbm4b:s13+s0], $0x500, $0x38;
	[tilespmem:$0x1B840] =	vst v63  }
0x1e: {  	s1 =	simm.s32 @p0 $0x1400  }
0x1f: {  	[tilespmem:s1], [sflag:$0x1] =	stream.linear.gather @p0 [hbm4b:s14+s0], $0x500, $0x38;
	[tilespmem:$0x1B840] =	vst v63  }
0x20: {  	s1 =	simm.s32 @p0 $0x2800  }
0x21: {  	[tilespmem:s1], [sflag:$0x2] =	stream.linear.gather @p0 [hbm4b:s15+s0], $0x500, $0x38;
	[tilespmem:$0x1B840] =	vst v63  }
0x22: {  	s0 =	simm.s32 @p0 $0x5  }
0x23: {  	_ =	swait.ge @p0 [sflag:s0], $0x500  }
0x24: {  	[sflag:s0] =	ssyncset.done @p0 $0x0  }
0x25: {  	[sflag:s0] =	ssyncadd.s32 @p0 $0xFFFFFB00;
	s0 =	simm.s32 @p0 $0x1  }
0x26: {  	_ =	swait.ge @p0 [sflag:s0], $0x500  }
0x27: {  	[sflag:s0] =	ssyncset.done @p0 $0x0  }
0x28: {  	[sflag:s0] =	ssyncadd.s32 @p0 $0xFFFFFB00;
	s0 =	simm.s32 @p0 $0x2  }
0x29: {  	_ =	swait.ge @p0 [sflag:s0], $0x500  }
0x2a: {  	[sflag:s0] =	ssyncset.done @p0 $0x0  }
0x2b: {  	s1 =	rddreg [dreg:$0x9];
	[sflag:s0] =	ssyncadd.s32 @p0 $0xFFFFFB00;
	s0 =	simm.s32 @!p0 $0x0  }
0x2c: {  	[tilespmem:s0], [sflag:$0x5] =	stream.linear.gather @!p0 [hbm4b:s1+s0], $0x1400, $0x38;
	[tilespmem:$0x1B840] =	vst v63  }
0x2d: {  	s1 =	simm.s32 @!p0 $0x1400  }
0x2e: {  	[tilespmem:s1], [sflag:$0x1] =	stream.linear.gather @!p0 [hbm4b:s11+s0], $0x1400, $0x38;
	[tilespmem:$0x1B840] =	vst v63  }
0x2f: {  	s1 =	simm.s32 @!p0 $0x2800  }
0x30: {  	[tilespmem:s1], [sflag:$0x2] =	stream.linear.gather @!p0 [hbm4b:s12+s0], $0x1400, $0x38;
	[tilespmem:$0x1B840] =	vst v63  }
0x31: {  	s0 =	simm.s32 @!p0 $0x5  }
0x32: {  	_ =	swait.ge @!p0 [sflag:s0], $0x1400  }
0x33: {  	[sflag:s0] =	ssyncset.done @!p0 $0x0  }
0x34: {  	[sflag:s0] =	ssyncadd.s32 @!p0 $0xFFFFEC00;
	s0 =	simm.s32 @!p0 $0x1  }
0x35: {  	_ =	swait.ge @!p0 [sflag:s0], $0x1400  }
0x36: {  	[sflag:s0] =	ssyncset.done @!p0 $0x0  }
0x37: {  	[sflag:s0] =	ssyncadd.s32 @!p0 $0xFFFFEC00;
	s0 =	simm.s32 @!p0 $0x2  }
0x38: {  	_ =	swait.ge @!p0 [sflag:s0], $0x1400  }
0x39: {  	[sflag:s0] =	ssyncset.done @!p0 $0x0  }
0x3a: {  	[sflag:s0] =	ssyncadd.s32 @!p0 $0xFFFFEC00  }
0x3b: {  	_ =	swait.ge [sflag:s22], $0x1388  }
0x3c: {  	[sflag:s22] =	ssyncset.done $0x0  }
0x3d: {  	[sflag:s22] =	ssyncadd.s32 $0xFFFFEC78  }
0x3e: {  	_ =	swait.ge [sflag:s23], $0x1400  }
0x3f: {  	[sflag:s23] =	ssyncset.done $0x0  }
0x40: {  	[sflag:s23] =	ssyncadd.s32 $0xFFFFEC00  }
0x41: {  	s10 =	simm.s32 $0x0;
	[bflag:$0x0] =	sbarrier.arrive $0xFFFF  }
0x42: {  	[tilespmem:s25], [sflag:$0x1] =	stream.indirect.gather [spmem:s2], $0x40, s10, s24, $0xb8;
	[tilespmem:$0x1B840] =	vst v63  }
0x43: {  	s1 =	simm.s32 $0x0  }
0x44: {  	[tilespmem:s26], [sflag:$0x2] =	stream.indirect.gather [spmem:s2], $0x40, s24, s24, $0xb8;
	[tilespmem:$0x1B840] =	vst v63  }
.LBB2_2:
0x45: {  	s4 =	sshll.u32 s1, $0xA  }
0x46: {  	s6 =	sshra.s32 s4, $0x2  }
0x47: {  	s8 =	sadd.s32 $0x2800, s6  }
0x48: {  	_ =	swait.ge [sflag:s28], $0x2000;
	v0 =	vmov s8  }
0x49: {  	[sflag:s28] =	ssyncset.done $0x0  }
0x4a: {  	s0 =	simm.s32 $0x0;
	[sflag:s28] =	ssyncadd.s32 $0xFFFFE000  }
.LBB2_3:
0x4b: {  	s9 =	sshll.u32 s0, $0x4  }
0x4c: {  	s10 =	sshll.u32 s0, $0xA;
	s8 =	sand.u32 $0x3FFFFFF0, s9  }
0x4d: {  	v2 =	vld.idx.msk [tilespmem:v0+s8+$0x0 ss:$0x1], $0xffff;
	s8 =	sand.u32 $0x3FFFFC00, s10  }
0x4e: {  	v1 =	vld [tilespmem:s8+$0x3C00]  }
0x4f: {  	v3 =	vld [tilespmem:s8+$0x3C10]  }
0x50: {  	v4 =	vld [tilespmem:s8+$0x3C20]  }
0x51: {  	v5 =	vld [tilespmem:s8+$0x3C30]  }
0x52: {  	v7 =	vld [tilespmem:s8+$0x3C40];
	v6 =	vbroadcast v2, $0x0  }
0x53: {  	v8 =	vld [tilespmem:s8+$0x3C50]  }
0x54: {  	v9 =	vld [tilespmem:s8+$0x3C60];
	v1 =	vmul.f32 v6, v1  }
0x55: {  	v10 =	vld [tilespmem:s8+$0x3C70];
	v3 =	vmul.f32 v3, v6  }
0x56: {  	v11 =	vld [tilespmem:s8+$0x3C80];
	v18 =	vbroadcast v2, $0x1;
	[tilespmem:s8+$0x3C00] =	vst v1;
	v1 =	vmul.f32 v4, v6  }
0x57: {  	v19 =	vld [tilespmem:s8+$0x3C90];
	[tilespmem:s8+$0x3C10] =	vst v3;
	v3 =	vmul.f32 v5, v6  }
0x58: {  	v20 =	vld [tilespmem:s8+$0x3CA0];
	[tilespmem:s8+$0x3C20] =	vst v1;
	v1 =	vmul.f32 v7, v18  }
0x59: {  	v21 =	vld [tilespmem:s8+$0x3CB0];
	[tilespmem:s8+$0x3C30] =	vst v3;
	v3 =	vmul.f32 v8, v18  }
0x5a: {  	v23 =	vld [tilespmem:s8+$0x3CC0];
	v22 =	vbroadcast v2, $0x2;
	[tilespmem:s8+$0x3C40] =	vst v1;
	v1 =	vmul.f32 v9, v18  }
0x5b: {  	v24 =	vld [tilespmem:s8+$0x3CD0];
	[tilespmem:s8+$0x3C50] =	vst v3;
	v3 =	vmul.f32 v10, v18  }
0x5c: {  	v25 =	vld [tilespmem:s8+$0x3CE0];
	[tilespmem:s8+$0x3C60] =	vst v1;
	v1 =	vmul.f32 v11, v22  }
0x5d: {  	v26 =	vld [tilespmem:s8+$0x3CF0];
	[tilespmem:s8+$0x3C70] =	vst v3;
	v3 =	vmul.f32 v19, v22  }
0x5e: {  	v28 =	vld [tilespmem:s8+$0x3D00];
	v27 =	vbroadcast v2, $0x3;
	[tilespmem:s8+$0x3C80] =	vst v1;
	v1 =	vmul.f32 v20, v22  }
0x5f: {  	v29 =	vld [tilespmem:s8+$0x3D10];
	[tilespmem:s8+$0x3C90] =	vst v3;
	v3 =	vmul.f32 v21, v22  }
0x60: {  	v30 =	vld [tilespmem:s8+$0x3D20];
	[tilespmem:s8+$0x3CA0] =	vst v1;
	v1 =	vmul.f32 v23, v27  }
0x61: {  	v31 =	vld [tilespmem:s8+$0x3D30];
	[tilespmem:s8+$0x3CB0] =	vst v3;
	v3 =	vmul.f32 v24, v27  }
0x62: {  	v33 =	vld [tilespmem:s8+$0x3D40];
	v32 =	vbroadcast v2, $0x4;
	[tilespmem:s8+$0x3CC0] =	vst v1;
	v1 =	vmul.f32 v25, v27  }
0x63: {  	v34 =	vld [tilespmem:s8+$0x3D50];
	[tilespmem:s8+$0x3CD0] =	vst v3;
	v3 =	vmul.f32 v26, v27  }
0x64: {  	v35 =	vld [tilespmem:s8+$0x3D60];
	[tilespmem:s8+$0x3CE0] =	vst v1;
	v1 =	vmul.f32 v28, v32  }
0x65: {  	v36 =	vld [tilespmem:s8+$0x3D70];
	[tilespmem:s8+$0x3CF0] =	vst v3;
	v3 =	vmul.f32 v29, v32  }
0x66: {  	v38 =	vld [tilespmem:s8+$0x3D80];
	v37 =	vbroadcast v2, $0x5;
	[tilespmem:s8+$0x3D00] =	vst v1;
	v1 =	vmul.f32 v30, v32  }
0x67: {  	v39 =	vld [tilespmem:s8+$0x3D90];
	[tilespmem:s8+$0x3D10] =	vst v3;
	v3 =	vmul.f32 v31, v32  }
0x68: {  	v40 =	vld [tilespmem:s8+$0x3DA0];
	[tilespmem:s8+$0x3D20] =	vst v1;
	v1 =	vmul.f32 v33, v37  }
0x69: {  	v41 =	vld [tilespmem:s8+$0x3DB0];
	[tilespmem:s8+$0x3D30] =	vst v3;
	v3 =	vmul.f32 v34, v37  }
0x6a: {  	v43 =	vld [tilespmem:s8+$0x3DC0];
	v42 =	vbroadcast v2, $0x6;
	[tilespmem:s8+$0x3D40] =	vst v1;
	v1 =	vmul.f32 v35, v37  }
0x6b: {  	v44 =	vld [tilespmem:s8+$0x3DD0];
	[tilespmem:s8+$0x3D50] =	vst v3;
	v3 =	vmul.f32 v36, v37  }
0x6c: {  	v45 =	vld [tilespmem:s8+$0x3DE0];
	[tilespmem:s8+$0x3D60] =	vst v1;
	v1 =	vmul.f32 v38, v42  }
0x6d: {  	v46 =	vld [tilespmem:s8+$0x3DF0];
	[tilespmem:s8+$0x3D70] =	vst v3;
	v3 =	vmul.f32 v39, v42  }
0x6e: {  	v48 =	vld [tilespmem:s8+$0x3E00];
	v47 =	vbroadcast v2, $0x7;
	[tilespmem:s8+$0x3D80] =	vst v1;
	v1 =	vmul.f32 v40, v42  }
0x6f: {  	v49 =	vld [tilespmem:s8+$0x3E10];
	[tilespmem:s8+$0x3D90] =	vst v3;
	v3 =	vmul.f32 v41, v42  }
0x70: {  	v50 =	vld [tilespmem:s8+$0x3E20];
	[tilespmem:s8+$0x3DA0] =	vst v1;
	v1 =	vmul.f32 v43, v47  }
0x71: {  	v51 =	vld [tilespmem:s8+$0x3E30];
	[tilespmem:s8+$0x3DB0] =	vst v3;
	v3 =	vmul.f32 v44, v47  }
0x72: {  	v53 =	vld [tilespmem:s8+$0x3E40];
	v52 =	vbroadcast v2, $0x8;
	[tilespmem:s8+$0x3DC0] =	vst v1;
	v1 =	vmul.f32 v45, v47  }
0x73: {  	v54 =	vld [tilespmem:s8+$0x3E50];
	[tilespmem:s8+$0x3DD0] =	vst v3;
	v3 =	vmul.f32 v46, v47  }
0x74: {  	v55 =	vld [tilespmem:s8+$0x3E60];
	[tilespmem:s8+$0x3DE0] =	vst v1;
	v1 =	vmul.f32 v48, v52  }
0x75: {  	v56 =	vld [tilespmem:s8+$0x3E70];
	[tilespmem:s8+$0x3DF0] =	vst v3;
	v3 =	vmul.f32 v49, v52  }
0x76: {  	v58 =	vld [tilespmem:s8+$0x3E80];
	v57 =	vbroadcast v2, $0x9;
	[tilespmem:s8+$0x3E00] =	vst v1;
	v1 =	vmul.f32 v50, v52  }
0x77: {  	v59 =	vld [tilespmem:s8+$0x3E90];
	[tilespmem:s8+$0x3E10] =	vst v3;
	v3 =	vmul.f32 v51, v52  }
0x78: {  	v60 =	vld [tilespmem:s8+$0x3EA0];
	[tilespmem:s8+$0x3E20] =	vst v1;
	v1 =	vmul.f32 v53, v57  }
0x79: {  	v61 =	vld [tilespmem:s8+$0x3EB0];
	[tilespmem:s8+$0x3E30] =	vst v3;
	v3 =	vmul.f32 v54, v57  }
0x7a: {  	v63 =	vld [tilespmem:s8+$0x3EC0];
	v62 =	vbroadcast v2, $0xA;
	[tilespmem:s8+$0x3E40] =	vst v1;
	v1 =	vmul.f32 v55, v57  }
0x7b: {  	v12 =	vld [tilespmem:s8+$0x3ED0];
	[tilespmem:s8+$0x3E50] =	vst v3;
	v3 =	vmul.f32 v56, v57  }
0x7c: {  	v13 =	vld [tilespmem:s8+$0x3EE0];
	[tilespmem:s8+$0x3E60] =	vst v1;
	v1 =	vmul.f32 v58, v62  }
0x7d: {  	v14 =	vld [tilespmem:s8+$0x3EF0];
	[tilespmem:s8+$0x3E70] =	vst v3;
	v3 =	vmul.f32 v59, v62  }
0x7e: {  	v16 =	vld [tilespmem:s8+$0x3F00];
	v15 =	vbroadcast v2, $0xB;
	[tilespmem:s8+$0x3E80] =	vst v1;
	v1 =	vmul.f32 v60, v62  }
0x7f: {  	v17 =	vld [tilespmem:s8+$0x3F10];
	[tilespmem:s8+$0x3E90] =	vst v3;
	v3 =	vmul.f32 v61, v62  }
0x80: {  	v18 =	vld [tilespmem:s8+$0x3F20];
	[tilespmem:s8+$0x3EA0] =	vst v1;
	v1 =	vmul.f32 v63, v15  }
0x81: {  	v19 =	vld [tilespmem:s8+$0x3F30];
	[tilespmem:s8+$0x3EB0] =	vst v3;
	v3 =	vmul.f32 v12, v15  }
0x82: {  	v20 =	vbroadcast v2, $0xC;
	v21 =	vld [tilespmem:s8+$0x3F40];
	[tilespmem:s8+$0x3EC0] =	vst v1;
	v1 =	vmul.f32 v13, v15  }
0x83: {  	v22 =	vld [tilespmem:s8+$0x3F50];
	[tilespmem:s8+$0x3ED0] =	vst v3;
	v3 =	vmul.f32 v14, v15  }
0x84: {  	v23 =	vld [tilespmem:s8+$0x3F60];
	[tilespmem:s8+$0x3EE0] =	vst v1;
	v1 =	vmul.f32 v16, v20  }
0x85: {  	s9 =	sor.u32 $0x10, s9;
	v24 =	vld [tilespmem:s8+$0x3F70];
	[tilespmem:s8+$0x3EF0] =	vst v3;
	v3 =	vmul.f32 v17, v20  }
0x86: {  	v9 =	vmul.f32 v18, v20;
	v25 =	vbroadcast v2, $0xD;
	[tilespmem:s8+$0x3F00] =	vst v1;
	v1 =	vld.idx.msk [tilespmem:v0+s9+$0x0 ss:$0x1], $0xffff;
	s9 =	sshll.u32 s9, $0x6  }
0x87: {  	v26 =	vld [tilespmem:s8+$0x3F80];
	[tilespmem:s8+$0x3F10] =	vst v3;
	v3 =	vmul.f32 v19, v20;
	s9 =	sand.u32 $0x3FFFFC00, s9  }
0x88: {  	[tilespmem:s8+$0x3F20] =	vst v9;
	v27 =	vmul.f32 v21, v25;
	v28 =	vld [tilespmem:s9+$0x3C00]  }
0x89: {  	[tilespmem:s8+$0x3F30] =	vst v3;
	v3 =	vmul.f32 v22, v25;
	v29 =	vld [tilespmem:s9+$0x3C10]  }
0x8a: {  	[tilespmem:s8+$0x3F40] =	vst v27;
	v30 =	vmul.f32 v23, v25;
	v31 =	vbroadcast v2, $0xE;
	v32 =	vld [tilespmem:s9+$0x3C20]  }
0x8b: {  	v34 =	vld [tilespmem:s9+$0x3C30];
	[tilespmem:s8+$0x3F50] =	vst v3;
	v3 =	vmul.f32 v24, v25;
	v33 =	vbroadcast v1, $0x0  }
0x8c: {  	[tilespmem:s8+$0x3F60] =	vst v30;
	v5 =	vmul.f32 v26, v31;
	v35 =	vld [tilespmem:s8+$0x3F90]  }
0x8d: {  	[tilespmem:s8+$0x3F70] =	vst v3;
	v3 =	vld [tilespmem:s8+$0x3FA0];
	v9 =	vmul.f32 v33, v28  }
0x8e: {  	[tilespmem:s8+$0x3F80] =	vst v5;
	v36 =	vld [tilespmem:s8+$0x3FB0];
	v7 =	vmul.f32 v29, v33  }
0x8f: {  	v37 =	vld [tilespmem:s8+$0x3FC0];
	v10 =	vmul.f32 v32, v33;
	[tilespmem:s9+$0x3C00] =	vst v9  }
0x90: {  	v38 =	vld [tilespmem:s8+$0x3FD0];
	v4 =	vmul.f32 v34, v33;
	[tilespmem:s9+$0x3C10] =	vst v7  }
0x91: {  	v39 =	vld [tilespmem:s8+$0x3FE0];
	v6 =	vmul.f32 v35, v31;
	[tilespmem:s9+$0x3C20] =	vst v10  }
0x92: {  	v2 =	vbroadcast v2, $0xF;
	v40 =	vld [tilespmem:s8+$0x3FF0];
	[tilespmem:s9+$0x3C30] =	vst v4;
	v3 =	vmul.f32 v3, v31  }
0x93: {  	v5 =	vmul.f32 v36, v31;
	[tilespmem:s8+$0x3F90] =	vst v6;
	v41 =	vld [tilespmem:s8+$0x4040]  }
0x94: {  	v42 =	vld [tilespmem:s8+$0x4050];
	[tilespmem:s8+$0x3FA0] =	vst v3;
	v3 =	vmul.f32 v37, v2  }
0x95: {  	[tilespmem:s8+$0x3FB0] =	vst v5;
	v43 =	vmul.f32 v38, v2;
	v44 =	vld [tilespmem:s8+$0x4060]  }
0x96: {  	v45 =	vbroadcast v1, $0x1;
	v46 =	vld [tilespmem:s8+$0x4070];
	[tilespmem:s8+$0x3FC0] =	vst v3;
	v3 =	vmul.f32 v39, v2  }
0x97: {  	[tilespmem:s8+$0x3FD0] =	vst v43;
	v47 =	vld [tilespmem:s8+$0x4080];
	v2 =	vmul.f32 v40, v2  }
0x98: {  	v48 =	vld [tilespmem:s8+$0x4090];
	[tilespmem:s8+$0x3FE0] =	vst v3;
	v3 =	vmul.f32 v41, v45  }
0x99: {  	v49 =	vld [tilespmem:s8+$0x40A0];
	[tilespmem:s8+$0x3FF0] =	vst v2;
	v2 =	vmul.f32 v42, v45  }
0x9a: {  	v50 =	vbroadcast v1, $0x2;
	v51 =	vld [tilespmem:s8+$0x40B0];
	[tilespmem:s8+$0x4040] =	vst v3;
	v3 =	vmul.f32 v44, v45  }
0x9b: {  	v52 =	vld [tilespmem:s8+$0x40C0];
	[tilespmem:s8+$0x4050] =	vst v2;
	v2 =	vmul.f32 v46, v45  }
0x9c: {  	v53 =	vld [tilespmem:s8+$0x40D0];
	[tilespmem:s8+$0x4060] =	vst v3;
	v3 =	vmul.f32 v47, v50  }
0x9d: {  	v54 =	vld [tilespmem:s8+$0x40E0];
	[tilespmem:s8+$0x4070] =	vst v2;
	v2 =	vmul.f32 v48, v50  }
0x9e: {  	v55 =	vbroadcast v1, $0x3;
	v56 =	vld [tilespmem:s8+$0x40F0];
	[tilespmem:s8+$0x4080] =	vst v3;
	v3 =	vmul.f32 v49, v50  }
0x9f: {  	v57 =	vld [tilespmem:s8+$0x4100];
	[tilespmem:s8+$0x4090] =	vst v2;
	v2 =	vmul.f32 v51, v50  }
0xa0: {  	v58 =	vld [tilespmem:s8+$0x4110];
	[tilespmem:s8+$0x40A0] =	vst v3;
	v3 =	vmul.f32 v52, v55  }
0xa1: {  	v59 =	vld [tilespmem:s8+$0x4120];
	[tilespmem:s8+$0x40B0] =	vst v2;
	v2 =	vmul.f32 v53, v55  }
0xa2: {  	v60 =	vbroadcast v1, $0x4;
	v61 =	vld [tilespmem:s8+$0x4130];
	[tilespmem:s8+$0x40C0] =	vst v3;
	v3 =	vmul.f32 v54, v55  }
0xa3: {  	v62 =	vld [tilespmem:s8+$0x4140];
	[tilespmem:s8+$0x40D0] =	vst v2;
	v2 =	vmul.f32 v56, v55  }
0xa4: {  	v63 =	vld [tilespmem:s8+$0x4150];
	[tilespmem:s8+$0x40E0] =	vst v3;
	v3 =	vmul.f32 v57, v60  }
0xa5: {  	v12 =	vld [tilespmem:s8+$0x4160];
	[tilespmem:s8+$0x40F0] =	vst v2;
	v2 =	vmul.f32 v58, v60  }
0xa6: {  	v13 =	vbroadcast v1, $0x5;
	v14 =	vld [tilespmem:s8+$0x4170];
	[tilespmem:s8+$0x4100] =	vst v3;
	v3 =	vmul.f32 v59, v60  }
0xa7: {  	v15 =	vld [tilespmem:s8+$0x4180];
	[tilespmem:s8+$0x4110] =	vst v2;
	v2 =	vmul.f32 v61, v60  }
0xa8: {  	v16 =	vld [tilespmem:s8+$0x4190];
	[tilespmem:s8+$0x4120] =	vst v3;
	v3 =	vmul.f32 v62, v13  }
0xa9: {  	v17 =	vld [tilespmem:s8+$0x41A0];
	[tilespmem:s8+$0x4130] =	vst v2;
	v2 =	vmul.f32 v63, v13  }
0xaa: {  	v18 =	vbroadcast v1, $0x6;
	v19 =	vld [tilespmem:s8+$0x41B0];
	[tilespmem:s8+$0x4140] =	vst v3;
	v3 =	vmul.f32 v12, v13  }
0xab: {  	v20 =	vld [tilespmem:s8+$0x41C0];
	[tilespmem:s8+$0x4150] =	vst v2;
	v2 =	vmul.f32 v14, v13  }
0xac: {  	v21 =	vld [tilespmem:s8+$0x41D0];
	[tilespmem:s8+$0x4160] =	vst v3;
	v3 =	vmul.f32 v15, v18  }
0xad: {  	v22 =	vld [tilespmem:s8+$0x41E0];
	[tilespmem:s8+$0x4170] =	vst v2;
	v2 =	vmul.f32 v16, v18  }
0xae: {  	v23 =	vbroadcast v1, $0x7;
	v24 =	vld [tilespmem:s8+$0x41F0];
	[tilespmem:s8+$0x4180] =	vst v3;
	v3 =	vmul.f32 v17, v18  }
0xaf: {  	v25 =	vld [tilespmem:s8+$0x4200];
	[tilespmem:s8+$0x4190] =	vst v2;
	v2 =	vmul.f32 v19, v18  }
0xb0: {  	v26 =	vld [tilespmem:s8+$0x4210];
	[tilespmem:s8+$0x41A0] =	vst v3;
	v3 =	vmul.f32 v20, v23  }
0xb1: {  	v27 =	vld [tilespmem:s8+$0x4220];
	[tilespmem:s8+$0x41B0] =	vst v2;
	v2 =	vmul.f32 v21, v23  }
0xb2: {  	v28 =	vbroadcast v1, $0x8;
	v29 =	vld [tilespmem:s8+$0x4230];
	[tilespmem:s8+$0x41C0] =	vst v3;
	v3 =	vmul.f32 v22, v23  }
0xb3: {  	v30 =	vld [tilespmem:s8+$0x4240];
	[tilespmem:s8+$0x41D0] =	vst v2;
	v2 =	vmul.f32 v24, v23  }
0xb4: {  	v31 =	vld [tilespmem:s8+$0x4250];
	[tilespmem:s8+$0x41E0] =	vst v3;
	v3 =	vmul.f32 v25, v28  }
0xb5: {  	v32 =	vld [tilespmem:s8+$0x4260];
	[tilespmem:s8+$0x41F0] =	vst v2;
	v2 =	vmul.f32 v26, v28  }
0xb6: {  	v33 =	vbroadcast v1, $0x9;
	v34 =	vld [tilespmem:s8+$0x4270];
	[tilespmem:s8+$0x4200] =	vst v3;
	v3 =	vmul.f32 v27, v28  }
0xb7: {  	v35 =	vld [tilespmem:s8+$0x4280];
	[tilespmem:s8+$0x4210] =	vst v2;
	v2 =	vmul.f32 v29, v28  }
0xb8: {  	v36 =	vld [tilespmem:s8+$0x4290];
	[tilespmem:s8+$0x4220] =	vst v3;
	v3 =	vmul.f32 v30, v33  }
0xb9: {  	v37 =	vld [tilespmem:s8+$0x42A0];
	[tilespmem:s8+$0x4230] =	vst v2;
	v2 =	vmul.f32 v31, v33  }
0xba: {  	v38 =	vbroadcast v1, $0xA;
	v39 =	vld [tilespmem:s8+$0x42B0];
	[tilespmem:s8+$0x4240] =	vst v3;
	v3 =	vmul.f32 v32, v33  }
0xbb: {  	v40 =	vld [tilespmem:s8+$0x42C0];
	[tilespmem:s8+$0x4250] =	vst v2;
	v2 =	vmul.f32 v34, v33  }
0xbc: {  	v41 =	vld [tilespmem:s8+$0x42D0];
	[tilespmem:s8+$0x4260] =	vst v3;
	v3 =	vmul.f32 v35, v38  }
0xbd: {  	v42 =	vld [tilespmem:s8+$0x42E0];
	[tilespmem:s8+$0x4270] =	vst v2;
	v2 =	vmul.f32 v36, v38  }
0xbe: {  	v43 =	vbroadcast v1, $0xB;
	v44 =	vld [tilespmem:s8+$0x42F0];
	[tilespmem:s8+$0x4280] =	vst v3;
	v3 =	vmul.f32 v37, v38  }
0xbf: {  	v45 =	vld [tilespmem:s8+$0x4300];
	[tilespmem:s8+$0x4290] =	vst v2;
	v2 =	vmul.f32 v39, v38  }
0xc0: {  	v46 =	vld [tilespmem:s8+$0x4310];
	[tilespmem:s8+$0x42A0] =	vst v3;
	v3 =	vmul.f32 v40, v43  }
0xc1: {  	v47 =	vld [tilespmem:s8+$0x4320];
	[tilespmem:s8+$0x42B0] =	vst v2;
	v2 =	vmul.f32 v41, v43  }
0xc2: {  	v48 =	vbroadcast v1, $0xC;
	v49 =	vld [tilespmem:s8+$0x4330];
	[tilespmem:s8+$0x42C0] =	vst v3;
	v3 =	vmul.f32 v42, v43  }
0xc3: {  	v50 =	vld [tilespmem:s8+$0x4340];
	[tilespmem:s8+$0x42D0] =	vst v2;
	v2 =	vmul.f32 v44, v43  }
0xc4: {  	v51 =	vld [tilespmem:s8+$0x4350];
	[tilespmem:s8+$0x42E0] =	vst v3;
	v3 =	vmul.f32 v45, v48  }
0xc5: {  	v52 =	vld [tilespmem:s8+$0x4360];
	[tilespmem:s8+$0x42F0] =	vst v2;
	v2 =	vmul.f32 v46, v48  }
0xc6: {  	v53 =	vbroadcast v1, $0xD;
	v54 =	vld [tilespmem:s8+$0x4370];
	[tilespmem:s8+$0x4300] =	vst v3;
	v3 =	vmul.f32 v47, v48  }
0xc7: {  	v55 =	vld [tilespmem:s8+$0x4380];
	[tilespmem:s8+$0x4310] =	vst v2;
	v2 =	vmul.f32 v49, v48  }
0xc8: {  	v56 =	vld [tilespmem:s8+$0x4390];
	[tilespmem:s8+$0x4320] =	vst v3;
	v3 =	vmul.f32 v50, v53  }
0xc9: {  	v57 =	vld [tilespmem:s8+$0x43A0];
	[tilespmem:s8+$0x4330] =	vst v2;
	v2 =	vmul.f32 v51, v53  }
0xca: {  	v58 =	vbroadcast v1, $0xE;
	v59 =	vld [tilespmem:s8+$0x43B0];
	[tilespmem:s8+$0x4340] =	vst v3;
	v3 =	vmul.f32 v52, v53  }
0xcb: {  	v60 =	vld [tilespmem:s8+$0x43C0];
	[tilespmem:s8+$0x4350] =	vst v2;
	v2 =	vmul.f32 v54, v53  }
0xcc: {  	v61 =	vld [tilespmem:s8+$0x43D0];
	[tilespmem:s8+$0x4360] =	vst v3;
	v3 =	vmul.f32 v55, v58  }
0xcd: {  	v62 =	vld [tilespmem:s8+$0x43E0];
	[tilespmem:s8+$0x4370] =	vst v2;
	v2 =	vmul.f32 v56, v58  }
0xce: {  	v1 =	vbroadcast v1, $0xF;
	v63 =	vld [tilespmem:s8+$0x43F0];
	[tilespmem:s8+$0x4380] =	vst v3;
	v3 =	vmul.f32 v57, v58  }
0xcf: {  	[tilespmem:s8+$0x4390] =	vst v2;
	v2 =	vmul.f32 v59, v58  }
0xd0: {  	p1 =	slt.u32 s0, $0x6;
	[tilespmem:s8+$0x43A0] =	vst v3;
	v3 =	vmul.f32 v60, v1  }
.Ltmp0:
0xd1: {  	[tilespmem:s8+$0x43B0] =	vst v2;
	v2 =	vmul.f32 v61, v1;
	(pc) =	sbr.rel @p1 .LBB2_3-.Ltmp0, $4  }
0xd2: {  	[tilespmem:s8+$0x43C0] =	vst v3;
	v3 =	vmul.f32 v62, v1  }
0xd3: {  	[tilespmem:s8+$0x43D0] =	vst v2;
	v1 =	vmul.f32 v63, v1  }
0xd4: {  	s10 =	sadd.s32 $0x2, s0;
	[tilespmem:s8+$0x43E0] =	vst v3  }
0xd5: {  	s0 =	smov.u32 s10;
	[tilespmem:s8+$0x43F0] =	vst v1  }
0xd6: {  	s0 =	sshll.u32 s1, $0x1;
	s6 =	sadd.s32 $0x1400, s6;
	s4 =	sor.u32 $0x200, s4  }
0xd7: {  	[spmem:s3] =	stream.indirect.scatter.add.f32 [tilespmem:s25], [sflag:$0x6], $0x40, s6, s24, $0xb8;
	[tilespmem:$0x1B840] =	vst v63  }
0xd8: {  	s6 =	sadd.s32 $0x2, s0;
	s4 =	sshra.s32 s4, $0x2  }
0xd9: {  	_ =	swait.ge [sflag:s29], $0x2000;
	p1 =	sge.u32 s6, s5;
	s10 =	sadd.s32 $0x2800, s4  }
0xda: {  	[sflag:s29] =	ssyncset.done $0x0;
	s6 =	sshll.u32 @!p1 s6, $0x7;
	s8 =	simm.s32 @!p1 $0x80  }
0xdb: {  	s9 =	simm.s32 @!p1 $0x3C00;
	[sflag:s29] =	ssyncadd.s32 $0xFFFFE000;
	s6 =	sand.u32 @!p1 $0x3FFFFF80, s6  }
0xdc: {  	[tilespmem:s9], [sflag:$0x1] =	stream.indirect.gather @!p1 [spmem:s2], $0x40, s6, s8, $0xb8;
	[tilespmem:$0x1B840] =	vst v63  }
0xdd: {  	v0 =	vmov s10;
	_ =	swait.ge [sflag:s30], $0x2000  }
0xde: {  	[sflag:s30] =	ssyncset.done $0x0  }
0xdf: {  	s6 =	simm.s32 $0x0;
	[sflag:s30] =	ssyncadd.s32 $0xFFFFE000  }
.LBB2_5:
0xe0: {  	s9 =	sshll.u32 s6, $0x4  }
0xe1: {  	s10 =	sshll.u32 s6, $0xA;
	s8 =	sand.u32 $0x3FFFFFF0, s9  }
0xe2: {  	v2 =	vld.idx.msk [tilespmem:v0+s8+$0x0 ss:$0x1], $0xffff;
	s8 =	sand.u32 $0x3FFFFC00, s10  }
0xe3: {  	v1 =	vld [tilespmem:s8+$0x5C00]  }
0xe4: {  	v3 =	vld [tilespmem:s8+$0x5C10]  }
0xe5: {  	v4 =	vld [tilespmem:s8+$0x5C20]  }
0xe6: {  	v5 =	vld [tilespmem:s8+$0x5C30]  }
0xe7: {  	v7 =	vld [tilespmem:s8+$0x5C40];
	v6 =	vbroadcast v2, $0x0  }
0xe8: {  	v8 =	vld [tilespmem:s8+$0x5C50]  }
0xe9: {  	v9 =	vld [tilespmem:s8+$0x5C60];
	v1 =	vmul.f32 v6, v1  }
0xea: {  	v10 =	vld [tilespmem:s8+$0x5C70];
	v3 =	vmul.f32 v3, v6  }
0xeb: {  	v11 =	vld [tilespmem:s8+$0x5C80];
	v18 =	vbroadcast v2, $0x1;
	[tilespmem:s8+$0x5C00] =	vst v1;
	v1 =	vmul.f32 v4, v6  }
0xec: {  	v19 =	vld [tilespmem:s8+$0x5C90];
	[tilespmem:s8+$0x5C10] =	vst v3;
	v3 =	vmul.f32 v5, v6  }
0xed: {  	v20 =	vld [tilespmem:s8+$0x5CA0];
	[tilespmem:s8+$0x5C20] =	vst v1;
	v1 =	vmul.f32 v7, v18  }
0xee: {  	v21 =	vld [tilespmem:s8+$0x5CB0];
	[tilespmem:s8+$0x5C30] =	vst v3;
	v3 =	vmul.f32 v8, v18  }
0xef: {  	v23 =	vld [tilespmem:s8+$0x5CC0];
	v22 =	vbroadcast v2, $0x2;
	[tilespmem:s8+$0x5C40] =	vst v1;
	v1 =	vmul.f32 v9, v18  }
0xf0: {  	v24 =	vld [tilespmem:s8+$0x5CD0];
	[tilespmem:s8+$0x5C50] =	vst v3;
	v3 =	vmul.f32 v10, v18  }
0xf1: {  	v25 =	vld [tilespmem:s8+$0x5CE0];
	[tilespmem:s8+$0x5C60] =	vst v1;
	v1 =	vmul.f32 v11, v22  }
0xf2: {  	v26 =	vld [tilespmem:s8+$0x5CF0];
	[tilespmem:s8+$0x5C70] =	vst v3;
	v3 =	vmul.f32 v19, v22  }
0xf3: {  	v28 =	vld [tilespmem:s8+$0x5D00];
	v27 =	vbroadcast v2, $0x3;
	[tilespmem:s8+$0x5C80] =	vst v1;
	v1 =	vmul.f32 v20, v22  }
0xf4: {  	v29 =	vld [tilespmem:s8+$0x5D10];
	[tilespmem:s8+$0x5C90] =	vst v3;
	v3 =	vmul.f32 v21, v22  }
0xf5: {  	v30 =	vld [tilespmem:s8+$0x5D20];
	[tilespmem:s8+$0x5CA0] =	vst v1;
	v1 =	vmul.f32 v23, v27  }
0xf6: {  	v31 =	vld [tilespmem:s8+$0x5D30];
	[tilespmem:s8+$0x5CB0] =	vst v3;
	v3 =	vmul.f32 v24, v27  }
0xf7: {  	v33 =	vld [tilespmem:s8+$0x5D40];
	v32 =	vbroadcast v2, $0x4;
	[tilespmem:s8+$0x5CC0] =	vst v1;
	v1 =	vmul.f32 v25, v27  }
0xf8: {  	v34 =	vld [tilespmem:s8+$0x5D50];
	[tilespmem:s8+$0x5CD0] =	vst v3;
	v3 =	vmul.f32 v26, v27  }
0xf9: {  	v35 =	vld [tilespmem:s8+$0x5D60];
	[tilespmem:s8+$0x5CE0] =	vst v1;
	v1 =	vmul.f32 v28, v32  }
0xfa: {  	v36 =	vld [tilespmem:s8+$0x5D70];
	[tilespmem:s8+$0x5CF0] =	vst v3;
	v3 =	vmul.f32 v29, v32  }
0xfb: {  	v38 =	vld [tilespmem:s8+$0x5D80];
	v37 =	vbroadcast v2, $0x5;
	[tilespmem:s8+$0x5D00] =	vst v1;
	v1 =	vmul.f32 v30, v32  }
0xfc: {  	v39 =	vld [tilespmem:s8+$0x5D90];
	[tilespmem:s8+$0x5D10] =	vst v3;
	v3 =	vmul.f32 v31, v32  }
0xfd: {  	v40 =	vld [tilespmem:s8+$0x5DA0];
	[tilespmem:s8+$0x5D20] =	vst v1;
	v1 =	vmul.f32 v33, v37  }
0xfe: {  	v41 =	vld [tilespmem:s8+$0x5DB0];
	[tilespmem:s8+$0x5D30] =	vst v3;
	v3 =	vmul.f32 v34, v37  }
0xff: {  	v43 =	vld [tilespmem:s8+$0x5DC0];
	v42 =	vbroadcast v2, $0x6;
	[tilespmem:s8+$0x5D40] =	vst v1;
	v1 =	vmul.f32 v35, v37  }
0x100: {  	v44 =	vld [tilespmem:s8+$0x5DD0];
	[tilespmem:s8+$0x5D50] =	vst v3;
	v3 =	vmul.f32 v36, v37  }
0x101: {  	v45 =	vld [tilespmem:s8+$0x5DE0];
	[tilespmem:s8+$0x5D60] =	vst v1;
	v1 =	vmul.f32 v38, v42  }
0x102: {  	v46 =	vld [tilespmem:s8+$0x5DF0];
	[tilespmem:s8+$0x5D70] =	vst v3;
	v3 =	vmul.f32 v39, v42  }
0x103: {  	v48 =	vld [tilespmem:s8+$0x5E00];
	v47 =	vbroadcast v2, $0x7;
	[tilespmem:s8+$0x5D80] =	vst v1;
	v1 =	vmul.f32 v40, v42  }
0x104: {  	v49 =	vld [tilespmem:s8+$0x5E10];
	[tilespmem:s8+$0x5D90] =	vst v3;
	v3 =	vmul.f32 v41, v42  }
0x105: {  	v50 =	vld [tilespmem:s8+$0x5E20];
	[tilespmem:s8+$0x5DA0] =	vst v1;
	v1 =	vmul.f32 v43, v47  }
0x106: {  	v51 =	vld [tilespmem:s8+$0x5E30];
	[tilespmem:s8+$0x5DB0] =	vst v3;
	v3 =	vmul.f32 v44, v47  }
0x107: {  	v53 =	vld [tilespmem:s8+$0x5E40];
	v52 =	vbroadcast v2, $0x8;
	[tilespmem:s8+$0x5DC0] =	vst v1;
	v1 =	vmul.f32 v45, v47  }
0x108: {  	v54 =	vld [tilespmem:s8+$0x5E50];
	[tilespmem:s8+$0x5DD0] =	vst v3;
	v3 =	vmul.f32 v46, v47  }
0x109: {  	v55 =	vld [tilespmem:s8+$0x5E60];
	[tilespmem:s8+$0x5DE0] =	vst v1;
	v1 =	vmul.f32 v48, v52  }
0x10a: {  	v56 =	vld [tilespmem:s8+$0x5E70];
	[tilespmem:s8+$0x5DF0] =	vst v3;
	v3 =	vmul.f32 v49, v52  }
0x10b: {  	v58 =	vld [tilespmem:s8+$0x5E80];
	v57 =	vbroadcast v2, $0x9;
	[tilespmem:s8+$0x5E00] =	vst v1;
	v1 =	vmul.f32 v50, v52  }
0x10c: {  	v59 =	vld [tilespmem:s8+$0x5E90];
	[tilespmem:s8+$0x5E10] =	vst v3;
	v3 =	vmul.f32 v51, v52  }
0x10d: {  	v60 =	vld [tilespmem:s8+$0x5EA0];
	[tilespmem:s8+$0x5E20] =	vst v1;
	v1 =	vmul.f32 v53, v57  }
0x10e: {  	v61 =	vld [tilespmem:s8+$0x5EB0];
	[tilespmem:s8+$0x5E30] =	vst v3;
	v3 =	vmul.f32 v54, v57  }
0x10f: {  	v63 =	vld [tilespmem:s8+$0x5EC0];
	v62 =	vbroadcast v2, $0xA;
	[tilespmem:s8+$0x5E40] =	vst v1;
	v1 =	vmul.f32 v55, v57  }
0x110: {  	v12 =	vld [tilespmem:s8+$0x5ED0];
	[tilespmem:s8+$0x5E50] =	vst v3;
	v3 =	vmul.f32 v56, v57  }
0x111: {  	v13 =	vld [tilespmem:s8+$0x5EE0];
	[tilespmem:s8+$0x5E60] =	vst v1;
	v1 =	vmul.f32 v58, v62  }
0x112: {  	v14 =	vld [tilespmem:s8+$0x5EF0];
	[tilespmem:s8+$0x5E70] =	vst v3;
	v3 =	vmul.f32 v59, v62  }
0x113: {  	v16 =	vld [tilespmem:s8+$0x5F00];
	v15 =	vbroadcast v2, $0xB;
	[tilespmem:s8+$0x5E80] =	vst v1;
	v1 =	vmul.f32 v60, v62  }
0x114: {  	v17 =	vld [tilespmem:s8+$0x5F10];
	[tilespmem:s8+$0x5E90] =	vst v3;
	v3 =	vmul.f32 v61, v62  }
0x115: {  	v18 =	vld [tilespmem:s8+$0x5F20];
	[tilespmem:s8+$0x5EA0] =	vst v1;
	v1 =	vmul.f32 v63, v15  }
0x116: {  	v19 =	vld [tilespmem:s8+$0x5F30];
	[tilespmem:s8+$0x5EB0] =	vst v3;
	v3 =	vmul.f32 v12, v15  }
0x117: {  	v20 =	vbroadcast v2, $0xC;
	v21 =	vld [tilespmem:s8+$0x5F40];
	[tilespmem:s8+$0x5EC0] =	vst v1;
	v1 =	vmul.f32 v13, v15  }
0x118: {  	v22 =	vld [tilespmem:s8+$0x5F50];
	[tilespmem:s8+$0x5ED0] =	vst v3;
	v3 =	vmul.f32 v14, v15  }
0x119: {  	v23 =	vld [tilespmem:s8+$0x5F60];
	[tilespmem:s8+$0x5EE0] =	vst v1;
	v1 =	vmul.f32 v16, v20  }
0x11a: {  	s9 =	sor.u32 $0x10, s9;
	v24 =	vld [tilespmem:s8+$0x5F70];
	[tilespmem:s8+$0x5EF0] =	vst v3;
	v3 =	vmul.f32 v17, v20  }
0x11b: {  	v9 =	vmul.f32 v18, v20;
	v25 =	vbroadcast v2, $0xD;
	[tilespmem:s8+$0x5F00] =	vst v1;
	v1 =	vld.idx.msk [tilespmem:v0+s9+$0x0 ss:$0x1], $0xffff;
	s9 =	sshll.u32 s9, $0x6  }
0x11c: {  	v26 =	vld [tilespmem:s8+$0x5F80];
	[tilespmem:s8+$0x5F10] =	vst v3;
	v3 =	vmul.f32 v19, v20;
	s9 =	sand.u32 $0x3FFFFC00, s9  }
0x11d: {  	[tilespmem:s8+$0x5F20] =	vst v9;
	v27 =	vmul.f32 v21, v25;
	v28 =	vld [tilespmem:s9+$0x5C00]  }
0x11e: {  	[tilespmem:s8+$0x5F30] =	vst v3;
	v3 =	vmul.f32 v22, v25;
	v29 =	vld [tilespmem:s9+$0x5C10]  }
0x11f: {  	[tilespmem:s8+$0x5F40] =	vst v27;
	v30 =	vmul.f32 v23, v25;
	v31 =	vbroadcast v2, $0xE;
	v32 =	vld [tilespmem:s9+$0x5C20]  }
0x120: {  	v34 =	vld [tilespmem:s9+$0x5C30];
	[tilespmem:s8+$0x5F50] =	vst v3;
	v3 =	vmul.f32 v24, v25;
	v33 =	vbroadcast v1, $0x0  }
0x121: {  	[tilespmem:s8+$0x5F60] =	vst v30;
	v5 =	vmul.f32 v26, v31;
	v35 =	vld [tilespmem:s8+$0x5F90]  }
0x122: {  	[tilespmem:s8+$0x5F70] =	vst v3;
	v3 =	vld [tilespmem:s8+$0x5FA0];
	v9 =	vmul.f32 v33, v28  }
0x123: {  	[tilespmem:s8+$0x5F80] =	vst v5;
	v36 =	vld [tilespmem:s8+$0x5FB0];
	v7 =	vmul.f32 v29, v33  }
0x124: {  	v37 =	vld [tilespmem:s8+$0x5FC0];
	v10 =	vmul.f32 v32, v33;
	[tilespmem:s9+$0x5C00] =	vst v9  }
0x125: {  	v38 =	vld [tilespmem:s8+$0x5FD0];
	v4 =	vmul.f32 v34, v33;
	[tilespmem:s9+$0x5C10] =	vst v7  }
0x126: {  	v39 =	vld [tilespmem:s8+$0x5FE0];
	v6 =	vmul.f32 v35, v31;
	[tilespmem:s9+$0x5C20] =	vst v10  }
0x127: {  	v2 =	vbroadcast v2, $0xF;
	v40 =	vld [tilespmem:s8+$0x5FF0];
	[tilespmem:s9+$0x5C30] =	vst v4;
	v3 =	vmul.f32 v3, v31  }
0x128: {  	v5 =	vmul.f32 v36, v31;
	[tilespmem:s8+$0x5F90] =	vst v6;
	v41 =	vld [tilespmem:s8+$0x6040]  }
0x129: {  	v42 =	vld [tilespmem:s8+$0x6050];
	[tilespmem:s8+$0x5FA0] =	vst v3;
	v3 =	vmul.f32 v37, v2  }
0x12a: {  	[tilespmem:s8+$0x5FB0] =	vst v5;
	v43 =	vmul.f32 v38, v2;
	v44 =	vld [tilespmem:s8+$0x6060]  }
0x12b: {  	v45 =	vbroadcast v1, $0x1;
	v46 =	vld [tilespmem:s8+$0x6070];
	[tilespmem:s8+$0x5FC0] =	vst v3;
	v3 =	vmul.f32 v39, v2  }
0x12c: {  	[tilespmem:s8+$0x5FD0] =	vst v43;
	v47 =	vld [tilespmem:s8+$0x6080];
	v2 =	vmul.f32 v40, v2  }
0x12d: {  	v48 =	vld [tilespmem:s8+$0x6090];
	[tilespmem:s8+$0x5FE0] =	vst v3;
	v3 =	vmul.f32 v41, v45  }
0x12e: {  	v49 =	vld [tilespmem:s8+$0x60A0];
	[tilespmem:s8+$0x5FF0] =	vst v2;
	v2 =	vmul.f32 v42, v45  }
0x12f: {  	v50 =	vbroadcast v1, $0x2;
	v51 =	vld [tilespmem:s8+$0x60B0];
	[tilespmem:s8+$0x6040] =	vst v3;
	v3 =	vmul.f32 v44, v45  }
0x130: {  	v52 =	vld [tilespmem:s8+$0x60C0];
	[tilespmem:s8+$0x6050] =	vst v2;
	v2 =	vmul.f32 v46, v45  }
0x131: {  	v53 =	vld [tilespmem:s8+$0x60D0];
	[tilespmem:s8+$0x6060] =	vst v3;
	v3 =	vmul.f32 v47, v50  }
0x132: {  	v54 =	vld [tilespmem:s8+$0x60E0];
	[tilespmem:s8+$0x6070] =	vst v2;
	v2 =	vmul.f32 v48, v50  }
0x133: {  	v55 =	vbroadcast v1, $0x3;
	v56 =	vld [tilespmem:s8+$0x60F0];
	[tilespmem:s8+$0x6080] =	vst v3;
	v3 =	vmul.f32 v49, v50  }
0x134: {  	v57 =	vld [tilespmem:s8+$0x6100];
	[tilespmem:s8+$0x6090] =	vst v2;
	v2 =	vmul.f32 v51, v50  }
0x135: {  	v58 =	vld [tilespmem:s8+$0x6110];
	[tilespmem:s8+$0x60A0] =	vst v3;
	v3 =	vmul.f32 v52, v55  }
0x136: {  	v59 =	vld [tilespmem:s8+$0x6120];
	[tilespmem:s8+$0x60B0] =	vst v2;
	v2 =	vmul.f32 v53, v55  }
0x137: {  	v60 =	vbroadcast v1, $0x4;
	v61 =	vld [tilespmem:s8+$0x6130];
	[tilespmem:s8+$0x60C0] =	vst v3;
	v3 =	vmul.f32 v54, v55  }
0x138: {  	v62 =	vld [tilespmem:s8+$0x6140];
	[tilespmem:s8+$0x60D0] =	vst v2;
	v2 =	vmul.f32 v56, v55  }
0x139: {  	v63 =	vld [tilespmem:s8+$0x6150];
	[tilespmem:s8+$0x60E0] =	vst v3;
	v3 =	vmul.f32 v57, v60  }
0x13a: {  	v12 =	vld [tilespmem:s8+$0x6160];
	[tilespmem:s8+$0x60F0] =	vst v2;
	v2 =	vmul.f32 v58, v60  }
0x13b: {  	v13 =	vbroadcast v1, $0x5;
	v14 =	vld [tilespmem:s8+$0x6170];
	[tilespmem:s8+$0x6100] =	vst v3;
	v3 =	vmul.f32 v59, v60  }
0x13c: {  	v15 =	vld [tilespmem:s8+$0x6180];
	[tilespmem:s8+$0x6110] =	vst v2;
	v2 =	vmul.f32 v61, v60  }
0x13d: {  	v16 =	vld [tilespmem:s8+$0x6190];
	[tilespmem:s8+$0x6120] =	vst v3;
	v3 =	vmul.f32 v62, v13  }
0x13e: {  	v17 =	vld [tilespmem:s8+$0x61A0];
	[tilespmem:s8+$0x6130] =	vst v2;
	v2 =	vmul.f32 v63, v13  }
0x13f: {  	v18 =	vbroadcast v1, $0x6;
	v19 =	vld [tilespmem:s8+$0x61B0];
	[tilespmem:s8+$0x6140] =	vst v3;
	v3 =	vmul.f32 v12, v13  }
0x140: {  	v20 =	vld [tilespmem:s8+$0x61C0];
	[tilespmem:s8+$0x6150] =	vst v2;
	v2 =	vmul.f32 v14, v13  }
0x141: {  	v21 =	vld [tilespmem:s8+$0x61D0];
	[tilespmem:s8+$0x6160] =	vst v3;
	v3 =	vmul.f32 v15, v18  }
0x142: {  	v22 =	vld [tilespmem:s8+$0x61E0];
	[tilespmem:s8+$0x6170] =	vst v2;
	v2 =	vmul.f32 v16, v18  }
0x143: {  	v23 =	vbroadcast v1, $0x7;
	v24 =	vld [tilespmem:s8+$0x61F0];
	[tilespmem:s8+$0x6180] =	vst v3;
	v3 =	vmul.f32 v17, v18  }
0x144: {  	v25 =	vld [tilespmem:s8+$0x6200];
	[tilespmem:s8+$0x6190] =	vst v2;
	v2 =	vmul.f32 v19, v18  }
0x145: {  	v26 =	vld [tilespmem:s8+$0x6210];
	[tilespmem:s8+$0x61A0] =	vst v3;
	v3 =	vmul.f32 v20, v23  }
0x146: {  	v27 =	vld [tilespmem:s8+$0x6220];
	[tilespmem:s8+$0x61B0] =	vst v2;
	v2 =	vmul.f32 v21, v23  }
0x147: {  	v28 =	vbroadcast v1, $0x8;
	v29 =	vld [tilespmem:s8+$0x6230];
	[tilespmem:s8+$0x61C0] =	vst v3;
	v3 =	vmul.f32 v22, v23  }
0x148: {  	v30 =	vld [tilespmem:s8+$0x6240];
	[tilespmem:s8+$0x61D0] =	vst v2;
	v2 =	vmul.f32 v24, v23  }
0x149: {  	v31 =	vld [tilespmem:s8+$0x6250];
	[tilespmem:s8+$0x61E0] =	vst v3;
	v3 =	vmul.f32 v25, v28  }
0x14a: {  	v32 =	vld [tilespmem:s8+$0x6260];
	[tilespmem:s8+$0x61F0] =	vst v2;
	v2 =	vmul.f32 v26, v28  }
0x14b: {  	v33 =	vbroadcast v1, $0x9;
	v34 =	vld [tilespmem:s8+$0x6270];
	[tilespmem:s8+$0x6200] =	vst v3;
	v3 =	vmul.f32 v27, v28  }
0x14c: {  	v35 =	vld [tilespmem:s8+$0x6280];
	[tilespmem:s8+$0x6210] =	vst v2;
	v2 =	vmul.f32 v29, v28  }
0x14d: {  	v36 =	vld [tilespmem:s8+$0x6290];
	[tilespmem:s8+$0x6220] =	vst v3;
	v3 =	vmul.f32 v30, v33  }
0x14e: {  	v37 =	vld [tilespmem:s8+$0x62A0];
	[tilespmem:s8+$0x6230] =	vst v2;
	v2 =	vmul.f32 v31, v33  }
0x14f: {  	v38 =	vbroadcast v1, $0xA;
	v39 =	vld [tilespmem:s8+$0x62B0];
	[tilespmem:s8+$0x6240] =	vst v3;
	v3 =	vmul.f32 v32, v33  }
0x150: {  	v40 =	vld [tilespmem:s8+$0x62C0];
	[tilespmem:s8+$0x6250] =	vst v2;
	v2 =	vmul.f32 v34, v33  }
0x151: {  	v41 =	vld [tilespmem:s8+$0x62D0];
	[tilespmem:s8+$0x6260] =	vst v3;
	v3 =	vmul.f32 v35, v38  }
0x152: {  	v42 =	vld [tilespmem:s8+$0x62E0];
	[tilespmem:s8+$0x6270] =	vst v2;
	v2 =	vmul.f32 v36, v38  }
0x153: {  	v43 =	vbroadcast v1, $0xB;
	v44 =	vld [tilespmem:s8+$0x62F0];
	[tilespmem:s8+$0x6280] =	vst v3;
	v3 =	vmul.f32 v37, v38  }
0x154: {  	v45 =	vld [tilespmem:s8+$0x6300];
	[tilespmem:s8+$0x6290] =	vst v2;
	v2 =	vmul.f32 v39, v38  }
0x155: {  	v46 =	vld [tilespmem:s8+$0x6310];
	[tilespmem:s8+$0x62A0] =	vst v3;
	v3 =	vmul.f32 v40, v43  }
0x156: {  	v47 =	vld [tilespmem:s8+$0x6320];
	[tilespmem:s8+$0x62B0] =	vst v2;
	v2 =	vmul.f32 v41, v43  }
0x157: {  	v48 =	vbroadcast v1, $0xC;
	v49 =	vld [tilespmem:s8+$0x6330];
	[tilespmem:s8+$0x62C0] =	vst v3;
	v3 =	vmul.f32 v42, v43  }
0x158: {  	v50 =	vld [tilespmem:s8+$0x6340];
	[tilespmem:s8+$0x62D0] =	vst v2;
	v2 =	vmul.f32 v44, v43  }
0x159: {  	v51 =	vld [tilespmem:s8+$0x6350];
	[tilespmem:s8+$0x62E0] =	vst v3;
	v3 =	vmul.f32 v45, v48  }
0x15a: {  	v52 =	vld [tilespmem:s8+$0x6360];
	[tilespmem:s8+$0x62F0] =	vst v2;
	v2 =	vmul.f32 v46, v48  }
0x15b: {  	v53 =	vbroadcast v1, $0xD;
	v54 =	vld [tilespmem:s8+$0x6370];
	[tilespmem:s8+$0x6300] =	vst v3;
	v3 =	vmul.f32 v47, v48  }
0x15c: {  	v55 =	vld [tilespmem:s8+$0x6380];
	[tilespmem:s8+$0x6310] =	vst v2;
	v2 =	vmul.f32 v49, v48  }
0x15d: {  	v56 =	vld [tilespmem:s8+$0x6390];
	[tilespmem:s8+$0x6320] =	vst v3;
	v3 =	vmul.f32 v50, v53  }
0x15e: {  	v57 =	vld [tilespmem:s8+$0x63A0];
	[tilespmem:s8+$0x6330] =	vst v2;
	v2 =	vmul.f32 v51, v53  }
0x15f: {  	v58 =	vbroadcast v1, $0xE;
	v59 =	vld [tilespmem:s8+$0x63B0];
	[tilespmem:s8+$0x6340] =	vst v3;
	v3 =	vmul.f32 v52, v53  }
0x160: {  	v60 =	vld [tilespmem:s8+$0x63C0];
	[tilespmem:s8+$0x6350] =	vst v2;
	v2 =	vmul.f32 v54, v53  }
0x161: {  	v61 =	vld [tilespmem:s8+$0x63D0];
	[tilespmem:s8+$0x6360] =	vst v3;
	v3 =	vmul.f32 v55, v58  }
0x162: {  	v62 =	vld [tilespmem:s8+$0x63E0];
	[tilespmem:s8+$0x6370] =	vst v2;
	v2 =	vmul.f32 v56, v58  }
0x163: {  	v1 =	vbroadcast v1, $0xF;
	v63 =	vld [tilespmem:s8+$0x63F0];
	[tilespmem:s8+$0x6380] =	vst v3;
	v3 =	vmul.f32 v57, v58  }
0x164: {  	[tilespmem:s8+$0x6390] =	vst v2;
	v2 =	vmul.f32 v59, v58  }
0x165: {  	p1 =	slt.u32 s6, $0x6;
	[tilespmem:s8+$0x63A0] =	vst v3;
	v3 =	vmul.f32 v60, v1  }
.Ltmp1:
0x166: {  	[tilespmem:s8+$0x63B0] =	vst v2;
	v2 =	vmul.f32 v61, v1;
	(pc) =	sbr.rel @p1 .LBB2_5-.Ltmp1, $4  }
0x167: {  	[tilespmem:s8+$0x63C0] =	vst v3;
	v3 =	vmul.f32 v62, v1  }
0x168: {  	[tilespmem:s8+$0x63D0] =	vst v2;
	v1 =	vmul.f32 v63, v1  }
0x169: {  	s10 =	sadd.s32 $0x2, s6;
	[tilespmem:s8+$0x63E0] =	vst v3  }
0x16a: {  	s6 =	smov.u32 s10;
	[tilespmem:s8+$0x63F0] =	vst v1  }
0x16b: {  	s4 =	sadd.s32 $0x1400, s4;
	s0 =	sadd.s32 $0x3, s0  }
0x16c: {  	[spmem:s3] =	stream.indirect.scatter.add.f32 [tilespmem:s26], [sflag:$0x6], $0x40, s4, s24, $0xb8;
	[tilespmem:$0x1B840] =	vst v63  }
0x16d: {  	s1 =	sadd.s32 $0x1, s1;
	p1 =	sge.u32 s0, s5;
	_ =	swait.ge [sflag:s29], $0x2000  }
0x16e: {  	s0 =	sshll.u32 @!p1 s0, $0x7;
	s4 =	simm.s32 @!p1 $0x80;
	[sflag:s29] =	ssyncset.done $0x0  }
0x16f: {  	s6 =	simm.s32 @!p1 $0x5C00;
	s0 =	sand.u32 @!p1 $0x3FFFFF80, s0;
	[sflag:s29] =	ssyncadd.s32 $0xFFFFE000  }
0x170: {  	[tilespmem:s6], [sflag:$0x2] =	stream.indirect.gather @!p1 [spmem:s2], $0x40, s0, s4, $0xb8;
	[tilespmem:$0x1B840] =	vst v63  }
0x171: {  	p1 =	sne.s32 s1, s16  }
.Ltmp2:
0x172: {  	_ = 	snop;
	(pc) =	sbr.rel @p1 .LBB2_2-.Ltmp2, $1  }
0x173: {  	_ =	sdelay $0x3  }
0x174: {  	s31 =	sadd.s32 $0x1, s31  }
0x175: {  	p1 =	sne.s32 s31, s18  }
.Ltmp3:
0x176: {  	[bflag:$0x0] =	sbarrier.arrive $0xFFFF;
	s0 =	sor.u32 $0x1C06, s7;
	(pc) =	sbr.rel @p1 .LBB2_1-.Ltmp3, $4  }
0x177: {  	[hbm:s17], [sflag:s0] =	dma.local [spmem:s21], $0x1400  }
0x178: {  	_ =	swait.ge [sflag:s29], $0x1400  }
0x179: {  	[sflag:s29] =	ssyncset.done $0x0  }
0x17a: {  	[sflag:s29] =	ssyncadd.s32 $0xFFFFEC00  }
0x17b: {  	_ =	sfence.sel $0x180000  }
0x17c: {  	[bflag:$0x0] =	sbarrier.arrive $0xFFFF  }
0x17d: {  	_ =	strace $0x90000047  }
0x17e: {  	s0 =	stileid.u32;
	[bflag:$0x2] =	sbarrier.arrive $0xFFFF  }
0x17f: {  	p0 =	sne.s32 s0, $0x0;
	s0 =	rddreg [dreg:$0x5]  }
0x180: {  	s0 =	sadd.s32 @!p0 $0x100000, s0  }
0x181: {  	[sflag:s0] =	ssyncadd.tile.s32 @!p0 $0x1;
	_ =	shalt  }
.Lfunc_end2:
_tile_overlayer_lowered:
.L_overlay_start_2:
0x182: {  	(tag) =	ssettag $0x2  }
0x183: {  	s0 =	rddreg [dreg:$0x0];
	s2 =	stileid.u32  }
0x184: {  	s1 =	rddreg [dreg:$0x1];
	p0 =	sne.s32 s2, $0x0  }
0x185: {  	s3 =	rddreg [dreg:$0x2];
	[bflag:$0x3] =	sbarrier.arrive $0xFFFF;
	s2 =	simm.s32 @!p0 $0x1C06  }
0x186: {  	[timem:s3], [sflag:s2] =	dma.local @!p0 [hbm:s0], s1  }
0x187: {  	s0 =	simm.s32 @!p0 $0x6  }
0x188: {  	_ =	swait.ge @!p0 [sflag:s0], s1  }
0x189: {  	s1 =	ssub.s32 @!p0 $0x0, s1;
	[sflag:s0] =	ssyncset.done @!p0 $0x0  }
0x18a: {  	[sflag:s0] =	ssyncadd.s32 @!p0 s1  }
0x18b: {  	[bflag:$0x3] =	sbarrier.arrive $0xFFFF  }
0x18c: {  	_ =	shalt  }

</sc_bundles>
